<compile_context>
chip_gen: v7x
topology: tpu7x:2x2x1
jax: 0.10.2.dev20260603
libtpu: 0.0.44.dev20260713+nightly
codegen_flags: <defaults>
</compile_context>

<pallas_src>
import functools

import jax
import jax.numpy as jnp
from jax import lax
from jax.experimental import pallas as pl
from jax.experimental.pallas import tpu as pltpu
from jax.experimental.pallas import tpu_sc as plsc

N = 100000
DM = 128
DE = 172
DT = 100
DEMB = 128
B = 16384
NIDS = 2 * B

NC = 2
NS = 16
NW = NC * NS
L = 16

_SC_MESH = dict(core_axis_name="c", subcore_axis_name="s")


def _wid():
  return lax.axis_index("c") * NS + lax.axis_index("s")



_W_CHUNK = 4096


@functools.partial(
    pl.kernel,
    out_type=jax.ShapeDtypeStruct((N,), jnp.int32),
    mesh=plsc.VectorSubcoreMesh(**_SC_MESH),
    compiler_params=pltpu.CompilerParams(needs_layout_passes=False),
    scratch_types=[
        pltpu.VMEM((_W_CHUNK,), jnp.int32),
        pltpu.VMEM((N,), jnp.int32),
    ],
)
def _winner_kernel(ids_hbm, p_hbm, ids_v, p_v):
  @pl.when(_wid() == 0)
  def _():
    def init_body(i, _):
      p_v[pl.ds(i * L, L)] = jnp.full((L,), -1, jnp.int32)
      return 0

    lax.fori_loop(0, N // L, init_body, 0)

    lane = lax.iota(jnp.int32, L)

    def chunk_body(c, _):
      pltpu.sync_copy(ids_hbm.at[pl.ds(c * _W_CHUNK, _W_CHUNK)], ids_v)

      def grp_body(g, _):
        v = ids_v[pl.ds(g * L, L)]
        pos = c * _W_CHUNK + g * L + lane
        _, is_last = plsc.scan_count(v)
        plsc.store_scatter(p_v, [v], pos, mask=is_last)
        return 0

      lax.fori_loop(0, _W_CHUNK // L, grp_body, 0)
      return 0

    lax.fori_loop(0, NIDS // _W_CHUNK, chunk_body, 0)
    pltpu.sync_copy(p_v, p_hbm)



_G_CHUNK = 128
_G_PER_W = NIDS // NW


@functools.partial(
    pl.kernel,
    out_type=jax.ShapeDtypeStruct((NIDS, DM), jnp.float32),
    mesh=plsc.VectorSubcoreMesh(**_SC_MESH),
    compiler_params=pltpu.CompilerParams(needs_layout_passes=False),
    scratch_types=[
        pltpu.VMEM((_G_CHUNK,), jnp.int32),
        pltpu.VMEM((_G_CHUNK, DM), jnp.float32),
        pltpu.SemaphoreType.DMA,
    ],
)
def _gather_kernel(mem_hbm, ids_hbm, out_hbm, idx_v, rows_v, sem):
  base_w = _wid() * _G_PER_W

  def chunk_body(c, _):
    base = base_w + c * _G_CHUNK
    pltpu.sync_copy(ids_hbm.at[pl.ds(base, _G_CHUNK)], idx_v)
    pltpu.async_copy(mem_hbm.at[idx_v], rows_v, sem).wait()
    pltpu.sync_copy(rows_v, out_hbm.at[pl.ds(base, _G_CHUNK)])
    return 0

  lax.fori_loop(0, _G_PER_W // _G_CHUNK, chunk_body, 0)



_R_CHUNK = 128
_R_FULL = N // _R_CHUNK
_R_TAIL = N - _R_FULL * _R_CHUNK
_R_ITER = (_R_FULL + NW - 1) // NW
_N_PER_W = B // NW
_N_CHUNK = 128


@functools.partial(
    pl.kernel,
    out_type=(
        jax.ShapeDtypeStruct((N, DM), jnp.float32),
        jax.ShapeDtypeStruct((B, DM), jnp.float32),
    ),
    mesh=plsc.VectorSubcoreMesh(**_SC_MESH),
    compiler_params=pltpu.CompilerParams(needs_layout_passes=False),
    scratch_types=[
        pltpu.VMEM((_R_CHUNK,), jnp.int32),
        pltpu.VMEM((_R_CHUNK,), jnp.int32),
        pltpu.VMEM((_R_CHUNK, DM), jnp.float32),
        pltpu.VMEM((_R_CHUNK, DM), jnp.float32),
        pltpu.SemaphoreType.DMA,
        pltpu.SemaphoreType.DMA,
    ],
)
def _resolve_kernel(mem_hbm, h_hbm, p_hbm, negs_hbm, newmem_hbm, mn_hbm,
                    p_c, idx_c, a_rows, h_rows, sem_a, sem_h):
  wid = _wid()
  lane = lax.iota(jnp.int32, L)

  def overlay(nrows, spread):
    def idx_body(g, _):
      p = p_c[pl.ds(g * L, L)]
      fallback = (spread + g * L + lane) & (NIDS - 1)
      idx_c[pl.ds(g * L, L)] = jnp.where(p >= 0, p, fallback)
      return 0

    lax.fori_loop(0, nrows // L, idx_body, 0)
    pltpu.async_copy(h_hbm.at[idx_c.at[pl.ds(0, nrows)]],
                     h_rows.at[pl.ds(0, nrows)], sem_h).wait()

    def sel_body(g, _):
      pv = p_c[pl.ds(g * L, L)]
      for l in range(L):
        i = g * L + l

        @pl.when(pv[l] >= 0)
        def _():
          for j in range(DM // L):
            a_rows[i, pl.ds(j * L, L)] = h_rows[i, pl.ds(j * L, L)]

      return 0

    lax.fori_loop(0, nrows // L, sel_body, 0)

  def chunk_body(k, _):
    g = wid + k * NW

    @pl.when(g < _R_FULL)
    def _():
      base = g * _R_CHUNK
      pltpu.sync_copy(p_hbm.at[pl.ds(base, _R_CHUNK)], p_c)
      pltpu.sync_copy(mem_hbm.at[pl.ds(base, _R_CHUNK)], a_rows)
      overlay(_R_CHUNK, base)
      pltpu.sync_copy(a_rows, newmem_hbm.at[pl.ds(base, _R_CHUNK)])

    return 0

  lax.fori_loop(0, _R_ITER, chunk_body, 0)

  @pl.when(wid == 0)
  def _():
    base = _R_FULL * _R_CHUNK
    pltpu.sync_copy(p_hbm.at[pl.ds(base, _R_TAIL)],
                    p_c.at[pl.ds(0, _R_TAIL)])
    pltpu.sync_copy(mem_hbm.at[pl.ds(base, _R_TAIL)],
                    a_rows.at[pl.ds(0, _R_TAIL)])
    overlay(_R_TAIL, base)
    pltpu.sync_copy(a_rows.at[pl.ds(0, _R_TAIL)],
                    newmem_hbm.at[pl.ds(base, _R_TAIL)])

  def neg_body(c, _):
    base = wid * _N_PER_W + c * _N_CHUNK
    pltpu.sync_copy(negs_hbm.at[pl.ds(base, _N_CHUNK)], idx_c)
    pltpu.async_copy(p_hbm.at[idx_c], p_c, sem_a).wait()
    pltpu.async_copy(mem_hbm.at[idx_c], a_rows, sem_a).wait()
    overlay(_N_CHUNK, base)
    pltpu.sync_copy(a_rows, mn_hbm.at[pl.ds(base, _N_CHUNK)])
    return 0

  lax.fori_loop(0, _N_PER_W // _N_CHUNK, neg_body, 0)



_BM = 1024


def _dotT(x, w):
  return lax.dot_general(x, w, (((1,), (1,)), ((), ())),
                         preferred_element_type=jnp.float32)


def _gru_block(msd_ref, ef_ref, ts_ref, tw_ref, tb_ref, wih_ref, whh_ref,
               bih_ref, bhh_ref, wemb_ref, srcw_ref, srcb_ref, dstw_ref,
               dstb_ref, outw_ref, outb_ref, h_ref, as_ref, pp_ref):
  m_s = msd_ref[0]
  m_d = msd_ref[1]
  te = jnp.cos(ts_ref[...] * tw_ref[...] + tb_ref[...])

  wih = wih_ref[...]
  w1 = wih[:, :DM]
  w2 = wih[:, DM:2 * DM]
  w3 = wih[:, 2 * DM:2 * DM + DE]
  w4 = wih[:, 2 * DM + DE:]
  shared = _dotT(ef_ref[...], w3) + _dotT(te, w4) + bih_ref[...]

  a1_s = _dotT(m_s, w1)
  a2_s = _dotT(m_d, w2)
  a1_d = _dotT(m_d, w1)
  a2_d = _dotT(m_s, w2)

  whh = whh_ref[...]
  bhh = bhh_ref[...]
  gh_s = _dotT(m_s, whh) + bhh
  gh_d = _dotT(m_d, whh) + bhh

  def gru(gi, gh, hprev):
    r = jax.nn.sigmoid(gi[:, :DM] + gh[:, :DM])
    z = jax.nn.sigmoid(gi[:, DM:2 * DM] + gh[:, DM:2 * DM])
    n = jnp.tanh(gi[:, 2 * DM:] + r * gh[:, 2 * DM:])
    return (1.0 - z) * n + z * hprev

  h_s = gru(shared + a1_s + a2_s, gh_s, m_s)
  h_d = gru(shared + a1_d + a2_d, gh_d, m_d)
  h_ref[0] = h_s
  h_ref[1] = h_d

  z_s = _dotT(h_s, wemb_ref[...])
  z_d = _dotT(h_d, wemb_ref[...])
  a_s = _dotT(z_s, srcw_ref[...]) + srcb_ref[...]
  as_ref[...] = a_s
  bz_d = _dotT(z_d, dstw_ref[...]) + dstb_ref[...]
  hp = jax.nn.relu(a_s + bz_d)
  pp_ref[...] = jnp.sum(hp * outw_ref[...], axis=1, keepdims=True) + outb_ref[0, 0]


def _gru_call(m_sd3, edge_feat, ts2, tw2, tb2, W_ih, W_hh, bih2, bhh2,
              W_emb, src_W, srcb2, dst_W, dstb2, out_W, outb2):
  grid = (B // _BM,)
  full = lambda shape: pl.BlockSpec(shape, lambda g: (0,) * len(shape))
  return pl.pallas_call(
      _gru_block,
      grid=grid,
      in_specs=[
          pl.BlockSpec((2, _BM, DM), lambda g: (0, g, 0)),
          pl.BlockSpec((_BM, DE), lambda g: (g, 0)),
          pl.BlockSpec((_BM, 1), lambda g: (g, 0)),
          full((1, DT)),
          full((1, DT)),
          full((3 * DM, 2 * DM + DE + DT)),
          full((3 * DM, DM)),
          full((1, 3 * DM)),
          full((1, 3 * DM)),
          full((DEMB, DM)),
          full((DEMB, DEMB)),
          full((1, DEMB)),
          full((DEMB, DEMB)),
          full((1, DEMB)),
          full((1, DEMB)),
          full((1, 1)),
      ],
      out_specs=[
          pl.BlockSpec((2, _BM, DM), lambda g: (0, g, 0)),
          pl.BlockSpec((_BM, DEMB), lambda g: (g, 0)),
          pl.BlockSpec((_BM, 1), lambda g: (g, 0)),
      ],
      out_shape=[
          jax.ShapeDtypeStruct((2, B, DM), jnp.float32),
          jax.ShapeDtypeStruct((B, DEMB), jnp.float32),
          jax.ShapeDtypeStruct((B, 1), jnp.float32),
      ],
  )(m_sd3, edge_feat, ts2, tw2, tb2, W_ih, W_hh, bih2, bhh2, W_emb, src_W,
    srcb2, dst_W, dstb2, out_W, outb2)



def _neg_block(mn_ref, as_ref, wemb_ref, dstw_ref, dstb_ref, outw_ref,
               outb_ref, pn_ref):
  z_n = _dotT(mn_ref[...], wemb_ref[...])
  bz_n = _dotT(z_n, dstw_ref[...]) + dstb_ref[...]
  hp = jax.nn.relu(as_ref[...] + bz_n)
  pn_ref[...] = jnp.sum(hp * outw_ref[...], axis=1, keepdims=True) + outb_ref[0, 0]


def _neg_call(m_n, a_s, W_emb, dst_W, dstb2, out_W, outb2):
  grid = (B // _BM,)
  full = lambda shape: pl.BlockSpec(shape, lambda g: (0,) * len(shape))
  return pl.pallas_call(
      _neg_block,
      grid=grid,
      in_specs=[
          pl.BlockSpec((_BM, DM), lambda g: (g, 0)),
          pl.BlockSpec((_BM, DEMB), lambda g: (g, 0)),
          full((DEMB, DM)),
          full((DEMB, DEMB)),
          full((1, DEMB)),
          full((1, DEMB)),
          full((1, 1)),
      ],
      out_specs=pl.BlockSpec((_BM, 1), lambda g: (g, 0)),
      out_shape=jax.ShapeDtypeStruct((B, 1), jnp.float32),
  )(m_n, a_s, W_emb, dst_W, dstb2, out_W, outb2)



def kernel(srcs, dsts, negs, timestamps, edge_feat, memory, time_w, time_b,
           W_ih, W_hh, b_ih, b_hh, W_emb, src_W, src_b, dst_W, dst_b,
           out_W, out_b):
  srcs = srcs.astype(jnp.int32)
  dsts = dsts.astype(jnp.int32)
  negs = negs.astype(jnp.int32)
  ids = jnp.concatenate([srcs, dsts])

  p_tbl = _winner_kernel(ids)
  m_sd = _gather_kernel(memory, ids)
  m_sd3 = m_sd.reshape(2, B, DM)

  ts2 = timestamps.reshape(B, 1)
  tw2 = time_w.reshape(1, DT)
  tb2 = time_b.reshape(1, DT)
  bih2 = b_ih.reshape(1, 3 * DM)
  bhh2 = b_hh.reshape(1, 3 * DM)
  srcb2 = src_b.reshape(1, DEMB)
  dstb2 = dst_b.reshape(1, DEMB)
  outb2 = out_b.reshape(1, 1)

  h3, a_s, pp = _gru_call(m_sd3, edge_feat, ts2, tw2, tb2, W_ih, W_hh, bih2,
                          bhh2, W_emb, src_W, srcb2, dst_W, dstb2, out_W,
                          outb2)
  h = h3.reshape(NIDS, DM)

  new_memory, m_n = _resolve_kernel(memory, h, p_tbl, negs)
  pn = _neg_call(m_n, a_s, W_emb, dst_W, dstb2, out_W, outb2)

  return pp[:, 0], pn[:, 0], new_memory

# --- scband reference (transcript-rebuilt; emitter-appended) ---
"""Pipeline reference for scband-tgn-63067299774877 (READ-ONLY COPY).

The authoritative reference and input builder live on the scoring server;
editing this copy changes nothing except your own understanding.
"""

import jax, jax.numpy as jnp
import numpy as np

N = 100000
DM = 128
DE = 172
DT = 100
DEMB = 128
B = 16384
MSG = 2 * DM + DE + DT


def setup_inputs(seed: int = 0) -> dict:
    key = jax.random.key(seed)
    ks = jax.random.split(key, 20)
    inp = {}
    inp['srcs'] = jax.random.randint(ks[0], (B,), 0, N, dtype=jnp.int64) if jax.config.jax_enable_x64 else jax.random.randint(ks[0], (B,), 0, N)
    inp['dsts'] = jax.random.randint(ks[1], (B,), 0, N)
    inp['negs'] = jax.random.randint(ks[2], (B,), 0, N)
    inp['timestamps'] = jax.random.uniform(ks[3], (B,), dtype=jnp.float32) * 1000.0
    inp['edge_feat'] = jax.random.normal(ks[4], (B, DE), dtype=jnp.float32)
    # learned state / parameters
    inp['memory'] = jax.random.normal(ks[5], (N, DM), dtype=jnp.float32) * 0.1
    inp['time_w'] = jax.random.normal(ks[6], (DT,), dtype=jnp.float32) * 0.05
    inp['time_b'] = jax.random.normal(ks[7], (DT,), dtype=jnp.float32) * 0.05
    inp['W_ih'] = jax.random.normal(ks[8], (3 * DM, MSG), dtype=jnp.float32) * (1.0 / np.sqrt(MSG))
    inp['W_hh'] = jax.random.normal(ks[9], (3 * DM, DM), dtype=jnp.float32) * (1.0 / np.sqrt(DM))
    inp['b_ih'] = jnp.zeros((3 * DM,), dtype=jnp.float32)
    inp['b_hh'] = jnp.zeros((3 * DM,), dtype=jnp.float32)
    inp['W_emb'] = jax.random.normal(ks[10], (DEMB, DM), dtype=jnp.float32) * (1.0 / np.sqrt(DM))
    inp['src_W'] = jax.random.normal(ks[11], (DEMB, DEMB), dtype=jnp.float32) * (1.0 / np.sqrt(DEMB))
    inp['src_b'] = jnp.zeros((DEMB,), dtype=jnp.float32)
    inp['dst_W'] = jax.random.normal(ks[12], (DEMB, DEMB), dtype=jnp.float32) * (1.0 / np.sqrt(DEMB))
    inp['dst_b'] = jnp.zeros((DEMB,), dtype=jnp.float32)
    inp['out_W'] = jax.random.normal(ks[13], (1, DEMB), dtype=jnp.float32) * (1.0 / np.sqrt(DEMB))
    inp['out_b'] = jnp.zeros((1,), dtype=jnp.float32)
    return inp


def _gru(x, h, W_ih, W_hh, b_ih, b_hh):
    gi = x @ W_ih.T + b_ih
    gh = h @ W_hh.T + b_hh
    i_r, i_z, i_n = jnp.split(gi, 3, axis=-1)
    h_r, h_z, h_n = jnp.split(gh, 3, axis=-1)
    r = jax.nn.sigmoid(i_r + h_r)
    z = jax.nn.sigmoid(i_z + h_z)
    n = jnp.tanh(i_n + r * h_n)
    return (1.0 - z) * n + z * h


def reference(srcs, dsts, negs, timestamps, edge_feat, memory, time_w, time_b, W_ih, W_hh, b_ih, b_hh, W_emb, src_W, src_b, dst_W, dst_b, out_W, out_b):
    # temporal encoding (TGAT-style)
    te = jnp.cos(timestamps[:, None] * time_w[None, :] + time_b[None, :])
    # gather memory cells for event endpoints (memory.memory[nodes, :])
    m_s = jnp.take(memory, srcs, axis=0)
    m_d = jnp.take(memory, dsts, axis=0)
    # raw messages: own memory || other memory || edge feat || time enc
    msg_s = jnp.concatenate([m_s, m_d, edge_feat, te], axis=-1)
    msg_d = jnp.concatenate([m_d, m_s, edge_feat, te], axis=-1)
    # GRU memory updater (MemoryOperation with memory_updater_type='gru')
    h_s = _gru(msg_s, m_s, W_ih, W_hh, b_ih, b_hh)
    h_d = _gru(msg_d, m_d, W_ih, W_hh, b_ih, b_hh)
    # scatter-overwrite updated states back into the memory table (set_memory)
    new_memory = memory.at[srcs].set(h_s).at[dsts].set(h_d)
    # embedding projection (stand-in for TemporalGATConv readout)
    z_s = h_s @ W_emb.T
    z_d = h_d @ W_emb.T
    z_n = jnp.take(new_memory, negs, axis=0) @ W_emb.T

    def linkpred(a, b):
        h = jax.nn.relu(a @ src_W.T + src_b + b @ dst_W.T + dst_b)
        return (h @ out_W.T + out_b)[:, 0]

    pred_pos = linkpred(z_s, z_d)
    pred_neg = linkpred(z_s, z_n)
    return (pred_pos, pred_neg, new_memory)

if __name__ == "__main__":
    import jax
    _d = setup_inputs()
    print(jax.jit(kernel)(*tuple(_d.values())))

</pallas_src>

<mosaic_0001>
#map = affine_map<(d0, d1) -> (0)>
module attributes {stable_mosaic.version = 14 : i64} {
  func.func @_winner_kernel(%arg0: i32, %arg1: i32, %arg2: memref<32768xi32, #tpu.memory_space<hbm>>, %arg3: memref<100000xi32, #tpu.memory_space<hbm>>, %arg4: memref<4096xi32, #tpu.memory_space<vmem>>, %arg5: memref<100000xi32, #tpu.memory_space<vmem>>) attributes {dimension_semantics = [#tpu.dimension_semantics<core_parallel>, #tpu.dimension_semantics<subcore_parallel>], iteration_bounds = array<i64: 2, 16>, scalar_prefetch = 0 : i64, scratch_operands = 2 : i64, tpu.core_type = #tpu.core_type<sc_vector_subcore>, window_params = [{transform_indices = #map}, {transform_indices = #map}]} {
    %mul3A = arith.constant 16 : i32
    %mul3A_0 = arith.muli %arg0, %mul3A : i32
    %add3A = arith.addi %mul3A_0, %arg1 : i32
    %eq3A = arith.constant 0 : i32
    %eq3A_1 = arith.cmpi eq, %add3A, %eq3A : i32
    %convert_element_type3A = arith.extui %eq3A_1 : i1 to i32
    %cond3A = arith.constant 0 : i32
    %cond3A_2 = arith.cmpi ne, %convert_element_type3A, %cond3A : i32
    scf.if %cond3A_2 {
      %scan3A = arith.constant 0 : i32
      %scan3A_3 = arith.constant 0 : i32
      %scan3A_4 = arith.constant 6250 : i32
      %scan3A_5 = arith.addi %scan3A_3, %scan3A_4 : i32
      %scan3A_6 = arith.constant 1 : i32
      %scan3A_7 = scf.for %scan3A_16 = %scan3A_3 to %scan3A_5 step %scan3A_6 iter_args(%scan3A_17 = %scan3A) -> (i32)  : i32 {
        %broadcast_in_dim3A = arith.constant -1 : i32
        %broadcast_in_dim3A_18 = vector.broadcast %broadcast_in_dim3A : i32 to vector<16xi32>
        %mul3A_19 = arith.constant 16 : i32
        %mul3A_20 = arith.muli %scan3A_16, %mul3A_19 : i32
        %swap3A = arith.index_cast %mul3A_20 : i32 to index
        %swap3A_21 = tpu.vector_load %arg5[%swap3A] {strides = array<i32>} : memref<100000xi32, #tpu.memory_space<vmem>>, vector<16xi32>,
        tpu.vector_store %arg5[%swap3A], %broadcast_in_dim3A_18 {strides = array<i32>} : memref<100000xi32, #tpu.memory_space<vmem>>, vector<16xi32>,
        %scan3A_22 = arith.constant 0 : i32
        scf.yield %scan3A_22 : i32
      }
      %scan3A_8 = arith.constant 6250 : i32
      %iota3A = tpu.iota {dimensions = array<i32: 0>} : vector<16xi32>
      %scan3A_9 = arith.constant 0 : i32
      %scan3A_10 = arith.constant 0 : i32
      %scan3A_11 = arith.constant 8 : i32
      %scan3A_12 = arith.addi %scan3A_10, %scan3A_11 : i32
      %scan3A_13 = arith.constant 1 : i32
      %scan3A_14 = scf.for %scan3A_16 = %scan3A_10 to %scan3A_12 step %scan3A_13 iter_args(%scan3A_17 = %scan3A_9) -> (i32)  : i32 {
        %mul3A_18 = arith.constant 4096 : i32
        %mul3A_19 = arith.muli %scan3A_16, %mul3A_18 : i32
        "tpu.region"() ({
          %run_scoped3A = tpu.sem_alloc : memref<!tpu.dma_semaphore, #tpu.memory_space<semaphore_mem>>
          %dma_start3A = tpu.memref_slice %arg2[%mul3A_19] : memref<32768xi32, #tpu.memory_space<hbm>> -> memref<4096xi32, #tpu.memory_space<hbm>>
          %dma_start3A_28 = tpu.memref_slice %arg2[%mul3A_19] : memref<32768xi32, #tpu.memory_space<hbm>> -> memref<4096xi32, #tpu.memory_space<hbm>>
          tpu.enqueue_dma source(%dma_start3A_28 : memref<4096xi32, #tpu.memory_space<hbm>>) target(%arg4 : memref<4096xi32, #tpu.memory_space<vmem>>) target_semaphore(%run_scoped3A : memref<!tpu.dma_semaphore, #tpu.memory_space<semaphore_mem>>)
          %dma_wait3A = tpu.memref_slice %arg2[%mul3A_19] : memref<32768xi32, #tpu.memory_space<hbm>> -> memref<4096xi32, #tpu.memory_space<hbm>>
          %dma_wait3A_29 = tpu.memref_slice %arg2[%mul3A_19] : memref<32768xi32, #tpu.memory_space<hbm>> -> memref<4096xi32, #tpu.memory_space<hbm>>
          tpu.wait_dma2 semaphore(%run_scoped3A : memref<!tpu.dma_semaphore, #tpu.memory_space<semaphore_mem>>) src(%dma_wait3A_29 : memref<4096xi32, #tpu.memory_space<hbm>>) dst(%arg4 : memref<4096xi32, #tpu.memory_space<vmem>>)
          tpu.yield
        }) : () -> ()
        %scan3A_20 = arith.constant 0 : i32
        %scan3A_21 = arith.constant 0 : i32
        %scan3A_22 = arith.constant 256 : i32
        %scan3A_23 = arith.addi %scan3A_21, %scan3A_22 : i32
        %scan3A_24 = arith.constant 1 : i32
        %scan3A_25 = scf.for %scan3A_28 = %scan3A_21 to %scan3A_23 step %scan3A_24 iter_args(%scan3A_29 = %scan3A_20) -> (i32)  : i32 {
          %mul3A_30 = arith.constant 16 : i32
          %mul3A_31 = arith.muli %scan3A_28, %mul3A_30 : i32
          %get3A = arith.index_cast %mul3A_31 : i32 to index
          %get3A_32 = tpu.vector_load %arg4[%get3A] {strides = array<i32>} : memref<4096xi32, #tpu.memory_space<vmem>>, vector<16xi32>,
          %mul3A_33 = arith.constant 4096 : i32
          %mul3A_34 = arith.muli %scan3A_16, %mul3A_33 : i32
          %mul3A_35 = arith.constant 16 : i32
          %mul3A_36 = arith.muli %scan3A_28, %mul3A_35 : i32
          %add3A_37 = arith.addi %mul3A_34, %mul3A_36 : i32
          %add3A_38 = vector.broadcast %add3A_37 : i32 to vector<16xi32>
          %add3A_39 = arith.addi %add3A_38, %iota3A : vector<16xi32>
          %broadcast_in_dim3A = arith.constant true
          %broadcast_in_dim3A_40 = vector.broadcast %broadcast_in_dim3A : i1 to vector<16xi1>
          %unique3A, %unique3A_41 = tpu.scan_count mask(%broadcast_in_dim3A_40 : vector<16xi1>) value(%get3A_32 : vector<16xi32>) : vector<16xi1>, vector<16xi32>
          tpu.vector_store_idx %arg5[%get3A_32], %add3A_39 masked %unique3A : memref<100000xi32, #tpu.memory_space<vmem>>[vector<16xi32>], vector<16xi32>, vector<16xi1>
          %scan3A_42 = arith.constant 0 : i32
          scf.yield %scan3A_42 : i32
        }
        %scan3A_26 = arith.constant 256 : i32
        %scan3A_27 = arith.constant 0 : i32
        scf.yield %scan3A_27 : i32
      }
      %scan3A_15 = arith.constant 8 : i32
      "tpu.region"() ({
        %run_scoped3A = tpu.sem_alloc : memref<!tpu.dma_semaphore, #tpu.memory_space<semaphore_mem>>
        tpu.enqueue_dma source(%arg5 : memref<100000xi32, #tpu.memory_space<vmem>>) target(%arg3 : memref<100000xi32, #tpu.memory_space<hbm>>) target_semaphore(%run_scoped3A : memref<!tpu.dma_semaphore, #tpu.memory_space<semaphore_mem>>)
        tpu.wait_dma2 semaphore(%run_scoped3A : memref<!tpu.dma_semaphore, #tpu.memory_space<semaphore_mem>>) src(%arg5 : memref<100000xi32, #tpu.memory_space<vmem>>) dst(%arg3 : memref<100000xi32, #tpu.memory_space<hbm>>)
        tpu.yield
      }) : () -> ()
    } else {
    }
    return
  }
}

#map = affine_map<(d0, d1) -> (0, 0)>
#map1 = affine_map<(d0, d1) -> (0)>
module attributes {stable_mosaic.version = 14 : i64} {
  func.func @_resolve_kernel(%arg0: i32, %arg1: i32, %arg2: memref<100000x128xf32, #tpu.memory_space<hbm>>, %arg3: memref<32768x128xf32, #tpu.memory_space<hbm>>, %arg4: memref<100000xi32, #tpu.memory_space<hbm>>, %arg5: memref<16384xi32, #tpu.memory_space<hbm>>, %arg6: memref<100000x128xf32, #tpu.memory_space<hbm>>, %arg7: memref<16384x128xf32, #tpu.memory_space<hbm>>, %arg8: memref<128xi32, #tpu.memory_space<vmem>>, %arg9: memref<128xi32, #tpu.memory_space<vmem>>, %arg10: memref<128x128xf32, #tpu.memory_space<vmem>>, %arg11: memref<128x128xf32, #tpu.memory_space<vmem>>, %arg12: memref<!tpu.dma_semaphore, #tpu.memory_space<semaphore_mem>>, %arg13: memref<!tpu.dma_semaphore, #tpu.memory_space<semaphore_mem>>) attributes {dimension_semantics = [#tpu.dimension_semantics<core_parallel>, #tpu.dimension_semantics<subcore_parallel>], iteration_bounds = array<i64: 2, 16>, scalar_prefetch = 0 : i64, scratch_operands = 6 : i64, tpu.core_type = #tpu.core_type<sc_vector_subcore>, window_params = [{transform_indices = #map}, {transform_indices = #map}, {transform_indices = #map1}, {transform_indices = #map1}, {transform_indices = #map}, {transform_indices = #map}]} {
    %mul3A = arith.constant 16 : i32
    %mul3A_0 = arith.muli %arg0, %mul3A : i32
    %add3A = arith.addi %mul3A_0, %arg1 : i32
    %iota3A = tpu.iota {dimensions = array<i32: 0>} : vector<16xi32>
    %scan3A = arith.constant 0 : i32
    %scan3A_1 = arith.constant 0 : i32
    %scan3A_2 = arith.constant 25 : i32
    %scan3A_3 = arith.addi %scan3A_1, %scan3A_2 : i32
    %scan3A_4 = arith.constant 1 : i32
    %scan3A_5 = scf.for %scan3A_16 = %scan3A_1 to %scan3A_3 step %scan3A_4 iter_args(%scan3A_17 = %scan3A) -> (i32)  : i32 {
      %mul3A_18 = arith.constant 32 : i32
      %mul3A_19 = arith.muli %scan3A_16, %mul3A_18 : i32
      %add3A_20 = arith.addi %add3A, %mul3A_19 : i32
      %lt3A = arith.constant 781 : i32
      %lt3A_21 = arith.cmpi slt, %add3A_20, %lt3A : i32
      %convert_element_type3A_22 = arith.extui %lt3A_21 : i1 to i32
      %cond3A_23 = arith.constant 0 : i32
      %cond3A_24 = arith.cmpi ne, %convert_element_type3A_22, %cond3A_23 : i32
      scf.if %cond3A_24 {
        %mul3A_26 = arith.constant 128 : i32
        %mul3A_27 = arith.muli %add3A_20, %mul3A_26 : i32
        "tpu.region"() ({
          %run_scoped3A = tpu.sem_alloc : memref<!tpu.dma_semaphore, #tpu.memory_space<semaphore_mem>>
          %dma_start3A_56 = tpu.memref_slice %arg4[%mul3A_27] : memref<100000xi32, #tpu.memory_space<hbm>> -> memref<128xi32, #tpu.memory_space<hbm>>
          %dma_start3A_57 = tpu.memref_slice %arg4[%mul3A_27] : memref<100000xi32, #tpu.memory_space<hbm>> -> memref<128xi32, #tpu.memory_space<hbm>>
          tpu.enqueue_dma source(%dma_start3A_57 : memref<128xi32, #tpu.memory_space<hbm>>) target(%arg8 : memref<128xi32, #tpu.memory_space<vmem>>) target_semaphore(%run_scoped3A : memref<!tpu.dma_semaphore, #tpu.memory_space<semaphore_mem>>)
          %dma_wait3A_58 = tpu.memref_slice %arg4[%mul3A_27] : memref<100000xi32, #tpu.memory_space<hbm>> -> memref<128xi32, #tpu.memory_space<hbm>>
          %dma_wait3A_59 = tpu.memref_slice %arg4[%mul3A_27] : memref<100000xi32, #tpu.memory_space<hbm>> -> memref<128xi32, #tpu.memory_space<hbm>>
          tpu.wait_dma2 semaphore(%run_scoped3A : memref<!tpu.dma_semaphore, #tpu.memory_space<semaphore_mem>>) src(%dma_wait3A_59 : memref<128xi32, #tpu.memory_space<hbm>>) dst(%arg8 : memref<128xi32, #tpu.memory_space<vmem>>)
          tpu.yield
        }) : () -> ()
        "tpu.region"() ({
          %run_scoped3A = tpu.sem_alloc : memref<!tpu.dma_semaphore, #tpu.memory_space<semaphore_mem>>
          %dma_start3A_56 = arith.constant 0 : i32
          %dma_start3A_57 = tpu.memref_slice %arg2[%mul3A_27, %dma_start3A_56] : memref<100000x128xf32, #tpu.memory_space<hbm>> -> memref<128x128xf32, #tpu.memory_space<hbm>>
          %dma_start3A_58 = arith.constant 0 : i32
          %dma_start3A_59 = tpu.memref_slice %arg2[%mul3A_27, %dma_start3A_58] : memref<100000x128xf32, #tpu.memory_space<hbm>> -> memref<128x128xf32, #tpu.memory_space<hbm>>
          tpu.enqueue_dma source(%dma_start3A_59 : memref<128x128xf32, #tpu.memory_space<hbm>>) target(%arg10 : memref<128x128xf32, #tpu.memory_space<vmem>>) target_semaphore(%run_scoped3A : memref<!tpu.dma_semaphore, #tpu.memory_space<semaphore_mem>>)
          %dma_wait3A_60 = arith.constant 0 : i32
          %dma_wait3A_61 = tpu.memref_slice %arg2[%mul3A_27, %dma_wait3A_60] : memref<100000x128xf32, #tpu.memory_space<hbm>> -> memref<128x128xf32, #tpu.memory_space<hbm>>
          %dma_wait3A_62 = arith.constant 0 : i32
          %dma_wait3A_63 = tpu.memref_slice %arg2[%mul3A_27, %dma_wait3A_62] : memref<100000x128xf32, #tpu.memory_space<hbm>> -> memref<128x128xf32, #tpu.memory_space<hbm>>
          tpu.wait_dma2 semaphore(%run_scoped3A : memref<!tpu.dma_semaphore, #tpu.memory_space<semaphore_mem>>) src(%dma_wait3A_63 : memref<128x128xf32, #tpu.memory_space<hbm>>) dst(%arg10 : memref<128x128xf32, #tpu.memory_space<vmem>>)
          tpu.yield
        }) : () -> ()
        %scan3A_28 = arith.constant 0 : i32
        %scan3A_29 = arith.constant 0 : i32
        %scan3A_30 = arith.constant 8 : i32
        %scan3A_31 = arith.addi %scan3A_29, %scan3A_30 : i32
        %scan3A_32 = arith.constant 1 : i32
        %scan3A_33 = scf.for %scan3A_56 = %scan3A_29 to %scan3A_31 step %scan3A_32 iter_args(%scan3A_57 = %scan3A_28) -> (i32)  : i32 {
          %mul3A_58 = arith.constant 16 : i32
          %mul3A_59 = arith.muli %scan3A_56, %mul3A_58 : i32
          %get3A = arith.index_cast %mul3A_59 : i32 to index
          %get3A_60 = tpu.vector_load %arg8[%get3A] {strides = array<i32>} : memref<128xi32, #tpu.memory_space<vmem>>, vector<16xi32>,
          %mul3A_61 = arith.constant 16 : i32
          %mul3A_62 = arith.muli %scan3A_56, %mul3A_61 : i32
          %add3A_63 = arith.addi %mul3A_27, %mul3A_62 : i32
          %add3A_64 = vector.broadcast %add3A_63 : i32 to vector<16xi32>
          %add3A_65 = arith.addi %add3A_64, %iota3A : vector<16xi32>
          %and3A = arith.constant 32767 : i32
          %and3A_66 = vector.broadcast %and3A : i32 to vector<16xi32>
          %and3A_67 = arith.andi %add3A_65, %and3A_66 : vector<16xi32>
          %ge3A = arith.constant 0 : i32
          %ge3A_68 = vector.broadcast %ge3A : i32 to vector<16xi32>
          %ge3A_69 = arith.cmpi sge, %get3A_60, %ge3A_68 : vector<16xi32>
          %select_n3A = arith.select %ge3A_69, %get3A_60, %and3A_67 : vector<16xi1>, vector<16xi32>
          %mul3A_70 = arith.constant 16 : i32
          %mul3A_71 = arith.muli %scan3A_56, %mul3A_70 : i32
          %swap3A = arith.index_cast %mul3A_71 : i32 to index
          %swap3A_72 = tpu.vector_load %arg9[%swap3A] {strides = array<i32>} : memref<128xi32, #tpu.memory_space<vmem>>, vector<16xi32>,
          tpu.vector_store %arg9[%swap3A], %select_n3A {strides = array<i32>} : memref<128xi32, #tpu.memory_space<vmem>>, vector<16xi32>,
          %scan3A_73 = arith.constant 0 : i32
          scf.yield %scan3A_73 : i32
        }
        %scan3A_34 = arith.constant 8 : i32
        %dma_start3A = arith.constant 0 : i32
        %dma_start3A_35 = arith.constant 0 : i32
        %dma_start3A_36 = tpu.memref_slice %arg11[%dma_start3A, %dma_start3A_35] : memref<128x128xf32, #tpu.memory_space<vmem>> -> memref<128x128xf32, #tpu.memory_space<vmem>>
        %dma_start3A_37 = arith.constant 0 : i32
        %dma_start3A_38 = tpu.memref_slice %arg9[%dma_start3A_37] : memref<128xi32, #tpu.memory_space<vmem>> -> memref<128xi32, #tpu.memory_space<vmem>>
        %dma_start3A_39 = arith.constant 0 : i32
        %dma_start3A_40 = arith.constant 0 : i32
        %dma_start3A_41 = tpu.memref_slice %arg3[%dma_start3A_39, %dma_start3A_40] : memref<32768x128xf32, #tpu.memory_space<hbm>> -> memref<32768x128xf32, #tpu.memory_space<hbm>>
        tpu.enqueue_indirect_dma source(%dma_start3A_41 : memref<32768x128xf32, #tpu.memory_space<hbm>>) target(%dma_start3A_36 : memref<128x128xf32, #tpu.memory_space<vmem>>) offsets(%dma_start3A_38 : memref<128xi32, #tpu.memory_space<vmem>>) semaphore(%arg13 : memref<!tpu.dma_semaphore, #tpu.memory_space<semaphore_mem>>)
        %dma_wait3A = arith.constant 0 : i32
        %dma_wait3A_42 = arith.constant 0 : i32
        %dma_wait3A_43 = tpu.memref_slice %arg11[%dma_wait3A, %dma_wait3A_42] : memref<128x128xf32, #tpu.memory_space<vmem>> -> memref<128x128xf32, #tpu.memory_space<vmem>>
        %dma_wait3A_44 = arith.constant 0 : i32
        %dma_wait3A_45 = tpu.memref_slice %arg9[%dma_wait3A_44] : memref<128xi32, #tpu.memory_space<vmem>> -> memref<128xi32, #tpu.memory_space<vmem>>
        %dma_wait3A_46 = arith.constant 0 : i32
        %dma_wait3A_47 = arith.constant 0 : i32
        %dma_wait3A_48 = tpu.memref_slice %arg3[%dma_wait3A_46, %dma_wait3A_47] : memref<32768x128xf32, #tpu.memory_space<hbm>> -> memref<32768x128xf32, #tpu.memory_space<hbm>>
        tpu.wait_indirect_dma semaphore(%arg13 : memref<!tpu.dma_semaphore, #tpu.memory_space<semaphore_mem>>) src(%dma_wait3A_48 : memref<32768x128xf32, #tpu.memory_space<hbm>>) dst(%dma_wait3A_43 : memref<128x128xf32, #tpu.memory_space<vmem>>)
        %scan3A_49 = arith.constant 0 : i32
        %scan3A_50 = arith.constant 0 : i32
        %scan3A_51 = arith.constant 8 : i32
        %scan3A_52 = arith.addi %scan3A_50, %scan3A_51 : i32
        %scan3A_53 = arith.constant 1 : i32
        %scan3A_54 = scf.for %scan3A_56 = %scan3A_50 to %scan3A_52 step %scan3A_53 iter_args(%scan3A_57 = %scan3A_49) -> (i32)  : i32 {
          %mul3A_58 = arith.constant 16 : i32
          %mul3A_59 = arith.muli %scan3A_56, %mul3A_58 : i32
          %get3A = arith.index_cast %mul3A_59 : i32 to index
          %get3A_60 = tpu.vector_load %arg8[%get3A] {strides = array<i32>} : memref<128xi32, #tpu.memory_space<vmem>>, vector<16xi32>,
          %mul3A_61 = arith.constant 16 : i32
          %mul3A_62 = arith.muli %scan3A_56, %mul3A_61 : i32
          %add3A_63 = arith.constant 0 : i32
          %add3A_64 = arith.addi %mul3A_62, %add3A_63 : i32
          %slice3A = vector.extract_strided_slice %get3A_60 {offsets = [0], sizes = [1], strides = [1]} : vector<16xi32> to vector<1xi32>
          %squeeze3A = vector.extract %slice3A[0] : i32 from vector<1xi32>
          %ge3A = arith.constant 0 : i32
          %ge3A_65 = arith.cmpi sge, %squeeze3A, %ge3A : i32
          %convert_element_type3A_66 = arith.extui %ge3A_65 : i1 to i32
          %cond3A_67 = arith.constant 0 : i32
          %cond3A_68 = arith.cmpi ne, %convert_element_type3A_66, %cond3A_67 : i32
          scf.if %cond3A_68 {
            %get3A_235 = arith.index_cast %add3A_64 : i32 to index
            %get3A_236 = arith.constant 0 : index
            %get3A_237 = tpu.vector_load %arg11[%get3A_235, %get3A_236] {strides = array<i32>} : memref<128x128xf32, #tpu.memory_space<vmem>>, vector<16xf32>,
            %swap3A = arith.index_cast %add3A_64 : i32 to index
            %swap3A_238 = arith.constant 0 : index
            %swap3A_239 = tpu.vector_load %arg10[%swap3A, %swap3A_238] {strides = array<i32>} : memref<128x128xf32, #tpu.memory_space<vmem>>, vector<16xf32>,
            tpu.vector_store %arg10[%swap3A, %swap3A_238], %get3A_237 {strides = array<i32>} : memref<128x128xf32, #tpu.memory_space<vmem>>, vector<16xf32>,
            %get3A_240 = arith.index_cast %add3A_64 : i32 to index
            %get3A_241 = arith.constant 16 : index
            %get3A_242 = tpu.vector_load %arg11[%get3A_240, %get3A_241] {strides = array<i32>} : memref<128x128xf32, #tpu.memory_space<vmem>>, vector<16xf32>,
            %swap3A_243 = arith.index_cast %add3A_64 : i32 to index
            %swap3A_244 = arith.constant 16 : index
            %swap3A_245 = tpu.vector_load %arg10[%swap3A_243, %swap3A_244] {strides = array<i32>} : memref<128x128xf32, #tpu.memory_space<vmem>>, vector<16xf32>,
            tpu.vector_store %arg10[%swap3A_243, %swap3A_244], %get3A_242 {strides = array<i32>} : memref<128x128xf32, #tpu.memory_space<vmem>>, vector<16xf32>,
            %get3A_246 = arith.index_cast %add3A_64 : i32 to index
            %get3A_247 = arith.constant 32 : index
            %get3A_248 = tpu.vector_load %arg11[%get3A_246, %get3A_247] {strides = array<i32>} : memref<128x128xf32, #tpu.memory_space<vmem>>, vector<16xf32>,
            %swap3A_249 = arith.index_cast %add3A_64 : i32 to index
            %swap3A_250 = arith.constant 32 : index
            %swap3A_251 = tpu.vector_load %arg10[%swap3A_249, %swap3A_250] {strides = array<i32>} : memref<128x128xf32, #tpu.memory_space<vmem>>, vector<16xf32>,
            tpu.vector_store %arg10[%swap3A_249, %swap3A_250], %get3A_248 {strides = array<i32>} : memref<128x128xf32, #tpu.memory_space<vmem>>, vector<16xf32>,
            %get3A_252 = arith.index_cast %add3A_64 : i32 to index
            %get3A_253 = arith.constant 48 : index
            %get3A_254 = tpu.vector_load %arg11[%get3A_252, %get3A_253] {strides = array<i32>} : memref<128x128xf32, #tpu.memory_space<vmem>>, vector<16xf32>,
            %swap3A_255 = arith.index_cast %add3A_64 : i32 to index
            %swap3A_256 = arith.constant 48 : index
            %swap3A_257 = tpu.vector_load %arg10[%swap3A_255, %swap3A_256] {strides = array<i32>} : memref<128x128xf32, #tpu.memory_space<vmem>>, vector<16xf32>,
            tpu.vector_store %arg10[%swap3A_255, %swap3A_256], %get3A_254 {strides = array<i32>} : memref<128x128xf32, #tpu.memory_space<vmem>>, vector<16xf32>,
            %get3A_258 = arith.index_cast %add3A_64 : i32 to index
            %get3A_259 = arith.constant 64 : index
            %get3A_260 = tpu.vector_load %arg11[%get3A_258, %get3A_259] {strides = array<i32>} : memref<128x128xf32, #tpu.memory_space<vmem>>, vector<16xf32>,
            %swap3A_261 = arith.index_cast %add3A_64 : i32 to index
            %swap3A_262 = arith.constant 64 : index
            %swap3A_263 = tpu.vector_load %arg10[%swap3A_261, %swap3A_262] {strides = array<i32>} : memref<128x128xf32, #tpu.memory_space<vmem>>, vector<16xf32>,
            tpu.vector_store %arg10[%swap3A_261, %swap3A_262], %get3A_260 {strides = array<i32>} : memref<128x128xf32, #tpu.memory_space<vmem>>, vector<16xf32>,
            %get3A_264 = arith.index_cast %add3A_64 : i32 to index
            %get3A_265 = arith.constant 80 : index
            %get3A_266 = tpu.vector_load %arg11[%get3A_264, %get3A_265] {strides = array<i32>} : memref<128x128xf32, #tpu.memory_space<vmem>>, vector<16xf32>,
            %swap3A_267 = arith.index_cast %add3A_64 : i32 to index
            %swap3A_268 = arith.constant 80 : index
            %swap3A_269 = tpu.vector_load %arg10[%swap3A_267, %swap3A_268] {strides = array<i32>} : memref<128x128xf32, #tpu.memory_space<vmem>>, vector<16xf32>,
            tpu.vector_store %arg10[%swap3A_267, %swap3A_268], %get3A_266 {strides = array<i32>} : memref<128x128xf32, #tpu.memory_space<vmem>>, vector<16xf32>,
            %get3A_270 = arith.index_cast %add3A_64 : i32 to index
            %get3A_271 = arith.constant 96 : index
            %get3A_272 = tpu.vector_load %arg11[%get3A_270, %get3A_271] {strides = array<i32>} : memref<128x128xf32, #tpu.memory_space<vmem>>, vector<16xf32>,
            %swap3A_273 = arith.index_cast %add3A_64 : i32 to index
            %swap3A_274 = arith.constant 96 : index
            %swap3A_275 = tpu.vector_load %arg10[%swap3A_273, %swap3A_274] {strides = array<i32>} : memref<128x128xf32, #tpu.memory_space<vmem>>, vector<16xf32>,
            tpu.vector_store %arg10[%swap3A_273, %swap3A_274], %get3A_272 {strides = array<i32>} : memref<128x128xf32, #tpu.memory_space<vmem>>, vector<16xf32>,
            %get3A_276 = arith.index_cast %add3A_64 : i32 to index
            %get3A_277 = arith.constant 112 : index
            %get3A_278 = tpu.vector_load %arg11[%get3A_276, %get3A_277] {strides = array<i32>} : memref<128x128xf32, #tpu.memory_space<vmem>>, vector<16xf32>,
            %swap3A_279 = arith.index_cast %add3A_64 : i32 to index
            %swap3A_280 = arith.constant 112 : index
            %swap3A_281 = tpu.vector_load %arg10[%swap3A_279, %swap3A_280] {strides = array<i32>} : memref<128x128xf32, #tpu.memory_space<vmem>>, vector<16xf32>,
            tpu.vector_store %arg10[%swap3A_279, %swap3A_280], %get3A_278 {strides = array<i32>} : memref<128x128xf32, #tpu.memory_space<vmem>>, vector<16xf32>,
          } else {
          }
          %mul3A_69 = arith.constant 16 : i32
          %mul3A_70 = arith.muli %scan3A_56, %mul3A_69 : i32
          %add3A_71 = arith.constant 1 : i32
          %add3A_72 = arith.addi %mul3A_70, %add3A_71 : i32
          %slice3A_73 = vector.extract_strided_slice %get3A_60 {offsets = [1], sizes = [1], strides = [1]} : vector<16xi32> to vector<1xi32>
          %squeeze3A_74 = vector.extract %slice3A_73[0] : i32 from vector<1xi32>
          %ge3A_75 = arith.constant 0 : i32
          %ge3A_76 = arith.cmpi sge, %squeeze3A_74, %ge3A_75 : i32
          %convert_element_type3A_77 = arith.extui %ge3A_76 : i1 to i32
          %cond3A_78 = arith.constant 0 : i32
          %cond3A_79 = arith.cmpi ne, %convert_element_type3A_77, %cond3A_78 : i32
          scf.if %cond3A_79 {
            %get3A_235 = arith.index_cast %add3A_72 : i32 to index
            %get3A_236 = arith.constant 0 : index
            %get3A_237 = tpu.vector_load %arg11[%get3A_235, %get3A_236] {strides = array<i32>} : memref<128x128xf32, #tpu.memory_space<vmem>>, vector<16xf32>,
            %swap3A = arith.index_cast %add3A_72 : i32 to index
            %swap3A_238 = arith.constant 0 : index
            %swap3A_239 = tpu.vector_load %arg10[%swap3A, %swap3A_238] {strides = array<i32>} : memref<128x128xf32, #tpu.memory_space<vmem>>, vector<16xf32>,
            tpu.vector_store %arg10[%swap3A, %swap3A_238], %get3A_237 {strides = array<i32>} : memref<128x128xf32, #tpu.memory_space<vmem>>, vector<16xf32>,
            %get3A_240 = arith.index_cast %add3A_72 : i32 to index
            %get3A_241 = arith.constant 16 : index
            %get3A_242 = tpu.vector_load %arg11[%get3A_240, %get3A_241] {strides = array<i32>} : memref<128x128xf32, #tpu.memory_space<vmem>>, vector<16xf32>,
            %swap3A_243 = arith.index_cast %add3A_72 : i32 to index
            %swap3A_244 = arith.constant 16 : index
            %swap3A_245 = tpu.vector_load %arg10[%swap3A_243, %swap3A_244] {strides = array<i32>} : memref<128x128xf32, #tpu.memory_space<vmem>>, vector<16xf32>,
            tpu.vector_store %arg10[%swap3A_243, %swap3A_244], %get3A_242 {strides = array<i32>} : memref<128x128xf32, #tpu.memory_space<vmem>>, vector<16xf32>,
            %get3A_246 = arith.index_cast %add3A_72 : i32 to index
            %get3A_247 = arith.constant 32 : index
            %get3A_248 = tpu.vector_load %arg11[%get3A_246, %get3A_247] {strides = array<i32>} : memref<128x128xf32, #tpu.memory_space<vmem>>, vector<16xf32>,
            %swap3A_249 = arith.index_cast %add3A_72 : i32 to index
            %swap3A_250 = arith.constant 32 : index
            %swap3A_251 = tpu.vector_load %arg10[%swap3A_249, %swap3A_250] {strides = array<i32>} : memref<128x128xf32, #tpu.memory_space<vmem>>, vector<16xf32>,
            tpu.vector_store %arg10[%swap3A_249, %swap3A_250], %get3A_248 {strides = array<i32>} : memref<128x128xf32, #tpu.memory_space<vmem>>, vector<16xf32>,
            %get3A_252 = arith.index_cast %add3A_72 : i32 to index
            %get3A_253 = arith.constant 48 : index
            %get3A_254 = tpu.vector_load %arg11[%get3A_252, %get3A_253] {strides = array<i32>} : memref<128x128xf32, #tpu.memory_space<vmem>>, vector<16xf32>,
            %swap3A_255 = arith.index_cast %add3A_72 : i32 to index
            %swap3A_256 = arith.constant 48 : index
            %swap3A_257 = tpu.vector_load %arg10[%swap3A_255, %swap3A_256] {strides = array<i32>} : memref<128x128xf32, #tpu.memory_space<vmem>>, vector<16xf32>,
            tpu.vector_store %arg10[%swap3A_255, %swap3A_256], %get3A_254 {strides = array<i32>} : memref<128x128xf32, #tpu.memory_space<vmem>>, vector<16xf32>,
            %get3A_258 = arith.index_cast %add3A_72 : i32 to index
            %get3A_259 = arith.constant 64 : index
            %get3A_260 = tpu.vector_load %arg11[%get3A_258, %get3A_259] {strides = array<i32>} : memref<128x128xf32, #tpu.memory_space<vmem>>, vector<16xf32>,
            %swap3A_261 = arith.index_cast %add3A_72 : i32 to index
            %swap3A_262 = arith.constant 64 : index
            %swap3A_263 = tpu.vector_load %arg10[%swap3A_261, %swap3A_262] {strides = array<i32>} : memref<128x128xf32, #tpu.memory_space<vmem>>, vector<16xf32>,
            tpu.vector_store %arg10[%swap3A_261, %swap3A_262], %get3A_260 {strides = array<i32>} : memref<128x128xf32, #tpu.memory_space<vmem>>, vector<16xf32>,
            %get3A_264 = arith.index_cast %add3A_72 : i32 to index
            %get3A_265 = arith.constant 80 : index
            %get3A_266 = tpu.vector_load %arg11[%get3A_264, %get3A_265] {strides = array<i32>} : memref<128x128xf32, #tpu.memory_space<vmem>>, vector<16xf32>,
            %swap3A_267 = arith.index_cast %add3A_72 : i32 to index
            %swap3A_268 = arith.constant 80 : index
            %swap3A_269 = tpu.vector_load %arg10[%swap3A_267, %swap3A_268] {strides = array<i32>} : memref<128x128xf32, #tpu.memory_space<vmem>>, vector<16xf32>,
            tpu.vector_store %arg10[%swap3A_267, %swap3A_268], %get3A_266 {strides = array<i32>} : memref<128x128xf32, #tpu.memory_space<vmem>>, vector<16xf32>,
            %get3A_270 = arith.index_cast %add3A_72 : i32 to index
            %get3A_271 = arith.constant 96 : index
            %get3A_272 = tpu.vector_load %arg11[%get3A_270, %get3A_271] {strides = array<i32>} : memref<128x128xf32, #tpu.memory_space<vmem>>, vector<16xf32>,
            %swap3A_273 = arith.index_cast %add3A_72 : i32 to index
            %swap3A_274 = arith.constant 96 : index
            %swap3A_275 = tpu.vector_load %arg10[%swap3A_273, %swap3A_274] {strides = array<i32>} : memref<128x128xf32, #tpu.memory_space<vmem>>, vector<16xf32>,
            tpu.vector_store %arg10[%swap3A_273, %swap3A_274], %get3A_272 {strides = array<i32>} : memref<128x128xf32, #tpu.memory_space<vmem>>, vector<16xf32>,
            %get3A_276 = arith.index_cast %add3A_72 : i32 to index
            %get3A_277 = arith.constant 112 : index
            %get3A_278 = tpu.vector_load %arg11[%get3A_276, %get3A_277] {strides = array<i32>} : memref<128x128xf32, #tpu.memory_space<vmem>>, vector<16xf32>,
            %swap3A_279 = arith.index_cast %add3A_72 : i32 to index
            %swap3A_280 = arith.constant 112 : index
            %swap3A_281 = tpu.vector_load %arg10[%swap3A_279, %swap3A_280] {strides = array<i32>} : memref<128x128xf32, #tpu.memory_space<vmem>>, vector<16xf32>,
            tpu.vector_store %arg10[%swap3A_279, %swap3A_280], %get3A_278 {strides = array<i32>} : memref<128x128xf32, #tpu.memory_space<vmem>>, vector<16xf32>,
          } else {
          }
          %mul3A_80 = arith.constant 16 : i32
          %mul3A_81 = arith.muli %scan3A_56, %mul3A_80 : i32
          %add3A_82 = arith.constant 2 : i32
          %add3A_83 = arith.addi %mul3A_81, %add3A_82 : i32
          %slice3A_84 = vector.extract_strided_slice %get3A_60 {offsets = [2], sizes = [1], strides = [1]} : vector<16xi32> to vector<1xi32>
          %squeeze3A_85 = vector.extract %slice3A_84[0] : i32 from vector<1xi32>
          %ge3A_86 = arith.constant 0 : i32
          %ge3A_87 = arith.cmpi sge, %squeeze3A_85, %ge3A_86 : i32
          %convert_element_type3A_88 = arith.extui %ge3A_87 : i1 to i32
          %cond3A_89 = arith.constant 0 : i32
          %cond3A_90 = arith.cmpi ne, %convert_element_type3A_88, %cond3A_89 : i32
          scf.if %cond3A_90 {
            %get3A_235 = arith.index_cast %add3A_83 : i32 to index
            %get3A_236 = arith.constant 0 : index
            %get3A_237 = tpu.vector_load %arg11[%get3A_235, %get3A_236] {strides = array<i32>} : memref<128x128xf32, #tpu.memory_space<vmem>>, vector<16xf32>,
            %swap3A = arith.index_cast %add3A_83 : i32 to index
            %swap3A_238 = arith.constant 0 : index
            %swap3A_239 = tpu.vector_load %arg10[%swap3A, %swap3A_238] {strides = array<i32>} : memref<128x128xf32, #tpu.memory_space<vmem>>, vector<16xf32>,
            tpu.vector_store %arg10[%swap3A, %swap3A_238], %get3A_237 {strides = array<i32>} : memref<128x128xf32, #tpu.memory_space<vmem>>, vector<16xf32>,
            %get3A_240 = arith.index_cast %add3A_83 : i32 to index
            %get3A_241 = arith.constant 16 : index
            %get3A_242 = tpu.vector_load %arg11[%get3A_240, %get3A_241] {strides = array<i32>} : memref<128x128xf32, #tpu.memory_space<vmem>>, vector<16xf32>,
            %swap3A_243 = arith.index_cast %add3A_83 : i32 to index
            %swap3A_244 = arith.constant 16 : index
            %swap3A_245 = tpu.vector_load %arg10[%swap3A_243, %swap3A_244] {strides = array<i32>} : memref<128x128xf32, #tpu.memory_space<vmem>>, vector<16xf32>,
            tpu.vector_store %arg10[%swap3A_243, %swap3A_244], %get3A_242 {strides = array<i32>} : memref<128x128xf32, #tpu.memory_space<vmem>>, vector<16xf32>,
            %get3A_246 = arith.index_cast %add3A_83 : i32 to index
            %get3A_247 = arith.constant 32 : index
            %get3A_248 = tpu.vector_load %arg11[%get3A_246, %get3A_247] {strides = array<i32>} : memref<128x128xf32, #tpu.memory_space<vmem>>, vector<16xf32>,
            %swap3A_249 = arith.index_cast %add3A_83 : i32 to index
            %swap3A_250 = arith.constant 32 : index
            %swap3A_251 = tpu.vector_load %arg10[%swap3A_249, %swap3A_250] {strides = array<i32>} : memref<128x128xf32, #tpu.memory_space<vmem>>, vector<16xf32>,
            tpu.vector_store %arg10[%swap3A_249, %swap3A_250], %get3A_248 {strides = array<i32>} : memref<128x128xf32, #tpu.memory_space<vmem>>, vector<16xf32>,
            %get3A_252 = arith.index_cast %add3A_83 : i32 to index
            %get3A_253 = arith.constant 48 : index
            %get3A_254 = tpu.vector_load %arg11[%get3A_252, %get3A_253] {strides = array<i32>} : memref<128x128xf32, #tpu.memory_space<vmem>>, vector<16xf32>,
            %swap3A_255 = arith.index_cast %add3A_83 : i32 to index
            %swap3A_256 = arith.constant 48 : index
            %swap3A_257 = tpu.vector_load %arg10[%swap3A_255, %swap3A_256] {strides = array<i32>} : memref<128x128xf32, #tpu.memory_space<vmem>>, vector<16xf32>,
            tpu.vector_store %arg10[%swap3A_255, %swap3A_256], %get3A_254 {strides = array<i32>} : memref<128x128xf32, #tpu.memory_space<vmem>>, vector<16xf32>,
            %get3A_258 = arith.index_cast %add3A_83 : i32 to index
            %get3A_259 = arith.constant 64 : index
            %get3A_260 = tpu.vector_load %arg11[%get3A_258, %get3A_259] {strides = array<i32>} : memref<128x128xf32, #tpu.memory_space<vmem>>, vector<16xf32>,
            %swap3A_261 = arith.index_cast %add3A_83 : i32 to index
            %swap3A_262 = arith.constant 64 : index
            %swap3A_263 = tpu.vector_load %arg10[%swap3A_261, %swap3A_262] {strides = array<i32>} : memref<128x128xf32, #tpu.memory_space<vmem>>, vector<16xf32>,
            tpu.vector_store %arg10[%swap3A_261, %swap3A_262], %get3A_260 {strides = array<i32>} : memref<128x128xf32, #tpu.memory_space<vmem>>, vector<16xf32>,
            %get3A_264 = arith.index_cast %add3A_83 : i32 to index
            %get3A_265 = arith.constant 80 : index
            %get3A_266 = tpu.vector_load %arg11[%get3A_264, %get3A_265] {strides = array<i32>} : memref<128x128xf32, #tpu.memory_space<vmem>>, vector<16xf32>,
            %swap3A_267 = arith.index_cast %add3A_83 : i32 to index
            %swap3A_268 = arith.constant 80 : index
            %swap3A_269 = tpu.vector_load %arg10[%swap3A_267, %swap3A_268] {strides = array<i32>} : memref<128x128xf32, #tpu.memory_space<vmem>>, vector<16xf32>,
            tpu.vector_store %arg10[%swap3A_267, %swap3A_268], %get3A_266 {strides = array<i32>} : memref<128x128xf32, #tpu.memory_space<vmem>>, vector<16xf32>,
            %get3A_270 = arith.index_cast %add3A_83 : i32 to index
            %get3A_271 = arith.constant 96 : index
            %get3A_272 = tpu.vector_load %arg11[%get3A_270, %get3A_271] {strides = array<i32>} : memref<128x128xf32, #tpu.memory_space<vmem>>, vector<16xf32>,
            %swap3A_273 = arith.index_cast %add3A_83 : i32 to index
            %swap3A_274 = arith.constant 96 : index
            %swap3A_275 = tpu.vector_load %arg10[%swap3A_273, %swap3A_274] {strides = array<i32>} : memref<128x128xf32, #tpu.memory_space<vmem>>, vector<16xf32>,
            tpu.vector_store %arg10[%swap3A_273, %swap3A_274], %get3A_272 {strides = array<i32>} : memref<128x128xf32, #tpu.memory_space<vmem>>, vector<16xf32>,
            %get3A_276 = arith.index_cast %add3A_83 : i32 to index
            %get3A_277 = arith.constant 112 : index
            %get3A_278 = tpu.vector_load %arg11[%get3A_276, %get3A_277] {strides = array<i32>} : memref<128x128xf32, #tpu.memory_space<vmem>>, vector<16xf32>,
            %swap3A_279 = arith.index_cast %add3A_83 : i32 to index
            %swap3A_280 = arith.constant 112 : index
            %swap3A_281 = tpu.vector_load %arg10[%swap3A_279, %swap3A_280] {strides = array<i32>} : memref<128x128xf32, #tpu.memory_space<vmem>>, vector<16xf32>,
            tpu.vector_store %arg10[%swap3A_279, %swap3A_280], %get3A_278 {strides = array<i32>} : memref<128x128xf32, #tpu.memory_space<vmem>>, vector<16xf32>,
          } else {
          }
          %mul3A_91 = arith.constant 16 : i32
          %mul3A_92 = arith.muli %scan3A_56, %mul3A_91 : i32
          %add3A_93 = arith.constant 3 : i32
          %add3A_94 = arith.addi %mul3A_92, %add3A_93 : i32
          %slice3A_95 = vector.extract_strided_slice %get3A_60 {offsets = [3], sizes = [1], strides = [1]} : vector<16xi32> to vector<1xi32>
          %squeeze3A_96 = vector.extract %slice3A_95[0] : i32 from vector<1xi32>
          %ge3A_97 = arith.constant 0 : i32
          %ge3A_98 = arith.cmpi sge, %squeeze3A_96, %ge3A_97 : i32
          %convert_element_type3A_99 = arith.extui %ge3A_98 : i1 to i32
          %cond3A_100 = arith.constant 0 : i32
          %cond3A_101 = arith.cmpi ne, %convert_element_type3A_99, %cond3A_100 : i32
          scf.if %cond3A_101 {
            %get3A_235 = arith.index_cast %add3A_94 : i32 to index
            %get3A_236 = arith.constant 0 : index
            %get3A_237 = tpu.vector_load %arg11[%get3A_235, %get3A_236] {strides = array<i32>} : memref<128x128xf32, #tpu.memory_space<vmem>>, vector<16xf32>,
            %swap3A = arith.index_cast %add3A_94 : i32 to index
            %swap3A_238 = arith.constant 0 : index
            %swap3A_239 = tpu.vector_load %arg10[%swap3A, %swap3A_238] {strides = array<i32>} : memref<128x128xf32, #tpu.memory_space<vmem>>, vector<16xf32>,
            tpu.vector_store %arg10[%swap3A, %swap3A_238], %get3A_237 {strides = array<i32>} : memref<128x128xf32, #tpu.memory_space<vmem>>, vector<16xf32>,
            %get3A_240 = arith.index_cast %add3A_94 : i32 to index
            %get3A_241 = arith.constant 16 : index
            %get3A_242 = tpu.vector_load %arg11[%get3A_240, %get3A_241] {strides = array<i32>} : memref<128x128xf32, #tpu.memory_space<vmem>>, vector<16xf32>,
            %swap3A_243 = arith.index_cast %add3A_94 : i32 to index
            %swap3A_244 = arith.constant 16 : index
            %swap3A_245 = tpu.vector_load %arg10[%swap3A_243, %swap3A_244] {strides = array<i32>} : memref<128x128xf32, #tpu.memory_space<vmem>>, vector<16xf32>,
            tpu.vector_store %arg10[%swap3A_243, %swap3A_244], %get3A_242 {strides = array<i32>} : memref<128x128xf32, #tpu.memory_space<vmem>>, vector<16xf32>,
            %get3A_246 = arith.index_cast %add3A_94 : i32 to index
            %get3A_247 = arith.constant 32 : index
            %get3A_248 = tpu.vector_load %arg11[%get3A_246, %get3A_247] {strides = array<i32>} : memref<128x128xf32, #tpu.memory_space<vmem>>, vector<16xf32>,
            %swap3A_249 = arith.index_cast %add3A_94 : i32 to index
            %swap3A_250 = arith.constant 32 : index
            %swap3A_251 = tpu.vector_load %arg10[%swap3A_249, %swap3A_250] {strides = array<i32>} : memref<128x128xf32, #tpu.memory_space<vmem>>, vector<16xf32>,
            tpu.vector_store %arg10[%swap3A_249, %swap3A_250], %get3A_248 {strides = array<i32>} : memref<128x128xf32, #tpu.memory_space<vmem>>, vector<16xf32>,
            %get3A_252 = arith.index_cast %add3A_94 : i32 to index
            %get3A_253 = arith.constant 48 : index
            %get3A_254 = tpu.vector_load %arg11[%get3A_252, %get3A_253] {strides = array<i32>} : memref<128x128xf32, #tpu.memory_space<vmem>>, vector<16xf32>,
            %swap3A_255 = arith.index_cast %add3A_94 : i32 to index
            %swap3A_256 = arith.constant 48 : index
            %swap3A_257 = tpu.vector_load %arg10[%swap3A_255, %swap3A_256] {strides = array<i32>} : memref<128x128xf32, #tpu.memory_space<vmem>>, vector<16xf32>,
            tpu.vector_store %arg10[%swap3A_255, %swap3A_256], %get3A_254 {strides = array<i32>} : memref<128x128xf32, #tpu.memory_space<vmem>>, vector<16xf32>,
            %get3A_258 = arith.index_cast %add3A_94 : i32 to index
            %get3A_259 = arith.constant 64 : index
            %get3A_260 = tpu.vector_load %arg11[%get3A_258, %get3A_259] {strides = array<i32>} : memref<128x128xf32, #tpu.memory_space<vmem>>, vector<16xf32>,
            %swap3A_261 = arith.index_cast %add3A_94 : i32 to index
            %swap3A_262 = arith.constant 64 : index
            %swap3A_263 = tpu.vector_load %arg10[%swap3A_261, %swap3A_262] {strides = array<i32>} : memref<128x128xf32, #tpu.memory_space<vmem>>, vector<16xf32>,
            tpu.vector_store %arg10[%swap3A_261, %swap3A_262], %get3A_260 {strides = array<i32>} : memref<128x128xf32, #tpu.memory_space<vmem>>, vector<16xf32>,
            %get3A_264 = arith.index_cast %add3A_94 : i32 to index
            %get3A_265 = arith.constant 80 : index
            %get3A_266 = tpu.vector_load %arg11[%get3A_264, %get3A_265] {strides = array<i32>} : memref<128x128xf32, #tpu.memory_space<vmem>>, vector<16xf32>,
            %swap3A_267 = arith.index_cast %add3A_94 : i32 to index
            %swap3A_268 = arith.constant 80 : index
            %swap3A_269 = tpu.vector_load %arg10[%swap3A_267, %swap3A_268] {strides = array<i32>} : memref<128x128xf32, #tpu.memory_space<vmem>>, vector<16xf32>,
            tpu.vector_store %arg10[%swap3A_267, %swap3A_268], %get3A_266 {strides = array<i32>} : memref<128x128xf32, #tpu.memory_space<vmem>>, vector<16xf32>,
            %get3A_270 = arith.index_cast %add3A_94 : i32 to index
            %get3A_271 = arith.constant 96 : index
            %get3A_272 = tpu.vector_load %arg11[%get3A_270, %get3A_271] {strides = array<i32>} : memref<128x128xf32, #tpu.memory_space<vmem>>, vector<16xf32>,
            %swap3A_273 = arith.index_cast %add3A_94 : i32 to index
            %swap3A_274 = arith.constant 96 : index
            %swap3A_275 = tpu.vector_load %arg10[%swap3A_273, %swap3A_274] {strides = array<i32>} : memref<128x128xf32, #tpu.memory_space<vmem>>, vector<16xf32>,
            tpu.vector_store %arg10[%swap3A_273, %swap3A_274], %get3A_272 {strides = array<i32>} : memref<128x128xf32, #tpu.memory_space<vmem>>, vector<16xf32>,
            %get3A_276 = arith.index_cast %add3A_94 : i32 to index
            %get3A_277 = arith.constant 112 : index
            %get3A_278 = tpu.vector_load %arg11[%get3A_276, %get3A_277] {strides = array<i32>} : memref<128x128xf32, #tpu.memory_space<vmem>>, vector<16xf32>,
            %swap3A_279 = arith.index_cast %add3A_94 : i32 to index
            %swap3A_280 = arith.constant 112 : index
            %swap3A_281 = tpu.vector_load %arg10[%swap3A_279, %swap3A_280] {strides = array<i32>} : memref<128x128xf32, #tpu.memory_space<vmem>>, vector<16xf32>,
            tpu.vector_store %arg10[%swap3A_279, %swap3A_280], %get3A_278 {strides = array<i32>} : memref<128x128xf32, #tpu.memory_space<vmem>>, vector<16xf32>,
          } else {
          }
          %mul3A_102 = arith.constant 16 : i32
          %mul3A_103 = arith.muli %scan3A_56, %mul3A_102 : i32
          %add3A_104 = arith.constant 4 : i32
          %add3A_105 = arith.addi %mul3A_103, %add3A_104 : i32
          %slice3A_106 = vector.extract_strided_slice %get3A_60 {offsets = [4], sizes = [1], strides = [1]} : vector<16xi32> to vector<1xi32>
          %squeeze3A_107 = vector.extract %slice3A_106[0] : i32 from vector<1xi32>
          %ge3A_108 = arith.constant 0 : i32
          %ge3A_109 = arith.cmpi sge, %squeeze3A_107, %ge3A_108 : i32
          %convert_element_type3A_110 = arith.extui %ge3A_109 : i1 to i32
          %cond3A_111 = arith.constant 0 : i32
          %cond3A_112 = arith.cmpi ne, %convert_element_type3A_110, %cond3A_111 : i32
          scf.if %cond3A_112 {
            %get3A_235 = arith.index_cast %add3A_105 : i32 to index
            %get3A_236 = arith.constant 0 : index
            %get3A_237 = tpu.vector_load %arg11[%get3A_235, %get3A_236] {strides = array<i32>} : memref<128x128xf32, #tpu.memory_space<vmem>>, vector<16xf32>,
            %swap3A = arith.index_cast %add3A_105 : i32 to index
            %swap3A_238 = arith.constant 0 : index
            %swap3A_239 = tpu.vector_load %arg10[%swap3A, %swap3A_238] {strides = array<i32>} : memref<128x128xf32, #tpu.memory_space<vmem>>, vector<16xf32>,
            tpu.vector_store %arg10[%swap3A, %swap3A_238], %get3A_237 {strides = array<i32>} : memref<128x128xf32, #tpu.memory_space<vmem>>, vector<16xf32>,
            %get3A_240 = arith.index_cast %add3A_105 : i32 to index
            %get3A_241 = arith.constant 16 : index
            %get3A_242 = tpu.vector_load %arg11[%get3A_240, %get3A_241] {strides = array<i32>} : memref<128x128xf32, #tpu.memory_space<vmem>>, vector<16xf32>,
            %swap3A_243 = arith.index_cast %add3A_105 : i32 to index
            %swap3A_244 = arith.constant 16 : index
            %swap3A_245 = tpu.vector_load %arg10[%swap3A_243, %swap3A_244] {strides = array<i32>} : memref<128x128xf32, #tpu.memory_space<vmem>>, vector<16xf32>,
            tpu.vector_store %arg10[%swap3A_243, %swap3A_244], %get3A_242 {strides = array<i32>} : memref<128x128xf32, #tpu.memory_space<vmem>>, vector<16xf32>,
            %get3A_246 = arith.index_cast %add3A_105 : i32 to index
            %get3A_247 = arith.constant 32 : index
            %get3A_248 = tpu.vector_load %arg11[%get3A_246, %get3A_247] {strides = array<i32>} : memref<128x128xf32, #tpu.memory_space<vmem>>, vector<16xf32>,
            %swap3A_249 = arith.index_cast %add3A_105 : i32 to index
            %swap3A_250 = arith.constant 32 : index
            %swap3A_251 = tpu.vector_load %arg10[%swap3A_249, %swap3A_250] {strides = array<i32>} : memref<128x128xf32, #tpu.memory_space<vmem>>, vector<16xf32>,
            tpu.vector_store %arg10[%swap3A_249, %swap3A_250], %get3A_248 {strides = array<i32>} : memref<128x128xf32, #tpu.memory_space<vmem>>, vector<16xf32>,
            %get3A_252 = arith.index_cast %add3A_105 : i32 to index
            %get3A_253 = arith.constant 48 : index
            %get3A_254 = tpu.vector_load %arg11[%get3A_252, %get3A_253] {strides = array<i32>} : memref<128x128xf32, #tpu.memory_space<vmem>>, vector<16xf32>,
            %swap3A_255 = arith.index_cast %add3A_105 : i32 to index
            %swap3A_256 = arith.constant 48 : index
            %swap3A_257 = tpu.vector_load %arg10[%swap3A_255, %swap3A_256] {strides = array<i32>} : memref<128x128xf32, #tpu.memory_space<vmem>>, vector<16xf32>,
            tpu.vector_store %arg10[%swap3A_255, %swap3A_256], %get3A_254 {strides = array<i32>} : memref<128x128xf32, #tpu.memory_space<vmem>>, vector<16xf32>,
            %get3A_258 = arith.index_cast %add3A_105 : i32 to index
            %get3A_259 = arith.constant 64 : index
            %get3A_260 = tpu.vector_load %arg11[%get3A_258, %get3A_259] {strides = array<i32>} : memref<128x128xf32, #tpu.memory_space<vmem>>, vector<16xf32>,
            %swap3A_261 = arith.index_cast %add3A_105 : i32 to index
            %swap3A_262 = arith.constant 64 : index
            %swap3A_263 = tpu.vector_load %arg10[%swap3A_261, %swap3A_262] {strides = array<i32>} : memref<128x128xf32, #tpu.memory_space<vmem>>, vector<16xf32>,
            tpu.vector_store %arg10[%swap3A_261, %swap3A_262], %get3A_260 {strides = array<i32>} : memref<128x128xf32, #tpu.memory_space<vmem>>, vector<16xf32>,
            %get3A_264 = arith.index_cast %add3A_105 : i32 to index
            %get3A_265 = arith.constant 80 : index
            %get3A_266 = tpu.vector_load %arg11[%get3A_264, %get3A_265] {strides = array<i32>} : memref<128x128xf32, #tpu.memory_space<vmem>>, vector<16xf32>,
            %swap3A_267 = arith.index_cast %add3A_105 : i32 to index
            %swap3A_268 = arith.constant 80 : index
            %swap3A_269 = tpu.vector_load %arg10[%swap3A_267, %swap3A_268] {strides = array<i32>} : memref<128x128xf32, #tpu.memory_space<vmem>>, vector<16xf32>,
            tpu.vector_store %arg10[%swap3A_267, %swap3A_268], %get3A_266 {strides = array<i32>} : memref<128x128xf32, #tpu.memory_space<vmem>>, vector<16xf32>,
            %get3A_270 = arith.index_cast %add3A_105 : i32 to index
            %get3A_271 = arith.constant 96 : index
            %get3A_272 = tpu.vector_load %arg11[%get3A_270, %get3A_271] {strides = array<i32>} : memref<128x128xf32, #tpu.memory_space<vmem>>, vector<16xf32>,
            %swap3A_273 = arith.index_cast %add3A_105 : i32 to index
            %swap3A_274 = arith.constant 96 : index
            %swap3A_275 = tpu.vector_load %arg10[%swap3A_273, %swap3A_274] {strides = array<i32>} : memref<128x128xf32, #tpu.memory_space<vmem>>, vector<16xf32>,
            tpu.vector_store %arg10[%swap3A_273, %swap3A_274], %get3A_272 {strides = array<i32>} : memref<128x128xf32, #tpu.memory_space<vmem>>, vector<16xf32>,
            %get3A_276 = arith.index_cast %add3A_105 : i32 to index
            %get3A_277 = arith.constant 112 : index
            %get3A_278 = tpu.vector_load %arg11[%get3A_276, %get3A_277] {strides = array<i32>} : memref<128x128xf32, #tpu.memory_space<vmem>>, vector<16xf32>,
            %swap3A_279 = arith.index_cast %add3A_105 : i32 to index
            %swap3A_280 = arith.constant 112 : index
            %swap3A_281 = tpu.vector_load %arg10[%swap3A_279, %swap3A_280] {strides = array<i32>} : memref<128x128xf32, #tpu.memory_space<vmem>>, vector<16xf32>,
            tpu.vector_store %arg10[%swap3A_279, %swap3A_280], %get3A_278 {strides = array<i32>} : memref<128x128xf32, #tpu.memory_space<vmem>>, vector<16xf32>,
          } else {
          }
          %mul3A_113 = arith.constant 16 : i32
          %mul3A_114 = arith.muli %scan3A_56, %mul3A_113 : i32
          %add3A_115 = arith.constant 5 : i32
          %add3A_116 = arith.addi %mul3A_114, %add3A_115 : i32
          %slice3A_117 = vector.extract_strided_slice %get3A_60 {offsets = [5], sizes = [1], strides = [1]} : vector<16xi32> to vector<1xi32>
          %squeeze3A_118 = vector.extract %slice3A_117[0] : i32 from vector<1xi32>
          %ge3A_119 = arith.constant 0 : i32
          %ge3A_120 = arith.cmpi sge, %squeeze3A_118, %ge3A_119 : i32
          %convert_element_type3A_121 = arith.extui %ge3A_120 : i1 to i32
          %cond3A_122 = arith.constant 0 : i32
          %cond3A_123 = arith.cmpi ne, %convert_element_type3A_121, %cond3A_122 : i32
          scf.if %cond3A_123 {
            %get3A_235 = arith.index_cast %add3A_116 : i32 to index
            %get3A_236 = arith.constant 0 : index
            %get3A_237 = tpu.vector_load %arg11[%get3A_235, %get3A_236] {strides = array<i32>} : memref<128x128xf32, #tpu.memory_space<vmem>>, vector<16xf32>,
            %swap3A = arith.index_cast %add3A_116 : i32 to index
            %swap3A_238 = arith.constant 0 : index
            %swap3A_239 = tpu.vector_load %arg10[%swap3A, %swap3A_238] {strides = array<i32>} : memref<128x128xf32, #tpu.memory_space<vmem>>, vector<16xf32>,
            tpu.vector_store %arg10[%swap3A, %swap3A_238], %get3A_237 {strides = array<i32>} : memref<128x128xf32, #tpu.memory_space<vmem>>, vector<16xf32>,
            %get3A_240 = arith.index_cast %add3A_116 : i32 to index
            %get3A_241 = arith.constant 16 : index
            %get3A_242 = tpu.vector_load %arg11[%get3A_240, %get3A_241] {strides = array<i32>} : memref<128x128xf32, #tpu.memory_space<vmem>>, vector<16xf32>,
            %swap3A_243 = arith.index_cast %add3A_116 : i32 to index
            %swap3A_244 = arith.constant 16 : index
            %swap3A_245 = tpu.vector_load %arg10[%swap3A_243, %swap3A_244] {strides = array<i32>} : memref<128x128xf32, #tpu.memory_space<vmem>>, vector<16xf32>,
            tpu.vector_store %arg10[%swap3A_243, %swap3A_244], %get3A_242 {strides = array<i32>} : memref<128x128xf32, #tpu.memory_space<vmem>>, vector<16xf32>,
            %get3A_246 = arith.index_cast %add3A_116 : i32 to index
            %get3A_247 = arith.constant 32 : index
            %get3A_248 = tpu.vector_load %arg11[%get3A_246, %get3A_247] {strides = array<i32>} : memref<128x128xf32, #tpu.memory_space<vmem>>, vector<16xf32>,
            %swap3A_249 = arith.index_cast %add3A_116 : i32 to index
            %swap3A_250 = arith.constant 32 : index
            %swap3A_251 = tpu.vector_load %arg10[%swap3A_249, %swap3A_250] {strides = array<i32>} : memref<128x128xf32, #tpu.memory_space<vmem>>, vector<16xf32>,
            tpu.vector_store %arg10[%swap3A_249, %swap3A_250], %get3A_248 {strides = array<i32>} : memref<128x128xf32, #tpu.memory_space<vmem>>, vector<16xf32>,
            %get3A_252 = arith.index_cast %add3A_116 : i32 to index
            %get3A_253 = arith.constant 48 : index
            %get3A_254 = tpu.vector_load %arg11[%get3A_252, %get3A_253] {strides = array<i32>} : memref<128x128xf32, #tpu.memory_space<vmem>>, vector<16xf32>,
            %swap3A_255 = arith.index_cast %add3A_116 : i32 to index
            %swap3A_256 = arith.constant 48 : index
            %swap3A_257 = tpu.vector_load %arg10[%swap3A_255, %swap3A_256] {strides = array<i32>} : memref<128x128xf32, #tpu.memory_space<vmem>>, vector<16xf32>,
            tpu.vector_store %arg10[%swap3A_255, %swap3A_256], %get3A_254 {strides = array<i32>} : memref<128x128xf32, #tpu.memory_space<vmem>>, vector<16xf32>,
            %get3A_258 = arith.index_cast %add3A_116 : i32 to index
            %get3A_259 = arith.constant 64 : index
            %get3A_260 = tpu.vector_load %arg11[%get3A_258, %get3A_259] {strides = array<i32>} : memref<128x128xf32, #tpu.memory_space<vmem>>, vector<16xf32>,
            %swap3A_261 = arith.index_cast %add3A_116 : i32 to index
            %swap3A_262 = arith.constant 64 : index
            %swap3A_263 = tpu.vector_load %arg10[%swap3A_261, %swap3A_262] {strides = array<i32>} : memref<128x128xf32, #tpu.memory_space<vmem>>, vector<16xf32>,
            tpu.vector_store %arg10[%swap3A_261, %swap3A_262], %get3A_260 {strides = array<i32>} : memref<128x128xf32, #tpu.memory_space<vmem>>, vector<16xf32>,
            %get3A_264 = arith.index_cast %add3A_116 : i32 to index
            %get3A_265 = arith.constant 80 : index
            %get3A_266 = tpu.vector_load %arg11[%get3A_264, %get3A_265] {strides = array<i32>} : memref<128x128xf32, #tpu.memory_space<vmem>>, vector<16xf32>,
            %swap3A_267 = arith.index_cast %add3A_116 : i32 to index
            %swap3A_268 = arith.constant 80 : index
            %swap3A_269 = tpu.vector_load %arg10[%swap3A_267, %swap3A_268] {strides = array<i32>} : memref<128x128xf32, #tpu.memory_space<vmem>>, vector<16xf32>,
            tpu.vector_store %arg10[%swap3A_267, %swap3A_268], %get3A_266 {strides = array<i32>} : memref<128x128xf32, #tpu.memory_space<vmem>>, vector<16xf32>,
            %get3A_270 = arith.index_cast %add3A_116 : i32 to index
            %get3A_271 = arith.constant 96 : index
            %get3A_272 = tpu.vector_load %arg11[%get3A_270, %get3A_271] {strides = array<i32>} : memref<128x128xf32, #tpu.memory_space<vmem>>, vector<16xf32>,
            %swap3A_273 = arith.index_cast %add3A_116 : i32 to index
            %swap3A_274 = arith.constant 96 : index
            %swap3A_275 = tpu.vector_load %arg10[%swap3A_273, %swap3A_274] {strides = array<i32>} : memref<128x128xf32, #tpu.memory_space<vmem>>, vector<16xf32>,
            tpu.vector_store %arg10[%swap3A_273, %swap3A_274], %get3A_272 {strides = array<i32>} : memref<128x128xf32, #tpu.memory_space<vmem>>, vector<16xf32>,
            %get3A_276 = arith.index_cast %add3A_116 : i32 to index
            %get3A_277 = arith.constant 112 : index
            %get3A_278 = tpu.vector_load %arg11[%get3A_276, %get3A_277] {strides = array<i32>} : memref<128x128xf32, #tpu.memory_space<vmem>>, vector<16xf32>,
            %swap3A_279 = arith.index_cast %add3A_116 : i32 to index
            %swap3A_280 = arith.constant 112 : index
            %swap3A_281 = tpu.vector_load %arg10[%swap3A_279, %swap3A_280] {strides = array<i32>} : memref<128x128xf32, #tpu.memory_space<vmem>>, vector<16xf32>,
            tpu.vector_store %arg10[%swap3A_279, %swap3A_280], %get3A_278 {strides = array<i32>} : memref<128x128xf32, #tpu.memory_space<vmem>>, vector<16xf32>,
          } else {
          }
          %mul3A_124 = arith.constant 16 : i32
          %mul3A_125 = arith.muli %scan3A_56, %mul3A_124 : i32
          %add3A_126 = arith.constant 6 : i32
          %add3A_127 = arith.addi %mul3A_125, %add3A_126 : i32
          %slice3A_128 = vector.extract_strided_slice %get3A_60 {offsets = [6], sizes = [1], strides = [1]} : vector<16xi32> to vector<1xi32>
          %squeeze3A_129 = vector.extract %slice3A_128[0] : i32 from vector<1xi32>
          %ge3A_130 = arith.constant 0 : i32
          %ge3A_131 = arith.cmpi sge, %squeeze3A_129, %ge3A_130 : i32
          %convert_element_type3A_132 = arith.extui %ge3A_131 : i1 to i32
          %cond3A_133 = arith.constant 0 : i32
          %cond3A_134 = arith.cmpi ne, %convert_element_type3A_132, %cond3A_133 : i32
          scf.if %cond3A_134 {
            %get3A_235 = arith.index_cast %add3A_127 : i32 to index
            %get3A_236 = arith.constant 0 : index
            %get3A_237 = tpu.vector_load %arg11[%get3A_235, %get3A_236] {strides = array<i32>} : memref<128x128xf32, #tpu.memory_space<vmem>>, vector<16xf32>,
            %swap3A = arith.index_cast %add3A_127 : i32 to index
            %swap3A_238 = arith.constant 0 : index
            %swap3A_239 = tpu.vector_load %arg10[%swap3A, %swap3A_238] {strides = array<i32>} : memref<128x128xf32, #tpu.memory_space<vmem>>, vector<16xf32>,
            tpu.vector_store %arg10[%swap3A, %swap3A_238], %get3A_237 {strides = array<i32>} : memref<128x128xf32, #tpu.memory_space<vmem>>, vector<16xf32>,
            %get3A_240 = arith.index_cast %add3A_127 : i32 to index
            %get3A_241 = arith.constant 16 : index
            %get3A_242 = tpu.vector_load %arg11[%get3A_240, %get3A_241] {strides = array<i32>} : memref<128x128xf32, #tpu.memory_space<vmem>>, vector<16xf32>,
            %swap3A_243 = arith.index_cast %add3A_127 : i32 to index
            %swap3A_244 = arith.constant 16 : index
            %swap3A_245 = tpu.vector_load %arg10[%swap3A_243, %swap3A_244] {strides = array<i32>} : memref<128x128xf32, #tpu.memory_space<vmem>>, vector<16xf32>,
            tpu.vector_store %arg10[%swap3A_243, %swap3A_244], %get3A_242 {strides = array<i32>} : memref<128x128xf32, #tpu.memory_space<vmem>>, vector<16xf32>,
            %get3A_246 = arith.index_cast %add3A_127 : i32 to index
            %get3A_247 = arith.constant 32 : index
            %get3A_248 = tpu.vector_load %arg11[%get3A_246, %get3A_247] {strides = array<i32>} : memref<128x128xf32, #tpu.memory_space<vmem>>, vector<16xf32>,
            %swap3A_249 = arith.index_cast %add3A_127 : i32 to index
            %swap3A_250 = arith.constant 32 : index
            %swap3A_251 = tpu.vector_load %arg10[%swap3A_249, %swap3A_250] {strides = array<i32>} : memref<128x128xf32, #tpu.memory_space<vmem>>, vector<16xf32>,
            tpu.vector_store %arg10[%swap3A_249, %swap3A_250], %get3A_248 {strides = array<i32>} : memref<128x128xf32, #tpu.memory_space<vmem>>, vector<16xf32>,
            %get3A_252 = arith.index_cast %add3A_127 : i32 to index
            %get3A_253 = arith.constant 48 : index
            %get3A_254 = tpu.vector_load %arg11[%get3A_252, %get3A_253] {strides = array<i32>} : memref<128x128xf32, #tpu.memory_space<vmem>>, vector<16xf32>,
            %swap3A_255 = arith.index_cast %add3A_127 : i32 to index
            %swap3A_256 = arith.constant 48 : index
            %swap3A_257 = tpu.vector_load %arg10[%swap3A_255, %swap3A_256] {strides = array<i32>} : memref<128x128xf32, #tpu.memory_space<vmem>>, vector<16xf32>,
            tpu.vector_store %arg10[%swap3A_255, %swap3A_256], %get3A_254 {strides = array<i32>} : memref<128x128xf32, #tpu.memory_space<vmem>>, vector<16xf32>,
            %get3A_258 = arith.index_cast %add3A_127 : i32 to index
            %get3A_259 = arith.constant 64 : index
            %get3A_260 = tpu.vector_load %arg11[%get3A_258, %get3A_259] {strides = array<i32>} : memref<128x128xf32, #tpu.memory_space<vmem>>, vector<16xf32>,
            %swap3A_261 = arith.index_cast %add3A_127 : i32 to index
            %swap3A_262 = arith.constant 64 : index
            %swap3A_263 = tpu.vector_load %arg10[%swap3A_261, %swap3A_262] {strides = array<i32>} : memref<128x128xf32, #tpu.memory_space<vmem>>, vector<16xf32>,
            tpu.vector_store %arg10[%swap3A_261, %swap3A_262], %get3A_260 {strides = array<i32>} : memref<128x128xf32, #tpu.memory_space<vmem>>, vector<16xf32>,
            %get3A_264 = arith.index_cast %add3A_127 : i32 to index
            %get3A_265 = arith.constant 80 : index
            %get3A_266 = tpu.vector_load %arg11[%get3A_264, %get3A_265] {strides = array<i32>} : memref<128x128xf32, #tpu.memory_space<vmem>>, vector<16xf32>,
            %swap3A_267 = arith.index_cast %add3A_127 : i32 to index
            %swap3A_268 = arith.constant 80 : index
            %swap3A_269 = tpu.vector_load %arg10[%swap3A_267, %swap3A_268] {strides = array<i32>} : memref<128x128xf32, #tpu.memory_space<vmem>>, vector<16xf32>,
            tpu.vector_store %arg10[%swap3A_267, %swap3A_268], %get3A_266 {strides = array<i32>} : memref<128x128xf32, #tpu.memory_space<vmem>>, vector<16xf32>,
            %get3A_270 = arith.index_cast %add3A_127 : i32 to index
            %get3A_271 = arith.constant 96 : index
            %get3A_272 = tpu.vector_load %arg11[%get3A_270, %get3A_271] {strides = array<i32>} : memref<128x128xf32, #tpu.memory_space<vmem>>, vector<16xf32>,
            %swap3A_273 = arith.index_cast %add3A_127 : i32 to index
            %swap3A_274 = arith.constant 96 : index
            %swap3A_275 = tpu.vector_load %arg10[%swap3A_273, %swap3A_274] {strides = array<i32>} : memref<128x128xf32, #tpu.memory_space<vmem>>, vector<16xf32>,
            tpu.vector_store %arg10[%swap3A_273, %swap3A_274], %get3A_272 {strides = array<i32>} : memref<128x128xf32, #tpu.memory_space<vmem>>, vector<16xf32>,
            %get3A_276 = arith.index_cast %add3A_127 : i32 to index
            %get3A_277 = arith.constant 112 : index
            %get3A_278 = tpu.vector_load %arg11[%get3A_276, %get3A_277] {strides = array<i32>} : memref<128x128xf32, #tpu.memory_space<vmem>>, vector<16xf32>,
            %swap3A_279 = arith.index_cast %add3A_127 : i32 to index
            %swap3A_280 = arith.constant 112 : index
            %swap3A_281 = tpu.vector_load %arg10[%swap3A_279, %swap3A_280] {strides = array<i32>} : memref<128x128xf32, #tpu.memory_space<vmem>>, vector<16xf32>,
            tpu.vector_store %arg10[%swap3A_279, %swap3A_280], %get3A_278 {strides = array<i32>} : memref<128x128xf32, #tpu.memory_space<vmem>>, vector<16xf32>,
          } else {
          }
          %mul3A_135 = arith.constant 16 : i32
          %mul3A_136 = arith.muli %scan3A_56, %mul3A_135 : i32
          %add3A_137 = arith.constant 7 : i32
          %add3A_138 = arith.addi %mul3A_136, %add3A_137 : i32
          %slice3A_139 = vector.extract_strided_slice %get3A_60 {offsets = [7], sizes = [1], strides = [1]} : vector<16xi32> to vector<1xi32>
          %squeeze3A_140 = vector.extract %slice3A_139[0] : i32 from vector<1xi32>
          %ge3A_141 = arith.constant 0 : i32
          %ge3A_142 = arith.cmpi sge, %squeeze3A_140, %ge3A_141 : i32
          %convert_element_type3A_143 = arith.extui %ge3A_142 : i1 to i32
          %cond3A_144 = arith.constant 0 : i32
          %cond3A_145 = arith.cmpi ne, %convert_element_type3A_143, %cond3A_144 : i32
          scf.if %cond3A_145 {
            %get3A_235 = arith.index_cast %add3A_138 : i32 to index
            %get3A_236 = arith.constant 0 : index
            %get3A_237 = tpu.vector_load %arg11[%get3A_235, %get3A_236] {strides = array<i32>} : memref<128x128xf32, #tpu.memory_space<vmem>>, vector<16xf32>,
            %swap3A = arith.index_cast %add3A_138 : i32 to index
            %swap3A_238 = arith.constant 0 : index
            %swap3A_239 = tpu.vector_load %arg10[%swap3A, %swap3A_238] {strides = array<i32>} : memref<128x128xf32, #tpu.memory_space<vmem>>, vector<16xf32>,
            tpu.vector_store %arg10[%swap3A, %swap3A_238], %get3A_237 {strides = array<i32>} : memref<128x128xf32, #tpu.memory_space<vmem>>, vector<16xf32>,
            %get3A_240 = arith.index_cast %add3A_138 : i32 to index
            %get3A_241 = arith.constant 16 : index
            %get3A_242 = tpu.vector_load %arg11[%get3A_240, %get3A_241] {strides = array<i32>} : memref<128x128xf32, #tpu.memory_space<vmem>>, vector<16xf32>,
            %swap3A_243 = arith.index_cast %add3A_138 : i32 to index
            %swap3A_244 = arith.constant 16 : index
            %swap3A_245 = tpu.vector_load %arg10[%swap3A_243, %swap3A_244] {strides = array<i32>} : memref<128x128xf32, #tpu.memory_space<vmem>>, vector<16xf32>,
            tpu.vector_store %arg10[%swap3A_243, %swap3A_244], %get3A_242 {strides = array<i32>} : memref<128x128xf32, #tpu.memory_space<vmem>>, vector<16xf32>,
            %get3A_246 = arith.index_cast %add3A_138 : i32 to index
            %get3A_247 = arith.constant 32 : index
            %get3A_248 = tpu.vector_load %arg11[%get3A_246, %get3A_247] {strides = array<i32>} : memref<128x128xf32, #tpu.memory_space<vmem>>, vector<16xf32>,
            %swap3A_249 = arith.index_cast %add3A_138 : i32 to index
            %swap3A_250 = arith.constant 32 : index
            %swap3A_251 = tpu.vector_load %arg10[%swap3A_249, %swap3A_250] {strides = array<i32>} : memref<128x128xf32, #tpu.memory_space<vmem>>, vector<16xf32>,
            tpu.vector_store %arg10[%swap3A_249, %swap3A_250], %get3A_248 {strides = array<i32>} : memref<128x128xf32, #tpu.memory_space<vmem>>, vector<16xf32>,
            %get3A_252 = arith.index_cast %add3A_138 : i32 to index
            %get3A_253 = arith.constant 48 : index
            %get3A_254 = tpu.vector_load %arg11[%get3A_252, %get3A_253] {strides = array<i32>} : memref<128x128xf32, #tpu.memory_space<vmem>>, vector<16xf32>,
            %swap3A_255 = arith.index_cast %add3A_138 : i32 to index
            %swap3A_256 = arith.constant 48 : index
            %swap3A_257 = tpu.vector_load %arg10[%swap3A_255, %swap3A_256] {strides = array<i32>} : memref<128x128xf32, #tpu.memory_space<vmem>>, vector<16xf32>,
            tpu.vector_store %arg10[%swap3A_255, %swap3A_256], %get3A_254 {strides = array<i32>} : memref<128x128xf32, #tpu.memory_space<vmem>>, vector<16xf32>,
            %get3A_258 = arith.index_cast %add3A_138 : i32 to index
            %get3A_259 = arith.constant 64 : index
            %get3A_260 = tpu.vector_load %arg11[%get3A_258, %get3A_259] {strides = array<i32>} : memref<128x128xf32, #tpu.memory_space<vmem>>, vector<16xf32>,
            %swap3A_261 = arith.index_cast %add3A_138 : i32 to index
            %swap3A_262 = arith.constant 64 : index
            %swap3A_263 = tpu.vector_load %arg10[%swap3A_261, %swap3A_262] {strides = array<i32>} : memref<128x128xf32, #tpu.memory_space<vmem>>, vector<16xf32>,
            tpu.vector_store %arg10[%swap3A_261, %swap3A_262], %get3A_260 {strides = array<i32>} : memref<128x128xf32, #tpu.memory_space<vmem>>, vector<16xf32>,
            %get3A_264 = arith.index_cast %add3A_138 : i32 to index
            %get3A_265 = arith.constant 80 : index
            %get3A_266 = tpu.vector_load %arg11[%get3A_264, %get3A_265] {strides = array<i32>} : memref<128x128xf32, #tpu.memory_space<vmem>>, vector<16xf32>,
            %swap3A_267 = arith.index_cast %add3A_138 : i32 to index
            %swap3A_268 = arith.constant 80 : index
            %swap3A_269 = tpu.vector_load %arg10[%swap3A_267, %swap3A_268] {strides = array<i32>} : memref<128x128xf32, #tpu.memory_space<vmem>>, vector<16xf32>,
            tpu.vector_store %arg10[%swap3A_267, %swap3A_268], %get3A_266 {strides = array<i32>} : memref<128x128xf32, #tpu.memory_space<vmem>>, vector<16xf32>,
            %get3A_270 = arith.index_cast %add3A_138 : i32 to index
            %get3A_271 = arith.constant 96 : index
            %get3A_272 = tpu.vector_load %arg11[%get3A_270, %get3A_271] {strides = array<i32>} : memref<128x128xf32, #tpu.memory_space<vmem>>, vector<16xf32>,
            %swap3A_273 = arith.index_cast %add3A_138 : i32 to index
            %swap3A_274 = arith.constant 96 : index
            %swap3A_275 = tpu.vector_load %arg10[%swap3A_273, %swap3A_274] {strides = array<i32>} : memref<128x128xf32, #tpu.memory_space<vmem>>, vector<16xf32>,
            tpu.vector_store %arg10[%swap3A_273, %swap3A_274], %get3A_272 {strides = array<i32>} : memref<128x128xf32, #tpu.memory_space<vmem>>, vector<16xf32>,
            %get3A_276 = arith.index_cast %add3A_138 : i32 to index
            %get3A_277 = arith.constant 112 : index
            %get3A_278 = tpu.vector_load %arg11[%get3A_276, %get3A_277] {strides = array<i32>} : memref<128x128xf32, #tpu.memory_space<vmem>>, vector<16xf32>,
            %swap3A_279 = arith.index_cast %add3A_138 : i32 to index
            %swap3A_280 = arith.constant 112 : index
            %swap3A_281 = tpu.vector_load %arg10[%swap3A_279, %swap3A_280] {strides = array<i32>} : memref<128x128xf32, #tpu.memory_space<vmem>>, vector<16xf32>,
            tpu.vector_store %arg10[%swap3A_279, %swap3A_280], %get3A_278 {strides = array<i32>} : memref<128x128xf32, #tpu.memory_space<vmem>>, vector<16xf32>,
          } else {
          }
          %mul3A_146 = arith.constant 16 : i32
          %mul3A_147 = arith.muli %scan3A_56, %mul3A_146 : i32
          %add3A_148 = arith.constant 8 : i32
          %add3A_149 = arith.addi %mul3A_147, %add3A_148 : i32
          %slice3A_150 = vector.extract_strided_slice %get3A_60 {offsets = [8], sizes = [1], strides = [1]} : vector<16xi32> to vector<1xi32>
          %squeeze3A_151 = vector.extract %slice3A_150[0] : i32 from vector<1xi32>
          %ge3A_152 = arith.constant 0 : i32
          %ge3A_153 = arith.cmpi sge, %squeeze3A_151, %ge3A_152 : i32
          %convert_element_type3A_154 = arith.extui %ge3A_153 : i1 to i32
          %cond3A_155 = arith.constant 0 : i32
          %cond3A_156 = arith.cmpi ne, %convert_element_type3A_154, %cond3A_155 : i32
          scf.if %cond3A_156 {
            %get3A_235 = arith.index_cast %add3A_149 : i32 to index
            %get3A_236 = arith.constant 0 : index
            %get3A_237 = tpu.vector_load %arg11[%get3A_235, %get3A_236] {strides = array<i32>} : memref<128x128xf32, #tpu.memory_space<vmem>>, vector<16xf32>,
            %swap3A = arith.index_cast %add3A_149 : i32 to index
            %swap3A_238 = arith.constant 0 : index
            %swap3A_239 = tpu.vector_load %arg10[%swap3A, %swap3A_238] {strides = array<i32>} : memref<128x128xf32, #tpu.memory_space<vmem>>, vector<16xf32>,
            tpu.vector_store %arg10[%swap3A, %swap3A_238], %get3A_237 {strides = array<i32>} : memref<128x128xf32, #tpu.memory_space<vmem>>, vector<16xf32>,
            %get3A_240 = arith.index_cast %add3A_149 : i32 to index
            %get3A_241 = arith.constant 16 : index
            %get3A_242 = tpu.vector_load %arg11[%get3A_240, %get3A_241] {strides = array<i32>} : memref<128x128xf32, #tpu.memory_space<vmem>>, vector<16xf32>,
            %swap3A_243 = arith.index_cast %add3A_149 : i32 to index
            %swap3A_244 = arith.constant 16 : index
            %swap3A_245 = tpu.vector_load %arg10[%swap3A_243, %swap3A_244] {strides = array<i32>} : memref<128x128xf32, #tpu.memory_space<vmem>>, vector<16xf32>,
            tpu.vector_store %arg10[%swap3A_243, %swap3A_244], %get3A_242 {strides = array<i32>} : memref<128x128xf32, #tpu.memory_space<vmem>>, vector<16xf32>,
            %get3A_246 = arith.index_cast %add3A_149 : i32 to index
            %get3A_247 = arith.constant 32 : index
            %get3A_248 = tpu.vector_load %arg11[%get3A_246, %get3A_247] {strides = array<i32>} : memref<128x128xf32, #tpu.memory_space<vmem>>, vector<16xf32>,
            %swap3A_249 = arith.index_cast %add3A_149 : i32 to index
            %swap3A_250 = arith.constant 32 : index
            %swap3A_251 = tpu.vector_load %arg10[%swap3A_249, %swap3A_250] {strides = array<i32>} : memref<128x128xf32, #tpu.memory_space<vmem>>, vector<16xf32>,
            tpu.vector_store %arg10[%swap3A_249, %swap3A_250], %get3A_248 {strides = array<i32>} : memref<128x128xf32, #tpu.memory_space<vmem>>, vector<16xf32>,
            %get3A_252 = arith.index_cast %add3A_149 : i32 to index
            %get3A_253 = arith.constant 48 : index
            %get3A_254 = tpu.vector_load %arg11[%get3A_252, %get3A_253] {strides = array<i32>} : memref<128x128xf32, #tpu.memory_space<vmem>>, vector<16xf32>,
            %swap3A_255 = arith.index_cast %add3A_149 : i32 to index
            %swap3A_256 = arith.constant 48 : index
            %swap3A_257 = tpu.vector_load %arg10[%swap3A_255, %swap3A_256] {strides = array<i32>} : memref<128x128xf32, #tpu.memory_space<vmem>>, vector<16xf32>,
            tpu.vector_store %arg10[%swap3A_255, %swap3A_256], %get3A_254 {strides = array<i32>} : memref<128x128xf32, #tpu.memory_space<vmem>>, vector<16xf32>,
            %get3A_258 = arith.index_cast %add3A_149 : i32 to index
            %get3A_259 = arith.constant 64 : index
            %get3A_260 = tpu.vector_load %arg11[%get3A_258, %get3A_259] {strides = array<i32>} : memref<128x128xf32, #tpu.memory_space<vmem>>, vector<16xf32>,
            %swap3A_261 = arith.index_cast %add3A_149 : i32 to index
            %swap3A_262 = arith.constant 64 : index
            %swap3A_263 = tpu.vector_load %arg10[%swap3A_261, %swap3A_262] {strides = array<i32>} : memref<128x128xf32, #tpu.memory_space<vmem>>, vector<16xf32>,
            tpu.vector_store %arg10[%swap3A_261, %swap3A_262], %get3A_260 {strides = array<i32>} : memref<128x128xf32, #tpu.memory_space<vmem>>, vector<16xf32>,
            %get3A_264 = arith.index_cast %add3A_149 : i32 to index
            %get3A_265 = arith.constant 80 : index
            %get3A_266 = tpu.vector_load %arg11[%get3A_264, %get3A_265] {strides = array<i32>} : memref<128x128xf32, #tpu.memory_space<vmem>>, vector<16xf32>,
            %swap3A_267 = arith.index_cast %add3A_149 : i32 to index
            %swap3A_268 = arith.constant 80 : index
            %swap3A_269 = tpu.vector_load %arg10[%swap3A_267, %swap3A_268] {strides = array<i32>} : memref<128x128xf32, #tpu.memory_space<vmem>>, vector<16xf32>,
            tpu.vector_store %arg10[%swap3A_267, %swap3A_268], %get3A_266 {strides = array<i32>} : memref<128x128xf32, #tpu.memory_space<vmem>>, vector<16xf32>,
            %get3A_270 = arith.index_cast %add3A_149 : i32 to index
            %get3A_271 = arith.constant 96 : index
            %get3A_272 = tpu.vector_load %arg11[%get3A_270, %get3A_271] {strides = array<i32>} : memref<128x128xf32, #tpu.memory_space<vmem>>, vector<16xf32>,
            %swap3A_273 = arith.index_cast %add3A_149 : i32 to index
            %swap3A_274 = arith.constant 96 : index
            %swap3A_275 = tpu.vector_load %arg10[%swap3A_273, %swap3A_274] {strides = array<i32>} : memref<128x128xf32, #tpu.memory_space<vmem>>, vector<16xf32>,
            tpu.vector_store %arg10[%swap3A_273, %swap3A_274], %get3A_272 {strides = array<i32>} : memref<128x128xf32, #tpu.memory_space<vmem>>, vector<16xf32>,
            %get3A_276 = arith.index_cast %add3A_149 : i32 to index
            %get3A_277 = arith.constant 112 : index
            %get3A_278 = tpu.vector_load %arg11[%get3A_276, %get3A_277] {strides = array<i32>} : memref<128x128xf32, #tpu.memory_space<vmem>>, vector<16xf32>,
            %swap3A_279 = arith.index_cast %add3A_149 : i32 to index
            %swap3A_280 = arith.constant 112 : index
            %swap3A_281 = tpu.vector_load %arg10[%swap3A_279, %swap3A_280] {strides = array<i32>} : memref<128x128xf32, #tpu.memory_space<vmem>>, vector<16xf32>,
            tpu.vector_store %arg10[%swap3A_279, %swap3A_280], %get3A_278 {strides = array<i32>} : memref<128x128xf32, #tpu.memory_space<vmem>>, vector<16xf32>,
          } else {
          }
          %mul3A_157 = arith.constant 16 : i32
          %mul3A_158 = arith.muli %scan3A_56, %mul3A_157 : i32
          %add3A_159 = arith.constant 9 : i32
          %add3A_160 = arith.addi %mul3A_158, %add3A_159 : i32
          %slice3A_161 = vector.extract_strided_slice %get3A_60 {offsets = [9], sizes = [1], strides = [1]} : vector<16xi32> to vector<1xi32>
          %squeeze3A_162 = vector.extract %slice3A_161[0] : i32 from vector<1xi32>
          %ge3A_163 = arith.constant 0 : i32
          %ge3A_164 = arith.cmpi sge, %squeeze3A_162, %ge3A_163 : i32
          %convert_element_type3A_165 = arith.extui %ge3A_164 : i1 to i32
          %cond3A_166 = arith.constant 0 : i32
          %cond3A_167 = arith.cmpi ne, %convert_element_type3A_165, %cond3A_166 : i32
          scf.if %cond3A_167 {
            %get3A_235 = arith.index_cast %add3A_160 : i32 to index
            %get3A_236 = arith.constant 0 : index
            %get3A_237 = tpu.vector_load %arg11[%get3A_235, %get3A_236] {strides = array<i32>} : memref<128x128xf32, #tpu.memory_space<vmem>>, vector<16xf32>,
            %swap3A = arith.index_cast %add3A_160 : i32 to index
            %swap3A_238 = arith.constant 0 : index
            %swap3A_239 = tpu.vector_load %arg10[%swap3A, %swap3A_238] {strides = array<i32>} : memref<128x128xf32, #tpu.memory_space<vmem>>, vector<16xf32>,
            tpu.vector_store %arg10[%swap3A, %swap3A_238], %get3A_237 {strides = array<i32>} : memref<128x128xf32, #tpu.memory_space<vmem>>, vector<16xf32>,
            %get3A_240 = arith.index_cast %add3A_160 : i32 to index
            %get3A_241 = arith.constant 16 : index
            %get3A_242 = tpu.vector_load %arg11[%get3A_240, %get3A_241] {strides = array<i32>} : memref<128x128xf32, #tpu.memory_space<vmem>>, vector<16xf32>,
            %swap3A_243 = arith.index_cast %add3A_160 : i32 to index
            %swap3A_244 = arith.constant 16 : index
            %swap3A_245 = tpu.vector_load %arg10[%swap3A_243, %swap3A_244] {strides = array<i32>} : memref<128x128xf32, #tpu.memory_space<vmem>>, vector<16xf32>,
            tpu.vector_store %arg10[%swap3A_243, %swap3A_244], %get3A_242 {strides = array<i32>} : memref<128x128xf32, #tpu.memory_space<vmem>>, vector<16xf32>,
            %get3A_246 = arith.index_cast %add3A_160 : i32 to index
            %get3A_247 = arith.constant 32 : index
            %get3A_248 = tpu.vector_load %arg11[%get3A_246, %get3A_247] {strides = array<i32>} : memref<128x128xf32, #tpu.memory_space<vmem>>, vector<16xf32>,
            %swap3A_249 = arith.index_cast %add3A_160 : i32 to index
            %swap3A_250 = arith.constant 32 : index
            %swap3A_251 = tpu.vector_load %arg10[%swap3A_249, %swap3A_250] {strides = array<i32>} : memref<128x128xf32, #tpu.memory_space<vmem>>, vector<16xf32>,
            tpu.vector_store %arg10[%swap3A_249, %swap3A_250], %get3A_248 {strides = array<i32>} : memref<128x128xf32, #tpu.memory_space<vmem>>, vector<16xf32>,
            %get3A_252 = arith.index_cast %add3A_160 : i32 to index
            %get3A_253 = arith.constant 48 : index
            %get3A_254 = tpu.vector_load %arg11[%get3A_252, %get3A_253] {strides = array<i32>} : memref<128x128xf32, #tpu.memory_space<vmem>>, vector<16xf32>,
            %swap3A_255 = arith.index_cast %add3A_160 : i32 to index
            %swap3A_256 = arith.constant 48 : index
            %swap3A_257 = tpu.vector_load %arg10[%swap3A_255, %swap3A_256] {strides = array<i32>} : memref<128x128xf32, #tpu.memory_space<vmem>>, vector<16xf32>,
            tpu.vector_store %arg10[%swap3A_255, %swap3A_256], %get3A_254 {strides = array<i32>} : memref<128x128xf32, #tpu.memory_space<vmem>>, vector<16xf32>,
            %get3A_258 = arith.index_cast %add3A_160 : i32 to index
            %get3A_259 = arith.constant 64 : index
            %get3A_260 = tpu.vector_load %arg11[%get3A_258, %get3A_259] {strides = array<i32>} : memref<128x128xf32, #tpu.memory_space<vmem>>, vector<16xf32>,
            %swap3A_261 = arith.index_cast %add3A_160 : i32 to index
            %swap3A_262 = arith.constant 64 : index
            %swap3A_263 = tpu.vector_load %arg10[%swap3A_261, %swap3A_262] {strides = array<i32>} : memref<128x128xf32, #tpu.memory_space<vmem>>, vector<16xf32>,
            tpu.vector_store %arg10[%swap3A_261, %swap3A_262], %get3A_260 {strides = array<i32>} : memref<128x128xf32, #tpu.memory_space<vmem>>, vector<16xf32>,
            %get3A_264 = arith.index_cast %add3A_160 : i32 to index
            %get3A_265 = arith.constant 80 : index
            %get3A_266 = tpu.vector_load %arg11[%get3A_264, %get3A_265] {strides = array<i32>} : memref<128x128xf32, #tpu.memory_space<vmem>>, vector<16xf32>,
            %swap3A_267 = arith.index_cast %add3A_160 : i32 to index
            %swap3A_268 = arith.constant 80 : index
            %swap3A_269 = tpu.vector_load %arg10[%swap3A_267, %swap3A_268] {strides = array<i32>} : memref<128x128xf32, #tpu.memory_space<vmem>>, vector<16xf32>,
            tpu.vector_store %arg10[%swap3A_267, %swap3A_268], %get3A_266 {strides = array<i32>} : memref<128x128xf32, #tpu.memory_space<vmem>>, vector<16xf32>,
            %get3A_270 = arith.index_cast %add3A_160 : i32 to index
            %get3A_271 = arith.constant 96 : index
            %get3A_272 = tpu.vector_load %arg11[%get3A_270, %get3A_271] {strides = array<i32>} : memref<128x128xf32, #tpu.memory_space<vmem>>, vector<16xf32>,
            %swap3A_273 = arith.index_cast %add3A_160 : i32 to index
            %swap3A_274 = arith.constant 96 : index
            %swap3A_275 = tpu.vector_load %arg10[%swap3A_273, %swap3A_274] {strides = array<i32>} : memref<128x128xf32, #tpu.memory_space<vmem>>, vector<16xf32>,
            tpu.vector_store %arg10[%swap3A_273, %swap3A_274], %get3A_272 {strides = array<i32>} : memref<128x128xf32, #tpu.memory_space<vmem>>, vector<16xf32>,
            %get3A_276 = arith.index_cast %add3A_160 : i32 to index
            %get3A_277 = arith.constant 112 : index
            %get3A_278 = tpu.vector_load %arg11[%get3A_276, %get3A_277] {strides = array<i32>} : memref<128x128xf32, #tpu.memory_space<vmem>>, vector<16xf32>,
            %swap3A_279 = arith.index_cast %add3A_160 : i32 to index
            %swap3A_280 = arith.constant 112 : index
            %swap3A_281 = tpu.vector_load %arg10[%swap3A_279, %swap3A_280] {strides = array<i32>} : memref<128x128xf32, #tpu.memory_space<vmem>>, vector<16xf32>,
            tpu.vector_store %arg10[%swap3A_279, %swap3A_280], %get3A_278 {strides = array<i32>} : memref<128x128xf32, #tpu.memory_space<vmem>>, vector<16xf32>,
          } else {
          }
          %mul3A_168 = arith.constant 16 : i32
          %mul3A_169 = arith.muli %scan3A_56, %mul3A_168 : i32
          %add3A_170 = arith.constant 10 : i32
          %add3A_171 = arith.addi %mul3A_169, %add3A_170 : i32
          %slice3A_172 = vector.extract_strided_slice %get3A_60 {offsets = [10], sizes = [1], strides = [1]} : vector<16xi32> to vector<1xi32>
          %squeeze3A_173 = vector.extract %slice3A_172[0] : i32 from vector<1xi32>
          %ge3A_174 = arith.constant 0 : i32
          %ge3A_175 = arith.cmpi sge, %squeeze3A_173, %ge3A_174 : i32
          %convert_element_type3A_176 = arith.extui %ge3A_175 : i1 to i32
          %cond3A_177 = arith.constant 0 : i32
          %cond3A_178 = arith.cmpi ne, %convert_element_type3A_176, %cond3A_177 : i32
          scf.if %cond3A_178 {
            %get3A_235 = arith.index_cast %add3A_171 : i32 to index
            %get3A_236 = arith.constant 0 : index
            %get3A_237 = tpu.vector_load %arg11[%get3A_235, %get3A_236] {strides = array<i32>} : memref<128x128xf32, #tpu.memory_space<vmem>>, vector<16xf32>,
            %swap3A = arith.index_cast %add3A_171 : i32 to index
            %swap3A_238 = arith.constant 0 : index
            %swap3A_239 = tpu.vector_load %arg10[%swap3A, %swap3A_238] {strides = array<i32>} : memref<128x128xf32, #tpu.memory_space<vmem>>, vector<16xf32>,
            tpu.vector_store %arg10[%swap3A, %swap3A_238], %get3A_237 {strides = array<i32>} : memref<128x128xf32, #tpu.memory_space<vmem>>, vector<16xf32>,
            %get3A_240 = arith.index_cast %add3A_171 : i32 to index
            %get3A_241 = arith.constant 16 : index
            %get3A_242 = tpu.vector_load %arg11[%get3A_240, %get3A_241] {strides = array<i32>} : memref<128x128xf32, #tpu.memory_space<vmem>>, vector<16xf32>,
            %swap3A_243 = arith.index_cast %add3A_171 : i32 to index
            %swap3A_244 = arith.constant 16 : index
            %swap3A_245 = tpu.vector_load %arg10[%swap3A_243, %swap3A_244] {strides = array<i32>} : memref<128x128xf32, #tpu.memory_space<vmem>>, vector<16xf32>,
            tpu.vector_store %arg10[%swap3A_243, %swap3A_244], %get3A_242 {strides = array<i32>} : memref<128x128xf32, #tpu.memory_space<vmem>>, vector<16xf32>,
            %get3A_246 = arith.index_cast %add3A_171 : i32 to index
            %get3A_247 = arith.constant 32 : index
            %get3A_248 = tpu.vector_load %arg11[%get3A_246, %get3A_247] {strides = array<i32>} : memref<128x128xf32, #tpu.memory_space<vmem>>, vector<16xf32>,
            %swap3A_249 = arith.index_cast %add3A_171 : i32 to index
            %swap3A_250 = arith.constant 32 : index
            %swap3A_251 = tpu.vector_load %arg10[%swap3A_249, %swap3A_250] {strides = array<i32>} : memref<128x128xf32, #tpu.memory_space<vmem>>, vector<16xf32>,
            tpu.vector_store %arg10[%swap3A_249, %swap3A_250], %get3A_248 {strides = array<i32>} : memref<128x128xf32, #tpu.memory_space<vmem>>, vector<16xf32>,
            %get3A_252 = arith.index_cast %add3A_171 : i32 to index
            %get3A_253 = arith.constant 48 : index
            %get3A_254 = tpu.vector_load %arg11[%get3A_252, %get3A_253] {strides = array<i32>} : memref<128x128xf32, #tpu.memory_space<vmem>>, vector<16xf32>,
            %swap3A_255 = arith.index_cast %add3A_171 : i32 to index
            %swap3A_256 = arith.constant 48 : index
            %swap3A_257 = tpu.vector_load %arg10[%swap3A_255, %swap3A_256] {strides = array<i32>} : memref<128x128xf32, #tpu.memory_space<vmem>>, vector<16xf32>,
            tpu.vector_store %arg10[%swap3A_255, %swap3A_256], %get3A_254 {strides = array<i32>} : memref<128x128xf32, #tpu.memory_space<vmem>>, vector<16xf32>,
            %get3A_258 = arith.index_cast %add3A_171 : i32 to index
            %get3A_259 = arith.constant 64 : index
            %get3A_260 = tpu.vector_load %arg11[%get3A_258, %get3A_259] {strides = array<i32>} : memref<128x128xf32, #tpu.memory_space<vmem>>, vector<16xf32>,
            %swap3A_261 = arith.index_cast %add3A_171 : i32 to index
            %swap3A_262 = arith.constant 64 : index
            %swap3A_263 = tpu.vector_load %arg10[%swap3A_261, %swap3A_262] {strides = array<i32>} : memref<128x128xf32, #tpu.memory_space<vmem>>, vector<16xf32>,
            tpu.vector_store %arg10[%swap3A_261, %swap3A_262], %get3A_260 {strides = array<i32>} : memref<128x128xf32, #tpu.memory_space<vmem>>, vector<16xf32>,
            %get3A_264 = arith.index_cast %add3A_171 : i32 to index
            %get3A_265 = arith.constant 80 : index
            %get3A_266 = tpu.vector_load %arg11[%get3A_264, %get3A_265] {strides = array<i32>} : memref<128x128xf32, #tpu.memory_space<vmem>>, vector<16xf32>,
            %swap3A_267 = arith.index_cast %add3A_171 : i32 to index
            %swap3A_268 = arith.constant 80 : index
            %swap3A_269 = tpu.vector_load %arg10[%swap3A_267, %swap3A_268] {strides = array<i32>} : memref<128x128xf32, #tpu.memory_space<vmem>>, vector<16xf32>,
            tpu.vector_store %arg10[%swap3A_267, %swap3A_268], %get3A_266 {strides = array<i32>} : memref<128x128xf32, #tpu.memory_space<vmem>>, vector<16xf32>,
            %get3A_270 = arith.index_cast %add3A_171 : i32 to index
            %get3A_271 = arith.constant 96 : index
            %get3A_272 = tpu.vector_load %arg11[%get3A_270, %get3A_271] {strides = array<i32>} : memref<128x128xf32, #tpu.memory_space<vmem>>, vector<16xf32>,
            %swap3A_273 = arith.index_cast %add3A_171 : i32 to index
            %swap3A_274 = arith.constant 96 : index
            %swap3A_275 = tpu.vector_load %arg10[%swap3A_273, %swap3A_274] {strides = array<i32>} : memref<128x128xf32, #tpu.memory_space<vmem>>, vector<16xf32>,
            tpu.vector_store %arg10[%swap3A_273, %swap3A_274], %get3A_272 {strides = array<i32>} : memref<128x128xf32, #tpu.memory_space<vmem>>, vector<16xf32>,
            %get3A_276 = arith.index_cast %add3A_171 : i32 to index
            %get3A_277 = arith.constant 112 : index
            %get3A_278 = tpu.vector_load %arg11[%get3A_276, %get3A_277] {strides = array<i32>} : memref<128x128xf32, #tpu.memory_space<vmem>>, vector<16xf32>,
            %swap3A_279 = arith.index_cast %add3A_171 : i32 to index
            %swap3A_280 = arith.constant 112 : index
            %swap3A_281 = tpu.vector_load %arg10[%swap3A_279, %swap3A_280] {strides = array<i32>} : memref<128x128xf32, #tpu.memory_space<vmem>>, vector<16xf32>,
            tpu.vector_store %arg10[%swap3A_279, %swap3A_280], %get3A_278 {strides = array<i32>} : memref<128x128xf32, #tpu.memory_space<vmem>>, vector<16xf32>,
          } else {
          }
          %mul3A_179 = arith.constant 16 : i32
          %mul3A_180 = arith.muli %scan3A_56, %mul3A_179 : i32
          %add3A_181 = arith.constant 11 : i32
          %add3A_182 = arith.addi %mul3A_180, %add3A_181 : i32
          %slice3A_183 = vector.extract_strided_slice %get3A_60 {offsets = [11], sizes = [1], strides = [1]} : vector<16xi32> to vector<1xi32>
          %squeeze3A_184 = vector.extract %slice3A_183[0] : i32 from vector<1xi32>
          %ge3A_185 = arith.constant 0 : i32
          %ge3A_186 = arith.cmpi sge, %squeeze3A_184, %ge3A_185 : i32
          %convert_element_type3A_187 = arith.extui %ge3A_186 : i1 to i32
          %cond3A_188 = arith.constant 0 : i32
          %cond3A_189 = arith.cmpi ne, %convert_element_type3A_187, %cond3A_188 : i32
          scf.if %cond3A_189 {
            %get3A_235 = arith.index_cast %add3A_182 : i32 to index
            %get3A_236 = arith.constant 0 : index
            %get3A_237 = tpu.vector_load %arg11[%get3A_235, %get3A_236] {strides = array<i32>} : memref<128x128xf32, #tpu.memory_space<vmem>>, vector<16xf32>,
            %swap3A = arith.index_cast %add3A_182 : i32 to index
            %swap3A_238 = arith.constant 0 : index
            %swap3A_239 = tpu.vector_load %arg10[%swap3A, %swap3A_238] {strides = array<i32>} : memref<128x128xf32, #tpu.memory_space<vmem>>, vector<16xf32>,
            tpu.vector_store %arg10[%swap3A, %swap3A_238], %get3A_237 {strides = array<i32>} : memref<128x128xf32, #tpu.memory_space<vmem>>, vector<16xf32>,
            %get3A_240 = arith.index_cast %add3A_182 : i32 to index
            %get3A_241 = arith.constant 16 : index
            %get3A_242 = tpu.vector_load %arg11[%get3A_240, %get3A_241] {strides = array<i32>} : memref<128x128xf32, #tpu.memory_space<vmem>>, vector<16xf32>,
            %swap3A_243 = arith.index_cast %add3A_182 : i32 to index
            %swap3A_244 = arith.constant 16 : index
            %swap3A_245 = tpu.vector_load %arg10[%swap3A_243, %swap3A_244] {strides = array<i32>} : memref<128x128xf32, #tpu.memory_space<vmem>>, vector<16xf32>,
            tpu.vector_store %arg10[%swap3A_243, %swap3A_244], %get3A_242 {strides = array<i32>} : memref<128x128xf32, #tpu.memory_space<vmem>>, vector<16xf32>,
            %get3A_246 = arith.index_cast %add3A_182 : i32 to index
            %get3A_247 = arith.constant 32 : index
            %get3A_248 = tpu.vector_load %arg11[%get3A_246, %get3A_247] {strides = array<i32>} : memref<128x128xf32, #tpu.memory_space<vmem>>, vector<16xf32>,
            %swap3A_249 = arith.index_cast %add3A_182 : i32 to index
            %swap3A_250 = arith.constant 32 : index
            %swap3A_251 = tpu.vector_load %arg10[%swap3A_249, %swap3A_250] {strides = array<i32>} : memref<128x128xf32, #tpu.memory_space<vmem>>, vector<16xf32>,
            tpu.vector_store %arg10[%swap3A_249, %swap3A_250], %get3A_248 {strides = array<i32>} : memref<128x128xf32, #tpu.memory_space<vmem>>, vector<16xf32>,
            %get3A_252 = arith.index_cast %add3A_182 : i32 to index
            %get3A_253 = arith.constant 48 : index
            %get3A_254 = tpu.vector_load %arg11[%get3A_252, %get3A_253] {strides = array<i32>} : memref<128x128xf32, #tpu.memory_space<vmem>>, vector<16xf32>,
            %swap3A_255 = arith.index_cast %add3A_182 : i32 to index
            %swap3A_256 = arith.constant 48 : index
            %swap3A_257 = tpu.vector_load %arg10[%swap3A_255, %swap3A_256] {strides = array<i32>} : memref<128x128xf32, #tpu.memory_space<vmem>>, vector<16xf32>,
            tpu.vector_store %arg10[%swap3A_255, %swap3A_256], %get3A_254 {strides = array<i32>} : memref<128x128xf32, #tpu.memory_space<vmem>>, vector<16xf32>,
            %get3A_258 = arith.index_cast %add3A_182 : i32 to index
            %get3A_259 = arith.constant 64 : index
            %get3A_260 = tpu.vector_load %arg11[%get3A_258, %get3A_259] {strides = array<i32>} : memref<128x128xf32, #tpu.memory_space<vmem>>, vector<16xf32>,
            %swap3A_261 = arith.index_cast %add3A_182 : i32 to index
            %swap3A_262 = arith.constant 64 : index
            %swap3A_263 = tpu.vector_load %arg10[%swap3A_261, %swap3A_262] {strides = array<i32>} : memref<128x128xf32, #tpu.memory_space<vmem>>, vector<16xf32>,
            tpu.vector_store %arg10[%swap3A_261, %swap3A_262], %get3A_260 {strides = array<i32>} : memref<128x128xf32, #tpu.memory_space<vmem>>, vector<16xf32>,
            %get3A_264 = arith.index_cast %add3A_182 : i32 to index
            %get3A_265 = arith.constant 80 : index
            %get3A_266 = tpu.vector_load %arg11[%get3A_264, %get3A_265] {strides = array<i32>} : memref<128x128xf32, #tpu.memory_space<vmem>>, vector<16xf32>,
            %swap3A_267 = arith.index_cast %add3A_182 : i32 to index
            %swap3A_268 = arith.constant 80 : index
            %swap3A_269 = tpu.vector_load %arg10[%swap3A_267, %swap3A_268] {strides = array<i32>} : memref<128x128xf32, #tpu.memory_space<vmem>>, vector<16xf32>,
            tpu.vector_store %arg10[%swap3A_267, %swap3A_268], %get3A_266 {strides = array<i32>} : memref<128x128xf32, #tpu.memory_space<vmem>>, vector<16xf32>,
            %get3A_270 = arith.index_cast %add3A_182 : i32 to index
            %get3A_271 = arith.constant 96 : index
            %get3A_272 = tpu.vector_load %arg11[%get3A_270, %get3A_271] {strides = array<i32>} : memref<128x128xf32, #tpu.memory_space<vmem>>, vector<16xf32>,
            %swap3A_273 = arith.index_cast %add3A_182 : i32 to index
            %swap3A_274 = arith.constant 96 : index
            %swap3A_275 = tpu.vector_load %arg10[%swap3A_273, %swap3A_274] {strides = array<i32>} : memref<128x128xf32, #tpu.memory_space<vmem>>, vector<16xf32>,
            tpu.vector_store %arg10[%swap3A_273, %swap3A_274], %get3A_272 {strides = array<i32>} : memref<128x128xf32, #tpu.memory_space<vmem>>, vector<16xf32>,
            %get3A_276 = arith.index_cast %add3A_182 : i32 to index
            %get3A_277 = arith.constant 112 : index
            %get3A_278 = tpu.vector_load %arg11[%get3A_276, %get3A_277] {strides = array<i32>} : memref<128x128xf32, #tpu.memory_space<vmem>>, vector<16xf32>,
            %swap3A_279 = arith.index_cast %add3A_182 : i32 to index
            %swap3A_280 = arith.constant 112 : index
            %swap3A_281 = tpu.vector_load %arg10[%swap3A_279, %swap3A_280] {strides = array<i32>} : memref<128x128xf32, #tpu.memory_space<vmem>>, vector<16xf32>,
            tpu.vector_store %arg10[%swap3A_279, %swap3A_280], %get3A_278 {strides = array<i32>} : memref<128x128xf32, #tpu.memory_space<vmem>>, vector<16xf32>,
          } else {
          }
          %mul3A_190 = arith.constant 16 : i32
          %mul3A_191 = arith.muli %scan3A_56, %mul3A_190 : i32
          %add3A_192 = arith.constant 12 : i32
          %add3A_193 = arith.addi %mul3A_191, %add3A_192 : i32
          %slice3A_194 = vector.extract_strided_slice %get3A_60 {offsets = [12], sizes = [1], strides = [1]} : vector<16xi32> to vector<1xi32>
          %squeeze3A_195 = vector.extract %slice3A_194[0] : i32 from vector<1xi32>
          %ge3A_196 = arith.constant 0 : i32
          %ge3A_197 = arith.cmpi sge, %squeeze3A_195, %ge3A_196 : i32
          %convert_element_type3A_198 = arith.extui %ge3A_197 : i1 to i32
          %cond3A_199 = arith.constant 0 : i32
          %cond3A_200 = arith.cmpi ne, %convert_element_type3A_198, %cond3A_199 : i32
          scf.if %cond3A_200 {
            %get3A_235 = arith.index_cast %add3A_193 : i32 to index
            %get3A_236 = arith.constant 0 : index
            %get3A_237 = tpu.vector_load %arg11[%get3A_235, %get3A_236] {strides = array<i32>} : memref<128x128xf32, #tpu.memory_space<vmem>>, vector<16xf32>,
            %swap3A = arith.index_cast %add3A_193 : i32 to index
            %swap3A_238 = arith.constant 0 : index
            %swap3A_239 = tpu.vector_load %arg10[%swap3A, %swap3A_238] {strides = array<i32>} : memref<128x128xf32, #tpu.memory_space<vmem>>, vector<16xf32>,
            tpu.vector_store %arg10[%swap3A, %swap3A_238], %get3A_237 {strides = array<i32>} : memref<128x128xf32, #tpu.memory_space<vmem>>, vector<16xf32>,
            %get3A_240 = arith.index_cast %add3A_193 : i32 to index
            %get3A_241 = arith.constant 16 : index
            %get3A_242 = tpu.vector_load %arg11[%get3A_240, %get3A_241] {strides = array<i32>} : memref<128x128xf32, #tpu.memory_space<vmem>>, vector<16xf32>,
            %swap3A_243 = arith.index_cast %add3A_193 : i32 to index
            %swap3A_244 = arith.constant 16 : index
            %swap3A_245 = tpu.vector_load %arg10[%swap3A_243, %swap3A_244] {strides = array<i32>} : memref<128x128xf32, #tpu.memory_space<vmem>>, vector<16xf32>,
            tpu.vector_store %arg10[%swap3A_243, %swap3A_244], %get3A_242 {strides = array<i32>} : memref<128x128xf32, #tpu.memory_space<vmem>>, vector<16xf32>,
            %get3A_246 = arith.index_cast %add3A_193 : i32 to index
            %get3A_247 = arith.constant 32 : index
            %get3A_248 = tpu.vector_load %arg11[%get3A_246, %get3A_247] {strides = array<i32>} : memref<128x128xf32, #tpu.memory_space<vmem>>, vector<16xf32>,
            %swap3A_249 = arith.index_cast %add3A_193 : i32 to index
            %swap3A_250 = arith.constant 32 : index
            %swap3A_251 = tpu.vector_load %arg10[%swap3A_249, %swap3A_250] {strides = array<i32>} : memref<128x128xf32, #tpu.memory_space<vmem>>, vector<16xf32>,
            tpu.vector_store %arg10[%swap3A_249, %swap3A_250], %get3A_248 {strides = array<i32>} : memref<128x128xf32, #tpu.memory_space<vmem>>, vector<16xf32>,
            %get3A_252 = arith.index_cast %add3A_193 : i32 to index
            %get3A_253 = arith.constant 48 : index
            %get3A_254 = tpu.vector_load %arg11[%get3A_252, %get3A_253] {strides = array<i32>} : memref<128x128xf32, #tpu.memory_space<vmem>>, vector<16xf32>,
            %swap3A_255 = arith.index_cast %add3A_193 : i32 to index
            %swap3A_256 = arith.constant 48 : index
            %swap3A_257 = tpu.vector_load %arg10[%swap3A_255, %swap3A_256] {strides = array<i32>} : memref<128x128xf32, #tpu.memory_space<vmem>>, vector<16xf32>,
            tpu.vector_store %arg10[%swap3A_255, %swap3A_256], %get3A_254 {strides = array<i32>} : memref<128x128xf32, #tpu.memory_space<vmem>>, vector<16xf32>,
            %get3A_258 = arith.index_cast %add3A_193 : i32 to index
            %get3A_259 = arith.constant 64 : index
            %get3A_260 = tpu.vector_load %arg11[%get3A_258, %get3A_259] {strides = array<i32>} : memref<128x128xf32, #tpu.memory_space<vmem>>, vector<16xf32>,
            %swap3A_261 = arith.index_cast %add3A_193 : i32 to index
            %swap3A_262 = arith.constant 64 : index
            %swap3A_263 = tpu.vector_load %arg10[%swap3A_261, %swap3A_262] {strides = array<i32>} : memref<128x128xf32, #tpu.memory_space<vmem>>, vector<16xf32>,
            tpu.vector_store %arg10[%swap3A_261, %swap3A_262], %get3A_260 {strides = array<i32>} : memref<128x128xf32, #tpu.memory_space<vmem>>, vector<16xf32>,
            %get3A_264 = arith.index_cast %add3A_193 : i32 to index
            %get3A_265 = arith.constant 80 : index
            %get3A_266 = tpu.vector_load %arg11[%get3A_264, %get3A_265] {strides = array<i32>} : memref<128x128xf32, #tpu.memory_space<vmem>>, vector<16xf32>,
            %swap3A_267 = arith.index_cast %add3A_193 : i32 to index
            %swap3A_268 = arith.constant 80 : index
            %swap3A_269 = tpu.vector_load %arg10[%swap3A_267, %swap3A_268] {strides = array<i32>} : memref<128x128xf32, #tpu.memory_space<vmem>>, vector<16xf32>,
            tpu.vector_store %arg10[%swap3A_267, %swap3A_268], %get3A_266 {strides = array<i32>} : memref<128x128xf32, #tpu.memory_space<vmem>>, vector<16xf32>,
            %get3A_270 = arith.index_cast %add3A_193 : i32 to index
            %get3A_271 = arith.constant 96 : index
            %get3A_272 = tpu.vector_load %arg11[%get3A_270, %get3A_271] {strides = array<i32>} : memref<128x128xf32, #tpu.memory_space<vmem>>, vector<16xf32>,
            %swap3A_273 = arith.index_cast %add3A_193 : i32 to index
            %swap3A_274 = arith.constant 96 : index
            %swap3A_275 = tpu.vector_load %arg10[%swap3A_273, %swap3A_274] {strides = array<i32>} : memref<128x128xf32, #tpu.memory_space<vmem>>, vector<16xf32>,
            tpu.vector_store %arg10[%swap3A_273, %swap3A_274], %get3A_272 {strides = array<i32>} : memref<128x128xf32, #tpu.memory_space<vmem>>, vector<16xf32>,
            %get3A_276 = arith.index_cast %add3A_193 : i32 to index
            %get3A_277 = arith.constant 112 : index
            %get3A_278 = tpu.vector_load %arg11[%get3A_276, %get3A_277] {strides = array<i32>} : memref<128x128xf32, #tpu.memory_space<vmem>>, vector<16xf32>,
            %swap3A_279 = arith.index_cast %add3A_193 : i32 to index
            %swap3A_280 = arith.constant 112 : index
            %swap3A_281 = tpu.vector_load %arg10[%swap3A_279, %swap3A_280] {strides = array<i32>} : memref<128x128xf32, #tpu.memory_space<vmem>>, vector<16xf32>,
            tpu.vector_store %arg10[%swap3A_279, %swap3A_280], %get3A_278 {strides = array<i32>} : memref<128x128xf32, #tpu.memory_space<vmem>>, vector<16xf32>,
          } else {
          }
          %mul3A_201 = arith.constant 16 : i32
          %mul3A_202 = arith.muli %scan3A_56, %mul3A_201 : i32
          %add3A_203 = arith.constant 13 : i32
          %add3A_204 = arith.addi %mul3A_202, %add3A_203 : i32
          %slice3A_205 = vector.extract_strided_slice %get3A_60 {offsets = [13], sizes = [1], strides = [1]} : vector<16xi32> to vector<1xi32>
          %squeeze3A_206 = vector.extract %slice3A_205[0] : i32 from vector<1xi32>
          %ge3A_207 = arith.constant 0 : i32
          %ge3A_208 = arith.cmpi sge, %squeeze3A_206, %ge3A_207 : i32
          %convert_element_type3A_209 = arith.extui %ge3A_208 : i1 to i32
          %cond3A_210 = arith.constant 0 : i32
          %cond3A_211 = arith.cmpi ne, %convert_element_type3A_209, %cond3A_210 : i32
          scf.if %cond3A_211 {
            %get3A_235 = arith.index_cast %add3A_204 : i32 to index
            %get3A_236 = arith.constant 0 : index
            %get3A_237 = tpu.vector_load %arg11[%get3A_235, %get3A_236] {strides = array<i32>} : memref<128x128xf32, #tpu.memory_space<vmem>>, vector<16xf32>,
            %swap3A = arith.index_cast %add3A_204 : i32 to index
            %swap3A_238 = arith.constant 0 : index
            %swap3A_239 = tpu.vector_load %arg10[%swap3A, %swap3A_238] {strides = array<i32>} : memref<128x128xf32, #tpu.memory_space<vmem>>, vector<16xf32>,
            tpu.vector_store %arg10[%swap3A, %swap3A_238], %get3A_237 {strides = array<i32>} : memref<128x128xf32, #tpu.memory_space<vmem>>, vector<16xf32>,
            %get3A_240 = arith.index_cast %add3A_204 : i32 to index
            %get3A_241 = arith.constant 16 : index
            %get3A_242 = tpu.vector_load %arg11[%get3A_240, %get3A_241] {strides = array<i32>} : memref<128x128xf32, #tpu.memory_space<vmem>>, vector<16xf32>,
            %swap3A_243 = arith.index_cast %add3A_204 : i32 to index
            %swap3A_244 = arith.constant 16 : index
            %swap3A_245 = tpu.vector_load %arg10[%swap3A_243, %swap3A_244] {strides = array<i32>} : memref<128x128xf32, #tpu.memory_space<vmem>>, vector<16xf32>,
            tpu.vector_store %arg10[%swap3A_243, %swap3A_244], %get3A_242 {strides = array<i32>} : memref<128x128xf32, #tpu.memory_space<vmem>>, vector<16xf32>,
            %get3A_246 = arith.index_cast %add3A_204 : i32 to index
            %get3A_247 = arith.constant 32 : index
            %get3A_248 = tpu.vector_load %arg11[%get3A_246, %get3A_247] {strides = array<i32>} : memref<128x128xf32, #tpu.memory_space<vmem>>, vector<16xf32>,
            %swap3A_249 = arith.index_cast %add3A_204 : i32 to index
            %swap3A_250 = arith.constant 32 : index
            %swap3A_251 = tpu.vector_load %arg10[%swap3A_249, %swap3A_250] {strides = array<i32>} : memref<128x128xf32, #tpu.memory_space<vmem>>, vector<16xf32>,
            tpu.vector_store %arg10[%swap3A_249, %swap3A_250], %get3A_248 {strides = array<i32>} : memref<128x128xf32, #tpu.memory_space<vmem>>, vector<16xf32>,
            %get3A_252 = arith.index_cast %add3A_204 : i32 to index
            %get3A_253 = arith.constant 48 : index
            %get3A_254 = tpu.vector_load %arg11[%get3A_252, %get3A_253] {strides = array<i32>} : memref<128x128xf32, #tpu.memory_space<vmem>>, vector<16xf32>,
            %swap3A_255 = arith.index_cast %add3A_204 : i32 to index
            %swap3A_256 = arith.constant 48 : index
            %swap3A_257 = tpu.vector_load %arg10[%swap3A_255, %swap3A_256] {strides = array<i32>} : memref<128x128xf32, #tpu.memory_space<vmem>>, vector<16xf32>,
            tpu.vector_store %arg10[%swap3A_255, %swap3A_256], %get3A_254 {strides = array<i32>} : memref<128x128xf32, #tpu.memory_space<vmem>>, vector<16xf32>,
            %get3A_258 = arith.index_cast %add3A_204 : i32 to index
            %get3A_259 = arith.constant 64 : index
            %get3A_260 = tpu.vector_load %arg11[%get3A_258, %get3A_259] {strides = array<i32>} : memref<128x128xf32, #tpu.memory_space<vmem>>, vector<16xf32>,
            %swap3A_261 = arith.index_cast %add3A_204 : i32 to index
            %swap3A_262 = arith.constant 64 : index
            %swap3A_263 = tpu.vector_load %arg10[%swap3A_261, %swap3A_262] {strides = array<i32>} : memref<128x128xf32, #tpu.memory_space<vmem>>, vector<16xf32>,
            tpu.vector_store %arg10[%swap3A_261, %swap3A_262], %get3A_260 {strides = array<i32>} : memref<128x128xf32, #tpu.memory_space<vmem>>, vector<16xf32>,
            %get3A_264 = arith.index_cast %add3A_204 : i32 to index
            %get3A_265 = arith.constant 80 : index
            %get3A_266 = tpu.vector_load %arg11[%get3A_264, %get3A_265] {strides = array<i32>} : memref<128x128xf32, #tpu.memory_space<vmem>>, vector<16xf32>,
            %swap3A_267 = arith.index_cast %add3A_204 : i32 to index
            %swap3A_268 = arith.constant 80 : index
            %swap3A_269 = tpu.vector_load %arg10[%swap3A_267, %swap3A_268] {strides = array<i32>} : memref<128x128xf32, #tpu.memory_space<vmem>>, vector<16xf32>,
            tpu.vector_store %arg10[%swap3A_267, %swap3A_268], %get3A_266 {strides = array<i32>} : memref<128x128xf32, #tpu.memory_space<vmem>>, vector<16xf32>,
            %get3A_270 = arith.index_cast %add3A_204 : i32 to index
            %get3A_271 = arith.constant 96 : index
            %get3A_272 = tpu.vector_load %arg11[%get3A_270, %get3A_271] {strides = array<i32>} : memref<128x128xf32, #tpu.memory_space<vmem>>, vector<16xf32>,
            %swap3A_273 = arith.index_cast %add3A_204 : i32 to index
            %swap3A_274 = arith.constant 96 : index
            %swap3A_275 = tpu.vector_load %arg10[%swap3A_273, %swap3A_274] {strides = array<i32>} : memref<128x128xf32, #tpu.memory_space<vmem>>, vector<16xf32>,
            tpu.vector_store %arg10[%swap3A_273, %swap3A_274], %get3A_272 {strides = array<i32>} : memref<128x128xf32, #tpu.memory_space<vmem>>, vector<16xf32>,
            %get3A_276 = arith.index_cast %add3A_204 : i32 to index
            %get3A_277 = arith.constant 112 : index
            %get3A_278 = tpu.vector_load %arg11[%get3A_276, %get3A_277] {strides = array<i32>} : memref<128x128xf32, #tpu.memory_space<vmem>>, vector<16xf32>,
            %swap3A_279 = arith.index_cast %add3A_204 : i32 to index
            %swap3A_280 = arith.constant 112 : index
            %swap3A_281 = tpu.vector_load %arg10[%swap3A_279, %swap3A_280] {strides = array<i32>} : memref<128x128xf32, #tpu.memory_space<vmem>>, vector<16xf32>,
            tpu.vector_store %arg10[%swap3A_279, %swap3A_280], %get3A_278 {strides = array<i32>} : memref<128x128xf32, #tpu.memory_space<vmem>>, vector<16xf32>,
          } else {
          }
          %mul3A_212 = arith.constant 16 : i32
          %mul3A_213 = arith.muli %scan3A_56, %mul3A_212 : i32
          %add3A_214 = arith.constant 14 : i32
          %add3A_215 = arith.addi %mul3A_213, %add3A_214 : i32
          %slice3A_216 = vector.extract_strided_slice %get3A_60 {offsets = [14], sizes = [1], strides = [1]} : vector<16xi32> to vector<1xi32>
          %squeeze3A_217 = vector.extract %slice3A_216[0] : i32 from vector<1xi32>
          %ge3A_218 = arith.constant 0 : i32
          %ge3A_219 = arith.cmpi sge, %squeeze3A_217, %ge3A_218 : i32
          %convert_element_type3A_220 = arith.extui %ge3A_219 : i1 to i32
          %cond3A_221 = arith.constant 0 : i32
          %cond3A_222 = arith.cmpi ne, %convert_element_type3A_220, %cond3A_221 : i32
          scf.if %cond3A_222 {
            %get3A_235 = arith.index_cast %add3A_215 : i32 to index
            %get3A_236 = arith.constant 0 : index
            %get3A_237 = tpu.vector_load %arg11[%get3A_235, %get3A_236] {strides = array<i32>} : memref<128x128xf32, #tpu.memory_space<vmem>>, vector<16xf32>,
            %swap3A = arith.index_cast %add3A_215 : i32 to index
            %swap3A_238 = arith.constant 0 : index
            %swap3A_239 = tpu.vector_load %arg10[%swap3A, %swap3A_238] {strides = array<i32>} : memref<128x128xf32, #tpu.memory_space<vmem>>, vector<16xf32>,
            tpu.vector_store %arg10[%swap3A, %swap3A_238], %get3A_237 {strides = array<i32>} : memref<128x128xf32, #tpu.memory_space<vmem>>, vector<16xf32>,
            %get3A_240 = arith.index_cast %add3A_215 : i32 to index
            %get3A_241 = arith.constant 16 : index
            %get3A_242 = tpu.vector_load %arg11[%get3A_240, %get3A_241] {strides = array<i32>} : memref<128x128xf32, #tpu.memory_space<vmem>>, vector<16xf32>,
            %swap3A_243 = arith.index_cast %add3A_215 : i32 to index
            %swap3A_244 = arith.constant 16 : index
            %swap3A_245 = tpu.vector_load %arg10[%swap3A_243, %swap3A_244] {strides = array<i32>} : memref<128x128xf32, #tpu.memory_space<vmem>>, vector<16xf32>,
            tpu.vector_store %arg10[%swap3A_243, %swap3A_244], %get3A_242 {strides = array<i32>} : memref<128x128xf32, #tpu.memory_space<vmem>>, vector<16xf32>,
            %get3A_246 = arith.index_cast %add3A_215 : i32 to index
            %get3A_247 = arith.constant 32 : index
            %get3A_248 = tpu.vector_load %arg11[%get3A_246, %get3A_247] {strides = array<i32>} : memref<128x128xf32, #tpu.memory_space<vmem>>, vector<16xf32>,
            %swap3A_249 = arith.index_cast %add3A_215 : i32 to index
            %swap3A_250 = arith.constant 32 : index
            %swap3A_251 = tpu.vector_load %arg10[%swap3A_249, %swap3A_250] {strides = array<i32>} : memref<128x128xf32, #tpu.memory_space<vmem>>, vector<16xf32>,
            tpu.vector_store %arg10[%swap3A_249, %swap3A_250], %get3A_248 {strides = array<i32>} : memref<128x128xf32, #tpu.memory_space<vmem>>, vector<16xf32>,
            %get3A_252 = arith.index_cast %add3A_215 : i32 to index
            %get3A_253 = arith.constant 48 : index
            %get3A_254 = tpu.vector_load %arg11[%get3A_252, %get3A_253] {strides = array<i32>} : memref<128x128xf32, #tpu.memory_space<vmem>>, vector<16xf32>,
            %swap3A_255 = arith.index_cast %add3A_215 : i32 to index
            %swap3A_256 = arith.constant 48 : index
            %swap3A_257 = tpu.vector_load %arg10[%swap3A_255, %swap3A_256] {strides = array<i32>} : memref<128x128xf32, #tpu.memory_space<vmem>>, vector<16xf32>,
            tpu.vector_store %arg10[%swap3A_255, %swap3A_256], %get3A_254 {strides = array<i32>} : memref<128x128xf32, #tpu.memory_space<vmem>>, vector<16xf32>,
            %get3A_258 = arith.index_cast %add3A_215 : i32 to index
            %get3A_259 = arith.constant 64 : index
            %get3A_260 = tpu.vector_load %arg11[%get3A_258, %get3A_259] {strides = array<i32>} : memref<128x128xf32, #tpu.memory_space<vmem>>, vector<16xf32>,
            %swap3A_261 = arith.index_cast %add3A_215 : i32 to index
            %swap3A_262 = arith.constant 64 : index
            %swap3A_263 = tpu.vector_load %arg10[%swap3A_261, %swap3A_262] {strides = array<i32>} : memref<128x128xf32, #tpu.memory_space<vmem>>, vector<16xf32>,
            tpu.vector_store %arg10[%swap3A_261, %swap3A_262], %get3A_260 {strides = array<i32>} : memref<128x128xf32, #tpu.memory_space<vmem>>, vector<16xf32>,
            %get3A_264 = arith.index_cast %add3A_215 : i32 to index
            %get3A_265 = arith.constant 80 : index
            %get3A_266 = tpu.vector_load %arg11[%get3A_264, %get3A_265] {strides = array<i32>} : memref<128x128xf32, #tpu.memory_space<vmem>>, vector<16xf32>,
            %swap3A_267 = arith.index_cast %add3A_215 : i32 to index
            %swap3A_268 = arith.constant 80 : index
            %swap3A_269 = tpu.vector_load %arg10[%swap3A_267, %swap3A_268] {strides = array<i32>} : memref<128x128xf32, #tpu.memory_space<vmem>>, vector<16xf32>,
            tpu.vector_store %arg10[%swap3A_267, %swap3A_268], %get3A_266 {strides = array<i32>} : memref<128x128xf32, #tpu.memory_space<vmem>>, vector<16xf32>,
            %get3A_270 = arith.index_cast %add3A_215 : i32 to index
            %get3A_271 = arith.constant 96 : index
            %get3A_272 = tpu.vector_load %arg11[%get3A_270, %get3A_271] {strides = array<i32>} : memref<128x128xf32, #tpu.memory_space<vmem>>, vector<16xf32>,
            %swap3A_273 = arith.index_cast %add3A_215 : i32 to index
            %swap3A_274 = arith.constant 96 : index
            %swap3A_275 = tpu.vector_load %arg10[%swap3A_273, %swap3A_274] {strides = array<i32>} : memref<128x128xf32, #tpu.memory_space<vmem>>, vector<16xf32>,
            tpu.vector_store %arg10[%swap3A_273, %swap3A_274], %get3A_272 {strides = array<i32>} : memref<128x128xf32, #tpu.memory_space<vmem>>, vector<16xf32>,
            %get3A_276 = arith.index_cast %add3A_215 : i32 to index
            %get3A_277 = arith.constant 112 : index
            %get3A_278 = tpu.vector_load %arg11[%get3A_276, %get3A_277] {strides = array<i32>} : memref<128x128xf32, #tpu.memory_space<vmem>>, vector<16xf32>,
            %swap3A_279 = arith.index_cast %add3A_215 : i32 to index
            %swap3A_280 = arith.constant 112 : index
            %swap3A_281 = tpu.vector_load %arg10[%swap3A_279, %swap3A_280] {strides = array<i32>} : memref<128x128xf32, #tpu.memory_space<vmem>>, vector<16xf32>,
            tpu.vector_store %arg10[%swap3A_279, %swap3A_280], %get3A_278 {strides = array<i32>} : memref<128x128xf32, #tpu.memory_space<vmem>>, vector<16xf32>,
          } else {
          }
          %mul3A_223 = arith.constant 16 : i32
          %mul3A_224 = arith.muli %scan3A_56, %mul3A_223 : i32
          %add3A_225 = arith.constant 15 : i32
          %add3A_226 = arith.addi %mul3A_224, %add3A_225 : i32
          %slice3A_227 = vector.extract_strided_slice %get3A_60 {offsets = [15], sizes = [1], strides = [1]} : vector<16xi32> to vector<1xi32>
          %squeeze3A_228 = vector.extract %slice3A_227[0] : i32 from vector<1xi32>
          %ge3A_229 = arith.constant 0 : i32
          %ge3A_230 = arith.cmpi sge, %squeeze3A_228, %ge3A_229 : i32
          %convert_element_type3A_231 = arith.extui %ge3A_230 : i1 to i32
          %cond3A_232 = arith.constant 0 : i32
          %cond3A_233 = arith.cmpi ne, %convert_element_type3A_231, %cond3A_232 : i32
          scf.if %cond3A_233 {
            %get3A_235 = arith.index_cast %add3A_226 : i32 to index
            %get3A_236 = arith.constant 0 : index
            %get3A_237 = tpu.vector_load %arg11[%get3A_235, %get3A_236] {strides = array<i32>} : memref<128x128xf32, #tpu.memory_space<vmem>>, vector<16xf32>,
            %swap3A = arith.index_cast %add3A_226 : i32 to index
            %swap3A_238 = arith.constant 0 : index
            %swap3A_239 = tpu.vector_load %arg10[%swap3A, %swap3A_238] {strides = array<i32>} : memref<128x128xf32, #tpu.memory_space<vmem>>, vector<16xf32>,
            tpu.vector_store %arg10[%swap3A, %swap3A_238], %get3A_237 {strides = array<i32>} : memref<128x128xf32, #tpu.memory_space<vmem>>, vector<16xf32>,
            %get3A_240 = arith.index_cast %add3A_226 : i32 to index
            %get3A_241 = arith.constant 16 : index
            %get3A_242 = tpu.vector_load %arg11[%get3A_240, %get3A_241] {strides = array<i32>} : memref<128x128xf32, #tpu.memory_space<vmem>>, vector<16xf32>,
            %swap3A_243 = arith.index_cast %add3A_226 : i32 to index
            %swap3A_244 = arith.constant 16 : index
            %swap3A_245 = tpu.vector_load %arg10[%swap3A_243, %swap3A_244] {strides = array<i32>} : memref<128x128xf32, #tpu.memory_space<vmem>>, vector<16xf32>,
            tpu.vector_store %arg10[%swap3A_243, %swap3A_244], %get3A_242 {strides = array<i32>} : memref<128x128xf32, #tpu.memory_space<vmem>>, vector<16xf32>,
            %get3A_246 = arith.index_cast %add3A_226 : i32 to index
            %get3A_247 = arith.constant 32 : index
            %get3A_248 = tpu.vector_load %arg11[%get3A_246, %get3A_247] {strides = array<i32>} : memref<128x128xf32, #tpu.memory_space<vmem>>, vector<16xf32>,
            %swap3A_249 = arith.index_cast %add3A_226 : i32 to index
            %swap3A_250 = arith.constant 32 : index
            %swap3A_251 = tpu.vector_load %arg10[%swap3A_249, %swap3A_250] {strides = array<i32>} : memref<128x128xf32, #tpu.memory_space<vmem>>, vector<16xf32>,
            tpu.vector_store %arg10[%swap3A_249, %swap3A_250], %get3A_248 {strides = array<i32>} : memref<128x128xf32, #tpu.memory_space<vmem>>, vector<16xf32>,
            %get3A_252 = arith.index_cast %add3A_226 : i32 to index
            %get3A_253 = arith.constant 48 : index
            %get3A_254 = tpu.vector_load %arg11[%get3A_252, %get3A_253] {strides = array<i32>} : memref<128x128xf32, #tpu.memory_space<vmem>>, vector<16xf32>,
            %swap3A_255 = arith.index_cast %add3A_226 : i32 to index
            %swap3A_256 = arith.constant 48 : index
            %swap3A_257 = tpu.vector_load %arg10[%swap3A_255, %swap3A_256] {strides = array<i32>} : memref<128x128xf32, #tpu.memory_space<vmem>>, vector<16xf32>,
            tpu.vector_store %arg10[%swap3A_255, %swap3A_256], %get3A_254 {strides = array<i32>} : memref<128x128xf32, #tpu.memory_space<vmem>>, vector<16xf32>,
            %get3A_258 = arith.index_cast %add3A_226 : i32 to index
            %get3A_259 = arith.constant 64 : index
            %get3A_260 = tpu.vector_load %arg11[%get3A_258, %get3A_259] {strides = array<i32>} : memref<128x128xf32, #tpu.memory_space<vmem>>, vector<16xf32>,
            %swap3A_261 = arith.index_cast %add3A_226 : i32 to index
            %swap3A_262 = arith.constant 64 : index
            %swap3A_263 = tpu.vector_load %arg10[%swap3A_261, %swap3A_262] {strides = array<i32>} : memref<128x128xf32, #tpu.memory_space<vmem>>, vector<16xf32>,
            tpu.vector_store %arg10[%swap3A_261, %swap3A_262], %get3A_260 {strides = array<i32>} : memref<128x128xf32, #tpu.memory_space<vmem>>, vector<16xf32>,
            %get3A_264 = arith.index_cast %add3A_226 : i32 to index
            %get3A_265 = arith.constant 80 : index
            %get3A_266 = tpu.vector_load %arg11[%get3A_264, %get3A_265] {strides = array<i32>} : memref<128x128xf32, #tpu.memory_space<vmem>>, vector<16xf32>,
            %swap3A_267 = arith.index_cast %add3A_226 : i32 to index
            %swap3A_268 = arith.constant 80 : index
            %swap3A_269 = tpu.vector_load %arg10[%swap3A_267, %swap3A_268] {strides = array<i32>} : memref<128x128xf32, #tpu.memory_space<vmem>>, vector<16xf32>,
            tpu.vector_store %arg10[%swap3A_267, %swap3A_268], %get3A_266 {strides = array<i32>} : memref<128x128xf32, #tpu.memory_space<vmem>>, vector<16xf32>,
            %get3A_270 = arith.index_cast %add3A_226 : i32 to index
            %get3A_271 = arith.constant 96 : index
            %get3A_272 = tpu.vector_load %arg11[%get3A_270, %get3A_271] {strides = array<i32>} : memref<128x128xf32, #tpu.memory_space<vmem>>, vector<16xf32>,
            %swap3A_273 = arith.index_cast %add3A_226 : i32 to index
            %swap3A_274 = arith.constant 96 : index
            %swap3A_275 = tpu.vector_load %arg10[%swap3A_273, %swap3A_274] {strides = array<i32>} : memref<128x128xf32, #tpu.memory_space<vmem>>, vector<16xf32>,
            tpu.vector_store %arg10[%swap3A_273, %swap3A_274], %get3A_272 {strides = array<i32>} : memref<128x128xf32, #tpu.memory_space<vmem>>, vector<16xf32>,
            %get3A_276 = arith.index_cast %add3A_226 : i32 to index
            %get3A_277 = arith.constant 112 : index
            %get3A_278 = tpu.vector_load %arg11[%get3A_276, %get3A_277] {strides = array<i32>} : memref<128x128xf32, #tpu.memory_space<vmem>>, vector<16xf32>,
            %swap3A_279 = arith.index_cast %add3A_226 : i32 to index
            %swap3A_280 = arith.constant 112 : index
            %swap3A_281 = tpu.vector_load %arg10[%swap3A_279, %swap3A_280] {strides = array<i32>} : memref<128x128xf32, #tpu.memory_space<vmem>>, vector<16xf32>,
            tpu.vector_store %arg10[%swap3A_279, %swap3A_280], %get3A_278 {strides = array<i32>} : memref<128x128xf32, #tpu.memory_space<vmem>>, vector<16xf32>,
          } else {
          }
          %scan3A_234 = arith.constant 0 : i32
          scf.yield %scan3A_234 : i32
        }
        %scan3A_55 = arith.constant 8 : i32
        "tpu.region"() ({
          %run_scoped3A = tpu.sem_alloc : memref<!tpu.dma_semaphore, #tpu.memory_space<semaphore_mem>>
          %dma_start3A_56 = arith.constant 0 : i32
          %dma_start3A_57 = tpu.memref_slice %arg6[%mul3A_27, %dma_start3A_56] : memref<100000x128xf32, #tpu.memory_space<hbm>> -> memref<128x128xf32, #tpu.memory_space<hbm>>
          %dma_start3A_58 = arith.constant 0 : i32
          %dma_start3A_59 = tpu.memref_slice %arg6[%mul3A_27, %dma_start3A_58] : memref<100000x128xf32, #tpu.memory_space<hbm>> -> memref<128x128xf32, #tpu.memory_space<hbm>>
          tpu.enqueue_dma source(%arg10 : memref<128x128xf32, #tpu.memory_space<vmem>>) target(%dma_start3A_59 : memref<128x128xf32, #tpu.memory_space<hbm>>) target_semaphore(%run_scoped3A : memref<!tpu.dma_semaphore, #tpu.memory_space<semaphore_mem>>)
          %dma_wait3A_60 = arith.constant 0 : i32
          %dma_wait3A_61 = tpu.memref_slice %arg6[%mul3A_27, %dma_wait3A_60] : memref<100000x128xf32, #tpu.memory_space<hbm>> -> memref<128x128xf32, #tpu.memory_space<hbm>>
          %dma_wait3A_62 = arith.constant 0 : i32
          %dma_wait3A_63 = tpu.memref_slice %arg6[%mul3A_27, %dma_wait3A_62] : memref<100000x128xf32, #tpu.memory_space<hbm>> -> memref<128x128xf32, #tpu.memory_space<hbm>>
          tpu.wait_dma2 semaphore(%run_scoped3A : memref<!tpu.dma_semaphore, #tpu.memory_space<semaphore_mem>>) src(%arg10 : memref<128x128xf32, #tpu.memory_space<vmem>>) dst(%dma_wait3A_63 : memref<128x128xf32, #tpu.memory_space<hbm>>)
          tpu.yield
        }) : () -> ()
      } else {
      }
      %scan3A_25 = arith.constant 0 : i32
      scf.yield %scan3A_25 : i32
    }
    %scan3A_6 = arith.constant 25 : i32
    %eq3A = arith.constant 0 : i32
    %eq3A_7 = arith.cmpi eq, %add3A, %eq3A : i32
    %convert_element_type3A = arith.extui %eq3A_7 : i1 to i32
    %cond3A = arith.constant 0 : i32
    %cond3A_8 = arith.cmpi ne, %convert_element_type3A, %cond3A : i32
    scf.if %cond3A_8 {
      "tpu.region"() ({
        %run_scoped3A = tpu.sem_alloc : memref<!tpu.dma_semaphore, #tpu.memory_space<semaphore_mem>>
        %dma_start3A_44 = arith.constant 0 : i32
        %dma_start3A_45 = tpu.memref_slice %arg8[%dma_start3A_44] : memref<128xi32, #tpu.memory_space<vmem>> -> memref<32xi32, #tpu.memory_space<vmem>>
        %dma_start3A_46 = arith.constant 99968 : i32
        %dma_start3A_47 = tpu.memref_slice %arg4[%dma_start3A_46] : memref<100000xi32, #tpu.memory_space<hbm>> -> memref<32xi32, #tpu.memory_space<hbm>>
        %dma_start3A_48 = arith.constant 0 : i32
        %dma_start3A_49 = tpu.memref_slice %arg8[%dma_start3A_48] : memref<128xi32, #tpu.memory_space<vmem>> -> memref<32xi32, #tpu.memory_space<vmem>>
        %dma_start3A_50 = arith.constant 99968 : i32
        %dma_start3A_51 = tpu.memref_slice %arg4[%dma_start3A_50] : memref<100000xi32, #tpu.memory_space<hbm>> -> memref<32xi32, #tpu.memory_space<hbm>>
        tpu.enqueue_dma source(%dma_start3A_51 : memref<32xi32, #tpu.memory_space<hbm>>) target(%dma_start3A_49 : memref<32xi32, #tpu.memory_space<vmem>>) target_semaphore(%run_scoped3A : memref<!tpu.dma_semaphore, #tpu.memory_space<semaphore_mem>>)
        %dma_wait3A_52 = arith.constant 0 : i32
        %dma_wait3A_53 = tpu.memref_slice %arg8[%dma_wait3A_52] : memref<128xi32, #tpu.memory_space<vmem>> -> memref<32xi32, #tpu.memory_space<vmem>>
        %dma_wait3A_54 = arith.constant 99968 : i32
        %dma_wait3A_55 = tpu.memref_slice %arg4[%dma_wait3A_54] : memref<100000xi32, #tpu.memory_space<hbm>> -> memref<32xi32, #tpu.memory_space<hbm>>
        %dma_wait3A_56 = arith.constant 0 : i32
        %dma_wait3A_57 = tpu.memref_slice %arg8[%dma_wait3A_56] : memref<128xi32, #tpu.memory_space<vmem>> -> memref<32xi32, #tpu.memory_space<vmem>>
        %dma_wait3A_58 = arith.constant 99968 : i32
        %dma_wait3A_59 = tpu.memref_slice %arg4[%dma_wait3A_58] : memref<100000xi32, #tpu.memory_space<hbm>> -> memref<32xi32, #tpu.memory_space<hbm>>
        tpu.wait_dma2 semaphore(%run_scoped3A : memref<!tpu.dma_semaphore, #tpu.memory_space<semaphore_mem>>) src(%dma_wait3A_59 : memref<32xi32, #tpu.memory_space<hbm>>) dst(%dma_wait3A_57 : memref<32xi32, #tpu.memory_space<vmem>>)
        tpu.yield
      }) : () -> ()
      "tpu.region"() ({
        %run_scoped3A = tpu.sem_alloc : memref<!tpu.dma_semaphore, #tpu.memory_space<semaphore_mem>>
        %dma_start3A_44 = arith.constant 0 : i32
        %dma_start3A_45 = arith.constant 0 : i32
        %dma_start3A_46 = tpu.memref_slice %arg10[%dma_start3A_44, %dma_start3A_45] : memref<128x128xf32, #tpu.memory_space<vmem>> -> memref<32x128xf32, #tpu.memory_space<vmem>>
        %dma_start3A_47 = arith.constant 99968 : i32
        %dma_start3A_48 = arith.constant 0 : i32
        %dma_start3A_49 = tpu.memref_slice %arg2[%dma_start3A_47, %dma_start3A_48] : memref<100000x128xf32, #tpu.memory_space<hbm>> -> memref<32x128xf32, #tpu.memory_space<hbm>>
        %dma_start3A_50 = arith.constant 0 : i32
        %dma_start3A_51 = arith.constant 0 : i32
        %dma_start3A_52 = tpu.memref_slice %arg10[%dma_start3A_50, %dma_start3A_51] : memref<128x128xf32, #tpu.memory_space<vmem>> -> memref<32x128xf32, #tpu.memory_space<vmem>>
        %dma_start3A_53 = arith.constant 99968 : i32
        %dma_start3A_54 = arith.constant 0 : i32
        %dma_start3A_55 = tpu.memref_slice %arg2[%dma_start3A_53, %dma_start3A_54] : memref<100000x128xf32, #tpu.memory_space<hbm>> -> memref<32x128xf32, #tpu.memory_space<hbm>>
        tpu.enqueue_dma source(%dma_start3A_55 : memref<32x128xf32, #tpu.memory_space<hbm>>) target(%dma_start3A_52 : memref<32x128xf32, #tpu.memory_space<vmem>>) target_semaphore(%run_scoped3A : memref<!tpu.dma_semaphore, #tpu.memory_space<semaphore_mem>>)
        %dma_wait3A_56 = arith.constant 0 : i32
        %dma_wait3A_57 = arith.constant 0 : i32
        %dma_wait3A_58 = tpu.memref_slice %arg10[%dma_wait3A_56, %dma_wait3A_57] : memref<128x128xf32, #tpu.memory_space<vmem>> -> memref<32x128xf32, #tpu.memory_space<vmem>>
        %dma_wait3A_59 = arith.constant 99968 : i32
        %dma_wait3A_60 = arith.constant 0 : i32
        %dma_wait3A_61 = tpu.memref_slice %arg2[%dma_wait3A_59, %dma_wait3A_60] : memref<100000x128xf32, #tpu.memory_space<hbm>> -> memref<32x128xf32, #tpu.memory_space<hbm>>
        %dma_wait3A_62 = arith.constant 0 : i32
        %dma_wait3A_63 = arith.constant 0 : i32
        %dma_wait3A_64 = tpu.memref_slice %arg10[%dma_wait3A_62, %dma_wait3A_63] : memref<128x128xf32, #tpu.memory_space<vmem>> -> memref<32x128xf32, #tpu.memory_space<vmem>>
        %dma_wait3A_65 = arith.constant 99968 : i32
        %dma_wait3A_66 = arith.constant 0 : i32
        %dma_wait3A_67 = tpu.memref_slice %arg2[%dma_wait3A_65, %dma_wait3A_66] : memref<100000x128xf32, #tpu.memory_space<hbm>> -> memref<32x128xf32, #tpu.memory_space<hbm>>
        tpu.wait_dma2 semaphore(%run_scoped3A : memref<!tpu.dma_semaphore, #tpu.memory_space<semaphore_mem>>) src(%dma_wait3A_67 : memref<32x128xf32, #tpu.memory_space<hbm>>) dst(%dma_wait3A_64 : memref<32x128xf32, #tpu.memory_space<vmem>>)
        tpu.yield
      }) : () -> ()
      %scan3A_16 = arith.constant 0 : i32
      %scan3A_17 = arith.constant 0 : i32
      %scan3A_18 = arith.constant 2 : i32
      %scan3A_19 = arith.addi %scan3A_17, %scan3A_18 : i32
      %scan3A_20 = arith.constant 1 : i32
      %scan3A_21 = scf.for %scan3A_44 = %scan3A_17 to %scan3A_19 step %scan3A_20 iter_args(%scan3A_45 = %scan3A_16) -> (i32)  : i32 {
        %mul3A_46 = arith.constant 16 : i32
        %mul3A_47 = arith.muli %scan3A_44, %mul3A_46 : i32
        %get3A = arith.index_cast %mul3A_47 : i32 to index
        %get3A_48 = tpu.vector_load %arg8[%get3A] {strides = array<i32>} : memref<128xi32, #tpu.memory_space<vmem>>, vector<16xi32>,
        %mul3A_49 = arith.constant 16 : i32
        %mul3A_50 = arith.muli %scan3A_44, %mul3A_49 : i32
        %add3A_51 = arith.constant 99968 : i32
        %add3A_52 = arith.addi %add3A_51, %mul3A_50 : i32
        %add3A_53 = vector.broadcast %add3A_52 : i32 to vector<16xi32>
        %add3A_54 = arith.addi %add3A_53, %iota3A : vector<16xi32>
        %and3A = arith.constant 32767 : i32
        %and3A_55 = vector.broadcast %and3A : i32 to vector<16xi32>
        %and3A_56 = arith.andi %add3A_54, %and3A_55 : vector<16xi32>
        %ge3A = arith.constant 0 : i32
        %ge3A_57 = vector.broadcast %ge3A : i32 to vector<16xi32>
        %ge3A_58 = arith.cmpi sge, %get3A_48, %ge3A_57 : vector<16xi32>
        %select_n3A = arith.select %ge3A_58, %get3A_48, %and3A_56 : vector<16xi1>, vector<16xi32>
        %mul3A_59 = arith.constant 16 : i32
        %mul3A_60 = arith.muli %scan3A_44, %mul3A_59 : i32
        %swap3A = arith.index_cast %mul3A_60 : i32 to index
        %swap3A_61 = tpu.vector_load %arg9[%swap3A] {strides = array<i32>} : memref<128xi32, #tpu.memory_space<vmem>>, vector<16xi32>,
        tpu.vector_store %arg9[%swap3A], %select_n3A {strides = array<i32>} : memref<128xi32, #tpu.memory_space<vmem>>, vector<16xi32>,
        %scan3A_62 = arith.constant 0 : i32
        scf.yield %scan3A_62 : i32
      }
      %scan3A_22 = arith.constant 2 : i32
      %dma_start3A = arith.constant 0 : i32
      %dma_start3A_23 = arith.constant 0 : i32
      %dma_start3A_24 = tpu.memref_slice %arg11[%dma_start3A, %dma_start3A_23] : memref<128x128xf32, #tpu.memory_space<vmem>> -> memref<32x128xf32, #tpu.memory_space<vmem>>
      %dma_start3A_25 = arith.constant 0 : i32
      %dma_start3A_26 = tpu.memref_slice %arg9[%dma_start3A_25] : memref<128xi32, #tpu.memory_space<vmem>> -> memref<32xi32, #tpu.memory_space<vmem>>
      %dma_start3A_27 = arith.constant 0 : i32
      %dma_start3A_28 = arith.constant 0 : i32
      %dma_start3A_29 = tpu.memref_slice %arg3[%dma_start3A_27, %dma_start3A_28] : memref<32768x128xf32, #tpu.memory_space<hbm>> -> memref<32768x128xf32, #tpu.memory_space<hbm>>
      tpu.enqueue_indirect_dma source(%dma_start3A_29 : memref<32768x128xf32, #tpu.memory_space<hbm>>) target(%dma_start3A_24 : memref<32x128xf32, #tpu.memory_space<vmem>>) offsets(%dma_start3A_26 : memref<32xi32, #tpu.memory_space<vmem>>) semaphore(%arg13 : memref<!tpu.dma_semaphore, #tpu.memory_space<semaphore_mem>>)
      %dma_wait3A = arith.constant 0 : i32
      %dma_wait3A_30 = arith.constant 0 : i32
      %dma_wait3A_31 = tpu.memref_slice %arg11[%dma_wait3A, %dma_wait3A_30] : memref<128x128xf32, #tpu.memory_space<vmem>> -> memref<32x128xf32, #tpu.memory_space<vmem>>
      %dma_wait3A_32 = arith.constant 0 : i32
      %dma_wait3A_33 = tpu.memref_slice %arg9[%dma_wait3A_32] : memref<128xi32, #tpu.memory_space<vmem>> -> memref<32xi32, #tpu.memory_space<vmem>>
      %dma_wait3A_34 = arith.constant 0 : i32
      %dma_wait3A_35 = arith.constant 0 : i32
      %dma_wait3A_36 = tpu.memref_slice %arg3[%dma_wait3A_34, %dma_wait3A_35] : memref<32768x128xf32, #tpu.memory_space<hbm>> -> memref<32768x128xf32, #tpu.memory_space<hbm>>
      tpu.wait_indirect_dma semaphore(%arg13 : memref<!tpu.dma_semaphore, #tpu.memory_space<semaphore_mem>>) src(%dma_wait3A_36 : memref<32768x128xf32, #tpu.memory_space<hbm>>) dst(%dma_wait3A_31 : memref<32x128xf32, #tpu.memory_space<vmem>>)
      %scan3A_37 = arith.constant 0 : i32
      %scan3A_38 = arith.constant 0 : i32
      %scan3A_39 = arith.constant 2 : i32
      %scan3A_40 = arith.addi %scan3A_38, %scan3A_39 : i32
      %scan3A_41 = arith.constant 1 : i32
      %scan3A_42 = scf.for %scan3A_44 = %scan3A_38 to %scan3A_40 step %scan3A_41 iter_args(%scan3A_45 = %scan3A_37) -> (i32)  : i32 {
        %mul3A_46 = arith.constant 16 : i32
        %mul3A_47 = arith.muli %scan3A_44, %mul3A_46 : i32
        %get3A = arith.index_cast %mul3A_47 : i32 to index
        %get3A_48 = tpu.vector_load %arg8[%get3A] {strides = array<i32>} : memref<128xi32, #tpu.memory_space<vmem>>, vector<16xi32>,
        %mul3A_49 = arith.constant 16 : i32
        %mul3A_50 = arith.muli %scan3A_44, %mul3A_49 : i32
        %add3A_51 = arith.constant 0 : i32
        %add3A_52 = arith.addi %mul3A_50, %add3A_51 : i32
        %slice3A = vector.extract_strided_slice %get3A_48 {offsets = [0], sizes = [1], strides = [1]} : vector<16xi32> to vector<1xi32>
        %squeeze3A = vector.extract %slice3A[0] : i32 from vector<1xi32>
        %ge3A = arith.constant 0 : i32
        %ge3A_53 = arith.cmpi sge, %squeeze3A, %ge3A : i32
        %convert_element_type3A_54 = arith.extui %ge3A_53 : i1 to i32
        %cond3A_55 = arith.constant 0 : i32
        %cond3A_56 = arith.cmpi ne, %convert_element_type3A_54, %cond3A_55 : i32
        scf.if %cond3A_56 {
          %get3A_223 = arith.index_cast %add3A_52 : i32 to index
          %get3A_224 = arith.constant 0 : index
          %get3A_225 = tpu.vector_load %arg11[%get3A_223, %get3A_224] {strides = array<i32>} : memref<128x128xf32, #tpu.memory_space<vmem>>, vector<16xf32>,
          %swap3A = arith.index_cast %add3A_52 : i32 to index
          %swap3A_226 = arith.constant 0 : index
          %swap3A_227 = tpu.vector_load %arg10[%swap3A, %swap3A_226] {strides = array<i32>} : memref<128x128xf32, #tpu.memory_space<vmem>>, vector<16xf32>,
          tpu.vector_store %arg10[%swap3A, %swap3A_226], %get3A_225 {strides = array<i32>} : memref<128x128xf32, #tpu.memory_space<vmem>>, vector<16xf32>,
          %get3A_228 = arith.index_cast %add3A_52 : i32 to index
          %get3A_229 = arith.constant 16 : index
          %get3A_230 = tpu.vector_load %arg11[%get3A_228, %get3A_229] {strides = array<i32>} : memref<128x128xf32, #tpu.memory_space<vmem>>, vector<16xf32>,
          %swap3A_231 = arith.index_cast %add3A_52 : i32 to index
          %swap3A_232 = arith.constant 16 : index
          %swap3A_233 = tpu.vector_load %arg10[%swap3A_231, %swap3A_232] {strides = array<i32>} : memref<128x128xf32, #tpu.memory_space<vmem>>, vector<16xf32>,
          tpu.vector_store %arg10[%swap3A_231, %swap3A_232], %get3A_230 {strides = array<i32>} : memref<128x128xf32, #tpu.memory_space<vmem>>, vector<16xf32>,
          %get3A_234 = arith.index_cast %add3A_52 : i32 to index
          %get3A_235 = arith.constant 32 : index
          %get3A_236 = tpu.vector_load %arg11[%get3A_234, %get3A_235] {strides = array<i32>} : memref<128x128xf32, #tpu.memory_space<vmem>>, vector<16xf32>,
          %swap3A_237 = arith.index_cast %add3A_52 : i32 to index
          %swap3A_238 = arith.constant 32 : index
          %swap3A_239 = tpu.vector_load %arg10[%swap3A_237, %swap3A_238] {strides = array<i32>} : memref<128x128xf32, #tpu.memory_space<vmem>>, vector<16xf32>,
          tpu.vector_store %arg10[%swap3A_237, %swap3A_238], %get3A_236 {strides = array<i32>} : memref<128x128xf32, #tpu.memory_space<vmem>>, vector<16xf32>,
          %get3A_240 = arith.index_cast %add3A_52 : i32 to index
          %get3A_241 = arith.constant 48 : index
          %get3A_242 = tpu.vector_load %arg11[%get3A_240, %get3A_241] {strides = array<i32>} : memref<128x128xf32, #tpu.memory_space<vmem>>, vector<16xf32>,
          %swap3A_243 = arith.index_cast %add3A_52 : i32 to index
          %swap3A_244 = arith.constant 48 : index
          %swap3A_245 = tpu.vector_load %arg10[%swap3A_243, %swap3A_244] {strides = array<i32>} : memref<128x128xf32, #tpu.memory_space<vmem>>, vector<16xf32>,
          tpu.vector_store %arg10[%swap3A_243, %swap3A_244], %get3A_242 {strides = array<i32>} : memref<128x128xf32, #tpu.memory_space<vmem>>, vector<16xf32>,
          %get3A_246 = arith.index_cast %add3A_52 : i32 to index
          %get3A_247 = arith.constant 64 : index
          %get3A_248 = tpu.vector_load %arg11[%get3A_246, %get3A_247] {strides = array<i32>} : memref<128x128xf32, #tpu.memory_space<vmem>>, vector<16xf32>,
          %swap3A_249 = arith.index_cast %add3A_52 : i32 to index
          %swap3A_250 = arith.constant 64 : index
          %swap3A_251 = tpu.vector_load %arg10[%swap3A_249, %swap3A_250] {strides = array<i32>} : memref<128x128xf32, #tpu.memory_space<vmem>>, vector<16xf32>,
          tpu.vector_store %arg10[%swap3A_249, %swap3A_250], %get3A_248 {strides = array<i32>} : memref<128x128xf32, #tpu.memory_space<vmem>>, vector<16xf32>,
          %get3A_252 = arith.index_cast %add3A_52 : i32 to index
          %get3A_253 = arith.constant 80 : index
          %get3A_254 = tpu.vector_load %arg11[%get3A_252, %get3A_253] {strides = array<i32>} : memref<128x128xf32, #tpu.memory_space<vmem>>, vector<16xf32>,
          %swap3A_255 = arith.index_cast %add3A_52 : i32 to index
          %swap3A_256 = arith.constant 80 : index
          %swap3A_257 = tpu.vector_load %arg10[%swap3A_255, %swap3A_256] {strides = array<i32>} : memref<128x128xf32, #tpu.memory_space<vmem>>, vector<16xf32>,
          tpu.vector_store %arg10[%swap3A_255, %swap3A_256], %get3A_254 {strides = array<i32>} : memref<128x128xf32, #tpu.memory_space<vmem>>, vector<16xf32>,
          %get3A_258 = arith.index_cast %add3A_52 : i32 to index
          %get3A_259 = arith.constant 96 : index
          %get3A_260 = tpu.vector_load %arg11[%get3A_258, %get3A_259] {strides = array<i32>} : memref<128x128xf32, #tpu.memory_space<vmem>>, vector<16xf32>,
          %swap3A_261 = arith.index_cast %add3A_52 : i32 to index
          %swap3A_262 = arith.constant 96 : index
          %swap3A_263 = tpu.vector_load %arg10[%swap3A_261, %swap3A_262] {strides = array<i32>} : memref<128x128xf32, #tpu.memory_space<vmem>>, vector<16xf32>,
          tpu.vector_store %arg10[%swap3A_261, %swap3A_262], %get3A_260 {strides = array<i32>} : memref<128x128xf32, #tpu.memory_space<vmem>>, vector<16xf32>,
          %get3A_264 = arith.index_cast %add3A_52 : i32 to index
          %get3A_265 = arith.constant 112 : index
          %get3A_266 = tpu.vector_load %arg11[%get3A_264, %get3A_265] {strides = array<i32>} : memref<128x128xf32, #tpu.memory_space<vmem>>, vector<16xf32>,
          %swap3A_267 = arith.index_cast %add3A_52 : i32 to index
          %swap3A_268 = arith.constant 112 : index
          %swap3A_269 = tpu.vector_load %arg10[%swap3A_267, %swap3A_268] {strides = array<i32>} : memref<128x128xf32, #tpu.memory_space<vmem>>, vector<16xf32>,
          tpu.vector_store %arg10[%swap3A_267, %swap3A_268], %get3A_266 {strides = array<i32>} : memref<128x128xf32, #tpu.memory_space<vmem>>, vector<16xf32>,
        } else {
        }
        %mul3A_57 = arith.constant 16 : i32
        %mul3A_58 = arith.muli %scan3A_44, %mul3A_57 : i32
        %add3A_59 = arith.constant 1 : i32
        %add3A_60 = arith.addi %mul3A_58, %add3A_59 : i32
        %slice3A_61 = vector.extract_strided_slice %get3A_48 {offsets = [1], sizes = [1], strides = [1]} : vector<16xi32> to vector<1xi32>
        %squeeze3A_62 = vector.extract %slice3A_61[0] : i32 from vector<1xi32>
        %ge3A_63 = arith.constant 0 : i32
        %ge3A_64 = arith.cmpi sge, %squeeze3A_62, %ge3A_63 : i32
        %convert_element_type3A_65 = arith.extui %ge3A_64 : i1 to i32
        %cond3A_66 = arith.constant 0 : i32
        %cond3A_67 = arith.cmpi ne, %convert_element_type3A_65, %cond3A_66 : i32
        scf.if %cond3A_67 {
          %get3A_223 = arith.index_cast %add3A_60 : i32 to index
          %get3A_224 = arith.constant 0 : index
          %get3A_225 = tpu.vector_load %arg11[%get3A_223, %get3A_224] {strides = array<i32>} : memref<128x128xf32, #tpu.memory_space<vmem>>, vector<16xf32>,
          %swap3A = arith.index_cast %add3A_60 : i32 to index
          %swap3A_226 = arith.constant 0 : index
          %swap3A_227 = tpu.vector_load %arg10[%swap3A, %swap3A_226] {strides = array<i32>} : memref<128x128xf32, #tpu.memory_space<vmem>>, vector<16xf32>,
          tpu.vector_store %arg10[%swap3A, %swap3A_226], %get3A_225 {strides = array<i32>} : memref<128x128xf32, #tpu.memory_space<vmem>>, vector<16xf32>,
          %get3A_228 = arith.index_cast %add3A_60 : i32 to index
          %get3A_229 = arith.constant 16 : index
          %get3A_230 = tpu.vector_load %arg11[%get3A_228, %get3A_229] {strides = array<i32>} : memref<128x128xf32, #tpu.memory_space<vmem>>, vector<16xf32>,
          %swap3A_231 = arith.index_cast %add3A_60 : i32 to index
          %swap3A_232 = arith.constant 16 : index
          %swap3A_233 = tpu.vector_load %arg10[%swap3A_231, %swap3A_232] {strides = array<i32>} : memref<128x128xf32, #tpu.memory_space<vmem>>, vector<16xf32>,
          tpu.vector_store %arg10[%swap3A_231, %swap3A_232], %get3A_230 {strides = array<i32>} : memref<128x128xf32, #tpu.memory_space<vmem>>, vector<16xf32>,
          %get3A_234 = arith.index_cast %add3A_60 : i32 to index
          %get3A_235 = arith.constant 32 : index
          %get3A_236 = tpu.vector_load %arg11[%get3A_234, %get3A_235] {strides = array<i32>} : memref<128x128xf32, #tpu.memory_space<vmem>>, vector<16xf32>,
          %swap3A_237 = arith.index_cast %add3A_60 : i32 to index
          %swap3A_238 = arith.constant 32 : index
          %swap3A_239 = tpu.vector_load %arg10[%swap3A_237, %swap3A_238] {strides = array<i32>} : memref<128x128xf32, #tpu.memory_space<vmem>>, vector<16xf32>,
          tpu.vector_store %arg10[%swap3A_237, %swap3A_238], %get3A_236 {strides = array<i32>} : memref<128x128xf32, #tpu.memory_space<vmem>>, vector<16xf32>,
          %get3A_240 = arith.index_cast %add3A_60 : i32 to index
          %get3A_241 = arith.constant 48 : index
          %get3A_242 = tpu.vector_load %arg11[%get3A_240, %get3A_241] {strides = array<i32>} : memref<128x128xf32, #tpu.memory_space<vmem>>, vector<16xf32>,
          %swap3A_243 = arith.index_cast %add3A_60 : i32 to index
          %swap3A_244 = arith.constant 48 : index
          %swap3A_245 = tpu.vector_load %arg10[%swap3A_243, %swap3A_244] {strides = array<i32>} : memref<128x128xf32, #tpu.memory_space<vmem>>, vector<16xf32>,
          tpu.vector_store %arg10[%swap3A_243, %swap3A_244], %get3A_242 {strides = array<i32>} : memref<128x128xf32, #tpu.memory_space<vmem>>, vector<16xf32>,
          %get3A_246 = arith.index_cast %add3A_60 : i32 to index
          %get3A_247 = arith.constant 64 : index
          %get3A_248 = tpu.vector_load %arg11[%get3A_246, %get3A_247] {strides = array<i32>} : memref<128x128xf32, #tpu.memory_space<vmem>>, vector<16xf32>,
          %swap3A_249 = arith.index_cast %add3A_60 : i32 to index
          %swap3A_250 = arith.constant 64 : index
          %swap3A_251 = tpu.vector_load %arg10[%swap3A_249, %swap3A_250] {strides = array<i32>} : memref<128x128xf32, #tpu.memory_space<vmem>>, vector<16xf32>,
          tpu.vector_store %arg10[%swap3A_249, %swap3A_250], %get3A_248 {strides = array<i32>} : memref<128x128xf32, #tpu.memory_space<vmem>>, vector<16xf32>,
          %get3A_252 = arith.index_cast %add3A_60 : i32 to index
          %get3A_253 = arith.constant 80 : index
          %get3A_254 = tpu.vector_load %arg11[%get3A_252, %get3A_253] {strides = array<i32>} : memref<128x128xf32, #tpu.memory_space<vmem>>, vector<16xf32>,
          %swap3A_255 = arith.index_cast %add3A_60 : i32 to index
          %swap3A_256 = arith.constant 80 : index
          %swap3A_257 = tpu.vector_load %arg10[%swap3A_255, %swap3A_256] {strides = array<i32>} : memref<128x128xf32, #tpu.memory_space<vmem>>, vector<16xf32>,
          tpu.vector_store %arg10[%swap3A_255, %swap3A_256], %get3A_254 {strides = array<i32>} : memref<128x128xf32, #tpu.memory_space<vmem>>, vector<16xf32>,
          %get3A_258 = arith.index_cast %add3A_60 : i32 to index
          %get3A_259 = arith.constant 96 : index
          %get3A_260 = tpu.vector_load %arg11[%get3A_258, %get3A_259] {strides = array<i32>} : memref<128x128xf32, #tpu.memory_space<vmem>>, vector<16xf32>,
          %swap3A_261 = arith.index_cast %add3A_60 : i32 to index
          %swap3A_262 = arith.constant 96 : index
          %swap3A_263 = tpu.vector_load %arg10[%swap3A_261, %swap3A_262] {strides = array<i32>} : memref<128x128xf32, #tpu.memory_space<vmem>>, vector<16xf32>,
          tpu.vector_store %arg10[%swap3A_261, %swap3A_262], %get3A_260 {strides = array<i32>} : memref<128x128xf32, #tpu.memory_space<vmem>>, vector<16xf32>,
          %get3A_264 = arith.index_cast %add3A_60 : i32 to index
          %get3A_265 = arith.constant 112 : index
          %get3A_266 = tpu.vector_load %arg11[%get3A_264, %get3A_265] {strides = array<i32>} : memref<128x128xf32, #tpu.memory_space<vmem>>, vector<16xf32>,
          %swap3A_267 = arith.index_cast %add3A_60 : i32 to index
          %swap3A_268 = arith.constant 112 : index
          %swap3A_269 = tpu.vector_load %arg10[%swap3A_267, %swap3A_268] {strides = array<i32>} : memref<128x128xf32, #tpu.memory_space<vmem>>, vector<16xf32>,
          tpu.vector_store %arg10[%swap3A_267, %swap3A_268], %get3A_266 {strides = array<i32>} : memref<128x128xf32, #tpu.memory_space<vmem>>, vector<16xf32>,
        } else {
        }
        %mul3A_68 = arith.constant 16 : i32
        %mul3A_69 = arith.muli %scan3A_44, %mul3A_68 : i32
        %add3A_70 = arith.constant 2 : i32
        %add3A_71 = arith.addi %mul3A_69, %add3A_70 : i32
        %slice3A_72 = vector.extract_strided_slice %get3A_48 {offsets = [2], sizes = [1], strides = [1]} : vector<16xi32> to vector<1xi32>
        %squeeze3A_73 = vector.extract %slice3A_72[0] : i32 from vector<1xi32>
        %ge3A_74 = arith.constant 0 : i32
        %ge3A_75 = arith.cmpi sge, %squeeze3A_73, %ge3A_74 : i32
        %convert_element_type3A_76 = arith.extui %ge3A_75 : i1 to i32
        %cond3A_77 = arith.constant 0 : i32
        %cond3A_78 = arith.cmpi ne, %convert_element_type3A_76, %cond3A_77 : i32
        scf.if %cond3A_78 {
          %get3A_223 = arith.index_cast %add3A_71 : i32 to index
          %get3A_224 = arith.constant 0 : index
          %get3A_225 = tpu.vector_load %arg11[%get3A_223, %get3A_224] {strides = array<i32>} : memref<128x128xf32, #tpu.memory_space<vmem>>, vector<16xf32>,
          %swap3A = arith.index_cast %add3A_71 : i32 to index
          %swap3A_226 = arith.constant 0 : index
          %swap3A_227 = tpu.vector_load %arg10[%swap3A, %swap3A_226] {strides = array<i32>} : memref<128x128xf32, #tpu.memory_space<vmem>>, vector<16xf32>,
          tpu.vector_store %arg10[%swap3A, %swap3A_226], %get3A_225 {strides = array<i32>} : memref<128x128xf32, #tpu.memory_space<vmem>>, vector<16xf32>,
          %get3A_228 = arith.index_cast %add3A_71 : i32 to index
          %get3A_229 = arith.constant 16 : index
          %get3A_230 = tpu.vector_load %arg11[%get3A_228, %get3A_229] {strides = array<i32>} : memref<128x128xf32, #tpu.memory_space<vmem>>, vector<16xf32>,
          %swap3A_231 = arith.index_cast %add3A_71 : i32 to index
          %swap3A_232 = arith.constant 16 : index
          %swap3A_233 = tpu.vector_load %arg10[%swap3A_231, %swap3A_232] {strides = array<i32>} : memref<128x128xf32, #tpu.memory_space<vmem>>, vector<16xf32>,
          tpu.vector_store %arg10[%swap3A_231, %swap3A_232], %get3A_230 {strides = array<i32>} : memref<128x128xf32, #tpu.memory_space<vmem>>, vector<16xf32>,
          %get3A_234 = arith.index_cast %add3A_71 : i32 to index
          %get3A_235 = arith.constant 32 : index
          %get3A_236 = tpu.vector_load %arg11[%get3A_234, %get3A_235] {strides = array<i32>} : memref<128x128xf32, #tpu.memory_space<vmem>>, vector<16xf32>,
          %swap3A_237 = arith.index_cast %add3A_71 : i32 to index
          %swap3A_238 = arith.constant 32 : index
          %swap3A_239 = tpu.vector_load %arg10[%swap3A_237, %swap3A_238] {strides = array<i32>} : memref<128x128xf32, #tpu.memory_space<vmem>>, vector<16xf32>,
          tpu.vector_store %arg10[%swap3A_237, %swap3A_238], %get3A_236 {strides = array<i32>} : memref<128x128xf32, #tpu.memory_space<vmem>>, vector<16xf32>,
          %get3A_240 = arith.index_cast %add3A_71 : i32 to index
          %get3A_241 = arith.constant 48 : index
          %get3A_242 = tpu.vector_load %arg11[%get3A_240, %get3A_241] {strides = array<i32>} : memref<128x128xf32, #tpu.memory_space<vmem>>, vector<16xf32>,
          %swap3A_243 = arith.index_cast %add3A_71 : i32 to index
          %swap3A_244 = arith.constant 48 : index
          %swap3A_245 = tpu.vector_load %arg10[%swap3A_243, %swap3A_244] {strides = array<i32>} : memref<128x128xf32, #tpu.memory_space<vmem>>, vector<16xf32>,
          tpu.vector_store %arg10[%swap3A_243, %swap3A_244], %get3A_242 {strides = array<i32>} : memref<128x128xf32, #tpu.memory_space<vmem>>, vector<16xf32>,
          %get3A_246 = arith.index_cast %add3A_71 : i32 to index
          %get3A_247 = arith.constant 64 : index
          %get3A_248 = tpu.vector_load %arg11[%get3A_246, %get3A_247] {strides = array<i32>} : memref<128x128xf32, #tpu.memory_space<vmem>>, vector<16xf32>,
          %swap3A_249 = arith.index_cast %add3A_71 : i32 to index
          %swap3A_250 = arith.constant 64 : index
          %swap3A_251 = tpu.vector_load %arg10[%swap3A_249, %swap3A_250] {strides = array<i32>} : memref<128x128xf32, #tpu.memory_space<vmem>>, vector<16xf32>,
          tpu.vector_store %arg10[%swap3A_249, %swap3A_250], %get3A_248 {strides = array<i32>} : memref<128x128xf32, #tpu.memory_space<vmem>>, vector<16xf32>,
          %get3A_252 = arith.index_cast %add3A_71 : i32 to index
          %get3A_253 = arith.constant 80 : index
          %get3A_254 = tpu.vector_load %arg11[%get3A_252, %get3A_253] {strides = array<i32>} : memref<128x128xf32, #tpu.memory_space<vmem>>, vector<16xf32>,
          %swap3A_255 = arith.index_cast %add3A_71 : i32 to index
          %swap3A_256 = arith.constant 80 : index
          %swap3A_257 = tpu.vector_load %arg10[%swap3A_255, %swap3A_256] {strides = array<i32>} : memref<128x128xf32, #tpu.memory_space<vmem>>, vector<16xf32>,
          tpu.vector_store %arg10[%swap3A_255, %swap3A_256], %get3A_254 {strides = array<i32>} : memref<128x128xf32, #tpu.memory_space<vmem>>, vector<16xf32>,
          %get3A_258 = arith.index_cast %add3A_71 : i32 to index
          %get3A_259 = arith.constant 96 : index
          %get3A_260 = tpu.vector_load %arg11[%get3A_258, %get3A_259] {strides = array<i32>} : memref<128x128xf32, #tpu.memory_space<vmem>>, vector<16xf32>,
          %swap3A_261 = arith.index_cast %add3A_71 : i32 to index
          %swap3A_262 = arith.constant 96 : index
          %swap3A_263 = tpu.vector_load %arg10[%swap3A_261, %swap3A_262] {strides = array<i32>} : memref<128x128xf32, #tpu.memory_space<vmem>>, vector<16xf32>,
          tpu.vector_store %arg10[%swap3A_261, %swap3A_262], %get3A_260 {strides = array<i32>} : memref<128x128xf32, #tpu.memory_space<vmem>>, vector<16xf32>,
          %get3A_264 = arith.index_cast %add3A_71 : i32 to index
          %get3A_265 = arith.constant 112 : index
          %get3A_266 = tpu.vector_load %arg11[%get3A_264, %get3A_265] {strides = array<i32>} : memref<128x128xf32, #tpu.memory_space<vmem>>, vector<16xf32>,
          %swap3A_267 = arith.index_cast %add3A_71 : i32 to index
          %swap3A_268 = arith.constant 112 : index
          %swap3A_269 = tpu.vector_load %arg10[%swap3A_267, %swap3A_268] {strides = array<i32>} : memref<128x128xf32, #tpu.memory_space<vmem>>, vector<16xf32>,
          tpu.vector_store %arg10[%swap3A_267, %swap3A_268], %get3A_266 {strides = array<i32>} : memref<128x128xf32, #tpu.memory_space<vmem>>, vector<16xf32>,
        } else {
        }
        %mul3A_79 = arith.constant 16 : i32
        %mul3A_80 = arith.muli %scan3A_44, %mul3A_79 : i32
        %add3A_81 = arith.constant 3 : i32
        %add3A_82 = arith.addi %mul3A_80, %add3A_81 : i32
        %slice3A_83 = vector.extract_strided_slice %get3A_48 {offsets = [3], sizes = [1], strides = [1]} : vector<16xi32> to vector<1xi32>
        %squeeze3A_84 = vector.extract %slice3A_83[0] : i32 from vector<1xi32>
        %ge3A_85 = arith.constant 0 : i32
        %ge3A_86 = arith.cmpi sge, %squeeze3A_84, %ge3A_85 : i32
        %convert_element_type3A_87 = arith.extui %ge3A_86 : i1 to i32
        %cond3A_88 = arith.constant 0 : i32
        %cond3A_89 = arith.cmpi ne, %convert_element_type3A_87, %cond3A_88 : i32
        scf.if %cond3A_89 {
          %get3A_223 = arith.index_cast %add3A_82 : i32 to index
          %get3A_224 = arith.constant 0 : index
          %get3A_225 = tpu.vector_load %arg11[%get3A_223, %get3A_224] {strides = array<i32>} : memref<128x128xf32, #tpu.memory_space<vmem>>, vector<16xf32>,
          %swap3A = arith.index_cast %add3A_82 : i32 to index
          %swap3A_226 = arith.constant 0 : index
          %swap3A_227 = tpu.vector_load %arg10[%swap3A, %swap3A_226] {strides = array<i32>} : memref<128x128xf32, #tpu.memory_space<vmem>>, vector<16xf32>,
          tpu.vector_store %arg10[%swap3A, %swap3A_226], %get3A_225 {strides = array<i32>} : memref<128x128xf32, #tpu.memory_space<vmem>>, vector<16xf32>,
          %get3A_228 = arith.index_cast %add3A_82 : i32 to index
          %get3A_229 = arith.constant 16 : index
          %get3A_230 = tpu.vector_load %arg11[%get3A_228, %get3A_229] {strides = array<i32>} : memref<128x128xf32, #tpu.memory_space<vmem>>, vector<16xf32>,
          %swap3A_231 = arith.index_cast %add3A_82 : i32 to index
          %swap3A_232 = arith.constant 16 : index
          %swap3A_233 = tpu.vector_load %arg10[%swap3A_231, %swap3A_232] {strides = array<i32>} : memref<128x128xf32, #tpu.memory_space<vmem>>, vector<16xf32>,
          tpu.vector_store %arg10[%swap3A_231, %swap3A_232], %get3A_230 {strides = array<i32>} : memref<128x128xf32, #tpu.memory_space<vmem>>, vector<16xf32>,
          %get3A_234 = arith.index_cast %add3A_82 : i32 to index
          %get3A_235 = arith.constant 32 : index
          %get3A_236 = tpu.vector_load %arg11[%get3A_234, %get3A_235] {strides = array<i32>} : memref<128x128xf32, #tpu.memory_space<vmem>>, vector<16xf32>,
          %swap3A_237 = arith.index_cast %add3A_82 : i32 to index
          %swap3A_238 = arith.constant 32 : index
          %swap3A_239 = tpu.vector_load %arg10[%swap3A_237, %swap3A_238] {strides = array<i32>} : memref<128x128xf32, #tpu.memory_space<vmem>>, vector<16xf32>,
          tpu.vector_store %arg10[%swap3A_237, %swap3A_238], %get3A_236 {strides = array<i32>} : memref<128x128xf32, #tpu.memory_space<vmem>>, vector<16xf32>,
          %get3A_240 = arith.index_cast %add3A_82 : i32 to index
          %get3A_241 = arith.constant 48 : index
          %get3A_242 = tpu.vector_load %arg11[%get3A_240, %get3A_241] {strides = array<i32>} : memref<128x128xf32, #tpu.memory_space<vmem>>, vector<16xf32>,
          %swap3A_243 = arith.index_cast %add3A_82 : i32 to index
          %swap3A_244 = arith.constant 48 : index
          %swap3A_245 = tpu.vector_load %arg10[%swap3A_243, %swap3A_244] {strides = array<i32>} : memref<128x128xf32, #tpu.memory_space<vmem>>, vector<16xf32>,
          tpu.vector_store %arg10[%swap3A_243, %swap3A_244], %get3A_242 {strides = array<i32>} : memref<128x128xf32, #tpu.memory_space<vmem>>, vector<16xf32>,
          %get3A_246 = arith.index_cast %add3A_82 : i32 to index
          %get3A_247 = arith.constant 64 : index
          %get3A_248 = tpu.vector_load %arg11[%get3A_246, %get3A_247] {strides = array<i32>} : memref<128x128xf32, #tpu.memory_space<vmem>>, vector<16xf32>,
          %swap3A_249 = arith.index_cast %add3A_82 : i32 to index
          %swap3A_250 = arith.constant 64 : index
          %swap3A_251 = tpu.vector_load %arg10[%swap3A_249, %swap3A_250] {strides = array<i32>} : memref<128x128xf32, #tpu.memory_space<vmem>>, vector<16xf32>,
          tpu.vector_store %arg10[%swap3A_249, %swap3A_250], %get3A_248 {strides = array<i32>} : memref<128x128xf32, #tpu.memory_space<vmem>>, vector<16xf32>,
          %get3A_252 = arith.index_cast %add3A_82 : i32 to index
          %get3A_253 = arith.constant 80 : index
          %get3A_254 = tpu.vector_load %arg11[%get3A_252, %get3A_253] {strides = array<i32>} : memref<128x128xf32, #tpu.memory_space<vmem>>, vector<16xf32>,
          %swap3A_255 = arith.index_cast %add3A_82 : i32 to index
          %swap3A_256 = arith.constant 80 : index
          %swap3A_257 = tpu.vector_load %arg10[%swap3A_255, %swap3A_256] {strides = array<i32>} : memref<128x128xf32, #tpu.memory_space<vmem>>, vector<16xf32>,
          tpu.vector_store %arg10[%swap3A_255, %swap3A_256], %get3A_254 {strides = array<i32>} : memref<128x128xf32, #tpu.memory_space<vmem>>, vector<16xf32>,
          %get3A_258 = arith.index_cast %add3A_82 : i32 to index
          %get3A_259 = arith.constant 96 : index
          %get3A_260 = tpu.vector_load %arg11[%get3A_258, %get3A_259] {strides = array<i32>} : memref<128x128xf32, #tpu.memory_space<vmem>>, vector<16xf32>,
          %swap3A_261 = arith.index_cast %add3A_82 : i32 to index
          %swap3A_262 = arith.constant 96 : index
          %swap3A_263 = tpu.vector_load %arg10[%swap3A_261, %swap3A_262] {strides = array<i32>} : memref<128x128xf32, #tpu.memory_space<vmem>>, vector<16xf32>,
          tpu.vector_store %arg10[%swap3A_261, %swap3A_262], %get3A_260 {strides = array<i32>} : memref<128x128xf32, #tpu.memory_space<vmem>>, vector<16xf32>,
          %get3A_264 = arith.index_cast %add3A_82 : i32 to index
          %get3A_265 = arith.constant 112 : index
          %get3A_266 = tpu.vector_load %arg11[%get3A_264, %get3A_265] {strides = array<i32>} : memref<128x128xf32, #tpu.memory_space<vmem>>, vector<16xf32>,
          %swap3A_267 = arith.index_cast %add3A_82 : i32 to index
          %swap3A_268 = arith.constant 112 : index
          %swap3A_269 = tpu.vector_load %arg10[%swap3A_267, %swap3A_268] {strides = array<i32>} : memref<128x128xf32, #tpu.memory_space<vmem>>, vector<16xf32>,
          tpu.vector_store %arg10[%swap3A_267, %swap3A_268], %get3A_266 {strides = array<i32>} : memref<128x128xf32, #tpu.memory_space<vmem>>, vector<16xf32>,
        } else {
        }
        %mul3A_90 = arith.constant 16 : i32
        %mul3A_91 = arith.muli %scan3A_44, %mul3A_90 : i32
        %add3A_92 = arith.constant 4 : i32
        %add3A_93 = arith.addi %mul3A_91, %add3A_92 : i32
        %slice3A_94 = vector.extract_strided_slice %get3A_48 {offsets = [4], sizes = [1], strides = [1]} : vector<16xi32> to vector<1xi32>
        %squeeze3A_95 = vector.extract %slice3A_94[0] : i32 from vector<1xi32>
        %ge3A_96 = arith.constant 0 : i32
        %ge3A_97 = arith.cmpi sge, %squeeze3A_95, %ge3A_96 : i32
        %convert_element_type3A_98 = arith.extui %ge3A_97 : i1 to i32
        %cond3A_99 = arith.constant 0 : i32
        %cond3A_100 = arith.cmpi ne, %convert_element_type3A_98, %cond3A_99 : i32
        scf.if %cond3A_100 {
          %get3A_223 = arith.index_cast %add3A_93 : i32 to index
          %get3A_224 = arith.constant 0 : index
          %get3A_225 = tpu.vector_load %arg11[%get3A_223, %get3A_224] {strides = array<i32>} : memref<128x128xf32, #tpu.memory_space<vmem>>, vector<16xf32>,
          %swap3A = arith.index_cast %add3A_93 : i32 to index
          %swap3A_226 = arith.constant 0 : index
          %swap3A_227 = tpu.vector_load %arg10[%swap3A, %swap3A_226] {strides = array<i32>} : memref<128x128xf32, #tpu.memory_space<vmem>>, vector<16xf32>,
          tpu.vector_store %arg10[%swap3A, %swap3A_226], %get3A_225 {strides = array<i32>} : memref<128x128xf32, #tpu.memory_space<vmem>>, vector<16xf32>,
          %get3A_228 = arith.index_cast %add3A_93 : i32 to index
          %get3A_229 = arith.constant 16 : index
          %get3A_230 = tpu.vector_load %arg11[%get3A_228, %get3A_229] {strides = array<i32>} : memref<128x128xf32, #tpu.memory_space<vmem>>, vector<16xf32>,
          %swap3A_231 = arith.index_cast %add3A_93 : i32 to index
          %swap3A_232 = arith.constant 16 : index
          %swap3A_233 = tpu.vector_load %arg10[%swap3A_231, %swap3A_232] {strides = array<i32>} : memref<128x128xf32, #tpu.memory_space<vmem>>, vector<16xf32>,
          tpu.vector_store %arg10[%swap3A_231, %swap3A_232], %get3A_230 {strides = array<i32>} : memref<128x128xf32, #tpu.memory_space<vmem>>, vector<16xf32>,
          %get3A_234 = arith.index_cast %add3A_93 : i32 to index
          %get3A_235 = arith.constant 32 : index
          %get3A_236 = tpu.vector_load %arg11[%get3A_234, %get3A_235] {strides = array<i32>} : memref<128x128xf32, #tpu.memory_space<vmem>>, vector<16xf32>,
          %swap3A_237 = arith.index_cast %add3A_93 : i32 to index
          %swap3A_238 = arith.constant 32 : index
          %swap3A_239 = tpu.vector_load %arg10[%swap3A_237, %swap3A_238] {strides = array<i32>} : memref<128x128xf32, #tpu.memory_space<vmem>>, vector<16xf32>,
          tpu.vector_store %arg10[%swap3A_237, %swap3A_238], %get3A_236 {strides = array<i32>} : memref<128x128xf32, #tpu.memory_space<vmem>>, vector<16xf32>,
          %get3A_240 = arith.index_cast %add3A_93 : i32 to index
          %get3A_241 = arith.constant 48 : index
          %get3A_242 = tpu.vector_load %arg11[%get3A_240, %get3A_241] {strides = array<i32>} : memref<128x128xf32, #tpu.memory_space<vmem>>, vector<16xf32>,
          %swap3A_243 = arith.index_cast %add3A_93 : i32 to index
          %swap3A_244 = arith.constant 48 : index
          %swap3A_245 = tpu.vector_load %arg10[%swap3A_243, %swap3A_244] {strides = array<i32>} : memref<128x128xf32, #tpu.memory_space<vmem>>, vector<16xf32>,
          tpu.vector_store %arg10[%swap3A_243, %swap3A_244], %get3A_242 {strides = array<i32>} : memref<128x128xf32, #tpu.memory_space<vmem>>, vector<16xf32>,
          %get3A_246 = arith.index_cast %add3A_93 : i32 to index
          %get3A_247 = arith.constant 64 : index
          %get3A_248 = tpu.vector_load %arg11[%get3A_246, %get3A_247] {strides = array<i32>} : memref<128x128xf32, #tpu.memory_space<vmem>>, vector<16xf32>,
          %swap3A_249 = arith.index_cast %add3A_93 : i32 to index
          %swap3A_250 = arith.constant 64 : index
          %swap3A_251 = tpu.vector_load %arg10[%swap3A_249, %swap3A_250] {strides = array<i32>} : memref<128x128xf32, #tpu.memory_space<vmem>>, vector<16xf32>,
          tpu.vector_store %arg10[%swap3A_249, %swap3A_250], %get3A_248 {strides = array<i32>} : memref<128x128xf32, #tpu.memory_space<vmem>>, vector<16xf32>,
          %get3A_252 = arith.index_cast %add3A_93 : i32 to index
          %get3A_253 = arith.constant 80 : index
          %get3A_254 = tpu.vector_load %arg11[%get3A_252, %get3A_253] {strides = array<i32>} : memref<128x128xf32, #tpu.memory_space<vmem>>, vector<16xf32>,
          %swap3A_255 = arith.index_cast %add3A_93 : i32 to index
          %swap3A_256 = arith.constant 80 : index
          %swap3A_257 = tpu.vector_load %arg10[%swap3A_255, %swap3A_256] {strides = array<i32>} : memref<128x128xf32, #tpu.memory_space<vmem>>, vector<16xf32>,
          tpu.vector_store %arg10[%swap3A_255, %swap3A_256], %get3A_254 {strides = array<i32>} : memref<128x128xf32, #tpu.memory_space<vmem>>, vector<16xf32>,
          %get3A_258 = arith.index_cast %add3A_93 : i32 to index
          %get3A_259 = arith.constant 96 : index
          %get3A_260 = tpu.vector_load %arg11[%get3A_258, %get3A_259] {strides = array<i32>} : memref<128x128xf32, #tpu.memory_space<vmem>>, vector<16xf32>,
          %swap3A_261 = arith.index_cast %add3A_93 : i32 to index
          %swap3A_262 = arith.constant 96 : index
          %swap3A_263 = tpu.vector_load %arg10[%swap3A_261, %swap3A_262] {strides = array<i32>} : memref<128x128xf32, #tpu.memory_space<vmem>>, vector<16xf32>,
          tpu.vector_store %arg10[%swap3A_261, %swap3A_262], %get3A_260 {strides = array<i32>} : memref<128x128xf32, #tpu.memory_space<vmem>>, vector<16xf32>,
          %get3A_264 = arith.index_cast %add3A_93 : i32 to index
          %get3A_265 = arith.constant 112 : index
          %get3A_266 = tpu.vector_load %arg11[%get3A_264, %get3A_265] {strides = array<i32>} : memref<128x128xf32, #tpu.memory_space<vmem>>, vector<16xf32>,
          %swap3A_267 = arith.index_cast %add3A_93 : i32 to index
          %swap3A_268 = arith.constant 112 : index
          %swap3A_269 = tpu.vector_load %arg10[%swap3A_267, %swap3A_268] {strides = array<i32>} : memref<128x128xf32, #tpu.memory_space<vmem>>, vector<16xf32>,
          tpu.vector_store %arg10[%swap3A_267, %swap3A_268], %get3A_266 {strides = array<i32>} : memref<128x128xf32, #tpu.memory_space<vmem>>, vector<16xf32>,
        } else {
        }
        %mul3A_101 = arith.constant 16 : i32
        %mul3A_102 = arith.muli %scan3A_44, %mul3A_101 : i32
        %add3A_103 = arith.constant 5 : i32
        %add3A_104 = arith.addi %mul3A_102, %add3A_103 : i32
        %slice3A_105 = vector.extract_strided_slice %get3A_48 {offsets = [5], sizes = [1], strides = [1]} : vector<16xi32> to vector<1xi32>
        %squeeze3A_106 = vector.extract %slice3A_105[0] : i32 from vector<1xi32>
        %ge3A_107 = arith.constant 0 : i32
        %ge3A_108 = arith.cmpi sge, %squeeze3A_106, %ge3A_107 : i32
        %convert_element_type3A_109 = arith.extui %ge3A_108 : i1 to i32
        %cond3A_110 = arith.constant 0 : i32
        %cond3A_111 = arith.cmpi ne, %convert_element_type3A_109, %cond3A_110 : i32
        scf.if %cond3A_111 {
          %get3A_223 = arith.index_cast %add3A_104 : i32 to index
          %get3A_224 = arith.constant 0 : index
          %get3A_225 = tpu.vector_load %arg11[%get3A_223, %get3A_224] {strides = array<i32>} : memref<128x128xf32, #tpu.memory_space<vmem>>, vector<16xf32>,
          %swap3A = arith.index_cast %add3A_104 : i32 to index
          %swap3A_226 = arith.constant 0 : index
          %swap3A_227 = tpu.vector_load %arg10[%swap3A, %swap3A_226] {strides = array<i32>} : memref<128x128xf32, #tpu.memory_space<vmem>>, vector<16xf32>,
          tpu.vector_store %arg10[%swap3A, %swap3A_226], %get3A_225 {strides = array<i32>} : memref<128x128xf32, #tpu.memory_space<vmem>>, vector<16xf32>,
          %get3A_228 = arith.index_cast %add3A_104 : i32 to index
          %get3A_229 = arith.constant 16 : index
          %get3A_230 = tpu.vector_load %arg11[%get3A_228, %get3A_229] {strides = array<i32>} : memref<128x128xf32, #tpu.memory_space<vmem>>, vector<16xf32>,
          %swap3A_231 = arith.index_cast %add3A_104 : i32 to index
          %swap3A_232 = arith.constant 16 : index
          %swap3A_233 = tpu.vector_load %arg10[%swap3A_231, %swap3A_232] {strides = array<i32>} : memref<128x128xf32, #tpu.memory_space<vmem>>, vector<16xf32>,
          tpu.vector_store %arg10[%swap3A_231, %swap3A_232], %get3A_230 {strides = array<i32>} : memref<128x128xf32, #tpu.memory_space<vmem>>, vector<16xf32>,
          %get3A_234 = arith.index_cast %add3A_104 : i32 to index
          %get3A_235 = arith.constant 32 : index
          %get3A_236 = tpu.vector_load %arg11[%get3A_234, %get3A_235] {strides = array<i32>} : memref<128x128xf32, #tpu.memory_space<vmem>>, vector<16xf32>,
          %swap3A_237 = arith.index_cast %add3A_104 : i32 to index
          %swap3A_238 = arith.constant 32 : index
          %swap3A_239 = tpu.vector_load %arg10[%swap3A_237, %swap3A_238] {strides = array<i32>} : memref<128x128xf32, #tpu.memory_space<vmem>>, vector<16xf32>,
          tpu.vector_store %arg10[%swap3A_237, %swap3A_238], %get3A_236 {strides = array<i32>} : memref<128x128xf32, #tpu.memory_space<vmem>>, vector<16xf32>,
          %get3A_240 = arith.index_cast %add3A_104 : i32 to index
          %get3A_241 = arith.constant 48 : index
          %get3A_242 = tpu.vector_load %arg11[%get3A_240, %get3A_241] {strides = array<i32>} : memref<128x128xf32, #tpu.memory_space<vmem>>, vector<16xf32>,
          %swap3A_243 = arith.index_cast %add3A_104 : i32 to index
          %swap3A_244 = arith.constant 48 : index
          %swap3A_245 = tpu.vector_load %arg10[%swap3A_243, %swap3A_244] {strides = array<i32>} : memref<128x128xf32, #tpu.memory_space<vmem>>, vector<16xf32>,
          tpu.vector_store %arg10[%swap3A_243, %swap3A_244], %get3A_242 {strides = array<i32>} : memref<128x128xf32, #tpu.memory_space<vmem>>, vector<16xf32>,
          %get3A_246 = arith.index_cast %add3A_104 : i32 to index
          %get3A_247 = arith.constant 64 : index
          %get3A_248 = tpu.vector_load %arg11[%get3A_246, %get3A_247] {strides = array<i32>} : memref<128x128xf32, #tpu.memory_space<vmem>>, vector<16xf32>,
          %swap3A_249 = arith.index_cast %add3A_104 : i32 to index
          %swap3A_250 = arith.constant 64 : index
          %swap3A_251 = tpu.vector_load %arg10[%swap3A_249, %swap3A_250] {strides = array<i32>} : memref<128x128xf32, #tpu.memory_space<vmem>>, vector<16xf32>,
          tpu.vector_store %arg10[%swap3A_249, %swap3A_250], %get3A_248 {strides = array<i32>} : memref<128x128xf32, #tpu.memory_space<vmem>>, vector<16xf32>,
          %get3A_252 = arith.index_cast %add3A_104 : i32 to index
          %get3A_253 = arith.constant 80 : index
          %get3A_254 = tpu.vector_load %arg11[%get3A_252, %get3A_253] {strides = array<i32>} : memref<128x128xf32, #tpu.memory_space<vmem>>, vector<16xf32>,
          %swap3A_255 = arith.index_cast %add3A_104 : i32 to index
          %swap3A_256 = arith.constant 80 : index
          %swap3A_257 = tpu.vector_load %arg10[%swap3A_255, %swap3A_256] {strides = array<i32>} : memref<128x128xf32, #tpu.memory_space<vmem>>, vector<16xf32>,
          tpu.vector_store %arg10[%swap3A_255, %swap3A_256], %get3A_254 {strides = array<i32>} : memref<128x128xf32, #tpu.memory_space<vmem>>, vector<16xf32>,
          %get3A_258 = arith.index_cast %add3A_104 : i32 to index
          %get3A_259 = arith.constant 96 : index
          %get3A_260 = tpu.vector_load %arg11[%get3A_258, %get3A_259] {strides = array<i32>} : memref<128x128xf32, #tpu.memory_space<vmem>>, vector<16xf32>,
          %swap3A_261 = arith.index_cast %add3A_104 : i32 to index
          %swap3A_262 = arith.constant 96 : index
          %swap3A_263 = tpu.vector_load %arg10[%swap3A_261, %swap3A_262] {strides = array<i32>} : memref<128x128xf32, #tpu.memory_space<vmem>>, vector<16xf32>,
          tpu.vector_store %arg10[%swap3A_261, %swap3A_262], %get3A_260 {strides = array<i32>} : memref<128x128xf32, #tpu.memory_space<vmem>>, vector<16xf32>,
          %get3A_264 = arith.index_cast %add3A_104 : i32 to index
          %get3A_265 = arith.constant 112 : index
          %get3A_266 = tpu.vector_load %arg11[%get3A_264, %get3A_265] {strides = array<i32>} : memref<128x128xf32, #tpu.memory_space<vmem>>, vector<16xf32>,
          %swap3A_267 = arith.index_cast %add3A_104 : i32 to index
          %swap3A_268 = arith.constant 112 : index
          %swap3A_269 = tpu.vector_load %arg10[%swap3A_267, %swap3A_268] {strides = array<i32>} : memref<128x128xf32, #tpu.memory_space<vmem>>, vector<16xf32>,
          tpu.vector_store %arg10[%swap3A_267, %swap3A_268], %get3A_266 {strides = array<i32>} : memref<128x128xf32, #tpu.memory_space<vmem>>, vector<16xf32>,
        } else {
        }
        %mul3A_112 = arith.constant 16 : i32
        %mul3A_113 = arith.muli %scan3A_44, %mul3A_112 : i32
        %add3A_114 = arith.constant 6 : i32
        %add3A_115 = arith.addi %mul3A_113, %add3A_114 : i32
        %slice3A_116 = vector.extract_strided_slice %get3A_48 {offsets = [6], sizes = [1], strides = [1]} : vector<16xi32> to vector<1xi32>
        %squeeze3A_117 = vector.extract %slice3A_116[0] : i32 from vector<1xi32>
        %ge3A_118 = arith.constant 0 : i32
        %ge3A_119 = arith.cmpi sge, %squeeze3A_117, %ge3A_118 : i32
        %convert_element_type3A_120 = arith.extui %ge3A_119 : i1 to i32
        %cond3A_121 = arith.constant 0 : i32
        %cond3A_122 = arith.cmpi ne, %convert_element_type3A_120, %cond3A_121 : i32
        scf.if %cond3A_122 {
          %get3A_223 = arith.index_cast %add3A_115 : i32 to index
          %get3A_224 = arith.constant 0 : index
          %get3A_225 = tpu.vector_load %arg11[%get3A_223, %get3A_224] {strides = array<i32>} : memref<128x128xf32, #tpu.memory_space<vmem>>, vector<16xf32>,
          %swap3A = arith.index_cast %add3A_115 : i32 to index
          %swap3A_226 = arith.constant 0 : index
          %swap3A_227 = tpu.vector_load %arg10[%swap3A, %swap3A_226] {strides = array<i32>} : memref<128x128xf32, #tpu.memory_space<vmem>>, vector<16xf32>,
          tpu.vector_store %arg10[%swap3A, %swap3A_226], %get3A_225 {strides = array<i32>} : memref<128x128xf32, #tpu.memory_space<vmem>>, vector<16xf32>,
          %get3A_228 = arith.index_cast %add3A_115 : i32 to index
          %get3A_229 = arith.constant 16 : index
          %get3A_230 = tpu.vector_load %arg11[%get3A_228, %get3A_229] {strides = array<i32>} : memref<128x128xf32, #tpu.memory_space<vmem>>, vector<16xf32>,
          %swap3A_231 = arith.index_cast %add3A_115 : i32 to index
          %swap3A_232 = arith.constant 16 : index
          %swap3A_233 = tpu.vector_load %arg10[%swap3A_231, %swap3A_232] {strides = array<i32>} : memref<128x128xf32, #tpu.memory_space<vmem>>, vector<16xf32>,
          tpu.vector_store %arg10[%swap3A_231, %swap3A_232], %get3A_230 {strides = array<i32>} : memref<128x128xf32, #tpu.memory_space<vmem>>, vector<16xf32>,
          %get3A_234 = arith.index_cast %add3A_115 : i32 to index
          %get3A_235 = arith.constant 32 : index
          %get3A_236 = tpu.vector_load %arg11[%get3A_234, %get3A_235] {strides = array<i32>} : memref<128x128xf32, #tpu.memory_space<vmem>>, vector<16xf32>,
          %swap3A_237 = arith.index_cast %add3A_115 : i32 to index
          %swap3A_238 = arith.constant 32 : index
          %swap3A_239 = tpu.vector_load %arg10[%swap3A_237, %swap3A_238] {strides = array<i32>} : memref<128x128xf32, #tpu.memory_space<vmem>>, vector<16xf32>,
          tpu.vector_store %arg10[%swap3A_237, %swap3A_238], %get3A_236 {strides = array<i32>} : memref<128x128xf32, #tpu.memory_space<vmem>>, vector<16xf32>,
          %get3A_240 = arith.index_cast %add3A_115 : i32 to index
          %get3A_241 = arith.constant 48 : index
          %get3A_242 = tpu.vector_load %arg11[%get3A_240, %get3A_241] {strides = array<i32>} : memref<128x128xf32, #tpu.memory_space<vmem>>, vector<16xf32>,
          %swap3A_243 = arith.index_cast %add3A_115 : i32 to index
          %swap3A_244 = arith.constant 48 : index
          %swap3A_245 = tpu.vector_load %arg10[%swap3A_243, %swap3A_244] {strides = array<i32>} : memref<128x128xf32, #tpu.memory_space<vmem>>, vector<16xf32>,
          tpu.vector_store %arg10[%swap3A_243, %swap3A_244], %get3A_242 {strides = array<i32>} : memref<128x128xf32, #tpu.memory_space<vmem>>, vector<16xf32>,
          %get3A_246 = arith.index_cast %add3A_115 : i32 to index
          %get3A_247 = arith.constant 64 : index
          %get3A_248 = tpu.vector_load %arg11[%get3A_246, %get3A_247] {strides = array<i32>} : memref<128x128xf32, #tpu.memory_space<vmem>>, vector<16xf32>,
          %swap3A_249 = arith.index_cast %add3A_115 : i32 to index
          %swap3A_250 = arith.constant 64 : index
          %swap3A_251 = tpu.vector_load %arg10[%swap3A_249, %swap3A_250] {strides = array<i32>} : memref<128x128xf32, #tpu.memory_space<vmem>>, vector<16xf32>,
          tpu.vector_store %arg10[%swap3A_249, %swap3A_250], %get3A_248 {strides = array<i32>} : memref<128x128xf32, #tpu.memory_space<vmem>>, vector<16xf32>,
          %get3A_252 = arith.index_cast %add3A_115 : i32 to index
          %get3A_253 = arith.constant 80 : index
          %get3A_254 = tpu.vector_load %arg11[%get3A_252, %get3A_253] {strides = array<i32>} : memref<128x128xf32, #tpu.memory_space<vmem>>, vector<16xf32>,
          %swap3A_255 = arith.index_cast %add3A_115 : i32 to index
          %swap3A_256 = arith.constant 80 : index
          %swap3A_257 = tpu.vector_load %arg10[%swap3A_255, %swap3A_256] {strides = array<i32>} : memref<128x128xf32, #tpu.memory_space<vmem>>, vector<16xf32>,
          tpu.vector_store %arg10[%swap3A_255, %swap3A_256], %get3A_254 {strides = array<i32>} : memref<128x128xf32, #tpu.memory_space<vmem>>, vector<16xf32>,
          %get3A_258 = arith.index_cast %add3A_115 : i32 to index
          %get3A_259 = arith.constant 96 : index
          %get3A_260 = tpu.vector_load %arg11[%get3A_258, %get3A_259] {strides = array<i32>} : memref<128x128xf32, #tpu.memory_space<vmem>>, vector<16xf32>,
          %swap3A_261 = arith.index_cast %add3A_115 : i32 to index
          %swap3A_262 = arith.constant 96 : index
          %swap3A_263 = tpu.vector_load %arg10[%swap3A_261, %swap3A_262] {strides = array<i32>} : memref<128x128xf32, #tpu.memory_space<vmem>>, vector<16xf32>,
          tpu.vector_store %arg10[%swap3A_261, %swap3A_262], %get3A_260 {strides = array<i32>} : memref<128x128xf32, #tpu.memory_space<vmem>>, vector<16xf32>,
          %get3A_264 = arith.index_cast %add3A_115 : i32 to index
          %get3A_265 = arith.constant 112 : index
          %get3A_266 = tpu.vector_load %arg11[%get3A_264, %get3A_265] {strides = array<i32>} : memref<128x128xf32, #tpu.memory_space<vmem>>, vector<16xf32>,
          %swap3A_267 = arith.index_cast %add3A_115 : i32 to index
          %swap3A_268 = arith.constant 112 : index
          %swap3A_269 = tpu.vector_load %arg10[%swap3A_267, %swap3A_268] {strides = array<i32>} : memref<128x128xf32, #tpu.memory_space<vmem>>, vector<16xf32>,
          tpu.vector_store %arg10[%swap3A_267, %swap3A_268], %get3A_266 {strides = array<i32>} : memref<128x128xf32, #tpu.memory_space<vmem>>, vector<16xf32>,
        } else {
        }
        %mul3A_123 = arith.constant 16 : i32
        %mul3A_124 = arith.muli %scan3A_44, %mul3A_123 : i32
        %add3A_125 = arith.constant 7 : i32
        %add3A_126 = arith.addi %mul3A_124, %add3A_125 : i32
        %slice3A_127 = vector.extract_strided_slice %get3A_48 {offsets = [7], sizes = [1], strides = [1]} : vector<16xi32> to vector<1xi32>
        %squeeze3A_128 = vector.extract %slice3A_127[0] : i32 from vector<1xi32>
        %ge3A_129 = arith.constant 0 : i32
        %ge3A_130 = arith.cmpi sge, %squeeze3A_128, %ge3A_129 : i32
        %convert_element_type3A_131 = arith.extui %ge3A_130 : i1 to i32
        %cond3A_132 = arith.constant 0 : i32
        %cond3A_133 = arith.cmpi ne, %convert_element_type3A_131, %cond3A_132 : i32
        scf.if %cond3A_133 {
          %get3A_223 = arith.index_cast %add3A_126 : i32 to index
          %get3A_224 = arith.constant 0 : index
          %get3A_225 = tpu.vector_load %arg11[%get3A_223, %get3A_224] {strides = array<i32>} : memref<128x128xf32, #tpu.memory_space<vmem>>, vector<16xf32>,
          %swap3A = arith.index_cast %add3A_126 : i32 to index
          %swap3A_226 = arith.constant 0 : index
          %swap3A_227 = tpu.vector_load %arg10[%swap3A, %swap3A_226] {strides = array<i32>} : memref<128x128xf32, #tpu.memory_space<vmem>>, vector<16xf32>,
          tpu.vector_store %arg10[%swap3A, %swap3A_226], %get3A_225 {strides = array<i32>} : memref<128x128xf32, #tpu.memory_space<vmem>>, vector<16xf32>,
          %get3A_228 = arith.index_cast %add3A_126 : i32 to index
          %get3A_229 = arith.constant 16 : index
          %get3A_230 = tpu.vector_load %arg11[%get3A_228, %get3A_229] {strides = array<i32>} : memref<128x128xf32, #tpu.memory_space<vmem>>, vector<16xf32>,
          %swap3A_231 = arith.index_cast %add3A_126 : i32 to index
          %swap3A_232 = arith.constant 16 : index
          %swap3A_233 = tpu.vector_load %arg10[%swap3A_231, %swap3A_232] {strides = array<i32>} : memref<128x128xf32, #tpu.memory_space<vmem>>, vector<16xf32>,
          tpu.vector_store %arg10[%swap3A_231, %swap3A_232], %get3A_230 {strides = array<i32>} : memref<128x128xf32, #tpu.memory_space<vmem>>, vector<16xf32>,
          %get3A_234 = arith.index_cast %add3A_126 : i32 to index
          %get3A_235 = arith.constant 32 : index
          %get3A_236 = tpu.vector_load %arg11[%get3A_234, %get3A_235] {strides = array<i32>} : memref<128x128xf32, #tpu.memory_space<vmem>>, vector<16xf32>,
          %swap3A_237 = arith.index_cast %add3A_126 : i32 to index
          %swap3A_238 = arith.constant 32 : index
          %swap3A_239 = tpu.vector_load %arg10[%swap3A_237, %swap3A_238] {strides = array<i32>} : memref<128x128xf32, #tpu.memory_space<vmem>>, vector<16xf32>,
          tpu.vector_store %arg10[%swap3A_237, %swap3A_238], %get3A_236 {strides = array<i32>} : memref<128x128xf32, #tpu.memory_space<vmem>>, vector<16xf32>,
          %get3A_240 = arith.index_cast %add3A_126 : i32 to index
          %get3A_241 = arith.constant 48 : index
          %get3A_242 = tpu.vector_load %arg11[%get3A_240, %get3A_241] {strides = array<i32>} : memref<128x128xf32, #tpu.memory_space<vmem>>, vector<16xf32>,
          %swap3A_243 = arith.index_cast %add3A_126 : i32 to index
          %swap3A_244 = arith.constant 48 : index
          %swap3A_245 = tpu.vector_load %arg10[%swap3A_243, %swap3A_244] {strides = array<i32>} : memref<128x128xf32, #tpu.memory_space<vmem>>, vector<16xf32>,
          tpu.vector_store %arg10[%swap3A_243, %swap3A_244], %get3A_242 {strides = array<i32>} : memref<128x128xf32, #tpu.memory_space<vmem>>, vector<16xf32>,
          %get3A_246 = arith.index_cast %add3A_126 : i32 to index
          %get3A_247 = arith.constant 64 : index
          %get3A_248 = tpu.vector_load %arg11[%get3A_246, %get3A_247] {strides = array<i32>} : memref<128x128xf32, #tpu.memory_space<vmem>>, vector<16xf32>,
          %swap3A_249 = arith.index_cast %add3A_126 : i32 to index
          %swap3A_250 = arith.constant 64 : index
          %swap3A_251 = tpu.vector_load %arg10[%swap3A_249, %swap3A_250] {strides = array<i32>} : memref<128x128xf32, #tpu.memory_space<vmem>>, vector<16xf32>,
          tpu.vector_store %arg10[%swap3A_249, %swap3A_250], %get3A_248 {strides = array<i32>} : memref<128x128xf32, #tpu.memory_space<vmem>>, vector<16xf32>,
          %get3A_252 = arith.index_cast %add3A_126 : i32 to index
          %get3A_253 = arith.constant 80 : index
          %get3A_254 = tpu.vector_load %arg11[%get3A_252, %get3A_253] {strides = array<i32>} : memref<128x128xf32, #tpu.memory_space<vmem>>, vector<16xf32>,
          %swap3A_255 = arith.index_cast %add3A_126 : i32 to index
          %swap3A_256 = arith.constant 80 : index
          %swap3A_257 = tpu.vector_load %arg10[%swap3A_255, %swap3A_256] {strides = array<i32>} : memref<128x128xf32, #tpu.memory_space<vmem>>, vector<16xf32>,
          tpu.vector_store %arg10[%swap3A_255, %swap3A_256], %get3A_254 {strides = array<i32>} : memref<128x128xf32, #tpu.memory_space<vmem>>, vector<16xf32>,
          %get3A_258 = arith.index_cast %add3A_126 : i32 to index
          %get3A_259 = arith.constant 96 : index
          %get3A_260 = tpu.vector_load %arg11[%get3A_258, %get3A_259] {strides = array<i32>} : memref<128x128xf32, #tpu.memory_space<vmem>>, vector<16xf32>,
          %swap3A_261 = arith.index_cast %add3A_126 : i32 to index
          %swap3A_262 = arith.constant 96 : index
          %swap3A_263 = tpu.vector_load %arg10[%swap3A_261, %swap3A_262] {strides = array<i32>} : memref<128x128xf32, #tpu.memory_space<vmem>>, vector<16xf32>,
          tpu.vector_store %arg10[%swap3A_261, %swap3A_262], %get3A_260 {strides = array<i32>} : memref<128x128xf32, #tpu.memory_space<vmem>>, vector<16xf32>,
          %get3A_264 = arith.index_cast %add3A_126 : i32 to index
          %get3A_265 = arith.constant 112 : index
          %get3A_266 = tpu.vector_load %arg11[%get3A_264, %get3A_265] {strides = array<i32>} : memref<128x128xf32, #tpu.memory_space<vmem>>, vector<16xf32>,
          %swap3A_267 = arith.index_cast %add3A_126 : i32 to index
          %swap3A_268 = arith.constant 112 : index
          %swap3A_269 = tpu.vector_load %arg10[%swap3A_267, %swap3A_268] {strides = array<i32>} : memref<128x128xf32, #tpu.memory_space<vmem>>, vector<16xf32>,
          tpu.vector_store %arg10[%swap3A_267, %swap3A_268], %get3A_266 {strides = array<i32>} : memref<128x128xf32, #tpu.memory_space<vmem>>, vector<16xf32>,
        } else {
        }
        %mul3A_134 = arith.constant 16 : i32
        %mul3A_135 = arith.muli %scan3A_44, %mul3A_134 : i32
        %add3A_136 = arith.constant 8 : i32
        %add3A_137 = arith.addi %mul3A_135, %add3A_136 : i32
        %slice3A_138 = vector.extract_strided_slice %get3A_48 {offsets = [8], sizes = [1], strides = [1]} : vector<16xi32> to vector<1xi32>
        %squeeze3A_139 = vector.extract %slice3A_138[0] : i32 from vector<1xi32>
        %ge3A_140 = arith.constant 0 : i32
        %ge3A_141 = arith.cmpi sge, %squeeze3A_139, %ge3A_140 : i32
        %convert_element_type3A_142 = arith.extui %ge3A_141 : i1 to i32
        %cond3A_143 = arith.constant 0 : i32
        %cond3A_144 = arith.cmpi ne, %convert_element_type3A_142, %cond3A_143 : i32
        scf.if %cond3A_144 {
          %get3A_223 = arith.index_cast %add3A_137 : i32 to index
          %get3A_224 = arith.constant 0 : index
          %get3A_225 = tpu.vector_load %arg11[%get3A_223, %get3A_224] {strides = array<i32>} : memref<128x128xf32, #tpu.memory_space<vmem>>, vector<16xf32>,
          %swap3A = arith.index_cast %add3A_137 : i32 to index
          %swap3A_226 = arith.constant 0 : index
          %swap3A_227 = tpu.vector_load %arg10[%swap3A, %swap3A_226] {strides = array<i32>} : memref<128x128xf32, #tpu.memory_space<vmem>>, vector<16xf32>,
          tpu.vector_store %arg10[%swap3A, %swap3A_226], %get3A_225 {strides = array<i32>} : memref<128x128xf32, #tpu.memory_space<vmem>>, vector<16xf32>,
          %get3A_228 = arith.index_cast %add3A_137 : i32 to index
          %get3A_229 = arith.constant 16 : index
          %get3A_230 = tpu.vector_load %arg11[%get3A_228, %get3A_229] {strides = array<i32>} : memref<128x128xf32, #tpu.memory_space<vmem>>, vector<16xf32>,
          %swap3A_231 = arith.index_cast %add3A_137 : i32 to index
          %swap3A_232 = arith.constant 16 : index
          %swap3A_233 = tpu.vector_load %arg10[%swap3A_231, %swap3A_232] {strides = array<i32>} : memref<128x128xf32, #tpu.memory_space<vmem>>, vector<16xf32>,
          tpu.vector_store %arg10[%swap3A_231, %swap3A_232], %get3A_230 {strides = array<i32>} : memref<128x128xf32, #tpu.memory_space<vmem>>, vector<16xf32>,
          %get3A_234 = arith.index_cast %add3A_137 : i32 to index
          %get3A_235 = arith.constant 32 : index
          %get3A_236 = tpu.vector_load %arg11[%get3A_234, %get3A_235] {strides = array<i32>} : memref<128x128xf32, #tpu.memory_space<vmem>>, vector<16xf32>,
          %swap3A_237 = arith.index_cast %add3A_137 : i32 to index
          %swap3A_238 = arith.constant 32 : index
          %swap3A_239 = tpu.vector_load %arg10[%swap3A_237, %swap3A_238] {strides = array<i32>} : memref<128x128xf32, #tpu.memory_space<vmem>>, vector<16xf32>,
          tpu.vector_store %arg10[%swap3A_237, %swap3A_238], %get3A_236 {strides = array<i32>} : memref<128x128xf32, #tpu.memory_space<vmem>>, vector<16xf32>,
          %get3A_240 = arith.index_cast %add3A_137 : i32 to index
          %get3A_241 = arith.constant 48 : index
          %get3A_242 = tpu.vector_load %arg11[%get3A_240, %get3A_241] {strides = array<i32>} : memref<128x128xf32, #tpu.memory_space<vmem>>, vector<16xf32>,
          %swap3A_243 = arith.index_cast %add3A_137 : i32 to index
          %swap3A_244 = arith.constant 48 : index
          %swap3A_245 = tpu.vector_load %arg10[%swap3A_243, %swap3A_244] {strides = array<i32>} : memref<128x128xf32, #tpu.memory_space<vmem>>, vector<16xf32>,
          tpu.vector_store %arg10[%swap3A_243, %swap3A_244], %get3A_242 {strides = array<i32>} : memref<128x128xf32, #tpu.memory_space<vmem>>, vector<16xf32>,
          %get3A_246 = arith.index_cast %add3A_137 : i32 to index
          %get3A_247 = arith.constant 64 : index
          %get3A_248 = tpu.vector_load %arg11[%get3A_246, %get3A_247] {strides = array<i32>} : memref<128x128xf32, #tpu.memory_space<vmem>>, vector<16xf32>,
          %swap3A_249 = arith.index_cast %add3A_137 : i32 to index
          %swap3A_250 = arith.constant 64 : index
          %swap3A_251 = tpu.vector_load %arg10[%swap3A_249, %swap3A_250] {strides = array<i32>} : memref<128x128xf32, #tpu.memory_space<vmem>>, vector<16xf32>,
          tpu.vector_store %arg10[%swap3A_249, %swap3A_250], %get3A_248 {strides = array<i32>} : memref<128x128xf32, #tpu.memory_space<vmem>>, vector<16xf32>,
          %get3A_252 = arith.index_cast %add3A_137 : i32 to index
          %get3A_253 = arith.constant 80 : index
          %get3A_254 = tpu.vector_load %arg11[%get3A_252, %get3A_253] {strides = array<i32>} : memref<128x128xf32, #tpu.memory_space<vmem>>, vector<16xf32>,
          %swap3A_255 = arith.index_cast %add3A_137 : i32 to index
          %swap3A_256 = arith.constant 80 : index
          %swap3A_257 = tpu.vector_load %arg10[%swap3A_255, %swap3A_256] {strides = array<i32>} : memref<128x128xf32, #tpu.memory_space<vmem>>, vector<16xf32>,
          tpu.vector_store %arg10[%swap3A_255, %swap3A_256], %get3A_254 {strides = array<i32>} : memref<128x128xf32, #tpu.memory_space<vmem>>, vector<16xf32>,
          %get3A_258 = arith.index_cast %add3A_137 : i32 to index
          %get3A_259 = arith.constant 96 : index
          %get3A_260 = tpu.vector_load %arg11[%get3A_258, %get3A_259] {strides = array<i32>} : memref<128x128xf32, #tpu.memory_space<vmem>>, vector<16xf32>,
          %swap3A_261 = arith.index_cast %add3A_137 : i32 to index
          %swap3A_262 = arith.constant 96 : index
          %swap3A_263 = tpu.vector_load %arg10[%swap3A_261, %swap3A_262] {strides = array<i32>} : memref<128x128xf32, #tpu.memory_space<vmem>>, vector<16xf32>,
          tpu.vector_store %arg10[%swap3A_261, %swap3A_262], %get3A_260 {strides = array<i32>} : memref<128x128xf32, #tpu.memory_space<vmem>>, vector<16xf32>,
          %get3A_264 = arith.index_cast %add3A_137 : i32 to index
          %get3A_265 = arith.constant 112 : index
          %get3A_266 = tpu.vector_load %arg11[%get3A_264, %get3A_265] {strides = array<i32>} : memref<128x128xf32, #tpu.memory_space<vmem>>, vector<16xf32>,
          %swap3A_267 = arith.index_cast %add3A_137 : i32 to index
          %swap3A_268 = arith.constant 112 : index
          %swap3A_269 = tpu.vector_load %arg10[%swap3A_267, %swap3A_268] {strides = array<i32>} : memref<128x128xf32, #tpu.memory_space<vmem>>, vector<16xf32>,
          tpu.vector_store %arg10[%swap3A_267, %swap3A_268], %get3A_266 {strides = array<i32>} : memref<128x128xf32, #tpu.memory_space<vmem>>, vector<16xf32>,
        } else {
        }
        %mul3A_145 = arith.constant 16 : i32
        %mul3A_146 = arith.muli %scan3A_44, %mul3A_145 : i32
        %add3A_147 = arith.constant 9 : i32
        %add3A_148 = arith.addi %mul3A_146, %add3A_147 : i32
        %slice3A_149 = vector.extract_strided_slice %get3A_48 {offsets = [9], sizes = [1], strides = [1]} : vector<16xi32> to vector<1xi32>
        %squeeze3A_150 = vector.extract %slice3A_149[0] : i32 from vector<1xi32>
        %ge3A_151 = arith.constant 0 : i32
        %ge3A_152 = arith.cmpi sge, %squeeze3A_150, %ge3A_151 : i32
        %convert_element_type3A_153 = arith.extui %ge3A_152 : i1 to i32
        %cond3A_154 = arith.constant 0 : i32
        %cond3A_155 = arith.cmpi ne, %convert_element_type3A_153, %cond3A_154 : i32
        scf.if %cond3A_155 {
          %get3A_223 = arith.index_cast %add3A_148 : i32 to index
          %get3A_224 = arith.constant 0 : index
          %get3A_225 = tpu.vector_load %arg11[%get3A_223, %get3A_224] {strides = array<i32>} : memref<128x128xf32, #tpu.memory_space<vmem>>, vector<16xf32>,
          %swap3A = arith.index_cast %add3A_148 : i32 to index
          %swap3A_226 = arith.constant 0 : index
          %swap3A_227 = tpu.vector_load %arg10[%swap3A, %swap3A_226] {strides = array<i32>} : memref<128x128xf32, #tpu.memory_space<vmem>>, vector<16xf32>,
          tpu.vector_store %arg10[%swap3A, %swap3A_226], %get3A_225 {strides = array<i32>} : memref<128x128xf32, #tpu.memory_space<vmem>>, vector<16xf32>,
          %get3A_228 = arith.index_cast %add3A_148 : i32 to index
          %get3A_229 = arith.constant 16 : index
          %get3A_230 = tpu.vector_load %arg11[%get3A_228, %get3A_229] {strides = array<i32>} : memref<128x128xf32, #tpu.memory_space<vmem>>, vector<16xf32>,
          %swap3A_231 = arith.index_cast %add3A_148 : i32 to index
          %swap3A_232 = arith.constant 16 : index
          %swap3A_233 = tpu.vector_load %arg10[%swap3A_231, %swap3A_232] {strides = array<i32>} : memref<128x128xf32, #tpu.memory_space<vmem>>, vector<16xf32>,
          tpu.vector_store %arg10[%swap3A_231, %swap3A_232], %get3A_230 {strides = array<i32>} : memref<128x128xf32, #tpu.memory_space<vmem>>, vector<16xf32>,
          %get3A_234 = arith.index_cast %add3A_148 : i32 to index
          %get3A_235 = arith.constant 32 : index
          %get3A_236 = tpu.vector_load %arg11[%get3A_234, %get3A_235] {strides = array<i32>} : memref<128x128xf32, #tpu.memory_space<vmem>>, vector<16xf32>,
          %swap3A_237 = arith.index_cast %add3A_148 : i32 to index
          %swap3A_238 = arith.constant 32 : index
          %swap3A_239 = tpu.vector_load %arg10[%swap3A_237, %swap3A_238] {strides = array<i32>} : memref<128x128xf32, #tpu.memory_space<vmem>>, vector<16xf32>,
          tpu.vector_store %arg10[%swap3A_237, %swap3A_238], %get3A_236 {strides = array<i32>} : memref<128x128xf32, #tpu.memory_space<vmem>>, vector<16xf32>,
          %get3A_240 = arith.index_cast %add3A_148 : i32 to index
          %get3A_241 = arith.constant 48 : index
          %get3A_242 = tpu.vector_load %arg11[%get3A_240, %get3A_241] {strides = array<i32>} : memref<128x128xf32, #tpu.memory_space<vmem>>, vector<16xf32>,
          %swap3A_243 = arith.index_cast %add3A_148 : i32 to index
          %swap3A_244 = arith.constant 48 : index
          %swap3A_245 = tpu.vector_load %arg10[%swap3A_243, %swap3A_244] {strides = array<i32>} : memref<128x128xf32, #tpu.memory_space<vmem>>, vector<16xf32>,
          tpu.vector_store %arg10[%swap3A_243, %swap3A_244], %get3A_242 {strides = array<i32>} : memref<128x128xf32, #tpu.memory_space<vmem>>, vector<16xf32>,
          %get3A_246 = arith.index_cast %add3A_148 : i32 to index
          %get3A_247 = arith.constant 64 : index
          %get3A_248 = tpu.vector_load %arg11[%get3A_246, %get3A_247] {strides = array<i32>} : memref<128x128xf32, #tpu.memory_space<vmem>>, vector<16xf32>,
          %swap3A_249 = arith.index_cast %add3A_148 : i32 to index
          %swap3A_250 = arith.constant 64 : index
          %swap3A_251 = tpu.vector_load %arg10[%swap3A_249, %swap3A_250] {strides = array<i32>} : memref<128x128xf32, #tpu.memory_space<vmem>>, vector<16xf32>,
          tpu.vector_store %arg10[%swap3A_249, %swap3A_250], %get3A_248 {strides = array<i32>} : memref<128x128xf32, #tpu.memory_space<vmem>>, vector<16xf32>,
          %get3A_252 = arith.index_cast %add3A_148 : i32 to index
          %get3A_253 = arith.constant 80 : index
          %get3A_254 = tpu.vector_load %arg11[%get3A_252, %get3A_253] {strides = array<i32>} : memref<128x128xf32, #tpu.memory_space<vmem>>, vector<16xf32>,
          %swap3A_255 = arith.index_cast %add3A_148 : i32 to index
          %swap3A_256 = arith.constant 80 : index
          %swap3A_257 = tpu.vector_load %arg10[%swap3A_255, %swap3A_256] {strides = array<i32>} : memref<128x128xf32, #tpu.memory_space<vmem>>, vector<16xf32>,
          tpu.vector_store %arg10[%swap3A_255, %swap3A_256], %get3A_254 {strides = array<i32>} : memref<128x128xf32, #tpu.memory_space<vmem>>, vector<16xf32>,
          %get3A_258 = arith.index_cast %add3A_148 : i32 to index
          %get3A_259 = arith.constant 96 : index
          %get3A_260 = tpu.vector_load %arg11[%get3A_258, %get3A_259] {strides = array<i32>} : memref<128x128xf32, #tpu.memory_space<vmem>>, vector<16xf32>,
          %swap3A_261 = arith.index_cast %add3A_148 : i32 to index
          %swap3A_262 = arith.constant 96 : index
          %swap3A_263 = tpu.vector_load %arg10[%swap3A_261, %swap3A_262] {strides = array<i32>} : memref<128x128xf32, #tpu.memory_space<vmem>>, vector<16xf32>,
          tpu.vector_store %arg10[%swap3A_261, %swap3A_262], %get3A_260 {strides = array<i32>} : memref<128x128xf32, #tpu.memory_space<vmem>>, vector<16xf32>,
          %get3A_264 = arith.index_cast %add3A_148 : i32 to index
          %get3A_265 = arith.constant 112 : index
          %get3A_266 = tpu.vector_load %arg11[%get3A_264, %get3A_265] {strides = array<i32>} : memref<128x128xf32, #tpu.memory_space<vmem>>, vector<16xf32>,
          %swap3A_267 = arith.index_cast %add3A_148 : i32 to index
          %swap3A_268 = arith.constant 112 : index
          %swap3A_269 = tpu.vector_load %arg10[%swap3A_267, %swap3A_268] {strides = array<i32>} : memref<128x128xf32, #tpu.memory_space<vmem>>, vector<16xf32>,
          tpu.vector_store %arg10[%swap3A_267, %swap3A_268], %get3A_266 {strides = array<i32>} : memref<128x128xf32, #tpu.memory_space<vmem>>, vector<16xf32>,
        } else {
        }
        %mul3A_156 = arith.constant 16 : i32
        %mul3A_157 = arith.muli %scan3A_44, %mul3A_156 : i32
        %add3A_158 = arith.constant 10 : i32
        %add3A_159 = arith.addi %mul3A_157, %add3A_158 : i32
        %slice3A_160 = vector.extract_strided_slice %get3A_48 {offsets = [10], sizes = [1], strides = [1]} : vector<16xi32> to vector<1xi32>
        %squeeze3A_161 = vector.extract %slice3A_160[0] : i32 from vector<1xi32>
        %ge3A_162 = arith.constant 0 : i32
        %ge3A_163 = arith.cmpi sge, %squeeze3A_161, %ge3A_162 : i32
        %convert_element_type3A_164 = arith.extui %ge3A_163 : i1 to i32
        %cond3A_165 = arith.constant 0 : i32
        %cond3A_166 = arith.cmpi ne, %convert_element_type3A_164, %cond3A_165 : i32
        scf.if %cond3A_166 {
          %get3A_223 = arith.index_cast %add3A_159 : i32 to index
          %get3A_224 = arith.constant 0 : index
          %get3A_225 = tpu.vector_load %arg11[%get3A_223, %get3A_224] {strides = array<i32>} : memref<128x128xf32, #tpu.memory_space<vmem>>, vector<16xf32>,
          %swap3A = arith.index_cast %add3A_159 : i32 to index
          %swap3A_226 = arith.constant 0 : index
          %swap3A_227 = tpu.vector_load %arg10[%swap3A, %swap3A_226] {strides = array<i32>} : memref<128x128xf32, #tpu.memory_space<vmem>>, vector<16xf32>,
          tpu.vector_store %arg10[%swap3A, %swap3A_226], %get3A_225 {strides = array<i32>} : memref<128x128xf32, #tpu.memory_space<vmem>>, vector<16xf32>,
          %get3A_228 = arith.index_cast %add3A_159 : i32 to index
          %get3A_229 = arith.constant 16 : index
          %get3A_230 = tpu.vector_load %arg11[%get3A_228, %get3A_229] {strides = array<i32>} : memref<128x128xf32, #tpu.memory_space<vmem>>, vector<16xf32>,
          %swap3A_231 = arith.index_cast %add3A_159 : i32 to index
          %swap3A_232 = arith.constant 16 : index
          %swap3A_233 = tpu.vector_load %arg10[%swap3A_231, %swap3A_232] {strides = array<i32>} : memref<128x128xf32, #tpu.memory_space<vmem>>, vector<16xf32>,
          tpu.vector_store %arg10[%swap3A_231, %swap3A_232], %get3A_230 {strides = array<i32>} : memref<128x128xf32, #tpu.memory_space<vmem>>, vector<16xf32>,
          %get3A_234 = arith.index_cast %add3A_159 : i32 to index
          %get3A_235 = arith.constant 32 : index
          %get3A_236 = tpu.vector_load %arg11[%get3A_234, %get3A_235] {strides = array<i32>} : memref<128x128xf32, #tpu.memory_space<vmem>>, vector<16xf32>,
          %swap3A_237 = arith.index_cast %add3A_159 : i32 to index
          %swap3A_238 = arith.constant 32 : index
          %swap3A_239 = tpu.vector_load %arg10[%swap3A_237, %swap3A_238] {strides = array<i32>} : memref<128x128xf32, #tpu.memory_space<vmem>>, vector<16xf32>,
          tpu.vector_store %arg10[%swap3A_237, %swap3A_238], %get3A_236 {strides = array<i32>} : memref<128x128xf32, #tpu.memory_space<vmem>>, vector<16xf32>,
          %get3A_240 = arith.index_cast %add3A_159 : i32 to index
          %get3A_241 = arith.constant 48 : index
          %get3A_242 = tpu.vector_load %arg11[%get3A_240, %get3A_241] {strides = array<i32>} : memref<128x128xf32, #tpu.memory_space<vmem>>, vector<16xf32>,
          %swap3A_243 = arith.index_cast %add3A_159 : i32 to index
          %swap3A_244 = arith.constant 48 : index
          %swap3A_245 = tpu.vector_load %arg10[%swap3A_243, %swap3A_244] {strides = array<i32>} : memref<128x128xf32, #tpu.memory_space<vmem>>, vector<16xf32>,
          tpu.vector_store %arg10[%swap3A_243, %swap3A_244], %get3A_242 {strides = array<i32>} : memref<128x128xf32, #tpu.memory_space<vmem>>, vector<16xf32>,
          %get3A_246 = arith.index_cast %add3A_159 : i32 to index
          %get3A_247 = arith.constant 64 : index
          %get3A_248 = tpu.vector_load %arg11[%get3A_246, %get3A_247] {strides = array<i32>} : memref<128x128xf32, #tpu.memory_space<vmem>>, vector<16xf32>,
          %swap3A_249 = arith.index_cast %add3A_159 : i32 to index
          %swap3A_250 = arith.constant 64 : index
          %swap3A_251 = tpu.vector_load %arg10[%swap3A_249, %swap3A_250] {strides = array<i32>} : memref<128x128xf32, #tpu.memory_space<vmem>>, vector<16xf32>,
          tpu.vector_store %arg10[%swap3A_249, %swap3A_250], %get3A_248 {strides = array<i32>} : memref<128x128xf32, #tpu.memory_space<vmem>>, vector<16xf32>,
          %get3A_252 = arith.index_cast %add3A_159 : i32 to index
          %get3A_253 = arith.constant 80 : index
          %get3A_254 = tpu.vector_load %arg11[%get3A_252, %get3A_253] {strides = array<i32>} : memref<128x128xf32, #tpu.memory_space<vmem>>, vector<16xf32>,
          %swap3A_255 = arith.index_cast %add3A_159 : i32 to index
          %swap3A_256 = arith.constant 80 : index
          %swap3A_257 = tpu.vector_load %arg10[%swap3A_255, %swap3A_256] {strides = array<i32>} : memref<128x128xf32, #tpu.memory_space<vmem>>, vector<16xf32>,
          tpu.vector_store %arg10[%swap3A_255, %swap3A_256], %get3A_254 {strides = array<i32>} : memref<128x128xf32, #tpu.memory_space<vmem>>, vector<16xf32>,
          %get3A_258 = arith.index_cast %add3A_159 : i32 to index
          %get3A_259 = arith.constant 96 : index
          %get3A_260 = tpu.vector_load %arg11[%get3A_258, %get3A_259] {strides = array<i32>} : memref<128x128xf32, #tpu.memory_space<vmem>>, vector<16xf32>,
          %swap3A_261 = arith.index_cast %add3A_159 : i32 to index
          %swap3A_262 = arith.constant 96 : index
          %swap3A_263 = tpu.vector_load %arg10[%swap3A_261, %swap3A_262] {strides = array<i32>} : memref<128x128xf32, #tpu.memory_space<vmem>>, vector<16xf32>,
          tpu.vector_store %arg10[%swap3A_261, %swap3A_262], %get3A_260 {strides = array<i32>} : memref<128x128xf32, #tpu.memory_space<vmem>>, vector<16xf32>,
          %get3A_264 = arith.index_cast %add3A_159 : i32 to index
          %get3A_265 = arith.constant 112 : index
          %get3A_266 = tpu.vector_load %arg11[%get3A_264, %get3A_265] {strides = array<i32>} : memref<128x128xf32, #tpu.memory_space<vmem>>, vector<16xf32>,
          %swap3A_267 = arith.index_cast %add3A_159 : i32 to index
          %swap3A_268 = arith.constant 112 : index
          %swap3A_269 = tpu.vector_load %arg10[%swap3A_267, %swap3A_268] {strides = array<i32>} : memref<128x128xf32, #tpu.memory_space<vmem>>, vector<16xf32>,
          tpu.vector_store %arg10[%swap3A_267, %swap3A_268], %get3A_266 {strides = array<i32>} : memref<128x128xf32, #tpu.memory_space<vmem>>, vector<16xf32>,
        } else {
        }
        %mul3A_167 = arith.constant 16 : i32
        %mul3A_168 = arith.muli %scan3A_44, %mul3A_167 : i32
        %add3A_169 = arith.constant 11 : i32
        %add3A_170 = arith.addi %mul3A_168, %add3A_169 : i32
        %slice3A_171 = vector.extract_strided_slice %get3A_48 {offsets = [11], sizes = [1], strides = [1]} : vector<16xi32> to vector<1xi32>
        %squeeze3A_172 = vector.extract %slice3A_171[0] : i32 from vector<1xi32>
        %ge3A_173 = arith.constant 0 : i32
        %ge3A_174 = arith.cmpi sge, %squeeze3A_172, %ge3A_173 : i32
        %convert_element_type3A_175 = arith.extui %ge3A_174 : i1 to i32
        %cond3A_176 = arith.constant 0 : i32
        %cond3A_177 = arith.cmpi ne, %convert_element_type3A_175, %cond3A_176 : i32
        scf.if %cond3A_177 {
          %get3A_223 = arith.index_cast %add3A_170 : i32 to index
          %get3A_224 = arith.constant 0 : index
          %get3A_225 = tpu.vector_load %arg11[%get3A_223, %get3A_224] {strides = array<i32>} : memref<128x128xf32, #tpu.memory_space<vmem>>, vector<16xf32>,
          %swap3A = arith.index_cast %add3A_170 : i32 to index
          %swap3A_226 = arith.constant 0 : index
          %swap3A_227 = tpu.vector_load %arg10[%swap3A, %swap3A_226] {strides = array<i32>} : memref<128x128xf32, #tpu.memory_space<vmem>>, vector<16xf32>,
          tpu.vector_store %arg10[%swap3A, %swap3A_226], %get3A_225 {strides = array<i32>} : memref<128x128xf32, #tpu.memory_space<vmem>>, vector<16xf32>,
          %get3A_228 = arith.index_cast %add3A_170 : i32 to index
          %get3A_229 = arith.constant 16 : index
          %get3A_230 = tpu.vector_load %arg11[%get3A_228, %get3A_229] {strides = array<i32>} : memref<128x128xf32, #tpu.memory_space<vmem>>, vector<16xf32>,
          %swap3A_231 = arith.index_cast %add3A_170 : i32 to index
          %swap3A_232 = arith.constant 16 : index
          %swap3A_233 = tpu.vector_load %arg10[%swap3A_231, %swap3A_232] {strides = array<i32>} : memref<128x128xf32, #tpu.memory_space<vmem>>, vector<16xf32>,
          tpu.vector_store %arg10[%swap3A_231, %swap3A_232], %get3A_230 {strides = array<i32>} : memref<128x128xf32, #tpu.memory_space<vmem>>, vector<16xf32>,
          %get3A_234 = arith.index_cast %add3A_170 : i32 to index
          %get3A_235 = arith.constant 32 : index
          %get3A_236 = tpu.vector_load %arg11[%get3A_234, %get3A_235] {strides = array<i32>} : memref<128x128xf32, #tpu.memory_space<vmem>>, vector<16xf32>,
          %swap3A_237 = arith.index_cast %add3A_170 : i32 to index
          %swap3A_238 = arith.constant 32 : index
          %swap3A_239 = tpu.vector_load %arg10[%swap3A_237, %swap3A_238] {strides = array<i32>} : memref<128x128xf32, #tpu.memory_space<vmem>>, vector<16xf32>,
          tpu.vector_store %arg10[%swap3A_237, %swap3A_238], %get3A_236 {strides = array<i32>} : memref<128x128xf32, #tpu.memory_space<vmem>>, vector<16xf32>,
          %get3A_240 = arith.index_cast %add3A_170 : i32 to index
          %get3A_241 = arith.constant 48 : index
          %get3A_242 = tpu.vector_load %arg11[%get3A_240, %get3A_241] {strides = array<i32>} : memref<128x128xf32, #tpu.memory_space<vmem>>, vector<16xf32>,
          %swap3A_243 = arith.index_cast %add3A_170 : i32 to index
          %swap3A_244 = arith.constant 48 : index
          %swap3A_245 = tpu.vector_load %arg10[%swap3A_243, %swap3A_244] {strides = array<i32>} : memref<128x128xf32, #tpu.memory_space<vmem>>, vector<16xf32>,
          tpu.vector_store %arg10[%swap3A_243, %swap3A_244], %get3A_242 {strides = array<i32>} : memref<128x128xf32, #tpu.memory_space<vmem>>, vector<16xf32>,
          %get3A_246 = arith.index_cast %add3A_170 : i32 to index
          %get3A_247 = arith.constant 64 : index
          %get3A_248 = tpu.vector_load %arg11[%get3A_246, %get3A_247] {strides = array<i32>} : memref<128x128xf32, #tpu.memory_space<vmem>>, vector<16xf32>,
          %swap3A_249 = arith.index_cast %add3A_170 : i32 to index
          %swap3A_250 = arith.constant 64 : index
          %swap3A_251 = tpu.vector_load %arg10[%swap3A_249, %swap3A_250] {strides = array<i32>} : memref<128x128xf32, #tpu.memory_space<vmem>>, vector<16xf32>,
          tpu.vector_store %arg10[%swap3A_249, %swap3A_250], %get3A_248 {strides = array<i32>} : memref<128x128xf32, #tpu.memory_space<vmem>>, vector<16xf32>,
          %get3A_252 = arith.index_cast %add3A_170 : i32 to index
          %get3A_253 = arith.constant 80 : index
          %get3A_254 = tpu.vector_load %arg11[%get3A_252, %get3A_253] {strides = array<i32>} : memref<128x128xf32, #tpu.memory_space<vmem>>, vector<16xf32>,
          %swap3A_255 = arith.index_cast %add3A_170 : i32 to index
          %swap3A_256 = arith.constant 80 : index
          %swap3A_257 = tpu.vector_load %arg10[%swap3A_255, %swap3A_256] {strides = array<i32>} : memref<128x128xf32, #tpu.memory_space<vmem>>, vector<16xf32>,
          tpu.vector_store %arg10[%swap3A_255, %swap3A_256], %get3A_254 {strides = array<i32>} : memref<128x128xf32, #tpu.memory_space<vmem>>, vector<16xf32>,
          %get3A_258 = arith.index_cast %add3A_170 : i32 to index
          %get3A_259 = arith.constant 96 : index
          %get3A_260 = tpu.vector_load %arg11[%get3A_258, %get3A_259] {strides = array<i32>} : memref<128x128xf32, #tpu.memory_space<vmem>>, vector<16xf32>,
          %swap3A_261 = arith.index_cast %add3A_170 : i32 to index
          %swap3A_262 = arith.constant 96 : index
          %swap3A_263 = tpu.vector_load %arg10[%swap3A_261, %swap3A_262] {strides = array<i32>} : memref<128x128xf32, #tpu.memory_space<vmem>>, vector<16xf32>,
          tpu.vector_store %arg10[%swap3A_261, %swap3A_262], %get3A_260 {strides = array<i32>} : memref<128x128xf32, #tpu.memory_space<vmem>>, vector<16xf32>,
          %get3A_264 = arith.index_cast %add3A_170 : i32 to index
          %get3A_265 = arith.constant 112 : index
          %get3A_266 = tpu.vector_load %arg11[%get3A_264, %get3A_265] {strides = array<i32>} : memref<128x128xf32, #tpu.memory_space<vmem>>, vector<16xf32>,
          %swap3A_267 = arith.index_cast %add3A_170 : i32 to index
          %swap3A_268 = arith.constant 112 : index
          %swap3A_269 = tpu.vector_load %arg10[%swap3A_267, %swap3A_268] {strides = array<i32>} : memref<128x128xf32, #tpu.memory_space<vmem>>, vector<16xf32>,
          tpu.vector_store %arg10[%swap3A_267, %swap3A_268], %get3A_266 {strides = array<i32>} : memref<128x128xf32, #tpu.memory_space<vmem>>, vector<16xf32>,
        } else {
        }
        %mul3A_178 = arith.constant 16 : i32
        %mul3A_179 = arith.muli %scan3A_44, %mul3A_178 : i32
        %add3A_180 = arith.constant 12 : i32
        %add3A_181 = arith.addi %mul3A_179, %add3A_180 : i32
        %slice3A_182 = vector.extract_strided_slice %get3A_48 {offsets = [12], sizes = [1], strides = [1]} : vector<16xi32> to vector<1xi32>
        %squeeze3A_183 = vector.extract %slice3A_182[0] : i32 from vector<1xi32>
        %ge3A_184 = arith.constant 0 : i32
        %ge3A_185 = arith.cmpi sge, %squeeze3A_183, %ge3A_184 : i32
        %convert_element_type3A_186 = arith.extui %ge3A_185 : i1 to i32
        %cond3A_187 = arith.constant 0 : i32
        %cond3A_188 = arith.cmpi ne, %convert_element_type3A_186, %cond3A_187 : i32
        scf.if %cond3A_188 {
          %get3A_223 = arith.index_cast %add3A_181 : i32 to index
          %get3A_224 = arith.constant 0 : index
          %get3A_225 = tpu.vector_load %arg11[%get3A_223, %get3A_224] {strides = array<i32>} : memref<128x128xf32, #tpu.memory_space<vmem>>, vector<16xf32>,
          %swap3A = arith.index_cast %add3A_181 : i32 to index
          %swap3A_226 = arith.constant 0 : index
          %swap3A_227 = tpu.vector_load %arg10[%swap3A, %swap3A_226] {strides = array<i32>} : memref<128x128xf32, #tpu.memory_space<vmem>>, vector<16xf32>,
          tpu.vector_store %arg10[%swap3A, %swap3A_226], %get3A_225 {strides = array<i32>} : memref<128x128xf32, #tpu.memory_space<vmem>>, vector<16xf32>,
          %get3A_228 = arith.index_cast %add3A_181 : i32 to index
          %get3A_229 = arith.constant 16 : index
          %get3A_230 = tpu.vector_load %arg11[%get3A_228, %get3A_229] {strides = array<i32>} : memref<128x128xf32, #tpu.memory_space<vmem>>, vector<16xf32>,
          %swap3A_231 = arith.index_cast %add3A_181 : i32 to index
          %swap3A_232 = arith.constant 16 : index
          %swap3A_233 = tpu.vector_load %arg10[%swap3A_231, %swap3A_232] {strides = array<i32>} : memref<128x128xf32, #tpu.memory_space<vmem>>, vector<16xf32>,
          tpu.vector_store %arg10[%swap3A_231, %swap3A_232], %get3A_230 {strides = array<i32>} : memref<128x128xf32, #tpu.memory_space<vmem>>, vector<16xf32>,
          %get3A_234 = arith.index_cast %add3A_181 : i32 to index
          %get3A_235 = arith.constant 32 : index
          %get3A_236 = tpu.vector_load %arg11[%get3A_234, %get3A_235] {strides = array<i32>} : memref<128x128xf32, #tpu.memory_space<vmem>>, vector<16xf32>,
          %swap3A_237 = arith.index_cast %add3A_181 : i32 to index
          %swap3A_238 = arith.constant 32 : index
          %swap3A_239 = tpu.vector_load %arg10[%swap3A_237, %swap3A_238] {strides = array<i32>} : memref<128x128xf32, #tpu.memory_space<vmem>>, vector<16xf32>,
          tpu.vector_store %arg10[%swap3A_237, %swap3A_238], %get3A_236 {strides = array<i32>} : memref<128x128xf32, #tpu.memory_space<vmem>>, vector<16xf32>,
          %get3A_240 = arith.index_cast %add3A_181 : i32 to index
          %get3A_241 = arith.constant 48 : index
          %get3A_242 = tpu.vector_load %arg11[%get3A_240, %get3A_241] {strides = array<i32>} : memref<128x128xf32, #tpu.memory_space<vmem>>, vector<16xf32>,
          %swap3A_243 = arith.index_cast %add3A_181 : i32 to index
          %swap3A_244 = arith.constant 48 : index
          %swap3A_245 = tpu.vector_load %arg10[%swap3A_243, %swap3A_244] {strides = array<i32>} : memref<128x128xf32, #tpu.memory_space<vmem>>, vector<16xf32>,
          tpu.vector_store %arg10[%swap3A_243, %swap3A_244], %get3A_242 {strides = array<i32>} : memref<128x128xf32, #tpu.memory_space<vmem>>, vector<16xf32>,
          %get3A_246 = arith.index_cast %add3A_181 : i32 to index
          %get3A_247 = arith.constant 64 : index
          %get3A_248 = tpu.vector_load %arg11[%get3A_246, %get3A_247] {strides = array<i32>} : memref<128x128xf32, #tpu.memory_space<vmem>>, vector<16xf32>,
          %swap3A_249 = arith.index_cast %add3A_181 : i32 to index
          %swap3A_250 = arith.constant 64 : index
          %swap3A_251 = tpu.vector_load %arg10[%swap3A_249, %swap3A_250] {strides = array<i32>} : memref<128x128xf32, #tpu.memory_space<vmem>>, vector<16xf32>,
          tpu.vector_store %arg10[%swap3A_249, %swap3A_250], %get3A_248 {strides = array<i32>} : memref<128x128xf32, #tpu.memory_space<vmem>>, vector<16xf32>,
          %get3A_252 = arith.index_cast %add3A_181 : i32 to index
          %get3A_253 = arith.constant 80 : index
          %get3A_254 = tpu.vector_load %arg11[%get3A_252, %get3A_253] {strides = array<i32>} : memref<128x128xf32, #tpu.memory_space<vmem>>, vector<16xf32>,
          %swap3A_255 = arith.index_cast %add3A_181 : i32 to index
          %swap3A_256 = arith.constant 80 : index
          %swap3A_257 = tpu.vector_load %arg10[%swap3A_255, %swap3A_256] {strides = array<i32>} : memref<128x128xf32, #tpu.memory_space<vmem>>, vector<16xf32>,
          tpu.vector_store %arg10[%swap3A_255, %swap3A_256], %get3A_254 {strides = array<i32>} : memref<128x128xf32, #tpu.memory_space<vmem>>, vector<16xf32>,
          %get3A_258 = arith.index_cast %add3A_181 : i32 to index
          %get3A_259 = arith.constant 96 : index
          %get3A_260 = tpu.vector_load %arg11[%get3A_258, %get3A_259] {strides = array<i32>} : memref<128x128xf32, #tpu.memory_space<vmem>>, vector<16xf32>,
          %swap3A_261 = arith.index_cast %add3A_181 : i32 to index
          %swap3A_262 = arith.constant 96 : index
          %swap3A_263 = tpu.vector_load %arg10[%swap3A_261, %swap3A_262] {strides = array<i32>} : memref<128x128xf32, #tpu.memory_space<vmem>>, vector<16xf32>,
          tpu.vector_store %arg10[%swap3A_261, %swap3A_262], %get3A_260 {strides = array<i32>} : memref<128x128xf32, #tpu.memory_space<vmem>>, vector<16xf32>,
          %get3A_264 = arith.index_cast %add3A_181 : i32 to index
          %get3A_265 = arith.constant 112 : index
          %get3A_266 = tpu.vector_load %arg11[%get3A_264, %get3A_265] {strides = array<i32>} : memref<128x128xf32, #tpu.memory_space<vmem>>, vector<16xf32>,
          %swap3A_267 = arith.index_cast %add3A_181 : i32 to index
          %swap3A_268 = arith.constant 112 : index
          %swap3A_269 = tpu.vector_load %arg10[%swap3A_267, %swap3A_268] {strides = array<i32>} : memref<128x128xf32, #tpu.memory_space<vmem>>, vector<16xf32>,
          tpu.vector_store %arg10[%swap3A_267, %swap3A_268], %get3A_266 {strides = array<i32>} : memref<128x128xf32, #tpu.memory_space<vmem>>, vector<16xf32>,
        } else {
        }
        %mul3A_189 = arith.constant 16 : i32
        %mul3A_190 = arith.muli %scan3A_44, %mul3A_189 : i32
        %add3A_191 = arith.constant 13 : i32
        %add3A_192 = arith.addi %mul3A_190, %add3A_191 : i32
        %slice3A_193 = vector.extract_strided_slice %get3A_48 {offsets = [13], sizes = [1], strides = [1]} : vector<16xi32> to vector<1xi32>
        %squeeze3A_194 = vector.extract %slice3A_193[0] : i32 from vector<1xi32>
        %ge3A_195 = arith.constant 0 : i32
        %ge3A_196 = arith.cmpi sge, %squeeze3A_194, %ge3A_195 : i32
        %convert_element_type3A_197 = arith.extui %ge3A_196 : i1 to i32
        %cond3A_198 = arith.constant 0 : i32
        %cond3A_199 = arith.cmpi ne, %convert_element_type3A_197, %cond3A_198 : i32
        scf.if %cond3A_199 {
          %get3A_223 = arith.index_cast %add3A_192 : i32 to index
          %get3A_224 = arith.constant 0 : index
          %get3A_225 = tpu.vector_load %arg11[%get3A_223, %get3A_224] {strides = array<i32>} : memref<128x128xf32, #tpu.memory_space<vmem>>, vector<16xf32>,
          %swap3A = arith.index_cast %add3A_192 : i32 to index
          %swap3A_226 = arith.constant 0 : index
          %swap3A_227 = tpu.vector_load %arg10[%swap3A, %swap3A_226] {strides = array<i32>} : memref<128x128xf32, #tpu.memory_space<vmem>>, vector<16xf32>,
          tpu.vector_store %arg10[%swap3A, %swap3A_226], %get3A_225 {strides = array<i32>} : memref<128x128xf32, #tpu.memory_space<vmem>>, vector<16xf32>,
          %get3A_228 = arith.index_cast %add3A_192 : i32 to index
          %get3A_229 = arith.constant 16 : index
          %get3A_230 = tpu.vector_load %arg11[%get3A_228, %get3A_229] {strides = array<i32>} : memref<128x128xf32, #tpu.memory_space<vmem>>, vector<16xf32>,
          %swap3A_231 = arith.index_cast %add3A_192 : i32 to index
          %swap3A_232 = arith.constant 16 : index
          %swap3A_233 = tpu.vector_load %arg10[%swap3A_231, %swap3A_232] {strides = array<i32>} : memref<128x128xf32, #tpu.memory_space<vmem>>, vector<16xf32>,
          tpu.vector_store %arg10[%swap3A_231, %swap3A_232], %get3A_230 {strides = array<i32>} : memref<128x128xf32, #tpu.memory_space<vmem>>, vector<16xf32>,
          %get3A_234 = arith.index_cast %add3A_192 : i32 to index
          %get3A_235 = arith.constant 32 : index
          %get3A_236 = tpu.vector_load %arg11[%get3A_234, %get3A_235] {strides = array<i32>} : memref<128x128xf32, #tpu.memory_space<vmem>>, vector<16xf32>,
          %swap3A_237 = arith.index_cast %add3A_192 : i32 to index
          %swap3A_238 = arith.constant 32 : index
          %swap3A_239 = tpu.vector_load %arg10[%swap3A_237, %swap3A_238] {strides = array<i32>} : memref<128x128xf32, #tpu.memory_space<vmem>>, vector<16xf32>,
          tpu.vector_store %arg10[%swap3A_237, %swap3A_238], %get3A_236 {strides = array<i32>} : memref<128x128xf32, #tpu.memory_space<vmem>>, vector<16xf32>,
          %get3A_240 = arith.index_cast %add3A_192 : i32 to index
          %get3A_241 = arith.constant 48 : index
          %get3A_242 = tpu.vector_load %arg11[%get3A_240, %get3A_241] {strides = array<i32>} : memref<128x128xf32, #tpu.memory_space<vmem>>, vector<16xf32>,
          %swap3A_243 = arith.index_cast %add3A_192 : i32 to index
          %swap3A_244 = arith.constant 48 : index
          %swap3A_245 = tpu.vector_load %arg10[%swap3A_243, %swap3A_244] {strides = array<i32>} : memref<128x128xf32, #tpu.memory_space<vmem>>, vector<16xf32>,
          tpu.vector_store %arg10[%swap3A_243, %swap3A_244], %get3A_242 {strides = array<i32>} : memref<128x128xf32, #tpu.memory_space<vmem>>, vector<16xf32>,
          %get3A_246 = arith.index_cast %add3A_192 : i32 to index
          %get3A_247 = arith.constant 64 : index
          %get3A_248 = tpu.vector_load %arg11[%get3A_246, %get3A_247] {strides = array<i32>} : memref<128x128xf32, #tpu.memory_space<vmem>>, vector<16xf32>,
          %swap3A_249 = arith.index_cast %add3A_192 : i32 to index
          %swap3A_250 = arith.constant 64 : index
          %swap3A_251 = tpu.vector_load %arg10[%swap3A_249, %swap3A_250] {strides = array<i32>} : memref<128x128xf32, #tpu.memory_space<vmem>>, vector<16xf32>,
          tpu.vector_store %arg10[%swap3A_249, %swap3A_250], %get3A_248 {strides = array<i32>} : memref<128x128xf32, #tpu.memory_space<vmem>>, vector<16xf32>,
          %get3A_252 = arith.index_cast %add3A_192 : i32 to index
          %get3A_253 = arith.constant 80 : index
          %get3A_254 = tpu.vector_load %arg11[%get3A_252, %get3A_253] {strides = array<i32>} : memref<128x128xf32, #tpu.memory_space<vmem>>, vector<16xf32>,
          %swap3A_255 = arith.index_cast %add3A_192 : i32 to index
          %swap3A_256 = arith.constant 80 : index
          %swap3A_257 = tpu.vector_load %arg10[%swap3A_255, %swap3A_256] {strides = array<i32>} : memref<128x128xf32, #tpu.memory_space<vmem>>, vector<16xf32>,
          tpu.vector_store %arg10[%swap3A_255, %swap3A_256], %get3A_254 {strides = array<i32>} : memref<128x128xf32, #tpu.memory_space<vmem>>, vector<16xf32>,
          %get3A_258 = arith.index_cast %add3A_192 : i32 to index
          %get3A_259 = arith.constant 96 : index
          %get3A_260 = tpu.vector_load %arg11[%get3A_258, %get3A_259] {strides = array<i32>} : memref<128x128xf32, #tpu.memory_space<vmem>>, vector<16xf32>,
          %swap3A_261 = arith.index_cast %add3A_192 : i32 to index
          %swap3A_262 = arith.constant 96 : index
          %swap3A_263 = tpu.vector_load %arg10[%swap3A_261, %swap3A_262] {strides = array<i32>} : memref<128x128xf32, #tpu.memory_space<vmem>>, vector<16xf32>,
          tpu.vector_store %arg10[%swap3A_261, %swap3A_262], %get3A_260 {strides = array<i32>} : memref<128x128xf32, #tpu.memory_space<vmem>>, vector<16xf32>,
          %get3A_264 = arith.index_cast %add3A_192 : i32 to index
          %get3A_265 = arith.constant 112 : index
          %get3A_266 = tpu.vector_load %arg11[%get3A_264, %get3A_265] {strides = array<i32>} : memref<128x128xf32, #tpu.memory_space<vmem>>, vector<16xf32>,
          %swap3A_267 = arith.index_cast %add3A_192 : i32 to index
          %swap3A_268 = arith.constant 112 : index
          %swap3A_269 = tpu.vector_load %arg10[%swap3A_267, %swap3A_268] {strides = array<i32>} : memref<128x128xf32, #tpu.memory_space<vmem>>, vector<16xf32>,
          tpu.vector_store %arg10[%swap3A_267, %swap3A_268], %get3A_266 {strides = array<i32>} : memref<128x128xf32, #tpu.memory_space<vmem>>, vector<16xf32>,
        } else {
        }
        %mul3A_200 = arith.constant 16 : i32
        %mul3A_201 = arith.muli %scan3A_44, %mul3A_200 : i32
        %add3A_202 = arith.constant 14 : i32
        %add3A_203 = arith.addi %mul3A_201, %add3A_202 : i32
        %slice3A_204 = vector.extract_strided_slice %get3A_48 {offsets = [14], sizes = [1], strides = [1]} : vector<16xi32> to vector<1xi32>
        %squeeze3A_205 = vector.extract %slice3A_204[0] : i32 from vector<1xi32>
        %ge3A_206 = arith.constant 0 : i32
        %ge3A_207 = arith.cmpi sge, %squeeze3A_205, %ge3A_206 : i32
        %convert_element_type3A_208 = arith.extui %ge3A_207 : i1 to i32
        %cond3A_209 = arith.constant 0 : i32
        %cond3A_210 = arith.cmpi ne, %convert_element_type3A_208, %cond3A_209 : i32
        scf.if %cond3A_210 {
          %get3A_223 = arith.index_cast %add3A_203 : i32 to index
          %get3A_224 = arith.constant 0 : index
          %get3A_225 = tpu.vector_load %arg11[%get3A_223, %get3A_224] {strides = array<i32>} : memref<128x128xf32, #tpu.memory_space<vmem>>, vector<16xf32>,
          %swap3A = arith.index_cast %add3A_203 : i32 to index
          %swap3A_226 = arith.constant 0 : index
          %swap3A_227 = tpu.vector_load %arg10[%swap3A, %swap3A_226] {strides = array<i32>} : memref<128x128xf32, #tpu.memory_space<vmem>>, vector<16xf32>,
          tpu.vector_store %arg10[%swap3A, %swap3A_226], %get3A_225 {strides = array<i32>} : memref<128x128xf32, #tpu.memory_space<vmem>>, vector<16xf32>,
          %get3A_228 = arith.index_cast %add3A_203 : i32 to index
          %get3A_229 = arith.constant 16 : index
          %get3A_230 = tpu.vector_load %arg11[%get3A_228, %get3A_229] {strides = array<i32>} : memref<128x128xf32, #tpu.memory_space<vmem>>, vector<16xf32>,
          %swap3A_231 = arith.index_cast %add3A_203 : i32 to index
          %swap3A_232 = arith.constant 16 : index
          %swap3A_233 = tpu.vector_load %arg10[%swap3A_231, %swap3A_232] {strides = array<i32>} : memref<128x128xf32, #tpu.memory_space<vmem>>, vector<16xf32>,
          tpu.vector_store %arg10[%swap3A_231, %swap3A_232], %get3A_230 {strides = array<i32>} : memref<128x128xf32, #tpu.memory_space<vmem>>, vector<16xf32>,
          %get3A_234 = arith.index_cast %add3A_203 : i32 to index
          %get3A_235 = arith.constant 32 : index
          %get3A_236 = tpu.vector_load %arg11[%get3A_234, %get3A_235] {strides = array<i32>} : memref<128x128xf32, #tpu.memory_space<vmem>>, vector<16xf32>,
          %swap3A_237 = arith.index_cast %add3A_203 : i32 to index
          %swap3A_238 = arith.constant 32 : index
          %swap3A_239 = tpu.vector_load %arg10[%swap3A_237, %swap3A_238] {strides = array<i32>} : memref<128x128xf32, #tpu.memory_space<vmem>>, vector<16xf32>,
          tpu.vector_store %arg10[%swap3A_237, %swap3A_238], %get3A_236 {strides = array<i32>} : memref<128x128xf32, #tpu.memory_space<vmem>>, vector<16xf32>,
          %get3A_240 = arith.index_cast %add3A_203 : i32 to index
          %get3A_241 = arith.constant 48 : index
          %get3A_242 = tpu.vector_load %arg11[%get3A_240, %get3A_241] {strides = array<i32>} : memref<128x128xf32, #tpu.memory_space<vmem>>, vector<16xf32>,
          %swap3A_243 = arith.index_cast %add3A_203 : i32 to index
          %swap3A_244 = arith.constant 48 : index
          %swap3A_245 = tpu.vector_load %arg10[%swap3A_243, %swap3A_244] {strides = array<i32>} : memref<128x128xf32, #tpu.memory_space<vmem>>, vector<16xf32>,
          tpu.vector_store %arg10[%swap3A_243, %swap3A_244], %get3A_242 {strides = array<i32>} : memref<128x128xf32, #tpu.memory_space<vmem>>, vector<16xf32>,
          %get3A_246 = arith.index_cast %add3A_203 : i32 to index
          %get3A_247 = arith.constant 64 : index
          %get3A_248 = tpu.vector_load %arg11[%get3A_246, %get3A_247] {strides = array<i32>} : memref<128x128xf32, #tpu.memory_space<vmem>>, vector<16xf32>,
          %swap3A_249 = arith.index_cast %add3A_203 : i32 to index
          %swap3A_250 = arith.constant 64 : index
          %swap3A_251 = tpu.vector_load %arg10[%swap3A_249, %swap3A_250] {strides = array<i32>} : memref<128x128xf32, #tpu.memory_space<vmem>>, vector<16xf32>,
          tpu.vector_store %arg10[%swap3A_249, %swap3A_250], %get3A_248 {strides = array<i32>} : memref<128x128xf32, #tpu.memory_space<vmem>>, vector<16xf32>,
          %get3A_252 = arith.index_cast %add3A_203 : i32 to index
          %get3A_253 = arith.constant 80 : index
          %get3A_254 = tpu.vector_load %arg11[%get3A_252, %get3A_253] {strides = array<i32>} : memref<128x128xf32, #tpu.memory_space<vmem>>, vector<16xf32>,
          %swap3A_255 = arith.index_cast %add3A_203 : i32 to index
          %swap3A_256 = arith.constant 80 : index
          %swap3A_257 = tpu.vector_load %arg10[%swap3A_255, %swap3A_256] {strides = array<i32>} : memref<128x128xf32, #tpu.memory_space<vmem>>, vector<16xf32>,
          tpu.vector_store %arg10[%swap3A_255, %swap3A_256], %get3A_254 {strides = array<i32>} : memref<128x128xf32, #tpu.memory_space<vmem>>, vector<16xf32>,
          %get3A_258 = arith.index_cast %add3A_203 : i32 to index
          %get3A_259 = arith.constant 96 : index
          %get3A_260 = tpu.vector_load %arg11[%get3A_258, %get3A_259] {strides = array<i32>} : memref<128x128xf32, #tpu.memory_space<vmem>>, vector<16xf32>,
          %swap3A_261 = arith.index_cast %add3A_203 : i32 to index
          %swap3A_262 = arith.constant 96 : index
          %swap3A_263 = tpu.vector_load %arg10[%swap3A_261, %swap3A_262] {strides = array<i32>} : memref<128x128xf32, #tpu.memory_space<vmem>>, vector<16xf32>,
          tpu.vector_store %arg10[%swap3A_261, %swap3A_262], %get3A_260 {strides = array<i32>} : memref<128x128xf32, #tpu.memory_space<vmem>>, vector<16xf32>,
          %get3A_264 = arith.index_cast %add3A_203 : i32 to index
          %get3A_265 = arith.constant 112 : index
          %get3A_266 = tpu.vector_load %arg11[%get3A_264, %get3A_265] {strides = array<i32>} : memref<128x128xf32, #tpu.memory_space<vmem>>, vector<16xf32>,
          %swap3A_267 = arith.index_cast %add3A_203 : i32 to index
          %swap3A_268 = arith.constant 112 : index
          %swap3A_269 = tpu.vector_load %arg10[%swap3A_267, %swap3A_268] {strides = array<i32>} : memref<128x128xf32, #tpu.memory_space<vmem>>, vector<16xf32>,
          tpu.vector_store %arg10[%swap3A_267, %swap3A_268], %get3A_266 {strides = array<i32>} : memref<128x128xf32, #tpu.memory_space<vmem>>, vector<16xf32>,
        } else {
        }
        %mul3A_211 = arith.constant 16 : i32
        %mul3A_212 = arith.muli %scan3A_44, %mul3A_211 : i32
        %add3A_213 = arith.constant 15 : i32
        %add3A_214 = arith.addi %mul3A_212, %add3A_213 : i32
        %slice3A_215 = vector.extract_strided_slice %get3A_48 {offsets = [15], sizes = [1], strides = [1]} : vector<16xi32> to vector<1xi32>
        %squeeze3A_216 = vector.extract %slice3A_215[0] : i32 from vector<1xi32>
        %ge3A_217 = arith.constant 0 : i32
        %ge3A_218 = arith.cmpi sge, %squeeze3A_216, %ge3A_217 : i32
        %convert_element_type3A_219 = arith.extui %ge3A_218 : i1 to i32
        %cond3A_220 = arith.constant 0 : i32
        %cond3A_221 = arith.cmpi ne, %convert_element_type3A_219, %cond3A_220 : i32
        scf.if %cond3A_221 {
          %get3A_223 = arith.index_cast %add3A_214 : i32 to index
          %get3A_224 = arith.constant 0 : index
          %get3A_225 = tpu.vector_load %arg11[%get3A_223, %get3A_224] {strides = array<i32>} : memref<128x128xf32, #tpu.memory_space<vmem>>, vector<16xf32>,
          %swap3A = arith.index_cast %add3A_214 : i32 to index
          %swap3A_226 = arith.constant 0 : index
          %swap3A_227 = tpu.vector_load %arg10[%swap3A, %swap3A_226] {strides = array<i32>} : memref<128x128xf32, #tpu.memory_space<vmem>>, vector<16xf32>,
          tpu.vector_store %arg10[%swap3A, %swap3A_226], %get3A_225 {strides = array<i32>} : memref<128x128xf32, #tpu.memory_space<vmem>>, vector<16xf32>,
          %get3A_228 = arith.index_cast %add3A_214 : i32 to index
          %get3A_229 = arith.constant 16 : index
          %get3A_230 = tpu.vector_load %arg11[%get3A_228, %get3A_229] {strides = array<i32>} : memref<128x128xf32, #tpu.memory_space<vmem>>, vector<16xf32>,
          %swap3A_231 = arith.index_cast %add3A_214 : i32 to index
          %swap3A_232 = arith.constant 16 : index
          %swap3A_233 = tpu.vector_load %arg10[%swap3A_231, %swap3A_232] {strides = array<i32>} : memref<128x128xf32, #tpu.memory_space<vmem>>, vector<16xf32>,
          tpu.vector_store %arg10[%swap3A_231, %swap3A_232], %get3A_230 {strides = array<i32>} : memref<128x128xf32, #tpu.memory_space<vmem>>, vector<16xf32>,
          %get3A_234 = arith.index_cast %add3A_214 : i32 to index
          %get3A_235 = arith.constant 32 : index
          %get3A_236 = tpu.vector_load %arg11[%get3A_234, %get3A_235] {strides = array<i32>} : memref<128x128xf32, #tpu.memory_space<vmem>>, vector<16xf32>,
          %swap3A_237 = arith.index_cast %add3A_214 : i32 to index
          %swap3A_238 = arith.constant 32 : index
          %swap3A_239 = tpu.vector_load %arg10[%swap3A_237, %swap3A_238] {strides = array<i32>} : memref<128x128xf32, #tpu.memory_space<vmem>>, vector<16xf32>,
          tpu.vector_store %arg10[%swap3A_237, %swap3A_238], %get3A_236 {strides = array<i32>} : memref<128x128xf32, #tpu.memory_space<vmem>>, vector<16xf32>,
          %get3A_240 = arith.index_cast %add3A_214 : i32 to index
          %get3A_241 = arith.constant 48 : index
          %get3A_242 = tpu.vector_load %arg11[%get3A_240, %get3A_241] {strides = array<i32>} : memref<128x128xf32, #tpu.memory_space<vmem>>, vector<16xf32>,
          %swap3A_243 = arith.index_cast %add3A_214 : i32 to index
          %swap3A_244 = arith.constant 48 : index
          %swap3A_245 = tpu.vector_load %arg10[%swap3A_243, %swap3A_244] {strides = array<i32>} : memref<128x128xf32, #tpu.memory_space<vmem>>, vector<16xf32>,
          tpu.vector_store %arg10[%swap3A_243, %swap3A_244], %get3A_242 {strides = array<i32>} : memref<128x128xf32, #tpu.memory_space<vmem>>, vector<16xf32>,
          %get3A_246 = arith.index_cast %add3A_214 : i32 to index
          %get3A_247 = arith.constant 64 : index
          %get3A_248 = tpu.vector_load %arg11[%get3A_246, %get3A_247] {strides = array<i32>} : memref<128x128xf32, #tpu.memory_space<vmem>>, vector<16xf32>,
          %swap3A_249 = arith.index_cast %add3A_214 : i32 to index
          %swap3A_250 = arith.constant 64 : index
          %swap3A_251 = tpu.vector_load %arg10[%swap3A_249, %swap3A_250] {strides = array<i32>} : memref<128x128xf32, #tpu.memory_space<vmem>>, vector<16xf32>,
          tpu.vector_store %arg10[%swap3A_249, %swap3A_250], %get3A_248 {strides = array<i32>} : memref<128x128xf32, #tpu.memory_space<vmem>>, vector<16xf32>,
          %get3A_252 = arith.index_cast %add3A_214 : i32 to index
          %get3A_253 = arith.constant 80 : index
          %get3A_254 = tpu.vector_load %arg11[%get3A_252, %get3A_253] {strides = array<i32>} : memref<128x128xf32, #tpu.memory_space<vmem>>, vector<16xf32>,
          %swap3A_255 = arith.index_cast %add3A_214 : i32 to index
          %swap3A_256 = arith.constant 80 : index
          %swap3A_257 = tpu.vector_load %arg10[%swap3A_255, %swap3A_256] {strides = array<i32>} : memref<128x128xf32, #tpu.memory_space<vmem>>, vector<16xf32>,
          tpu.vector_store %arg10[%swap3A_255, %swap3A_256], %get3A_254 {strides = array<i32>} : memref<128x128xf32, #tpu.memory_space<vmem>>, vector<16xf32>,
          %get3A_258 = arith.index_cast %add3A_214 : i32 to index
          %get3A_259 = arith.constant 96 : index
          %get3A_260 = tpu.vector_load %arg11[%get3A_258, %get3A_259] {strides = array<i32>} : memref<128x128xf32, #tpu.memory_space<vmem>>, vector<16xf32>,
          %swap3A_261 = arith.index_cast %add3A_214 : i32 to index
          %swap3A_262 = arith.constant 96 : index
          %swap3A_263 = tpu.vector_load %arg10[%swap3A_261, %swap3A_262] {strides = array<i32>} : memref<128x128xf32, #tpu.memory_space<vmem>>, vector<16xf32>,
          tpu.vector_store %arg10[%swap3A_261, %swap3A_262], %get3A_260 {strides = array<i32>} : memref<128x128xf32, #tpu.memory_space<vmem>>, vector<16xf32>,
          %get3A_264 = arith.index_cast %add3A_214 : i32 to index
          %get3A_265 = arith.constant 112 : index
          %get3A_266 = tpu.vector_load %arg11[%get3A_264, %get3A_265] {strides = array<i32>} : memref<128x128xf32, #tpu.memory_space<vmem>>, vector<16xf32>,
          %swap3A_267 = arith.index_cast %add3A_214 : i32 to index
          %swap3A_268 = arith.constant 112 : index
          %swap3A_269 = tpu.vector_load %arg10[%swap3A_267, %swap3A_268] {strides = array<i32>} : memref<128x128xf32, #tpu.memory_space<vmem>>, vector<16xf32>,
          tpu.vector_store %arg10[%swap3A_267, %swap3A_268], %get3A_266 {strides = array<i32>} : memref<128x128xf32, #tpu.memory_space<vmem>>, vector<16xf32>,
        } else {
        }
        %scan3A_222 = arith.constant 0 : i32
        scf.yield %scan3A_222 : i32
      }
      %scan3A_43 = arith.constant 2 : i32
      "tpu.region"() ({
        %run_scoped3A = tpu.sem_alloc : memref<!tpu.dma_semaphore, #tpu.memory_space<semaphore_mem>>
        %dma_start3A_44 = arith.constant 0 : i32
        %dma_start3A_45 = arith.constant 0 : i32
        %dma_start3A_46 = tpu.memref_slice %arg10[%dma_start3A_44, %dma_start3A_45] : memref<128x128xf32, #tpu.memory_space<vmem>> -> memref<32x128xf32, #tpu.memory_space<vmem>>
        %dma_start3A_47 = arith.constant 99968 : i32
        %dma_start3A_48 = arith.constant 0 : i32
        %dma_start3A_49 = tpu.memref_slice %arg6[%dma_start3A_47, %dma_start3A_48] : memref<100000x128xf32, #tpu.memory_space<hbm>> -> memref<32x128xf32, #tpu.memory_space<hbm>>
        %dma_start3A_50 = arith.constant 99968 : i32
        %dma_start3A_51 = arith.constant 0 : i32
        %dma_start3A_52 = tpu.memref_slice %arg6[%dma_start3A_50, %dma_start3A_51] : memref<100000x128xf32, #tpu.memory_space<hbm>> -> memref<32x128xf32, #tpu.memory_space<hbm>>
        %dma_start3A_53 = arith.constant 0 : i32
        %dma_start3A_54 = arith.constant 0 : i32
        %dma_start3A_55 = tpu.memref_slice %arg10[%dma_start3A_53, %dma_start3A_54] : memref<128x128xf32, #tpu.memory_space<vmem>> -> memref<32x128xf32, #tpu.memory_space<vmem>>
        tpu.enqueue_dma source(%dma_start3A_55 : memref<32x128xf32, #tpu.memory_space<vmem>>) target(%dma_start3A_52 : memref<32x128xf32, #tpu.memory_space<hbm>>) target_semaphore(%run_scoped3A : memref<!tpu.dma_semaphore, #tpu.memory_space<semaphore_mem>>)
        %dma_wait3A_56 = arith.constant 0 : i32
        %dma_wait3A_57 = arith.constant 0 : i32
        %dma_wait3A_58 = tpu.memref_slice %arg10[%dma_wait3A_56, %dma_wait3A_57] : memref<128x128xf32, #tpu.memory_space<vmem>> -> memref<32x128xf32, #tpu.memory_space<vmem>>
        %dma_wait3A_59 = arith.constant 99968 : i32
        %dma_wait3A_60 = arith.constant 0 : i32
        %dma_wait3A_61 = tpu.memref_slice %arg6[%dma_wait3A_59, %dma_wait3A_60] : memref<100000x128xf32, #tpu.memory_space<hbm>> -> memref<32x128xf32, #tpu.memory_space<hbm>>
        %dma_wait3A_62 = arith.constant 99968 : i32
        %dma_wait3A_63 = arith.constant 0 : i32
        %dma_wait3A_64 = tpu.memref_slice %arg6[%dma_wait3A_62, %dma_wait3A_63] : memref<100000x128xf32, #tpu.memory_space<hbm>> -> memref<32x128xf32, #tpu.memory_space<hbm>>
        %dma_wait3A_65 = arith.constant 0 : i32
        %dma_wait3A_66 = arith.constant 0 : i32
        %dma_wait3A_67 = tpu.memref_slice %arg10[%dma_wait3A_65, %dma_wait3A_66] : memref<128x128xf32, #tpu.memory_space<vmem>> -> memref<32x128xf32, #tpu.memory_space<vmem>>
        tpu.wait_dma2 semaphore(%run_scoped3A : memref<!tpu.dma_semaphore, #tpu.memory_space<semaphore_mem>>) src(%dma_wait3A_67 : memref<32x128xf32, #tpu.memory_space<vmem>>) dst(%dma_wait3A_64 : memref<32x128xf32, #tpu.memory_space<hbm>>)
        tpu.yield
      }) : () -> ()
    } else {
    }
    %scan3A_9 = arith.constant 0 : i32
    %scan3A_10 = arith.constant 0 : i32
    %scan3A_11 = arith.constant 4 : i32
    %scan3A_12 = arith.addi %scan3A_10, %scan3A_11 : i32
    %scan3A_13 = arith.constant 1 : i32
    %scan3A_14 = scf.for %scan3A_16 = %scan3A_10 to %scan3A_12 step %scan3A_13 iter_args(%scan3A_17 = %scan3A_9) -> (i32)  : i32 {
      %mul3A_18 = arith.constant 512 : i32
      %mul3A_19 = arith.muli %add3A, %mul3A_18 : i32
      %mul3A_20 = arith.constant 128 : i32
      %mul3A_21 = arith.muli %scan3A_16, %mul3A_20 : i32
      %add3A_22 = arith.addi %mul3A_19, %mul3A_21 : i32
      "tpu.region"() ({
        %run_scoped3A = tpu.sem_alloc : memref<!tpu.dma_semaphore, #tpu.memory_space<semaphore_mem>>
        %dma_start3A_62 = tpu.memref_slice %arg5[%add3A_22] : memref<16384xi32, #tpu.memory_space<hbm>> -> memref<128xi32, #tpu.memory_space<hbm>>
        %dma_start3A_63 = tpu.memref_slice %arg5[%add3A_22] : memref<16384xi32, #tpu.memory_space<hbm>> -> memref<128xi32, #tpu.memory_space<hbm>>
        tpu.enqueue_dma source(%dma_start3A_63 : memref<128xi32, #tpu.memory_space<hbm>>) target(%arg9 : memref<128xi32, #tpu.memory_space<vmem>>) target_semaphore(%run_scoped3A : memref<!tpu.dma_semaphore, #tpu.memory_space<semaphore_mem>>)
        %dma_wait3A_64 = tpu.memref_slice %arg5[%add3A_22] : memref<16384xi32, #tpu.memory_space<hbm>> -> memref<128xi32, #tpu.memory_space<hbm>>
        %dma_wait3A_65 = tpu.memref_slice %arg5[%add3A_22] : memref<16384xi32, #tpu.memory_space<hbm>> -> memref<128xi32, #tpu.memory_space<hbm>>
        tpu.wait_dma2 semaphore(%run_scoped3A : memref<!tpu.dma_semaphore, #tpu.memory_space<semaphore_mem>>) src(%dma_wait3A_65 : memref<128xi32, #tpu.memory_space<hbm>>) dst(%arg9 : memref<128xi32, #tpu.memory_space<vmem>>)
        tpu.yield
      }) : () -> ()
      %dma_start3A = arith.constant 0 : i32
      %dma_start3A_23 = tpu.memref_slice %arg4[%dma_start3A] : memref<100000xi32, #tpu.memory_space<hbm>> -> memref<100000xi32, #tpu.memory_space<hbm>>
      tpu.enqueue_indirect_dma source(%dma_start3A_23 : memref<100000xi32, #tpu.memory_space<hbm>>) target(%arg8 : memref<128xi32, #tpu.memory_space<vmem>>) offsets(%arg9 : memref<128xi32, #tpu.memory_space<vmem>>) semaphore(%arg12 : memref<!tpu.dma_semaphore, #tpu.memory_space<semaphore_mem>>)
      %dma_wait3A = arith.constant 0 : i32
      %dma_wait3A_24 = tpu.memref_slice %arg4[%dma_wait3A] : memref<100000xi32, #tpu.memory_space<hbm>> -> memref<100000xi32, #tpu.memory_space<hbm>>
      tpu.wait_indirect_dma semaphore(%arg12 : memref<!tpu.dma_semaphore, #tpu.memory_space<semaphore_mem>>) src(%dma_wait3A_24 : memref<100000xi32, #tpu.memory_space<hbm>>) dst(%arg8 : memref<128xi32, #tpu.memory_space<vmem>>)
      %dma_start3A_25 = arith.constant 0 : i32
      %dma_start3A_26 = arith.constant 0 : i32
      %dma_start3A_27 = tpu.memref_slice %arg2[%dma_start3A_25, %dma_start3A_26] : memref<100000x128xf32, #tpu.memory_space<hbm>> -> memref<100000x128xf32, #tpu.memory_space<hbm>>
      tpu.enqueue_indirect_dma source(%dma_start3A_27 : memref<100000x128xf32, #tpu.memory_space<hbm>>) target(%arg10 : memref<128x128xf32, #tpu.memory_space<vmem>>) offsets(%arg9 : memref<128xi32, #tpu.memory_space<vmem>>) semaphore(%arg12 : memref<!tpu.dma_semaphore, #tpu.memory_space<semaphore_mem>>)
      %dma_wait3A_28 = arith.constant 0 : i32
      %dma_wait3A_29 = arith.constant 0 : i32
      %dma_wait3A_30 = tpu.memref_slice %arg2[%dma_wait3A_28, %dma_wait3A_29] : memref<100000x128xf32, #tpu.memory_space<hbm>> -> memref<100000x128xf32, #tpu.memory_space<hbm>>
      tpu.wait_indirect_dma semaphore(%arg12 : memref<!tpu.dma_semaphore, #tpu.memory_space<semaphore_mem>>) src(%dma_wait3A_30 : memref<100000x128xf32, #tpu.memory_space<hbm>>) dst(%arg10 : memref<128x128xf32, #tpu.memory_space<vmem>>)
      %scan3A_31 = arith.constant 0 : i32
      %scan3A_32 = arith.constant 0 : i32
      %scan3A_33 = arith.constant 8 : i32
      %scan3A_34 = arith.addi %scan3A_32, %scan3A_33 : i32
      %scan3A_35 = arith.constant 1 : i32
      %scan3A_36 = scf.for %scan3A_62 = %scan3A_32 to %scan3A_34 step %scan3A_35 iter_args(%scan3A_63 = %scan3A_31) -> (i32)  : i32 {
        %mul3A_64 = arith.constant 16 : i32
        %mul3A_65 = arith.muli %scan3A_62, %mul3A_64 : i32
        %get3A = arith.index_cast %mul3A_65 : i32 to index
        %get3A_66 = tpu.vector_load %arg8[%get3A] {strides = array<i32>} : memref<128xi32, #tpu.memory_space<vmem>>, vector<16xi32>,
        %mul3A_67 = arith.constant 16 : i32
        %mul3A_68 = arith.muli %scan3A_62, %mul3A_67 : i32
        %add3A_69 = arith.addi %add3A_22, %mul3A_68 : i32
        %add3A_70 = vector.broadcast %add3A_69 : i32 to vector<16xi32>
        %add3A_71 = arith.addi %add3A_70, %iota3A : vector<16xi32>
        %and3A = arith.constant 32767 : i32
        %and3A_72 = vector.broadcast %and3A : i32 to vector<16xi32>
        %and3A_73 = arith.andi %add3A_71, %and3A_72 : vector<16xi32>
        %ge3A = arith.constant 0 : i32
        %ge3A_74 = vector.broadcast %ge3A : i32 to vector<16xi32>
        %ge3A_75 = arith.cmpi sge, %get3A_66, %ge3A_74 : vector<16xi32>
        %select_n3A = arith.select %ge3A_75, %get3A_66, %and3A_73 : vector<16xi1>, vector<16xi32>
        %mul3A_76 = arith.constant 16 : i32
        %mul3A_77 = arith.muli %scan3A_62, %mul3A_76 : i32
        %swap3A = arith.index_cast %mul3A_77 : i32 to index
        %swap3A_78 = tpu.vector_load %arg9[%swap3A] {strides = array<i32>} : memref<128xi32, #tpu.memory_space<vmem>>, vector<16xi32>,
        tpu.vector_store %arg9[%swap3A], %select_n3A {strides = array<i32>} : memref<128xi32, #tpu.memory_space<vmem>>, vector<16xi32>,
        %scan3A_79 = arith.constant 0 : i32
        scf.yield %scan3A_79 : i32
      }
      %scan3A_37 = arith.constant 8 : i32
      %dma_start3A_38 = arith.constant 0 : i32
      %dma_start3A_39 = arith.constant 0 : i32
      %dma_start3A_40 = tpu.memref_slice %arg11[%dma_start3A_38, %dma_start3A_39] : memref<128x128xf32, #tpu.memory_space<vmem>> -> memref<128x128xf32, #tpu.memory_space<vmem>>
      %dma_start3A_41 = arith.constant 0 : i32
      %dma_start3A_42 = tpu.memref_slice %arg9[%dma_start3A_41] : memref<128xi32, #tpu.memory_space<vmem>> -> memref<128xi32, #tpu.memory_space<vmem>>
      %dma_start3A_43 = arith.constant 0 : i32
      %dma_start3A_44 = arith.constant 0 : i32
      %dma_start3A_45 = tpu.memref_slice %arg3[%dma_start3A_43, %dma_start3A_44] : memref<32768x128xf32, #tpu.memory_space<hbm>> -> memref<32768x128xf32, #tpu.memory_space<hbm>>
      tpu.enqueue_indirect_dma source(%dma_start3A_45 : memref<32768x128xf32, #tpu.memory_space<hbm>>) target(%dma_start3A_40 : memref<128x128xf32, #tpu.memory_space<vmem>>) offsets(%dma_start3A_42 : memref<128xi32, #tpu.memory_space<vmem>>) semaphore(%arg13 : memref<!tpu.dma_semaphore, #tpu.memory_space<semaphore_mem>>)
      %dma_wait3A_46 = arith.constant 0 : i32
      %dma_wait3A_47 = arith.constant 0 : i32
      %dma_wait3A_48 = tpu.memref_slice %arg11[%dma_wait3A_46, %dma_wait3A_47] : memref<128x128xf32, #tpu.memory_space<vmem>> -> memref<128x128xf32, #tpu.memory_space<vmem>>
      %dma_wait3A_49 = arith.constant 0 : i32
      %dma_wait3A_50 = tpu.memref_slice %arg9[%dma_wait3A_49] : memref<128xi32, #tpu.memory_space<vmem>> -> memref<128xi32, #tpu.memory_space<vmem>>
      %dma_wait3A_51 = arith.constant 0 : i32
      %dma_wait3A_52 = arith.constant 0 : i32
      %dma_wait3A_53 = tpu.memref_slice %arg3[%dma_wait3A_51, %dma_wait3A_52] : memref<32768x128xf32, #tpu.memory_space<hbm>> -> memref<32768x128xf32, #tpu.memory_space<hbm>>
      tpu.wait_indirect_dma semaphore(%arg13 : memref<!tpu.dma_semaphore, #tpu.memory_space<semaphore_mem>>) src(%dma_wait3A_53 : memref<32768x128xf32, #tpu.memory_space<hbm>>) dst(%dma_wait3A_48 : memref<128x128xf32, #tpu.memory_space<vmem>>)
      %scan3A_54 = arith.constant 0 : i32
      %scan3A_55 = arith.constant 0 : i32
      %scan3A_56 = arith.constant 8 : i32
      %scan3A_57 = arith.addi %scan3A_55, %scan3A_56 : i32
      %scan3A_58 = arith.constant 1 : i32
      %scan3A_59 = scf.for %scan3A_62 = %scan3A_55 to %scan3A_57 step %scan3A_58 iter_args(%scan3A_63 = %scan3A_54) -> (i32)  : i32 {
        %mul3A_64 = arith.constant 16 : i32
        %mul3A_65 = arith.muli %scan3A_62, %mul3A_64 : i32
        %get3A = arith.index_cast %mul3A_65 : i32 to index
        %get3A_66 = tpu.vector_load %arg8[%get3A] {strides = array<i32>} : memref<128xi32, #tpu.memory_space<vmem>>, vector<16xi32>,
        %mul3A_67 = arith.constant 16 : i32
        %mul3A_68 = arith.muli %scan3A_62, %mul3A_67 : i32
        %add3A_69 = arith.constant 0 : i32
        %add3A_70 = arith.addi %mul3A_68, %add3A_69 : i32
        %slice3A = vector.extract_strided_slice %get3A_66 {offsets = [0], sizes = [1], strides = [1]} : vector<16xi32> to vector<1xi32>
        %squeeze3A = vector.extract %slice3A[0] : i32 from vector<1xi32>
        %ge3A = arith.constant 0 : i32
        %ge3A_71 = arith.cmpi sge, %squeeze3A, %ge3A : i32
        %convert_element_type3A_72 = arith.extui %ge3A_71 : i1 to i32
        %cond3A_73 = arith.constant 0 : i32
        %cond3A_74 = arith.cmpi ne, %convert_element_type3A_72, %cond3A_73 : i32
        scf.if %cond3A_74 {
          %get3A_241 = arith.index_cast %add3A_70 : i32 to index
          %get3A_242 = arith.constant 0 : index
          %get3A_243 = tpu.vector_load %arg11[%get3A_241, %get3A_242] {strides = array<i32>} : memref<128x128xf32, #tpu.memory_space<vmem>>, vector<16xf32>,
          %swap3A = arith.index_cast %add3A_70 : i32 to index
          %swap3A_244 = arith.constant 0 : index
          %swap3A_245 = tpu.vector_load %arg10[%swap3A, %swap3A_244] {strides = array<i32>} : memref<128x128xf32, #tpu.memory_space<vmem>>, vector<16xf32>,
          tpu.vector_store %arg10[%swap3A, %swap3A_244], %get3A_243 {strides = array<i32>} : memref<128x128xf32, #tpu.memory_space<vmem>>, vector<16xf32>,
          %get3A_246 = arith.index_cast %add3A_70 : i32 to index
          %get3A_247 = arith.constant 16 : index
          %get3A_248 = tpu.vector_load %arg11[%get3A_246, %get3A_247] {strides = array<i32>} : memref<128x128xf32, #tpu.memory_space<vmem>>, vector<16xf32>,
          %swap3A_249 = arith.index_cast %add3A_70 : i32 to index
          %swap3A_250 = arith.constant 16 : index
          %swap3A_251 = tpu.vector_load %arg10[%swap3A_249, %swap3A_250] {strides = array<i32>} : memref<128x128xf32, #tpu.memory_space<vmem>>, vector<16xf32>,
          tpu.vector_store %arg10[%swap3A_249, %swap3A_250], %get3A_248 {strides = array<i32>} : memref<128x128xf32, #tpu.memory_space<vmem>>, vector<16xf32>,
          %get3A_252 = arith.index_cast %add3A_70 : i32 to index
          %get3A_253 = arith.constant 32 : index
          %get3A_254 = tpu.vector_load %arg11[%get3A_252, %get3A_253] {strides = array<i32>} : memref<128x128xf32, #tpu.memory_space<vmem>>, vector<16xf32>,
          %swap3A_255 = arith.index_cast %add3A_70 : i32 to index
          %swap3A_256 = arith.constant 32 : index
          %swap3A_257 = tpu.vector_load %arg10[%swap3A_255, %swap3A_256] {strides = array<i32>} : memref<128x128xf32, #tpu.memory_space<vmem>>, vector<16xf32>,
          tpu.vector_store %arg10[%swap3A_255, %swap3A_256], %get3A_254 {strides = array<i32>} : memref<128x128xf32, #tpu.memory_space<vmem>>, vector<16xf32>,
          %get3A_258 = arith.index_cast %add3A_70 : i32 to index
          %get3A_259 = arith.constant 48 : index
          %get3A_260 = tpu.vector_load %arg11[%get3A_258, %get3A_259] {strides = array<i32>} : memref<128x128xf32, #tpu.memory_space<vmem>>, vector<16xf32>,
          %swap3A_261 = arith.index_cast %add3A_70 : i32 to index
          %swap3A_262 = arith.constant 48 : index
          %swap3A_263 = tpu.vector_load %arg10[%swap3A_261, %swap3A_262] {strides = array<i32>} : memref<128x128xf32, #tpu.memory_space<vmem>>, vector<16xf32>,
          tpu.vector_store %arg10[%swap3A_261, %swap3A_262], %get3A_260 {strides = array<i32>} : memref<128x128xf32, #tpu.memory_space<vmem>>, vector<16xf32>,
          %get3A_264 = arith.index_cast %add3A_70 : i32 to index
          %get3A_265 = arith.constant 64 : index
          %get3A_266 = tpu.vector_load %arg11[%get3A_264, %get3A_265] {strides = array<i32>} : memref<128x128xf32, #tpu.memory_space<vmem>>, vector<16xf32>,
          %swap3A_267 = arith.index_cast %add3A_70 : i32 to index
          %swap3A_268 = arith.constant 64 : index
          %swap3A_269 = tpu.vector_load %arg10[%swap3A_267, %swap3A_268] {strides = array<i32>} : memref<128x128xf32, #tpu.memory_space<vmem>>, vector<16xf32>,
          tpu.vector_store %arg10[%swap3A_267, %swap3A_268], %get3A_266 {strides = array<i32>} : memref<128x128xf32, #tpu.memory_space<vmem>>, vector<16xf32>,
          %get3A_270 = arith.index_cast %add3A_70 : i32 to index
          %get3A_271 = arith.constant 80 : index
          %get3A_272 = tpu.vector_load %arg11[%get3A_270, %get3A_271] {strides = array<i32>} : memref<128x128xf32, #tpu.memory_space<vmem>>, vector<16xf32>,
          %swap3A_273 = arith.index_cast %add3A_70 : i32 to index
          %swap3A_274 = arith.constant 80 : index
          %swap3A_275 = tpu.vector_load %arg10[%swap3A_273, %swap3A_274] {strides = array<i32>} : memref<128x128xf32, #tpu.memory_space<vmem>>, vector<16xf32>,
          tpu.vector_store %arg10[%swap3A_273, %swap3A_274], %get3A_272 {strides = array<i32>} : memref<128x128xf32, #tpu.memory_space<vmem>>, vector<16xf32>,
          %get3A_276 = arith.index_cast %add3A_70 : i32 to index
          %get3A_277 = arith.constant 96 : index
          %get3A_278 = tpu.vector_load %arg11[%get3A_276, %get3A_277] {strides = array<i32>} : memref<128x128xf32, #tpu.memory_space<vmem>>, vector<16xf32>,
          %swap3A_279 = arith.index_cast %add3A_70 : i32 to index
          %swap3A_280 = arith.constant 96 : index
          %swap3A_281 = tpu.vector_load %arg10[%swap3A_279, %swap3A_280] {strides = array<i32>} : memref<128x128xf32, #tpu.memory_space<vmem>>, vector<16xf32>,
          tpu.vector_store %arg10[%swap3A_279, %swap3A_280], %get3A_278 {strides = array<i32>} : memref<128x128xf32, #tpu.memory_space<vmem>>, vector<16xf32>,
          %get3A_282 = arith.index_cast %add3A_70 : i32 to index
          %get3A_283 = arith.constant 112 : index
          %get3A_284 = tpu.vector_load %arg11[%get3A_282, %get3A_283] {strides = array<i32>} : memref<128x128xf32, #tpu.memory_space<vmem>>, vector<16xf32>,
          %swap3A_285 = arith.index_cast %add3A_70 : i32 to index
          %swap3A_286 = arith.constant 112 : index
          %swap3A_287 = tpu.vector_load %arg10[%swap3A_285, %swap3A_286] {strides = array<i32>} : memref<128x128xf32, #tpu.memory_space<vmem>>, vector<16xf32>,
          tpu.vector_store %arg10[%swap3A_285, %swap3A_286], %get3A_284 {strides = array<i32>} : memref<128x128xf32, #tpu.memory_space<vmem>>, vector<16xf32>,
        } else {
        }
        %mul3A_75 = arith.constant 16 : i32
        %mul3A_76 = arith.muli %scan3A_62, %mul3A_75 : i32
        %add3A_77 = arith.constant 1 : i32
        %add3A_78 = arith.addi %mul3A_76, %add3A_77 : i32
        %slice3A_79 = vector.extract_strided_slice %get3A_66 {offsets = [1], sizes = [1], strides = [1]} : vector<16xi32> to vector<1xi32>
        %squeeze3A_80 = vector.extract %slice3A_79[0] : i32 from vector<1xi32>
        %ge3A_81 = arith.constant 0 : i32
        %ge3A_82 = arith.cmpi sge, %squeeze3A_80, %ge3A_81 : i32
        %convert_element_type3A_83 = arith.extui %ge3A_82 : i1 to i32
        %cond3A_84 = arith.constant 0 : i32
        %cond3A_85 = arith.cmpi ne, %convert_element_type3A_83, %cond3A_84 : i32
        scf.if %cond3A_85 {
          %get3A_241 = arith.index_cast %add3A_78 : i32 to index
          %get3A_242 = arith.constant 0 : index
          %get3A_243 = tpu.vector_load %arg11[%get3A_241, %get3A_242] {strides = array<i32>} : memref<128x128xf32, #tpu.memory_space<vmem>>, vector<16xf32>,
          %swap3A = arith.index_cast %add3A_78 : i32 to index
          %swap3A_244 = arith.constant 0 : index
          %swap3A_245 = tpu.vector_load %arg10[%swap3A, %swap3A_244] {strides = array<i32>} : memref<128x128xf32, #tpu.memory_space<vmem>>, vector<16xf32>,
          tpu.vector_store %arg10[%swap3A, %swap3A_244], %get3A_243 {strides = array<i32>} : memref<128x128xf32, #tpu.memory_space<vmem>>, vector<16xf32>,
          %get3A_246 = arith.index_cast %add3A_78 : i32 to index
          %get3A_247 = arith.constant 16 : index
          %get3A_248 = tpu.vector_load %arg11[%get3A_246, %get3A_247] {strides = array<i32>} : memref<128x128xf32, #tpu.memory_space<vmem>>, vector<16xf32>,
          %swap3A_249 = arith.index_cast %add3A_78 : i32 to index
          %swap3A_250 = arith.constant 16 : index
          %swap3A_251 = tpu.vector_load %arg10[%swap3A_249, %swap3A_250] {strides = array<i32>} : memref<128x128xf32, #tpu.memory_space<vmem>>, vector<16xf32>,
          tpu.vector_store %arg10[%swap3A_249, %swap3A_250], %get3A_248 {strides = array<i32>} : memref<128x128xf32, #tpu.memory_space<vmem>>, vector<16xf32>,
          %get3A_252 = arith.index_cast %add3A_78 : i32 to index
          %get3A_253 = arith.constant 32 : index
          %get3A_254 = tpu.vector_load %arg11[%get3A_252, %get3A_253] {strides = array<i32>} : memref<128x128xf32, #tpu.memory_space<vmem>>, vector<16xf32>,
          %swap3A_255 = arith.index_cast %add3A_78 : i32 to index
          %swap3A_256 = arith.constant 32 : index
          %swap3A_257 = tpu.vector_load %arg10[%swap3A_255, %swap3A_256] {strides = array<i32>} : memref<128x128xf32, #tpu.memory_space<vmem>>, vector<16xf32>,
          tpu.vector_store %arg10[%swap3A_255, %swap3A_256], %get3A_254 {strides = array<i32>} : memref<128x128xf32, #tpu.memory_space<vmem>>, vector<16xf32>,
          %get3A_258 = arith.index_cast %add3A_78 : i32 to index
          %get3A_259 = arith.constant 48 : index
          %get3A_260 = tpu.vector_load %arg11[%get3A_258, %get3A_259] {strides = array<i32>} : memref<128x128xf32, #tpu.memory_space<vmem>>, vector<16xf32>,
          %swap3A_261 = arith.index_cast %add3A_78 : i32 to index
          %swap3A_262 = arith.constant 48 : index
          %swap3A_263 = tpu.vector_load %arg10[%swap3A_261, %swap3A_262] {strides = array<i32>} : memref<128x128xf32, #tpu.memory_space<vmem>>, vector<16xf32>,
          tpu.vector_store %arg10[%swap3A_261, %swap3A_262], %get3A_260 {strides = array<i32>} : memref<128x128xf32, #tpu.memory_space<vmem>>, vector<16xf32>,
          %get3A_264 = arith.index_cast %add3A_78 : i32 to index
          %get3A_265 = arith.constant 64 : index
          %get3A_266 = tpu.vector_load %arg11[%get3A_264, %get3A_265] {strides = array<i32>} : memref<128x128xf32, #tpu.memory_space<vmem>>, vector<16xf32>,
          %swap3A_267 = arith.index_cast %add3A_78 : i32 to index
          %swap3A_268 = arith.constant 64 : index
          %swap3A_269 = tpu.vector_load %arg10[%swap3A_267, %swap3A_268] {strides = array<i32>} : memref<128x128xf32, #tpu.memory_space<vmem>>, vector<16xf32>,
          tpu.vector_store %arg10[%swap3A_267, %swap3A_268], %get3A_266 {strides = array<i32>} : memref<128x128xf32, #tpu.memory_space<vmem>>, vector<16xf32>,
          %get3A_270 = arith.index_cast %add3A_78 : i32 to index
          %get3A_271 = arith.constant 80 : index
          %get3A_272 = tpu.vector_load %arg11[%get3A_270, %get3A_271] {strides = array<i32>} : memref<128x128xf32, #tpu.memory_space<vmem>>, vector<16xf32>,
          %swap3A_273 = arith.index_cast %add3A_78 : i32 to index
          %swap3A_274 = arith.constant 80 : index
          %swap3A_275 = tpu.vector_load %arg10[%swap3A_273, %swap3A_274] {strides = array<i32>} : memref<128x128xf32, #tpu.memory_space<vmem>>, vector<16xf32>,
          tpu.vector_store %arg10[%swap3A_273, %swap3A_274], %get3A_272 {strides = array<i32>} : memref<128x128xf32, #tpu.memory_space<vmem>>, vector<16xf32>,
          %get3A_276 = arith.index_cast %add3A_78 : i32 to index
          %get3A_277 = arith.constant 96 : index
          %get3A_278 = tpu.vector_load %arg11[%get3A_276, %get3A_277] {strides = array<i32>} : memref<128x128xf32, #tpu.memory_space<vmem>>, vector<16xf32>,
          %swap3A_279 = arith.index_cast %add3A_78 : i32 to index
          %swap3A_280 = arith.constant 96 : index
          %swap3A_281 = tpu.vector_load %arg10[%swap3A_279, %swap3A_280] {strides = array<i32>} : memref<128x128xf32, #tpu.memory_space<vmem>>, vector<16xf32>,
          tpu.vector_store %arg10[%swap3A_279, %swap3A_280], %get3A_278 {strides = array<i32>} : memref<128x128xf32, #tpu.memory_space<vmem>>, vector<16xf32>,
          %get3A_282 = arith.index_cast %add3A_78 : i32 to index
          %get3A_283 = arith.constant 112 : index
          %get3A_284 = tpu.vector_load %arg11[%get3A_282, %get3A_283] {strides = array<i32>} : memref<128x128xf32, #tpu.memory_space<vmem>>, vector<16xf32>,
          %swap3A_285 = arith.index_cast %add3A_78 : i32 to index
          %swap3A_286 = arith.constant 112 : index
          %swap3A_287 = tpu.vector_load %arg10[%swap3A_285, %swap3A_286] {strides = array<i32>} : memref<128x128xf32, #tpu.memory_space<vmem>>, vector<16xf32>,
          tpu.vector_store %arg10[%swap3A_285, %swap3A_286], %get3A_284 {strides = array<i32>} : memref<128x128xf32, #tpu.memory_space<vmem>>, vector<16xf32>,
        } else {
        }
        %mul3A_86 = arith.constant 16 : i32
        %mul3A_87 = arith.muli %scan3A_62, %mul3A_86 : i32
        %add3A_88 = arith.constant 2 : i32
        %add3A_89 = arith.addi %mul3A_87, %add3A_88 : i32
        %slice3A_90 = vector.extract_strided_slice %get3A_66 {offsets = [2], sizes = [1], strides = [1]} : vector<16xi32> to vector<1xi32>
        %squeeze3A_91 = vector.extract %slice3A_90[0] : i32 from vector<1xi32>
        %ge3A_92 = arith.constant 0 : i32
        %ge3A_93 = arith.cmpi sge, %squeeze3A_91, %ge3A_92 : i32
        %convert_element_type3A_94 = arith.extui %ge3A_93 : i1 to i32
        %cond3A_95 = arith.constant 0 : i32
        %cond3A_96 = arith.cmpi ne, %convert_element_type3A_94, %cond3A_95 : i32
        scf.if %cond3A_96 {
          %get3A_241 = arith.index_cast %add3A_89 : i32 to index
          %get3A_242 = arith.constant 0 : index
          %get3A_243 = tpu.vector_load %arg11[%get3A_241, %get3A_242] {strides = array<i32>} : memref<128x128xf32, #tpu.memory_space<vmem>>, vector<16xf32>,
          %swap3A = arith.index_cast %add3A_89 : i32 to index
          %swap3A_244 = arith.constant 0 : index
          %swap3A_245 = tpu.vector_load %arg10[%swap3A, %swap3A_244] {strides = array<i32>} : memref<128x128xf32, #tpu.memory_space<vmem>>, vector<16xf32>,
          tpu.vector_store %arg10[%swap3A, %swap3A_244], %get3A_243 {strides = array<i32>} : memref<128x128xf32, #tpu.memory_space<vmem>>, vector<16xf32>,
          %get3A_246 = arith.index_cast %add3A_89 : i32 to index
          %get3A_247 = arith.constant 16 : index
          %get3A_248 = tpu.vector_load %arg11[%get3A_246, %get3A_247] {strides = array<i32>} : memref<128x128xf32, #tpu.memory_space<vmem>>, vector<16xf32>,
          %swap3A_249 = arith.index_cast %add3A_89 : i32 to index
          %swap3A_250 = arith.constant 16 : index
          %swap3A_251 = tpu.vector_load %arg10[%swap3A_249, %swap3A_250] {strides = array<i32>} : memref<128x128xf32, #tpu.memory_space<vmem>>, vector<16xf32>,
          tpu.vector_store %arg10[%swap3A_249, %swap3A_250], %get3A_248 {strides = array<i32>} : memref<128x128xf32, #tpu.memory_space<vmem>>, vector<16xf32>,
          %get3A_252 = arith.index_cast %add3A_89 : i32 to index
          %get3A_253 = arith.constant 32 : index
          %get3A_254 = tpu.vector_load %arg11[%get3A_252, %get3A_253] {strides = array<i32>} : memref<128x128xf32, #tpu.memory_space<vmem>>, vector<16xf32>,
          %swap3A_255 = arith.index_cast %add3A_89 : i32 to index
          %swap3A_256 = arith.constant 32 : index
          %swap3A_257 = tpu.vector_load %arg10[%swap3A_255, %swap3A_256] {strides = array<i32>} : memref<128x128xf32, #tpu.memory_space<vmem>>, vector<16xf32>,
          tpu.vector_store %arg10[%swap3A_255, %swap3A_256], %get3A_254 {strides = array<i32>} : memref<128x128xf32, #tpu.memory_space<vmem>>, vector<16xf32>,
          %get3A_258 = arith.index_cast %add3A_89 : i32 to index
          %get3A_259 = arith.constant 48 : index
          %get3A_260 = tpu.vector_load %arg11[%get3A_258, %get3A_259] {strides = array<i32>} : memref<128x128xf32, #tpu.memory_space<vmem>>, vector<16xf32>,
          %swap3A_261 = arith.index_cast %add3A_89 : i32 to index
          %swap3A_262 = arith.constant 48 : index
          %swap3A_263 = tpu.vector_load %arg10[%swap3A_261, %swap3A_262] {strides = array<i32>} : memref<128x128xf32, #tpu.memory_space<vmem>>, vector<16xf32>,
          tpu.vector_store %arg10[%swap3A_261, %swap3A_262], %get3A_260 {strides = array<i32>} : memref<128x128xf32, #tpu.memory_space<vmem>>, vector<16xf32>,
          %get3A_264 = arith.index_cast %add3A_89 : i32 to index
          %get3A_265 = arith.constant 64 : index
          %get3A_266 = tpu.vector_load %arg11[%get3A_264, %get3A_265] {strides = array<i32>} : memref<128x128xf32, #tpu.memory_space<vmem>>, vector<16xf32>,
          %swap3A_267 = arith.index_cast %add3A_89 : i32 to index
          %swap3A_268 = arith.constant 64 : index
          %swap3A_269 = tpu.vector_load %arg10[%swap3A_267, %swap3A_268] {strides = array<i32>} : memref<128x128xf32, #tpu.memory_space<vmem>>, vector<16xf32>,
          tpu.vector_store %arg10[%swap3A_267, %swap3A_268], %get3A_266 {strides = array<i32>} : memref<128x128xf32, #tpu.memory_space<vmem>>, vector<16xf32>,
          %get3A_270 = arith.index_cast %add3A_89 : i32 to index
          %get3A_271 = arith.constant 80 : index
          %get3A_272 = tpu.vector_load %arg11[%get3A_270, %get3A_271] {strides = array<i32>} : memref<128x128xf32, #tpu.memory_space<vmem>>, vector<16xf32>,
          %swap3A_273 = arith.index_cast %add3A_89 : i32 to index
          %swap3A_274 = arith.constant 80 : index
          %swap3A_275 = tpu.vector_load %arg10[%swap3A_273, %swap3A_274] {strides = array<i32>} : memref<128x128xf32, #tpu.memory_space<vmem>>, vector<16xf32>,
          tpu.vector_store %arg10[%swap3A_273, %swap3A_274], %get3A_272 {strides = array<i32>} : memref<128x128xf32, #tpu.memory_space<vmem>>, vector<16xf32>,
          %get3A_276 = arith.index_cast %add3A_89 : i32 to index
          %get3A_277 = arith.constant 96 : index
          %get3A_278 = tpu.vector_load %arg11[%get3A_276, %get3A_277] {strides = array<i32>} : memref<128x128xf32, #tpu.memory_space<vmem>>, vector<16xf32>,
          %swap3A_279 = arith.index_cast %add3A_89 : i32 to index
          %swap3A_280 = arith.constant 96 : index
          %swap3A_281 = tpu.vector_load %arg10[%swap3A_279, %swap3A_280] {strides = array<i32>} : memref<128x128xf32, #tpu.memory_space<vmem>>, vector<16xf32>,
          tpu.vector_store %arg10[%swap3A_279, %swap3A_280], %get3A_278 {strides = array<i32>} : memref<128x128xf32, #tpu.memory_space<vmem>>, vector<16xf32>,
          %get3A_282 = arith.index_cast %add3A_89 : i32 to index
          %get3A_283 = arith.constant 112 : index
          %get3A_284 = tpu.vector_load %arg11[%get3A_282, %get3A_283] {strides = array<i32>} : memref<128x128xf32, #tpu.memory_space<vmem>>, vector<16xf32>,
          %swap3A_285 = arith.index_cast %add3A_89 : i32 to index
          %swap3A_286 = arith.constant 112 : index
          %swap3A_287 = tpu.vector_load %arg10[%swap3A_285, %swap3A_286] {strides = array<i32>} : memref<128x128xf32, #tpu.memory_space<vmem>>, vector<16xf32>,
          tpu.vector_store %arg10[%swap3A_285, %swap3A_286], %get3A_284 {strides = array<i32>} : memref<128x128xf32, #tpu.memory_space<vmem>>, vector<16xf32>,
        } else {
        }
        %mul3A_97 = arith.constant 16 : i32
        %mul3A_98 = arith.muli %scan3A_62, %mul3A_97 : i32
        %add3A_99 = arith.constant 3 : i32
        %add3A_100 = arith.addi %mul3A_98, %add3A_99 : i32
        %slice3A_101 = vector.extract_strided_slice %get3A_66 {offsets = [3], sizes = [1], strides = [1]} : vector<16xi32> to vector<1xi32>
        %squeeze3A_102 = vector.extract %slice3A_101[0] : i32 from vector<1xi32>
        %ge3A_103 = arith.constant 0 : i32
        %ge3A_104 = arith.cmpi sge, %squeeze3A_102, %ge3A_103 : i32
        %convert_element_type3A_105 = arith.extui %ge3A_104 : i1 to i32
        %cond3A_106 = arith.constant 0 : i32
        %cond3A_107 = arith.cmpi ne, %convert_element_type3A_105, %cond3A_106 : i32
        scf.if %cond3A_107 {
          %get3A_241 = arith.index_cast %add3A_100 : i32 to index
          %get3A_242 = arith.constant 0 : index
          %get3A_243 = tpu.vector_load %arg11[%get3A_241, %get3A_242] {strides = array<i32>} : memref<128x128xf32, #tpu.memory_space<vmem>>, vector<16xf32>,
          %swap3A = arith.index_cast %add3A_100 : i32 to index
          %swap3A_244 = arith.constant 0 : index
          %swap3A_245 = tpu.vector_load %arg10[%swap3A, %swap3A_244] {strides = array<i32>} : memref<128x128xf32, #tpu.memory_space<vmem>>, vector<16xf32>,
          tpu.vector_store %arg10[%swap3A, %swap3A_244], %get3A_243 {strides = array<i32>} : memref<128x128xf32, #tpu.memory_space<vmem>>, vector<16xf32>,
          %get3A_246 = arith.index_cast %add3A_100 : i32 to index
          %get3A_247 = arith.constant 16 : index
          %get3A_248 = tpu.vector_load %arg11[%get3A_246, %get3A_247] {strides = array<i32>} : memref<128x128xf32, #tpu.memory_space<vmem>>, vector<16xf32>,
          %swap3A_249 = arith.index_cast %add3A_100 : i32 to index
          %swap3A_250 = arith.constant 16 : index
          %swap3A_251 = tpu.vector_load %arg10[%swap3A_249, %swap3A_250] {strides = array<i32>} : memref<128x128xf32, #tpu.memory_space<vmem>>, vector<16xf32>,
          tpu.vector_store %arg10[%swap3A_249, %swap3A_250], %get3A_248 {strides = array<i32>} : memref<128x128xf32, #tpu.memory_space<vmem>>, vector<16xf32>,
          %get3A_252 = arith.index_cast %add3A_100 : i32 to index
          %get3A_253 = arith.constant 32 : index
          %get3A_254 = tpu.vector_load %arg11[%get3A_252, %get3A_253] {strides = array<i32>} : memref<128x128xf32, #tpu.memory_space<vmem>>, vector<16xf32>,
          %swap3A_255 = arith.index_cast %add3A_100 : i32 to index
          %swap3A_256 = arith.constant 32 : index
          %swap3A_257 = tpu.vector_load %arg10[%swap3A_255, %swap3A_256] {strides = array<i32>} : memref<128x128xf32, #tpu.memory_space<vmem>>, vector<16xf32>,
          tpu.vector_store %arg10[%swap3A_255, %swap3A_256], %get3A_254 {strides = array<i32>} : memref<128x128xf32, #tpu.memory_space<vmem>>, vector<16xf32>,
          %get3A_258 = arith.index_cast %add3A_100 : i32 to index
          %get3A_259 = arith.constant 48 : index
          %get3A_260 = tpu.vector_load %arg11[%get3A_258, %get3A_259] {strides = array<i32>} : memref<128x128xf32, #tpu.memory_space<vmem>>, vector<16xf32>,
          %swap3A_261 = arith.index_cast %add3A_100 : i32 to index
          %swap3A_262 = arith.constant 48 : index
          %swap3A_263 = tpu.vector_load %arg10[%swap3A_261, %swap3A_262] {strides = array<i32>} : memref<128x128xf32, #tpu.memory_space<vmem>>, vector<16xf32>,
          tpu.vector_store %arg10[%swap3A_261, %swap3A_262], %get3A_260 {strides = array<i32>} : memref<128x128xf32, #tpu.memory_space<vmem>>, vector<16xf32>,
          %get3A_264 = arith.index_cast %add3A_100 : i32 to index
          %get3A_265 = arith.constant 64 : index
          %get3A_266 = tpu.vector_load %arg11[%get3A_264, %get3A_265] {strides = array<i32>} : memref<128x128xf32, #tpu.memory_space<vmem>>, vector<16xf32>,
          %swap3A_267 = arith.index_cast %add3A_100 : i32 to index
          %swap3A_268 = arith.constant 64 : index
          %swap3A_269 = tpu.vector_load %arg10[%swap3A_267, %swap3A_268] {strides = array<i32>} : memref<128x128xf32, #tpu.memory_space<vmem>>, vector<16xf32>,
          tpu.vector_store %arg10[%swap3A_267, %swap3A_268], %get3A_266 {strides = array<i32>} : memref<128x128xf32, #tpu.memory_space<vmem>>, vector<16xf32>,
          %get3A_270 = arith.index_cast %add3A_100 : i32 to index
          %get3A_271 = arith.constant 80 : index
          %get3A_272 = tpu.vector_load %arg11[%get3A_270, %get3A_271] {strides = array<i32>} : memref<128x128xf32, #tpu.memory_space<vmem>>, vector<16xf32>,
          %swap3A_273 = arith.index_cast %add3A_100 : i32 to index
          %swap3A_274 = arith.constant 80 : index
          %swap3A_275 = tpu.vector_load %arg10[%swap3A_273, %swap3A_274] {strides = array<i32>} : memref<128x128xf32, #tpu.memory_space<vmem>>, vector<16xf32>,
          tpu.vector_store %arg10[%swap3A_273, %swap3A_274], %get3A_272 {strides = array<i32>} : memref<128x128xf32, #tpu.memory_space<vmem>>, vector<16xf32>,
          %get3A_276 = arith.index_cast %add3A_100 : i32 to index
          %get3A_277 = arith.constant 96 : index
          %get3A_278 = tpu.vector_load %arg11[%get3A_276, %get3A_277] {strides = array<i32>} : memref<128x128xf32, #tpu.memory_space<vmem>>, vector<16xf32>,
          %swap3A_279 = arith.index_cast %add3A_100 : i32 to index
          %swap3A_280 = arith.constant 96 : index
          %swap3A_281 = tpu.vector_load %arg10[%swap3A_279, %swap3A_280] {strides = array<i32>} : memref<128x128xf32, #tpu.memory_space<vmem>>, vector<16xf32>,
          tpu.vector_store %arg10[%swap3A_279, %swap3A_280], %get3A_278 {strides = array<i32>} : memref<128x128xf32, #tpu.memory_space<vmem>>, vector<16xf32>,
          %get3A_282 = arith.index_cast %add3A_100 : i32 to index
          %get3A_283 = arith.constant 112 : index
          %get3A_284 = tpu.vector_load %arg11[%get3A_282, %get3A_283] {strides = array<i32>} : memref<128x128xf32, #tpu.memory_space<vmem>>, vector<16xf32>,
          %swap3A_285 = arith.index_cast %add3A_100 : i32 to index
          %swap3A_286 = arith.constant 112 : index
          %swap3A_287 = tpu.vector_load %arg10[%swap3A_285, %swap3A_286] {strides = array<i32>} : memref<128x128xf32, #tpu.memory_space<vmem>>, vector<16xf32>,
          tpu.vector_store %arg10[%swap3A_285, %swap3A_286], %get3A_284 {strides = array<i32>} : memref<128x128xf32, #tpu.memory_space<vmem>>, vector<16xf32>,
        } else {
        }
        %mul3A_108 = arith.constant 16 : i32
        %mul3A_109 = arith.muli %scan3A_62, %mul3A_108 : i32
        %add3A_110 = arith.constant 4 : i32
        %add3A_111 = arith.addi %mul3A_109, %add3A_110 : i32
        %slice3A_112 = vector.extract_strided_slice %get3A_66 {offsets = [4], sizes = [1], strides = [1]} : vector<16xi32> to vector<1xi32>
        %squeeze3A_113 = vector.extract %slice3A_112[0] : i32 from vector<1xi32>
        %ge3A_114 = arith.constant 0 : i32
        %ge3A_115 = arith.cmpi sge, %squeeze3A_113, %ge3A_114 : i32
        %convert_element_type3A_116 = arith.extui %ge3A_115 : i1 to i32
        %cond3A_117 = arith.constant 0 : i32
        %cond3A_118 = arith.cmpi ne, %convert_element_type3A_116, %cond3A_117 : i32
        scf.if %cond3A_118 {
          %get3A_241 = arith.index_cast %add3A_111 : i32 to index
          %get3A_242 = arith.constant 0 : index
          %get3A_243 = tpu.vector_load %arg11[%get3A_241, %get3A_242] {strides = array<i32>} : memref<128x128xf32, #tpu.memory_space<vmem>>, vector<16xf32>,
          %swap3A = arith.index_cast %add3A_111 : i32 to index
          %swap3A_244 = arith.constant 0 : index
          %swap3A_245 = tpu.vector_load %arg10[%swap3A, %swap3A_244] {strides = array<i32>} : memref<128x128xf32, #tpu.memory_space<vmem>>, vector<16xf32>,
          tpu.vector_store %arg10[%swap3A, %swap3A_244], %get3A_243 {strides = array<i32>} : memref<128x128xf32, #tpu.memory_space<vmem>>, vector<16xf32>,
          %get3A_246 = arith.index_cast %add3A_111 : i32 to index
          %get3A_247 = arith.constant 16 : index
          %get3A_248 = tpu.vector_load %arg11[%get3A_246, %get3A_247] {strides = array<i32>} : memref<128x128xf32, #tpu.memory_space<vmem>>, vector<16xf32>,
          %swap3A_249 = arith.index_cast %add3A_111 : i32 to index
          %swap3A_250 = arith.constant 16 : index
          %swap3A_251 = tpu.vector_load %arg10[%swap3A_249, %swap3A_250] {strides = array<i32>} : memref<128x128xf32, #tpu.memory_space<vmem>>, vector<16xf32>,
          tpu.vector_store %arg10[%swap3A_249, %swap3A_250], %get3A_248 {strides = array<i32>} : memref<128x128xf32, #tpu.memory_space<vmem>>, vector<16xf32>,
          %get3A_252 = arith.index_cast %add3A_111 : i32 to index
          %get3A_253 = arith.constant 32 : index
          %get3A_254 = tpu.vector_load %arg11[%get3A_252, %get3A_253] {strides = array<i32>} : memref<128x128xf32, #tpu.memory_space<vmem>>, vector<16xf32>,
          %swap3A_255 = arith.index_cast %add3A_111 : i32 to index
          %swap3A_256 = arith.constant 32 : index
          %swap3A_257 = tpu.vector_load %arg10[%swap3A_255, %swap3A_256] {strides = array<i32>} : memref<128x128xf32, #tpu.memory_space<vmem>>, vector<16xf32>,
          tpu.vector_store %arg10[%swap3A_255, %swap3A_256], %get3A_254 {strides = array<i32>} : memref<128x128xf32, #tpu.memory_space<vmem>>, vector<16xf32>,
          %get3A_258 = arith.index_cast %add3A_111 : i32 to index
          %get3A_259 = arith.constant 48 : index
          %get3A_260 = tpu.vector_load %arg11[%get3A_258, %get3A_259] {strides = array<i32>} : memref<128x128xf32, #tpu.memory_space<vmem>>, vector<16xf32>,
          %swap3A_261 = arith.index_cast %add3A_111 : i32 to index
          %swap3A_262 = arith.constant 48 : index
          %swap3A_263 = tpu.vector_load %arg10[%swap3A_261, %swap3A_262] {strides = array<i32>} : memref<128x128xf32, #tpu.memory_space<vmem>>, vector<16xf32>,
          tpu.vector_store %arg10[%swap3A_261, %swap3A_262], %get3A_260 {strides = array<i32>} : memref<128x128xf32, #tpu.memory_space<vmem>>, vector<16xf32>,
          %get3A_264 = arith.index_cast %add3A_111 : i32 to index
          %get3A_265 = arith.constant 64 : index
          %get3A_266 = tpu.vector_load %arg11[%get3A_264, %get3A_265] {strides = array<i32>} : memref<128x128xf32, #tpu.memory_space<vmem>>, vector<16xf32>,
          %swap3A_267 = arith.index_cast %add3A_111 : i32 to index
          %swap3A_268 = arith.constant 64 : index
          %swap3A_269 = tpu.vector_load %arg10[%swap3A_267, %swap3A_268] {strides = array<i32>} : memref<128x128xf32, #tpu.memory_space<vmem>>, vector<16xf32>,
          tpu.vector_store %arg10[%swap3A_267, %swap3A_268], %get3A_266 {strides = array<i32>} : memref<128x128xf32, #tpu.memory_space<vmem>>, vector<16xf32>,
          %get3A_270 = arith.index_cast %add3A_111 : i32 to index
          %get3A_271 = arith.constant 80 : index
          %get3A_272 = tpu.vector_load %arg11[%get3A_270, %get3A_271] {strides = array<i32>} : memref<128x128xf32, #tpu.memory_space<vmem>>, vector<16xf32>,
          %swap3A_273 = arith.index_cast %add3A_111 : i32 to index
          %swap3A_274 = arith.constant 80 : index
          %swap3A_275 = tpu.vector_load %arg10[%swap3A_273, %swap3A_274] {strides = array<i32>} : memref<128x128xf32, #tpu.memory_space<vmem>>, vector<16xf32>,
          tpu.vector_store %arg10[%swap3A_273, %swap3A_274], %get3A_272 {strides = array<i32>} : memref<128x128xf32, #tpu.memory_space<vmem>>, vector<16xf32>,
          %get3A_276 = arith.index_cast %add3A_111 : i32 to index
          %get3A_277 = arith.constant 96 : index
          %get3A_278 = tpu.vector_load %arg11[%get3A_276, %get3A_277] {strides = array<i32>} : memref<128x128xf32, #tpu.memory_space<vmem>>, vector<16xf32>,
          %swap3A_279 = arith.index_cast %add3A_111 : i32 to index
          %swap3A_280 = arith.constant 96 : index
          %swap3A_281 = tpu.vector_load %arg10[%swap3A_279, %swap3A_280] {strides = array<i32>} : memref<128x128xf32, #tpu.memory_space<vmem>>, vector<16xf32>,
          tpu.vector_store %arg10[%swap3A_279, %swap3A_280], %get3A_278 {strides = array<i32>} : memref<128x128xf32, #tpu.memory_space<vmem>>, vector<16xf32>,
          %get3A_282 = arith.index_cast %add3A_111 : i32 to index
          %get3A_283 = arith.constant 112 : index
          %get3A_284 = tpu.vector_load %arg11[%get3A_282, %get3A_283] {strides = array<i32>} : memref<128x128xf32, #tpu.memory_space<vmem>>, vector<16xf32>,
          %swap3A_285 = arith.index_cast %add3A_111 : i32 to index
          %swap3A_286 = arith.constant 112 : index
          %swap3A_287 = tpu.vector_load %arg10[%swap3A_285, %swap3A_286] {strides = array<i32>} : memref<128x128xf32, #tpu.memory_space<vmem>>, vector<16xf32>,
          tpu.vector_store %arg10[%swap3A_285, %swap3A_286], %get3A_284 {strides = array<i32>} : memref<128x128xf32, #tpu.memory_space<vmem>>, vector<16xf32>,
        } else {
        }
        %mul3A_119 = arith.constant 16 : i32
        %mul3A_120 = arith.muli %scan3A_62, %mul3A_119 : i32
        %add3A_121 = arith.constant 5 : i32
        %add3A_122 = arith.addi %mul3A_120, %add3A_121 : i32
        %slice3A_123 = vector.extract_strided_slice %get3A_66 {offsets = [5], sizes = [1], strides = [1]} : vector<16xi32> to vector<1xi32>
        %squeeze3A_124 = vector.extract %slice3A_123[0] : i32 from vector<1xi32>
        %ge3A_125 = arith.constant 0 : i32
        %ge3A_126 = arith.cmpi sge, %squeeze3A_124, %ge3A_125 : i32
        %convert_element_type3A_127 = arith.extui %ge3A_126 : i1 to i32
        %cond3A_128 = arith.constant 0 : i32
        %cond3A_129 = arith.cmpi ne, %convert_element_type3A_127, %cond3A_128 : i32
        scf.if %cond3A_129 {
          %get3A_241 = arith.index_cast %add3A_122 : i32 to index
          %get3A_242 = arith.constant 0 : index
          %get3A_243 = tpu.vector_load %arg11[%get3A_241, %get3A_242] {strides = array<i32>} : memref<128x128xf32, #tpu.memory_space<vmem>>, vector<16xf32>,
          %swap3A = arith.index_cast %add3A_122 : i32 to index
          %swap3A_244 = arith.constant 0 : index
          %swap3A_245 = tpu.vector_load %arg10[%swap3A, %swap3A_244] {strides = array<i32>} : memref<128x128xf32, #tpu.memory_space<vmem>>, vector<16xf32>,
          tpu.vector_store %arg10[%swap3A, %swap3A_244], %get3A_243 {strides = array<i32>} : memref<128x128xf32, #tpu.memory_space<vmem>>, vector<16xf32>,
          %get3A_246 = arith.index_cast %add3A_122 : i32 to index
          %get3A_247 = arith.constant 16 : index
          %get3A_248 = tpu.vector_load %arg11[%get3A_246, %get3A_247] {strides = array<i32>} : memref<128x128xf32, #tpu.memory_space<vmem>>, vector<16xf32>,
          %swap3A_249 = arith.index_cast %add3A_122 : i32 to index
          %swap3A_250 = arith.constant 16 : index
          %swap3A_251 = tpu.vector_load %arg10[%swap3A_249, %swap3A_250] {strides = array<i32>} : memref<128x128xf32, #tpu.memory_space<vmem>>, vector<16xf32>,
          tpu.vector_store %arg10[%swap3A_249, %swap3A_250], %get3A_248 {strides = array<i32>} : memref<128x128xf32, #tpu.memory_space<vmem>>, vector<16xf32>,
          %get3A_252 = arith.index_cast %add3A_122 : i32 to index
          %get3A_253 = arith.constant 32 : index
          %get3A_254 = tpu.vector_load %arg11[%get3A_252, %get3A_253] {strides = array<i32>} : memref<128x128xf32, #tpu.memory_space<vmem>>, vector<16xf32>,
          %swap3A_255 = arith.index_cast %add3A_122 : i32 to index
          %swap3A_256 = arith.constant 32 : index
          %swap3A_257 = tpu.vector_load %arg10[%swap3A_255, %swap3A_256] {strides = array<i32>} : memref<128x128xf32, #tpu.memory_space<vmem>>, vector<16xf32>,
          tpu.vector_store %arg10[%swap3A_255, %swap3A_256], %get3A_254 {strides = array<i32>} : memref<128x128xf32, #tpu.memory_space<vmem>>, vector<16xf32>,
          %get3A_258 = arith.index_cast %add3A_122 : i32 to index
          %get3A_259 = arith.constant 48 : index
          %get3A_260 = tpu.vector_load %arg11[%get3A_258, %get3A_259] {strides = array<i32>} : memref<128x128xf32, #tpu.memory_space<vmem>>, vector<16xf32>,
          %swap3A_261 = arith.index_cast %add3A_122 : i32 to index
          %swap3A_262 = arith.constant 48 : index
          %swap3A_263 = tpu.vector_load %arg10[%swap3A_261, %swap3A_262] {strides = array<i32>} : memref<128x128xf32, #tpu.memory_space<vmem>>, vector<16xf32>,
          tpu.vector_store %arg10[%swap3A_261, %swap3A_262], %get3A_260 {strides = array<i32>} : memref<128x128xf32, #tpu.memory_space<vmem>>, vector<16xf32>,
          %get3A_264 = arith.index_cast %add3A_122 : i32 to index
          %get3A_265 = arith.constant 64 : index
          %get3A_266 = tpu.vector_load %arg11[%get3A_264, %get3A_265] {strides = array<i32>} : memref<128x128xf32, #tpu.memory_space<vmem>>, vector<16xf32>,
          %swap3A_267 = arith.index_cast %add3A_122 : i32 to index
          %swap3A_268 = arith.constant 64 : index
          %swap3A_269 = tpu.vector_load %arg10[%swap3A_267, %swap3A_268] {strides = array<i32>} : memref<128x128xf32, #tpu.memory_space<vmem>>, vector<16xf32>,
          tpu.vector_store %arg10[%swap3A_267, %swap3A_268], %get3A_266 {strides = array<i32>} : memref<128x128xf32, #tpu.memory_space<vmem>>, vector<16xf32>,
          %get3A_270 = arith.index_cast %add3A_122 : i32 to index
          %get3A_271 = arith.constant 80 : index
          %get3A_272 = tpu.vector_load %arg11[%get3A_270, %get3A_271] {strides = array<i32>} : memref<128x128xf32, #tpu.memory_space<vmem>>, vector<16xf32>,
          %swap3A_273 = arith.index_cast %add3A_122 : i32 to index
          %swap3A_274 = arith.constant 80 : index
          %swap3A_275 = tpu.vector_load %arg10[%swap3A_273, %swap3A_274] {strides = array<i32>} : memref<128x128xf32, #tpu.memory_space<vmem>>, vector<16xf32>,
          tpu.vector_store %arg10[%swap3A_273, %swap3A_274], %get3A_272 {strides = array<i32>} : memref<128x128xf32, #tpu.memory_space<vmem>>, vector<16xf32>,
          %get3A_276 = arith.index_cast %add3A_122 : i32 to index
          %get3A_277 = arith.constant 96 : index
          %get3A_278 = tpu.vector_load %arg11[%get3A_276, %get3A_277] {strides = array<i32>} : memref<128x128xf32, #tpu.memory_space<vmem>>, vector<16xf32>,
          %swap3A_279 = arith.index_cast %add3A_122 : i32 to index
          %swap3A_280 = arith.constant 96 : index
          %swap3A_281 = tpu.vector_load %arg10[%swap3A_279, %swap3A_280] {strides = array<i32>} : memref<128x128xf32, #tpu.memory_space<vmem>>, vector<16xf32>,
          tpu.vector_store %arg10[%swap3A_279, %swap3A_280], %get3A_278 {strides = array<i32>} : memref<128x128xf32, #tpu.memory_space<vmem>>, vector<16xf32>,
          %get3A_282 = arith.index_cast %add3A_122 : i32 to index
          %get3A_283 = arith.constant 112 : index
          %get3A_284 = tpu.vector_load %arg11[%get3A_282, %get3A_283] {strides = array<i32>} : memref<128x128xf32, #tpu.memory_space<vmem>>, vector<16xf32>,
          %swap3A_285 = arith.index_cast %add3A_122 : i32 to index
          %swap3A_286 = arith.constant 112 : index
          %swap3A_287 = tpu.vector_load %arg10[%swap3A_285, %swap3A_286] {strides = array<i32>} : memref<128x128xf32, #tpu.memory_space<vmem>>, vector<16xf32>,
          tpu.vector_store %arg10[%swap3A_285, %swap3A_286], %get3A_284 {strides = array<i32>} : memref<128x128xf32, #tpu.memory_space<vmem>>, vector<16xf32>,
        } else {
        }
        %mul3A_130 = arith.constant 16 : i32
        %mul3A_131 = arith.muli %scan3A_62, %mul3A_130 : i32
        %add3A_132 = arith.constant 6 : i32
        %add3A_133 = arith.addi %mul3A_131, %add3A_132 : i32
        %slice3A_134 = vector.extract_strided_slice %get3A_66 {offsets = [6], sizes = [1], strides = [1]} : vector<16xi32> to vector<1xi32>
        %squeeze3A_135 = vector.extract %slice3A_134[0] : i32 from vector<1xi32>
        %ge3A_136 = arith.constant 0 : i32
        %ge3A_137 = arith.cmpi sge, %squeeze3A_135, %ge3A_136 : i32
        %convert_element_type3A_138 = arith.extui %ge3A_137 : i1 to i32
        %cond3A_139 = arith.constant 0 : i32
        %cond3A_140 = arith.cmpi ne, %convert_element_type3A_138, %cond3A_139 : i32
        scf.if %cond3A_140 {
          %get3A_241 = arith.index_cast %add3A_133 : i32 to index
          %get3A_242 = arith.constant 0 : index
          %get3A_243 = tpu.vector_load %arg11[%get3A_241, %get3A_242] {strides = array<i32>} : memref<128x128xf32, #tpu.memory_space<vmem>>, vector<16xf32>,
          %swap3A = arith.index_cast %add3A_133 : i32 to index
          %swap3A_244 = arith.constant 0 : index
          %swap3A_245 = tpu.vector_load %arg10[%swap3A, %swap3A_244] {strides = array<i32>} : memref<128x128xf32, #tpu.memory_space<vmem>>, vector<16xf32>,
          tpu.vector_store %arg10[%swap3A, %swap3A_244], %get3A_243 {strides = array<i32>} : memref<128x128xf32, #tpu.memory_space<vmem>>, vector<16xf32>,
          %get3A_246 = arith.index_cast %add3A_133 : i32 to index
          %get3A_247 = arith.constant 16 : index
          %get3A_248 = tpu.vector_load %arg11[%get3A_246, %get3A_247] {strides = array<i32>} : memref<128x128xf32, #tpu.memory_space<vmem>>, vector<16xf32>,
          %swap3A_249 = arith.index_cast %add3A_133 : i32 to index
          %swap3A_250 = arith.constant 16 : index
          %swap3A_251 = tpu.vector_load %arg10[%swap3A_249, %swap3A_250] {strides = array<i32>} : memref<128x128xf32, #tpu.memory_space<vmem>>, vector<16xf32>,
          tpu.vector_store %arg10[%swap3A_249, %swap3A_250], %get3A_248 {strides = array<i32>} : memref<128x128xf32, #tpu.memory_space<vmem>>, vector<16xf32>,
          %get3A_252 = arith.index_cast %add3A_133 : i32 to index
          %get3A_253 = arith.constant 32 : index
          %get3A_254 = tpu.vector_load %arg11[%get3A_252, %get3A_253] {strides = array<i32>} : memref<128x128xf32, #tpu.memory_space<vmem>>, vector<16xf32>,
          %swap3A_255 = arith.index_cast %add3A_133 : i32 to index
          %swap3A_256 = arith.constant 32 : index
          %swap3A_257 = tpu.vector_load %arg10[%swap3A_255, %swap3A_256] {strides = array<i32>} : memref<128x128xf32, #tpu.memory_space<vmem>>, vector<16xf32>,
          tpu.vector_store %arg10[%swap3A_255, %swap3A_256], %get3A_254 {strides = array<i32>} : memref<128x128xf32, #tpu.memory_space<vmem>>, vector<16xf32>,
          %get3A_258 = arith.index_cast %add3A_133 : i32 to index
          %get3A_259 = arith.constant 48 : index
          %get3A_260 = tpu.vector_load %arg11[%get3A_258, %get3A_259] {strides = array<i32>} : memref<128x128xf32, #tpu.memory_space<vmem>>, vector<16xf32>,
          %swap3A_261 = arith.index_cast %add3A_133 : i32 to index
          %swap3A_262 = arith.constant 48 : index
          %swap3A_263 = tpu.vector_load %arg10[%swap3A_261, %swap3A_262] {strides = array<i32>} : memref<128x128xf32, #tpu.memory_space<vmem>>, vector<16xf32>,
          tpu.vector_store %arg10[%swap3A_261, %swap3A_262], %get3A_260 {strides = array<i32>} : memref<128x128xf32, #tpu.memory_space<vmem>>, vector<16xf32>,
          %get3A_264 = arith.index_cast %add3A_133 : i32 to index
          %get3A_265 = arith.constant 64 : index
          %get3A_266 = tpu.vector_load %arg11[%get3A_264, %get3A_265] {strides = array<i32>} : memref<128x128xf32, #tpu.memory_space<vmem>>, vector<16xf32>,
          %swap3A_267 = arith.index_cast %add3A_133 : i32 to index
          %swap3A_268 = arith.constant 64 : index
          %swap3A_269 = tpu.vector_load %arg10[%swap3A_267, %swap3A_268] {strides = array<i32>} : memref<128x128xf32, #tpu.memory_space<vmem>>, vector<16xf32>,
          tpu.vector_store %arg10[%swap3A_267, %swap3A_268], %get3A_266 {strides = array<i32>} : memref<128x128xf32, #tpu.memory_space<vmem>>, vector<16xf32>,
          %get3A_270 = arith.index_cast %add3A_133 : i32 to index
          %get3A_271 = arith.constant 80 : index
          %get3A_272 = tpu.vector_load %arg11[%get3A_270, %get3A_271] {strides = array<i32>} : memref<128x128xf32, #tpu.memory_space<vmem>>, vector<16xf32>,
          %swap3A_273 = arith.index_cast %add3A_133 : i32 to index
          %swap3A_274 = arith.constant 80 : index
          %swap3A_275 = tpu.vector_load %arg10[%swap3A_273, %swap3A_274] {strides = array<i32>} : memref<128x128xf32, #tpu.memory_space<vmem>>, vector<16xf32>,
          tpu.vector_store %arg10[%swap3A_273, %swap3A_274], %get3A_272 {strides = array<i32>} : memref<128x128xf32, #tpu.memory_space<vmem>>, vector<16xf32>,
          %get3A_276 = arith.index_cast %add3A_133 : i32 to index
          %get3A_277 = arith.constant 96 : index
          %get3A_278 = tpu.vector_load %arg11[%get3A_276, %get3A_277] {strides = array<i32>} : memref<128x128xf32, #tpu.memory_space<vmem>>, vector<16xf32>,
          %swap3A_279 = arith.index_cast %add3A_133 : i32 to index
          %swap3A_280 = arith.constant 96 : index
          %swap3A_281 = tpu.vector_load %arg10[%swap3A_279, %swap3A_280] {strides = array<i32>} : memref<128x128xf32, #tpu.memory_space<vmem>>, vector<16xf32>,
          tpu.vector_store %arg10[%swap3A_279, %swap3A_280], %get3A_278 {strides = array<i32>} : memref<128x128xf32, #tpu.memory_space<vmem>>, vector<16xf32>,
          %get3A_282 = arith.index_cast %add3A_133 : i32 to index
          %get3A_283 = arith.constant 112 : index
          %get3A_284 = tpu.vector_load %arg11[%get3A_282, %get3A_283] {strides = array<i32>} : memref<128x128xf32, #tpu.memory_space<vmem>>, vector<16xf32>,
          %swap3A_285 = arith.index_cast %add3A_133 : i32 to index
          %swap3A_286 = arith.constant 112 : index
          %swap3A_287 = tpu.vector_load %arg10[%swap3A_285, %swap3A_286] {strides = array<i32>} : memref<128x128xf32, #tpu.memory_space<vmem>>, vector<16xf32>,
          tpu.vector_store %arg10[%swap3A_285, %swap3A_286], %get3A_284 {strides = array<i32>} : memref<128x128xf32, #tpu.memory_space<vmem>>, vector<16xf32>,
        } else {
        }
        %mul3A_141 = arith.constant 16 : i32
        %mul3A_142 = arith.muli %scan3A_62, %mul3A_141 : i32
        %add3A_143 = arith.constant 7 : i32
        %add3A_144 = arith.addi %mul3A_142, %add3A_143 : i32
        %slice3A_145 = vector.extract_strided_slice %get3A_66 {offsets = [7], sizes = [1], strides = [1]} : vector<16xi32> to vector<1xi32>
        %squeeze3A_146 = vector.extract %slice3A_145[0] : i32 from vector<1xi32>
        %ge3A_147 = arith.constant 0 : i32
        %ge3A_148 = arith.cmpi sge, %squeeze3A_146, %ge3A_147 : i32
        %convert_element_type3A_149 = arith.extui %ge3A_148 : i1 to i32
        %cond3A_150 = arith.constant 0 : i32
        %cond3A_151 = arith.cmpi ne, %convert_element_type3A_149, %cond3A_150 : i32
        scf.if %cond3A_151 {
          %get3A_241 = arith.index_cast %add3A_144 : i32 to index
          %get3A_242 = arith.constant 0 : index
          %get3A_243 = tpu.vector_load %arg11[%get3A_241, %get3A_242] {strides = array<i32>} : memref<128x128xf32, #tpu.memory_space<vmem>>, vector<16xf32>,
          %swap3A = arith.index_cast %add3A_144 : i32 to index
          %swap3A_244 = arith.constant 0 : index
          %swap3A_245 = tpu.vector_load %arg10[%swap3A, %swap3A_244] {strides = array<i32>} : memref<128x128xf32, #tpu.memory_space<vmem>>, vector<16xf32>,
          tpu.vector_store %arg10[%swap3A, %swap3A_244], %get3A_243 {strides = array<i32>} : memref<128x128xf32, #tpu.memory_space<vmem>>, vector<16xf32>,
          %get3A_246 = arith.index_cast %add3A_144 : i32 to index
          %get3A_247 = arith.constant 16 : index
          %get3A_248 = tpu.vector_load %arg11[%get3A_246, %get3A_247] {strides = array<i32>} : memref<128x128xf32, #tpu.memory_space<vmem>>, vector<16xf32>,
          %swap3A_249 = arith.index_cast %add3A_144 : i32 to index
          %swap3A_250 = arith.constant 16 : index
          %swap3A_251 = tpu.vector_load %arg10[%swap3A_249, %swap3A_250] {strides = array<i32>} : memref<128x128xf32, #tpu.memory_space<vmem>>, vector<16xf32>,
          tpu.vector_store %arg10[%swap3A_249, %swap3A_250], %get3A_248 {strides = array<i32>} : memref<128x128xf32, #tpu.memory_space<vmem>>, vector<16xf32>,
          %get3A_252 = arith.index_cast %add3A_144 : i32 to index
          %get3A_253 = arith.constant 32 : index
          %get3A_254 = tpu.vector_load %arg11[%get3A_252, %get3A_253] {strides = array<i32>} : memref<128x128xf32, #tpu.memory_space<vmem>>, vector<16xf32>,
          %swap3A_255 = arith.index_cast %add3A_144 : i32 to index
          %swap3A_256 = arith.constant 32 : index
          %swap3A_257 = tpu.vector_load %arg10[%swap3A_255, %swap3A_256] {strides = array<i32>} : memref<128x128xf32, #tpu.memory_space<vmem>>, vector<16xf32>,
          tpu.vector_store %arg10[%swap3A_255, %swap3A_256], %get3A_254 {strides = array<i32>} : memref<128x128xf32, #tpu.memory_space<vmem>>, vector<16xf32>,
          %get3A_258 = arith.index_cast %add3A_144 : i32 to index
          %get3A_259 = arith.constant 48 : index
          %get3A_260 = tpu.vector_load %arg11[%get3A_258, %get3A_259] {strides = array<i32>} : memref<128x128xf32, #tpu.memory_space<vmem>>, vector<16xf32>,
          %swap3A_261 = arith.index_cast %add3A_144 : i32 to index
          %swap3A_262 = arith.constant 48 : index
          %swap3A_263 = tpu.vector_load %arg10[%swap3A_261, %swap3A_262] {strides = array<i32>} : memref<128x128xf32, #tpu.memory_space<vmem>>, vector<16xf32>,
          tpu.vector_store %arg10[%swap3A_261, %swap3A_262], %get3A_260 {strides = array<i32>} : memref<128x128xf32, #tpu.memory_space<vmem>>, vector<16xf32>,
          %get3A_264 = arith.index_cast %add3A_144 : i32 to index
          %get3A_265 = arith.constant 64 : index
          %get3A_266 = tpu.vector_load %arg11[%get3A_264, %get3A_265] {strides = array<i32>} : memref<128x128xf32, #tpu.memory_space<vmem>>, vector<16xf32>,
          %swap3A_267 = arith.index_cast %add3A_144 : i32 to index
          %swap3A_268 = arith.constant 64 : index
          %swap3A_269 = tpu.vector_load %arg10[%swap3A_267, %swap3A_268] {strides = array<i32>} : memref<128x128xf32, #tpu.memory_space<vmem>>, vector<16xf32>,
          tpu.vector_store %arg10[%swap3A_267, %swap3A_268], %get3A_266 {strides = array<i32>} : memref<128x128xf32, #tpu.memory_space<vmem>>, vector<16xf32>,
          %get3A_270 = arith.index_cast %add3A_144 : i32 to index
          %get3A_271 = arith.constant 80 : index
          %get3A_272 = tpu.vector_load %arg11[%get3A_270, %get3A_271] {strides = array<i32>} : memref<128x128xf32, #tpu.memory_space<vmem>>, vector<16xf32>,
          %swap3A_273 = arith.index_cast %add3A_144 : i32 to index
          %swap3A_274 = arith.constant 80 : index
          %swap3A_275 = tpu.vector_load %arg10[%swap3A_273, %swap3A_274] {strides = array<i32>} : memref<128x128xf32, #tpu.memory_space<vmem>>, vector<16xf32>,
          tpu.vector_store %arg10[%swap3A_273, %swap3A_274], %get3A_272 {strides = array<i32>} : memref<128x128xf32, #tpu.memory_space<vmem>>, vector<16xf32>,
          %get3A_276 = arith.index_cast %add3A_144 : i32 to index
          %get3A_277 = arith.constant 96 : index
          %get3A_278 = tpu.vector_load %arg11[%get3A_276, %get3A_277] {strides = array<i32>} : memref<128x128xf32, #tpu.memory_space<vmem>>, vector<16xf32>,
          %swap3A_279 = arith.index_cast %add3A_144 : i32 to index
          %swap3A_280 = arith.constant 96 : index
          %swap3A_281 = tpu.vector_load %arg10[%swap3A_279, %swap3A_280] {strides = array<i32>} : memref<128x128xf32, #tpu.memory_space<vmem>>, vector<16xf32>,
          tpu.vector_store %arg10[%swap3A_279, %swap3A_280], %get3A_278 {strides = array<i32>} : memref<128x128xf32, #tpu.memory_space<vmem>>, vector<16xf32>,
          %get3A_282 = arith.index_cast %add3A_144 : i32 to index
          %get3A_283 = arith.constant 112 : index
          %get3A_284 = tpu.vector_load %arg11[%get3A_282, %get3A_283] {strides = array<i32>} : memref<128x128xf32, #tpu.memory_space<vmem>>, vector<16xf32>,
          %swap3A_285 = arith.index_cast %add3A_144 : i32 to index
          %swap3A_286 = arith.constant 112 : index
          %swap3A_287 = tpu.vector_load %arg10[%swap3A_285, %swap3A_286] {strides = array<i32>} : memref<128x128xf32, #tpu.memory_space<vmem>>, vector<16xf32>,
          tpu.vector_store %arg10[%swap3A_285, %swap3A_286], %get3A_284 {strides = array<i32>} : memref<128x128xf32, #tpu.memory_space<vmem>>, vector<16xf32>,
        } else {
        }
        %mul3A_152 = arith.constant 16 : i32
        %mul3A_153 = arith.muli %scan3A_62, %mul3A_152 : i32
        %add3A_154 = arith.constant 8 : i32
        %add3A_155 = arith.addi %mul3A_153, %add3A_154 : i32
        %slice3A_156 = vector.extract_strided_slice %get3A_66 {offsets = [8], sizes = [1], strides = [1]} : vector<16xi32> to vector<1xi32>
        %squeeze3A_157 = vector.extract %slice3A_156[0] : i32 from vector<1xi32>
        %ge3A_158 = arith.constant 0 : i32
        %ge3A_159 = arith.cmpi sge, %squeeze3A_157, %ge3A_158 : i32
        %convert_element_type3A_160 = arith.extui %ge3A_159 : i1 to i32
        %cond3A_161 = arith.constant 0 : i32
        %cond3A_162 = arith.cmpi ne, %convert_element_type3A_160, %cond3A_161 : i32
        scf.if %cond3A_162 {
          %get3A_241 = arith.index_cast %add3A_155 : i32 to index
          %get3A_242 = arith.constant 0 : index
          %get3A_243 = tpu.vector_load %arg11[%get3A_241, %get3A_242] {strides = array<i32>} : memref<128x128xf32, #tpu.memory_space<vmem>>, vector<16xf32>,
          %swap3A = arith.index_cast %add3A_155 : i32 to index
          %swap3A_244 = arith.constant 0 : index
          %swap3A_245 = tpu.vector_load %arg10[%swap3A, %swap3A_244] {strides = array<i32>} : memref<128x128xf32, #tpu.memory_space<vmem>>, vector<16xf32>,
          tpu.vector_store %arg10[%swap3A, %swap3A_244], %get3A_243 {strides = array<i32>} : memref<128x128xf32, #tpu.memory_space<vmem>>, vector<16xf32>,
          %get3A_246 = arith.index_cast %add3A_155 : i32 to index
          %get3A_247 = arith.constant 16 : index
          %get3A_248 = tpu.vector_load %arg11[%get3A_246, %get3A_247] {strides = array<i32>} : memref<128x128xf32, #tpu.memory_space<vmem>>, vector<16xf32>,
          %swap3A_249 = arith.index_cast %add3A_155 : i32 to index
          %swap3A_250 = arith.constant 16 : index
          %swap3A_251 = tpu.vector_load %arg10[%swap3A_249, %swap3A_250] {strides = array<i32>} : memref<128x128xf32, #tpu.memory_space<vmem>>, vector<16xf32>,
          tpu.vector_store %arg10[%swap3A_249, %swap3A_250], %get3A_248 {strides = array<i32>} : memref<128x128xf32, #tpu.memory_space<vmem>>, vector<16xf32>,
          %get3A_252 = arith.index_cast %add3A_155 : i32 to index
          %get3A_253 = arith.constant 32 : index
          %get3A_254 = tpu.vector_load %arg11[%get3A_252, %get3A_253] {strides = array<i32>} : memref<128x128xf32, #tpu.memory_space<vmem>>, vector<16xf32>,
          %swap3A_255 = arith.index_cast %add3A_155 : i32 to index
          %swap3A_256 = arith.constant 32 : index
          %swap3A_257 = tpu.vector_load %arg10[%swap3A_255, %swap3A_256] {strides = array<i32>} : memref<128x128xf32, #tpu.memory_space<vmem>>, vector<16xf32>,
          tpu.vector_store %arg10[%swap3A_255, %swap3A_256], %get3A_254 {strides = array<i32>} : memref<128x128xf32, #tpu.memory_space<vmem>>, vector<16xf32>,
          %get3A_258 = arith.index_cast %add3A_155 : i32 to index
          %get3A_259 = arith.constant 48 : index
          %get3A_260 = tpu.vector_load %arg11[%get3A_258, %get3A_259] {strides = array<i32>} : memref<128x128xf32, #tpu.memory_space<vmem>>, vector<16xf32>,
          %swap3A_261 = arith.index_cast %add3A_155 : i32 to index
          %swap3A_262 = arith.constant 48 : index
          %swap3A_263 = tpu.vector_load %arg10[%swap3A_261, %swap3A_262] {strides = array<i32>} : memref<128x128xf32, #tpu.memory_space<vmem>>, vector<16xf32>,
          tpu.vector_store %arg10[%swap3A_261, %swap3A_262], %get3A_260 {strides = array<i32>} : memref<128x128xf32, #tpu.memory_space<vmem>>, vector<16xf32>,
          %get3A_264 = arith.index_cast %add3A_155 : i32 to index
          %get3A_265 = arith.constant 64 : index
          %get3A_266 = tpu.vector_load %arg11[%get3A_264, %get3A_265] {strides = array<i32>} : memref<128x128xf32, #tpu.memory_space<vmem>>, vector<16xf32>,
          %swap3A_267 = arith.index_cast %add3A_155 : i32 to index
          %swap3A_268 = arith.constant 64 : index
          %swap3A_269 = tpu.vector_load %arg10[%swap3A_267, %swap3A_268] {strides = array<i32>} : memref<128x128xf32, #tpu.memory_space<vmem>>, vector<16xf32>,
          tpu.vector_store %arg10[%swap3A_267, %swap3A_268], %get3A_266 {strides = array<i32>} : memref<128x128xf32, #tpu.memory_space<vmem>>, vector<16xf32>,
          %get3A_270 = arith.index_cast %add3A_155 : i32 to index
          %get3A_271 = arith.constant 80 : index
          %get3A_272 = tpu.vector_load %arg11[%get3A_270, %get3A_271] {strides = array<i32>} : memref<128x128xf32, #tpu.memory_space<vmem>>, vector<16xf32>,
          %swap3A_273 = arith.index_cast %add3A_155 : i32 to index
          %swap3A_274 = arith.constant 80 : index
          %swap3A_275 = tpu.vector_load %arg10[%swap3A_273, %swap3A_274] {strides = array<i32>} : memref<128x128xf32, #tpu.memory_space<vmem>>, vector<16xf32>,
          tpu.vector_store %arg10[%swap3A_273, %swap3A_274], %get3A_272 {strides = array<i32>} : memref<128x128xf32, #tpu.memory_space<vmem>>, vector<16xf32>,
          %get3A_276 = arith.index_cast %add3A_155 : i32 to index
          %get3A_277 = arith.constant 96 : index
          %get3A_278 = tpu.vector_load %arg11[%get3A_276, %get3A_277] {strides = array<i32>} : memref<128x128xf32, #tpu.memory_space<vmem>>, vector<16xf32>,
          %swap3A_279 = arith.index_cast %add3A_155 : i32 to index
          %swap3A_280 = arith.constant 96 : index
          %swap3A_281 = tpu.vector_load %arg10[%swap3A_279, %swap3A_280] {strides = array<i32>} : memref<128x128xf32, #tpu.memory_space<vmem>>, vector<16xf32>,
          tpu.vector_store %arg10[%swap3A_279, %swap3A_280], %get3A_278 {strides = array<i32>} : memref<128x128xf32, #tpu.memory_space<vmem>>, vector<16xf32>,
          %get3A_282 = arith.index_cast %add3A_155 : i32 to index
          %get3A_283 = arith.constant 112 : index
          %get3A_284 = tpu.vector_load %arg11[%get3A_282, %get3A_283] {strides = array<i32>} : memref<128x128xf32, #tpu.memory_space<vmem>>, vector<16xf32>,
          %swap3A_285 = arith.index_cast %add3A_155 : i32 to index
          %swap3A_286 = arith.constant 112 : index
          %swap3A_287 = tpu.vector_load %arg10[%swap3A_285, %swap3A_286] {strides = array<i32>} : memref<128x128xf32, #tpu.memory_space<vmem>>, vector<16xf32>,
          tpu.vector_store %arg10[%swap3A_285, %swap3A_286], %get3A_284 {strides = array<i32>} : memref<128x128xf32, #tpu.memory_space<vmem>>, vector<16xf32>,
        } else {
        }
        %mul3A_163 = arith.constant 16 : i32
        %mul3A_164 = arith.muli %scan3A_62, %mul3A_163 : i32
        %add3A_165 = arith.constant 9 : i32
        %add3A_166 = arith.addi %mul3A_164, %add3A_165 : i32
        %slice3A_167 = vector.extract_strided_slice %get3A_66 {offsets = [9], sizes = [1], strides = [1]} : vector<16xi32> to vector<1xi32>
        %squeeze3A_168 = vector.extract %slice3A_167[0] : i32 from vector<1xi32>
        %ge3A_169 = arith.constant 0 : i32
        %ge3A_170 = arith.cmpi sge, %squeeze3A_168, %ge3A_169 : i32
        %convert_element_type3A_171 = arith.extui %ge3A_170 : i1 to i32
        %cond3A_172 = arith.constant 0 : i32
        %cond3A_173 = arith.cmpi ne, %convert_element_type3A_171, %cond3A_172 : i32
        scf.if %cond3A_173 {
          %get3A_241 = arith.index_cast %add3A_166 : i32 to index
          %get3A_242 = arith.constant 0 : index
          %get3A_243 = tpu.vector_load %arg11[%get3A_241, %get3A_242] {strides = array<i32>} : memref<128x128xf32, #tpu.memory_space<vmem>>, vector<16xf32>,
          %swap3A = arith.index_cast %add3A_166 : i32 to index
          %swap3A_244 = arith.constant 0 : index
          %swap3A_245 = tpu.vector_load %arg10[%swap3A, %swap3A_244] {strides = array<i32>} : memref<128x128xf32, #tpu.memory_space<vmem>>, vector<16xf32>,
          tpu.vector_store %arg10[%swap3A, %swap3A_244], %get3A_243 {strides = array<i32>} : memref<128x128xf32, #tpu.memory_space<vmem>>, vector<16xf32>,
          %get3A_246 = arith.index_cast %add3A_166 : i32 to index
          %get3A_247 = arith.constant 16 : index
          %get3A_248 = tpu.vector_load %arg11[%get3A_246, %get3A_247] {strides = array<i32>} : memref<128x128xf32, #tpu.memory_space<vmem>>, vector<16xf32>,
          %swap3A_249 = arith.index_cast %add3A_166 : i32 to index
          %swap3A_250 = arith.constant 16 : index
          %swap3A_251 = tpu.vector_load %arg10[%swap3A_249, %swap3A_250] {strides = array<i32>} : memref<128x128xf32, #tpu.memory_space<vmem>>, vector<16xf32>,
          tpu.vector_store %arg10[%swap3A_249, %swap3A_250], %get3A_248 {strides = array<i32>} : memref<128x128xf32, #tpu.memory_space<vmem>>, vector<16xf32>,
          %get3A_252 = arith.index_cast %add3A_166 : i32 to index
          %get3A_253 = arith.constant 32 : index
          %get3A_254 = tpu.vector_load %arg11[%get3A_252, %get3A_253] {strides = array<i32>} : memref<128x128xf32, #tpu.memory_space<vmem>>, vector<16xf32>,
          %swap3A_255 = arith.index_cast %add3A_166 : i32 to index
          %swap3A_256 = arith.constant 32 : index
          %swap3A_257 = tpu.vector_load %arg10[%swap3A_255, %swap3A_256] {strides = array<i32>} : memref<128x128xf32, #tpu.memory_space<vmem>>, vector<16xf32>,
          tpu.vector_store %arg10[%swap3A_255, %swap3A_256], %get3A_254 {strides = array<i32>} : memref<128x128xf32, #tpu.memory_space<vmem>>, vector<16xf32>,
          %get3A_258 = arith.index_cast %add3A_166 : i32 to index
          %get3A_259 = arith.constant 48 : index
          %get3A_260 = tpu.vector_load %arg11[%get3A_258, %get3A_259] {strides = array<i32>} : memref<128x128xf32, #tpu.memory_space<vmem>>, vector<16xf32>,
          %swap3A_261 = arith.index_cast %add3A_166 : i32 to index
          %swap3A_262 = arith.constant 48 : index
          %swap3A_263 = tpu.vector_load %arg10[%swap3A_261, %swap3A_262] {strides = array<i32>} : memref<128x128xf32, #tpu.memory_space<vmem>>, vector<16xf32>,
          tpu.vector_store %arg10[%swap3A_261, %swap3A_262], %get3A_260 {strides = array<i32>} : memref<128x128xf32, #tpu.memory_space<vmem>>, vector<16xf32>,
          %get3A_264 = arith.index_cast %add3A_166 : i32 to index
          %get3A_265 = arith.constant 64 : index
          %get3A_266 = tpu.vector_load %arg11[%get3A_264, %get3A_265] {strides = array<i32>} : memref<128x128xf32, #tpu.memory_space<vmem>>, vector<16xf32>,
          %swap3A_267 = arith.index_cast %add3A_166 : i32 to index
          %swap3A_268 = arith.constant 64 : index
          %swap3A_269 = tpu.vector_load %arg10[%swap3A_267, %swap3A_268] {strides = array<i32>} : memref<128x128xf32, #tpu.memory_space<vmem>>, vector<16xf32>,
          tpu.vector_store %arg10[%swap3A_267, %swap3A_268], %get3A_266 {strides = array<i32>} : memref<128x128xf32, #tpu.memory_space<vmem>>, vector<16xf32>,
          %get3A_270 = arith.index_cast %add3A_166 : i32 to index
          %get3A_271 = arith.constant 80 : index
          %get3A_272 = tpu.vector_load %arg11[%get3A_270, %get3A_271] {strides = array<i32>} : memref<128x128xf32, #tpu.memory_space<vmem>>, vector<16xf32>,
          %swap3A_273 = arith.index_cast %add3A_166 : i32 to index
          %swap3A_274 = arith.constant 80 : index
          %swap3A_275 = tpu.vector_load %arg10[%swap3A_273, %swap3A_274] {strides = array<i32>} : memref<128x128xf32, #tpu.memory_space<vmem>>, vector<16xf32>,
          tpu.vector_store %arg10[%swap3A_273, %swap3A_274], %get3A_272 {strides = array<i32>} : memref<128x128xf32, #tpu.memory_space<vmem>>, vector<16xf32>,
          %get3A_276 = arith.index_cast %add3A_166 : i32 to index
          %get3A_277 = arith.constant 96 : index
          %get3A_278 = tpu.vector_load %arg11[%get3A_276, %get3A_277] {strides = array<i32>} : memref<128x128xf32, #tpu.memory_space<vmem>>, vector<16xf32>,
          %swap3A_279 = arith.index_cast %add3A_166 : i32 to index
          %swap3A_280 = arith.constant 96 : index
          %swap3A_281 = tpu.vector_load %arg10[%swap3A_279, %swap3A_280] {strides = array<i32>} : memref<128x128xf32, #tpu.memory_space<vmem>>, vector<16xf32>,
          tpu.vector_store %arg10[%swap3A_279, %swap3A_280], %get3A_278 {strides = array<i32>} : memref<128x128xf32, #tpu.memory_space<vmem>>, vector<16xf32>,
          %get3A_282 = arith.index_cast %add3A_166 : i32 to index
          %get3A_283 = arith.constant 112 : index
          %get3A_284 = tpu.vector_load %arg11[%get3A_282, %get3A_283] {strides = array<i32>} : memref<128x128xf32, #tpu.memory_space<vmem>>, vector<16xf32>,
          %swap3A_285 = arith.index_cast %add3A_166 : i32 to index
          %swap3A_286 = arith.constant 112 : index
          %swap3A_287 = tpu.vector_load %arg10[%swap3A_285, %swap3A_286] {strides = array<i32>} : memref<128x128xf32, #tpu.memory_space<vmem>>, vector<16xf32>,
          tpu.vector_store %arg10[%swap3A_285, %swap3A_286], %get3A_284 {strides = array<i32>} : memref<128x128xf32, #tpu.memory_space<vmem>>, vector<16xf32>,
        } else {
        }
        %mul3A_174 = arith.constant 16 : i32
        %mul3A_175 = arith.muli %scan3A_62, %mul3A_174 : i32
        %add3A_176 = arith.constant 10 : i32
        %add3A_177 = arith.addi %mul3A_175, %add3A_176 : i32
        %slice3A_178 = vector.extract_strided_slice %get3A_66 {offsets = [10], sizes = [1], strides = [1]} : vector<16xi32> to vector<1xi32>
        %squeeze3A_179 = vector.extract %slice3A_178[0] : i32 from vector<1xi32>
        %ge3A_180 = arith.constant 0 : i32
        %ge3A_181 = arith.cmpi sge, %squeeze3A_179, %ge3A_180 : i32
        %convert_element_type3A_182 = arith.extui %ge3A_181 : i1 to i32
        %cond3A_183 = arith.constant 0 : i32
        %cond3A_184 = arith.cmpi ne, %convert_element_type3A_182, %cond3A_183 : i32
        scf.if %cond3A_184 {
          %get3A_241 = arith.index_cast %add3A_177 : i32 to index
          %get3A_242 = arith.constant 0 : index
          %get3A_243 = tpu.vector_load %arg11[%get3A_241, %get3A_242] {strides = array<i32>} : memref<128x128xf32, #tpu.memory_space<vmem>>, vector<16xf32>,
          %swap3A = arith.index_cast %add3A_177 : i32 to index
          %swap3A_244 = arith.constant 0 : index
          %swap3A_245 = tpu.vector_load %arg10[%swap3A, %swap3A_244] {strides = array<i32>} : memref<128x128xf32, #tpu.memory_space<vmem>>, vector<16xf32>,
          tpu.vector_store %arg10[%swap3A, %swap3A_244], %get3A_243 {strides = array<i32>} : memref<128x128xf32, #tpu.memory_space<vmem>>, vector<16xf32>,
          %get3A_246 = arith.index_cast %add3A_177 : i32 to index
          %get3A_247 = arith.constant 16 : index
          %get3A_248 = tpu.vector_load %arg11[%get3A_246, %get3A_247] {strides = array<i32>} : memref<128x128xf32, #tpu.memory_space<vmem>>, vector<16xf32>,
          %swap3A_249 = arith.index_cast %add3A_177 : i32 to index
          %swap3A_250 = arith.constant 16 : index
          %swap3A_251 = tpu.vector_load %arg10[%swap3A_249, %swap3A_250] {strides = array<i32>} : memref<128x128xf32, #tpu.memory_space<vmem>>, vector<16xf32>,
          tpu.vector_store %arg10[%swap3A_249, %swap3A_250], %get3A_248 {strides = array<i32>} : memref<128x128xf32, #tpu.memory_space<vmem>>, vector<16xf32>,
          %get3A_252 = arith.index_cast %add3A_177 : i32 to index
          %get3A_253 = arith.constant 32 : index
          %get3A_254 = tpu.vector_load %arg11[%get3A_252, %get3A_253] {strides = array<i32>} : memref<128x128xf32, #tpu.memory_space<vmem>>, vector<16xf32>,
          %swap3A_255 = arith.index_cast %add3A_177 : i32 to index
          %swap3A_256 = arith.constant 32 : index
          %swap3A_257 = tpu.vector_load %arg10[%swap3A_255, %swap3A_256] {strides = array<i32>} : memref<128x128xf32, #tpu.memory_space<vmem>>, vector<16xf32>,
          tpu.vector_store %arg10[%swap3A_255, %swap3A_256], %get3A_254 {strides = array<i32>} : memref<128x128xf32, #tpu.memory_space<vmem>>, vector<16xf32>,
          %get3A_258 = arith.index_cast %add3A_177 : i32 to index
          %get3A_259 = arith.constant 48 : index
          %get3A_260 = tpu.vector_load %arg11[%get3A_258, %get3A_259] {strides = array<i32>} : memref<128x128xf32, #tpu.memory_space<vmem>>, vector<16xf32>,
          %swap3A_261 = arith.index_cast %add3A_177 : i32 to index
          %swap3A_262 = arith.constant 48 : index
          %swap3A_263 = tpu.vector_load %arg10[%swap3A_261, %swap3A_262] {strides = array<i32>} : memref<128x128xf32, #tpu.memory_space<vmem>>, vector<16xf32>,
          tpu.vector_store %arg10[%swap3A_261, %swap3A_262], %get3A_260 {strides = array<i32>} : memref<128x128xf32, #tpu.memory_space<vmem>>, vector<16xf32>,
          %get3A_264 = arith.index_cast %add3A_177 : i32 to index
          %get3A_265 = arith.constant 64 : index
          %get3A_266 = tpu.vector_load %arg11[%get3A_264, %get3A_265] {strides = array<i32>} : memref<128x128xf32, #tpu.memory_space<vmem>>, vector<16xf32>,
          %swap3A_267 = arith.index_cast %add3A_177 : i32 to index
          %swap3A_268 = arith.constant 64 : index
          %swap3A_269 = tpu.vector_load %arg10[%swap3A_267, %swap3A_268] {strides = array<i32>} : memref<128x128xf32, #tpu.memory_space<vmem>>, vector<16xf32>,
          tpu.vector_store %arg10[%swap3A_267, %swap3A_268], %get3A_266 {strides = array<i32>} : memref<128x128xf32, #tpu.memory_space<vmem>>, vector<16xf32>,
          %get3A_270 = arith.index_cast %add3A_177 : i32 to index
          %get3A_271 = arith.constant 80 : index
          %get3A_272 = tpu.vector_load %arg11[%get3A_270, %get3A_271] {strides = array<i32>} : memref<128x128xf32, #tpu.memory_space<vmem>>, vector<16xf32>,
          %swap3A_273 = arith.index_cast %add3A_177 : i32 to index
          %swap3A_274 = arith.constant 80 : index
          %swap3A_275 = tpu.vector_load %arg10[%swap3A_273, %swap3A_274] {strides = array<i32>} : memref<128x128xf32, #tpu.memory_space<vmem>>, vector<16xf32>,
          tpu.vector_store %arg10[%swap3A_273, %swap3A_274], %get3A_272 {strides = array<i32>} : memref<128x128xf32, #tpu.memory_space<vmem>>, vector<16xf32>,
          %get3A_276 = arith.index_cast %add3A_177 : i32 to index
          %get3A_277 = arith.constant 96 : index
          %get3A_278 = tpu.vector_load %arg11[%get3A_276, %get3A_277] {strides = array<i32>} : memref<128x128xf32, #tpu.memory_space<vmem>>, vector<16xf32>,
          %swap3A_279 = arith.index_cast %add3A_177 : i32 to index
          %swap3A_280 = arith.constant 96 : index
          %swap3A_281 = tpu.vector_load %arg10[%swap3A_279, %swap3A_280] {strides = array<i32>} : memref<128x128xf32, #tpu.memory_space<vmem>>, vector<16xf32>,
          tpu.vector_store %arg10[%swap3A_279, %swap3A_280], %get3A_278 {strides = array<i32>} : memref<128x128xf32, #tpu.memory_space<vmem>>, vector<16xf32>,
          %get3A_282 = arith.index_cast %add3A_177 : i32 to index
          %get3A_283 = arith.constant 112 : index
          %get3A_284 = tpu.vector_load %arg11[%get3A_282, %get3A_283] {strides = array<i32>} : memref<128x128xf32, #tpu.memory_space<vmem>>, vector<16xf32>,
          %swap3A_285 = arith.index_cast %add3A_177 : i32 to index
          %swap3A_286 = arith.constant 112 : index
          %swap3A_287 = tpu.vector_load %arg10[%swap3A_285, %swap3A_286] {strides = array<i32>} : memref<128x128xf32, #tpu.memory_space<vmem>>, vector<16xf32>,
          tpu.vector_store %arg10[%swap3A_285, %swap3A_286], %get3A_284 {strides = array<i32>} : memref<128x128xf32, #tpu.memory_space<vmem>>, vector<16xf32>,
        } else {
        }
        %mul3A_185 = arith.constant 16 : i32
        %mul3A_186 = arith.muli %scan3A_62, %mul3A_185 : i32
        %add3A_187 = arith.constant 11 : i32
        %add3A_188 = arith.addi %mul3A_186, %add3A_187 : i32
        %slice3A_189 = vector.extract_strided_slice %get3A_66 {offsets = [11], sizes = [1], strides = [1]} : vector<16xi32> to vector<1xi32>
        %squeeze3A_190 = vector.extract %slice3A_189[0] : i32 from vector<1xi32>
        %ge3A_191 = arith.constant 0 : i32
        %ge3A_192 = arith.cmpi sge, %squeeze3A_190, %ge3A_191 : i32
        %convert_element_type3A_193 = arith.extui %ge3A_192 : i1 to i32
        %cond3A_194 = arith.constant 0 : i32
        %cond3A_195 = arith.cmpi ne, %convert_element_type3A_193, %cond3A_194 : i32
        scf.if %cond3A_195 {
          %get3A_241 = arith.index_cast %add3A_188 : i32 to index
          %get3A_242 = arith.constant 0 : index
          %get3A_243 = tpu.vector_load %arg11[%get3A_241, %get3A_242] {strides = array<i32>} : memref<128x128xf32, #tpu.memory_space<vmem>>, vector<16xf32>,
          %swap3A = arith.index_cast %add3A_188 : i32 to index
          %swap3A_244 = arith.constant 0 : index
          %swap3A_245 = tpu.vector_load %arg10[%swap3A, %swap3A_244] {strides = array<i32>} : memref<128x128xf32, #tpu.memory_space<vmem>>, vector<16xf32>,
          tpu.vector_store %arg10[%swap3A, %swap3A_244], %get3A_243 {strides = array<i32>} : memref<128x128xf32, #tpu.memory_space<vmem>>, vector<16xf32>,
          %get3A_246 = arith.index_cast %add3A_188 : i32 to index
          %get3A_247 = arith.constant 16 : index
          %get3A_248 = tpu.vector_load %arg11[%get3A_246, %get3A_247] {strides = array<i32>} : memref<128x128xf32, #tpu.memory_space<vmem>>, vector<16xf32>,
          %swap3A_249 = arith.index_cast %add3A_188 : i32 to index
          %swap3A_250 = arith.constant 16 : index
          %swap3A_251 = tpu.vector_load %arg10[%swap3A_249, %swap3A_250] {strides = array<i32>} : memref<128x128xf32, #tpu.memory_space<vmem>>, vector<16xf32>,
          tpu.vector_store %arg10[%swap3A_249, %swap3A_250], %get3A_248 {strides = array<i32>} : memref<128x128xf32, #tpu.memory_space<vmem>>, vector<16xf32>,
          %get3A_252 = arith.index_cast %add3A_188 : i32 to index
          %get3A_253 = arith.constant 32 : index
          %get3A_254 = tpu.vector_load %arg11[%get3A_252, %get3A_253] {strides = array<i32>} : memref<128x128xf32, #tpu.memory_space<vmem>>, vector<16xf32>,
          %swap3A_255 = arith.index_cast %add3A_188 : i32 to index
          %swap3A_256 = arith.constant 32 : index
          %swap3A_257 = tpu.vector_load %arg10[%swap3A_255, %swap3A_256] {strides = array<i32>} : memref<128x128xf32, #tpu.memory_space<vmem>>, vector<16xf32>,
          tpu.vector_store %arg10[%swap3A_255, %swap3A_256], %get3A_254 {strides = array<i32>} : memref<128x128xf32, #tpu.memory_space<vmem>>, vector<16xf32>,
          %get3A_258 = arith.index_cast %add3A_188 : i32 to index
          %get3A_259 = arith.constant 48 : index
          %get3A_260 = tpu.vector_load %arg11[%get3A_258, %get3A_259] {strides = array<i32>} : memref<128x128xf32, #tpu.memory_space<vmem>>, vector<16xf32>,
          %swap3A_261 = arith.index_cast %add3A_188 : i32 to index
          %swap3A_262 = arith.constant 48 : index
          %swap3A_263 = tpu.vector_load %arg10[%swap3A_261, %swap3A_262] {strides = array<i32>} : memref<128x128xf32, #tpu.memory_space<vmem>>, vector<16xf32>,
          tpu.vector_store %arg10[%swap3A_261, %swap3A_262], %get3A_260 {strides = array<i32>} : memref<128x128xf32, #tpu.memory_space<vmem>>, vector<16xf32>,
          %get3A_264 = arith.index_cast %add3A_188 : i32 to index
          %get3A_265 = arith.constant 64 : index
          %get3A_266 = tpu.vector_load %arg11[%get3A_264, %get3A_265] {strides = array<i32>} : memref<128x128xf32, #tpu.memory_space<vmem>>, vector<16xf32>,
          %swap3A_267 = arith.index_cast %add3A_188 : i32 to index
          %swap3A_268 = arith.constant 64 : index
          %swap3A_269 = tpu.vector_load %arg10[%swap3A_267, %swap3A_268] {strides = array<i32>} : memref<128x128xf32, #tpu.memory_space<vmem>>, vector<16xf32>,
          tpu.vector_store %arg10[%swap3A_267, %swap3A_268], %get3A_266 {strides = array<i32>} : memref<128x128xf32, #tpu.memory_space<vmem>>, vector<16xf32>,
          %get3A_270 = arith.index_cast %add3A_188 : i32 to index
          %get3A_271 = arith.constant 80 : index
          %get3A_272 = tpu.vector_load %arg11[%get3A_270, %get3A_271] {strides = array<i32>} : memref<128x128xf32, #tpu.memory_space<vmem>>, vector<16xf32>,
          %swap3A_273 = arith.index_cast %add3A_188 : i32 to index
          %swap3A_274 = arith.constant 80 : index
          %swap3A_275 = tpu.vector_load %arg10[%swap3A_273, %swap3A_274] {strides = array<i32>} : memref<128x128xf32, #tpu.memory_space<vmem>>, vector<16xf32>,
          tpu.vector_store %arg10[%swap3A_273, %swap3A_274], %get3A_272 {strides = array<i32>} : memref<128x128xf32, #tpu.memory_space<vmem>>, vector<16xf32>,
          %get3A_276 = arith.index_cast %add3A_188 : i32 to index
          %get3A_277 = arith.constant 96 : index
          %get3A_278 = tpu.vector_load %arg11[%get3A_276, %get3A_277] {strides = array<i32>} : memref<128x128xf32, #tpu.memory_space<vmem>>, vector<16xf32>,
          %swap3A_279 = arith.index_cast %add3A_188 : i32 to index
          %swap3A_280 = arith.constant 96 : index
          %swap3A_281 = tpu.vector_load %arg10[%swap3A_279, %swap3A_280] {strides = array<i32>} : memref<128x128xf32, #tpu.memory_space<vmem>>, vector<16xf32>,
          tpu.vector_store %arg10[%swap3A_279, %swap3A_280], %get3A_278 {strides = array<i32>} : memref<128x128xf32, #tpu.memory_space<vmem>>, vector<16xf32>,
          %get3A_282 = arith.index_cast %add3A_188 : i32 to index
          %get3A_283 = arith.constant 112 : index
          %get3A_284 = tpu.vector_load %arg11[%get3A_282, %get3A_283] {strides = array<i32>} : memref<128x128xf32, #tpu.memory_space<vmem>>, vector<16xf32>,
          %swap3A_285 = arith.index_cast %add3A_188 : i32 to index
          %swap3A_286 = arith.constant 112 : index
          %swap3A_287 = tpu.vector_load %arg10[%swap3A_285, %swap3A_286] {strides = array<i32>} : memref<128x128xf32, #tpu.memory_space<vmem>>, vector<16xf32>,
          tpu.vector_store %arg10[%swap3A_285, %swap3A_286], %get3A_284 {strides = array<i32>} : memref<128x128xf32, #tpu.memory_space<vmem>>, vector<16xf32>,
        } else {
        }
        %mul3A_196 = arith.constant 16 : i32
        %mul3A_197 = arith.muli %scan3A_62, %mul3A_196 : i32
        %add3A_198 = arith.constant 12 : i32
        %add3A_199 = arith.addi %mul3A_197, %add3A_198 : i32
        %slice3A_200 = vector.extract_strided_slice %get3A_66 {offsets = [12], sizes = [1], strides = [1]} : vector<16xi32> to vector<1xi32>
        %squeeze3A_201 = vector.extract %slice3A_200[0] : i32 from vector<1xi32>
        %ge3A_202 = arith.constant 0 : i32
        %ge3A_203 = arith.cmpi sge, %squeeze3A_201, %ge3A_202 : i32
        %convert_element_type3A_204 = arith.extui %ge3A_203 : i1 to i32
        %cond3A_205 = arith.constant 0 : i32
        %cond3A_206 = arith.cmpi ne, %convert_element_type3A_204, %cond3A_205 : i32
        scf.if %cond3A_206 {
          %get3A_241 = arith.index_cast %add3A_199 : i32 to index
          %get3A_242 = arith.constant 0 : index
          %get3A_243 = tpu.vector_load %arg11[%get3A_241, %get3A_242] {strides = array<i32>} : memref<128x128xf32, #tpu.memory_space<vmem>>, vector<16xf32>,
          %swap3A = arith.index_cast %add3A_199 : i32 to index
          %swap3A_244 = arith.constant 0 : index
          %swap3A_245 = tpu.vector_load %arg10[%swap3A, %swap3A_244] {strides = array<i32>} : memref<128x128xf32, #tpu.memory_space<vmem>>, vector<16xf32>,
          tpu.vector_store %arg10[%swap3A, %swap3A_244], %get3A_243 {strides = array<i32>} : memref<128x128xf32, #tpu.memory_space<vmem>>, vector<16xf32>,
          %get3A_246 = arith.index_cast %add3A_199 : i32 to index
          %get3A_247 = arith.constant 16 : index
          %get3A_248 = tpu.vector_load %arg11[%get3A_246, %get3A_247] {strides = array<i32>} : memref<128x128xf32, #tpu.memory_space<vmem>>, vector<16xf32>,
          %swap3A_249 = arith.index_cast %add3A_199 : i32 to index
          %swap3A_250 = arith.constant 16 : index
          %swap3A_251 = tpu.vector_load %arg10[%swap3A_249, %swap3A_250] {strides = array<i32>} : memref<128x128xf32, #tpu.memory_space<vmem>>, vector<16xf32>,
          tpu.vector_store %arg10[%swap3A_249, %swap3A_250], %get3A_248 {strides = array<i32>} : memref<128x128xf32, #tpu.memory_space<vmem>>, vector<16xf32>,
          %get3A_252 = arith.index_cast %add3A_199 : i32 to index
          %get3A_253 = arith.constant 32 : index
          %get3A_254 = tpu.vector_load %arg11[%get3A_252, %get3A_253] {strides = array<i32>} : memref<128x128xf32, #tpu.memory_space<vmem>>, vector<16xf32>,
          %swap3A_255 = arith.index_cast %add3A_199 : i32 to index
          %swap3A_256 = arith.constant 32 : index
          %swap3A_257 = tpu.vector_load %arg10[%swap3A_255, %swap3A_256] {strides = array<i32>} : memref<128x128xf32, #tpu.memory_space<vmem>>, vector<16xf32>,
          tpu.vector_store %arg10[%swap3A_255, %swap3A_256], %get3A_254 {strides = array<i32>} : memref<128x128xf32, #tpu.memory_space<vmem>>, vector<16xf32>,
          %get3A_258 = arith.index_cast %add3A_199 : i32 to index
          %get3A_259 = arith.constant 48 : index
          %get3A_260 = tpu.vector_load %arg11[%get3A_258, %get3A_259] {strides = array<i32>} : memref<128x128xf32, #tpu.memory_space<vmem>>, vector<16xf32>,
          %swap3A_261 = arith.index_cast %add3A_199 : i32 to index
          %swap3A_262 = arith.constant 48 : index
          %swap3A_263 = tpu.vector_load %arg10[%swap3A_261, %swap3A_262] {strides = array<i32>} : memref<128x128xf32, #tpu.memory_space<vmem>>, vector<16xf32>,
          tpu.vector_store %arg10[%swap3A_261, %swap3A_262], %get3A_260 {strides = array<i32>} : memref<128x128xf32, #tpu.memory_space<vmem>>, vector<16xf32>,
          %get3A_264 = arith.index_cast %add3A_199 : i32 to index
          %get3A_265 = arith.constant 64 : index
          %get3A_266 = tpu.vector_load %arg11[%get3A_264, %get3A_265] {strides = array<i32>} : memref<128x128xf32, #tpu.memory_space<vmem>>, vector<16xf32>,
          %swap3A_267 = arith.index_cast %add3A_199 : i32 to index
          %swap3A_268 = arith.constant 64 : index
          %swap3A_269 = tpu.vector_load %arg10[%swap3A_267, %swap3A_268] {strides = array<i32>} : memref<128x128xf32, #tpu.memory_space<vmem>>, vector<16xf32>,
          tpu.vector_store %arg10[%swap3A_267, %swap3A_268], %get3A_266 {strides = array<i32>} : memref<128x128xf32, #tpu.memory_space<vmem>>, vector<16xf32>,
          %get3A_270 = arith.index_cast %add3A_199 : i32 to index
          %get3A_271 = arith.constant 80 : index
          %get3A_272 = tpu.vector_load %arg11[%get3A_270, %get3A_271] {strides = array<i32>} : memref<128x128xf32, #tpu.memory_space<vmem>>, vector<16xf32>,
          %swap3A_273 = arith.index_cast %add3A_199 : i32 to index
          %swap3A_274 = arith.constant 80 : index
          %swap3A_275 = tpu.vector_load %arg10[%swap3A_273, %swap3A_274] {strides = array<i32>} : memref<128x128xf32, #tpu.memory_space<vmem>>, vector<16xf32>,
          tpu.vector_store %arg10[%swap3A_273, %swap3A_274], %get3A_272 {strides = array<i32>} : memref<128x128xf32, #tpu.memory_space<vmem>>, vector<16xf32>,
          %get3A_276 = arith.index_cast %add3A_199 : i32 to index
          %get3A_277 = arith.constant 96 : index
          %get3A_278 = tpu.vector_load %arg11[%get3A_276, %get3A_277] {strides = array<i32>} : memref<128x128xf32, #tpu.memory_space<vmem>>, vector<16xf32>,
          %swap3A_279 = arith.index_cast %add3A_199 : i32 to index
          %swap3A_280 = arith.constant 96 : index
          %swap3A_281 = tpu.vector_load %arg10[%swap3A_279, %swap3A_280] {strides = array<i32>} : memref<128x128xf32, #tpu.memory_space<vmem>>, vector<16xf32>,
          tpu.vector_store %arg10[%swap3A_279, %swap3A_280], %get3A_278 {strides = array<i32>} : memref<128x128xf32, #tpu.memory_space<vmem>>, vector<16xf32>,
          %get3A_282 = arith.index_cast %add3A_199 : i32 to index
          %get3A_283 = arith.constant 112 : index
          %get3A_284 = tpu.vector_load %arg11[%get3A_282, %get3A_283] {strides = array<i32>} : memref<128x128xf32, #tpu.memory_space<vmem>>, vector<16xf32>,
          %swap3A_285 = arith.index_cast %add3A_199 : i32 to index
          %swap3A_286 = arith.constant 112 : index
          %swap3A_287 = tpu.vector_load %arg10[%swap3A_285, %swap3A_286] {strides = array<i32>} : memref<128x128xf32, #tpu.memory_space<vmem>>, vector<16xf32>,
          tpu.vector_store %arg10[%swap3A_285, %swap3A_286], %get3A_284 {strides = array<i32>} : memref<128x128xf32, #tpu.memory_space<vmem>>, vector<16xf32>,
        } else {
        }
        %mul3A_207 = arith.constant 16 : i32
        %mul3A_208 = arith.muli %scan3A_62, %mul3A_207 : i32
        %add3A_209 = arith.constant 13 : i32
        %add3A_210 = arith.addi %mul3A_208, %add3A_209 : i32
        %slice3A_211 = vector.extract_strided_slice %get3A_66 {offsets = [13], sizes = [1], strides = [1]} : vector<16xi32> to vector<1xi32>
        %squeeze3A_212 = vector.extract %slice3A_211[0] : i32 from vector<1xi32>
        %ge3A_213 = arith.constant 0 : i32
        %ge3A_214 = arith.cmpi sge, %squeeze3A_212, %ge3A_213 : i32
        %convert_element_type3A_215 = arith.extui %ge3A_214 : i1 to i32
        %cond3A_216 = arith.constant 0 : i32
        %cond3A_217 = arith.cmpi ne, %convert_element_type3A_215, %cond3A_216 : i32
        scf.if %cond3A_217 {
          %get3A_241 = arith.index_cast %add3A_210 : i32 to index
          %get3A_242 = arith.constant 0 : index
          %get3A_243 = tpu.vector_load %arg11[%get3A_241, %get3A_242] {strides = array<i32>} : memref<128x128xf32, #tpu.memory_space<vmem>>, vector<16xf32>,
          %swap3A = arith.index_cast %add3A_210 : i32 to index
          %swap3A_244 = arith.constant 0 : index
          %swap3A_245 = tpu.vector_load %arg10[%swap3A, %swap3A_244] {strides = array<i32>} : memref<128x128xf32, #tpu.memory_space<vmem>>, vector<16xf32>,
          tpu.vector_store %arg10[%swap3A, %swap3A_244], %get3A_243 {strides = array<i32>} : memref<128x128xf32, #tpu.memory_space<vmem>>, vector<16xf32>,
          %get3A_246 = arith.index_cast %add3A_210 : i32 to index
          %get3A_247 = arith.constant 16 : index
          %get3A_248 = tpu.vector_load %arg11[%get3A_246, %get3A_247] {strides = array<i32>} : memref<128x128xf32, #tpu.memory_space<vmem>>, vector<16xf32>,
          %swap3A_249 = arith.index_cast %add3A_210 : i32 to index
          %swap3A_250 = arith.constant 16 : index
          %swap3A_251 = tpu.vector_load %arg10[%swap3A_249, %swap3A_250] {strides = array<i32>} : memref<128x128xf32, #tpu.memory_space<vmem>>, vector<16xf32>,
          tpu.vector_store %arg10[%swap3A_249, %swap3A_250], %get3A_248 {strides = array<i32>} : memref<128x128xf32, #tpu.memory_space<vmem>>, vector<16xf32>,
          %get3A_252 = arith.index_cast %add3A_210 : i32 to index
          %get3A_253 = arith.constant 32 : index
          %get3A_254 = tpu.vector_load %arg11[%get3A_252, %get3A_253] {strides = array<i32>} : memref<128x128xf32, #tpu.memory_space<vmem>>, vector<16xf32>,
          %swap3A_255 = arith.index_cast %add3A_210 : i32 to index
          %swap3A_256 = arith.constant 32 : index
          %swap3A_257 = tpu.vector_load %arg10[%swap3A_255, %swap3A_256] {strides = array<i32>} : memref<128x128xf32, #tpu.memory_space<vmem>>, vector<16xf32>,
          tpu.vector_store %arg10[%swap3A_255, %swap3A_256], %get3A_254 {strides = array<i32>} : memref<128x128xf32, #tpu.memory_space<vmem>>, vector<16xf32>,
          %get3A_258 = arith.index_cast %add3A_210 : i32 to index
          %get3A_259 = arith.constant 48 : index
          %get3A_260 = tpu.vector_load %arg11[%get3A_258, %get3A_259] {strides = array<i32>} : memref<128x128xf32, #tpu.memory_space<vmem>>, vector<16xf32>,
          %swap3A_261 = arith.index_cast %add3A_210 : i32 to index
          %swap3A_262 = arith.constant 48 : index
          %swap3A_263 = tpu.vector_load %arg10[%swap3A_261, %swap3A_262] {strides = array<i32>} : memref<128x128xf32, #tpu.memory_space<vmem>>, vector<16xf32>,
          tpu.vector_store %arg10[%swap3A_261, %swap3A_262], %get3A_260 {strides = array<i32>} : memref<128x128xf32, #tpu.memory_space<vmem>>, vector<16xf32>,
          %get3A_264 = arith.index_cast %add3A_210 : i32 to index
          %get3A_265 = arith.constant 64 : index
          %get3A_266 = tpu.vector_load %arg11[%get3A_264, %get3A_265] {strides = array<i32>} : memref<128x128xf32, #tpu.memory_space<vmem>>, vector<16xf32>,
          %swap3A_267 = arith.index_cast %add3A_210 : i32 to index
          %swap3A_268 = arith.constant 64 : index
          %swap3A_269 = tpu.vector_load %arg10[%swap3A_267, %swap3A_268] {strides = array<i32>} : memref<128x128xf32, #tpu.memory_space<vmem>>, vector<16xf32>,
          tpu.vector_store %arg10[%swap3A_267, %swap3A_268], %get3A_266 {strides = array<i32>} : memref<128x128xf32, #tpu.memory_space<vmem>>, vector<16xf32>,
          %get3A_270 = arith.index_cast %add3A_210 : i32 to index
          %get3A_271 = arith.constant 80 : index
          %get3A_272 = tpu.vector_load %arg11[%get3A_270, %get3A_271] {strides = array<i32>} : memref<128x128xf32, #tpu.memory_space<vmem>>, vector<16xf32>,
          %swap3A_273 = arith.index_cast %add3A_210 : i32 to index
          %swap3A_274 = arith.constant 80 : index
          %swap3A_275 = tpu.vector_load %arg10[%swap3A_273, %swap3A_274] {strides = array<i32>} : memref<128x128xf32, #tpu.memory_space<vmem>>, vector<16xf32>,
          tpu.vector_store %arg10[%swap3A_273, %swap3A_274], %get3A_272 {strides = array<i32>} : memref<128x128xf32, #tpu.memory_space<vmem>>, vector<16xf32>,
          %get3A_276 = arith.index_cast %add3A_210 : i32 to index
          %get3A_277 = arith.constant 96 : index
          %get3A_278 = tpu.vector_load %arg11[%get3A_276, %get3A_277] {strides = array<i32>} : memref<128x128xf32, #tpu.memory_space<vmem>>, vector<16xf32>,
          %swap3A_279 = arith.index_cast %add3A_210 : i32 to index
          %swap3A_280 = arith.constant 96 : index
          %swap3A_281 = tpu.vector_load %arg10[%swap3A_279, %swap3A_280] {strides = array<i32>} : memref<128x128xf32, #tpu.memory_space<vmem>>, vector<16xf32>,
          tpu.vector_store %arg10[%swap3A_279, %swap3A_280], %get3A_278 {strides = array<i32>} : memref<128x128xf32, #tpu.memory_space<vmem>>, vector<16xf32>,
          %get3A_282 = arith.index_cast %add3A_210 : i32 to index
          %get3A_283 = arith.constant 112 : index
          %get3A_284 = tpu.vector_load %arg11[%get3A_282, %get3A_283] {strides = array<i32>} : memref<128x128xf32, #tpu.memory_space<vmem>>, vector<16xf32>,
          %swap3A_285 = arith.index_cast %add3A_210 : i32 to index
          %swap3A_286 = arith.constant 112 : index
          %swap3A_287 = tpu.vector_load %arg10[%swap3A_285, %swap3A_286] {strides = array<i32>} : memref<128x128xf32, #tpu.memory_space<vmem>>, vector<16xf32>,
          tpu.vector_store %arg10[%swap3A_285, %swap3A_286], %get3A_284 {strides = array<i32>} : memref<128x128xf32, #tpu.memory_space<vmem>>, vector<16xf32>,
        } else {
        }
        %mul3A_218 = arith.constant 16 : i32
        %mul3A_219 = arith.muli %scan3A_62, %mul3A_218 : i32
        %add3A_220 = arith.constant 14 : i32
        %add3A_221 = arith.addi %mul3A_219, %add3A_220 : i32
        %slice3A_222 = vector.extract_strided_slice %get3A_66 {offsets = [14], sizes = [1], strides = [1]} : vector<16xi32> to vector<1xi32>
        %squeeze3A_223 = vector.extract %slice3A_222[0] : i32 from vector<1xi32>
        %ge3A_224 = arith.constant 0 : i32
        %ge3A_225 = arith.cmpi sge, %squeeze3A_223, %ge3A_224 : i32
        %convert_element_type3A_226 = arith.extui %ge3A_225 : i1 to i32
        %cond3A_227 = arith.constant 0 : i32
        %cond3A_228 = arith.cmpi ne, %convert_element_type3A_226, %cond3A_227 : i32
        scf.if %cond3A_228 {
          %get3A_241 = arith.index_cast %add3A_221 : i32 to index
          %get3A_242 = arith.constant 0 : index
          %get3A_243 = tpu.vector_load %arg11[%get3A_241, %get3A_242] {strides = array<i32>} : memref<128x128xf32, #tpu.memory_space<vmem>>, vector<16xf32>,
          %swap3A = arith.index_cast %add3A_221 : i32 to index
          %swap3A_244 = arith.constant 0 : index
          %swap3A_245 = tpu.vector_load %arg10[%swap3A, %swap3A_244] {strides = array<i32>} : memref<128x128xf32, #tpu.memory_space<vmem>>, vector<16xf32>,
          tpu.vector_store %arg10[%swap3A, %swap3A_244], %get3A_243 {strides = array<i32>} : memref<128x128xf32, #tpu.memory_space<vmem>>, vector<16xf32>,
          %get3A_246 = arith.index_cast %add3A_221 : i32 to index
          %get3A_247 = arith.constant 16 : index
          %get3A_248 = tpu.vector_load %arg11[%get3A_246, %get3A_247] {strides = array<i32>} : memref<128x128xf32, #tpu.memory_space<vmem>>, vector<16xf32>,
          %swap3A_249 = arith.index_cast %add3A_221 : i32 to index
          %swap3A_250 = arith.constant 16 : index
          %swap3A_251 = tpu.vector_load %arg10[%swap3A_249, %swap3A_250] {strides = array<i32>} : memref<128x128xf32, #tpu.memory_space<vmem>>, vector<16xf32>,
          tpu.vector_store %arg10[%swap3A_249, %swap3A_250], %get3A_248 {strides = array<i32>} : memref<128x128xf32, #tpu.memory_space<vmem>>, vector<16xf32>,
          %get3A_252 = arith.index_cast %add3A_221 : i32 to index
          %get3A_253 = arith.constant 32 : index
          %get3A_254 = tpu.vector_load %arg11[%get3A_252, %get3A_253] {strides = array<i32>} : memref<128x128xf32, #tpu.memory_space<vmem>>, vector<16xf32>,
          %swap3A_255 = arith.index_cast %add3A_221 : i32 to index
          %swap3A_256 = arith.constant 32 : index
          %swap3A_257 = tpu.vector_load %arg10[%swap3A_255, %swap3A_256] {strides = array<i32>} : memref<128x128xf32, #tpu.memory_space<vmem>>, vector<16xf32>,
          tpu.vector_store %arg10[%swap3A_255, %swap3A_256], %get3A_254 {strides = array<i32>} : memref<128x128xf32, #tpu.memory_space<vmem>>, vector<16xf32>,
          %get3A_258 = arith.index_cast %add3A_221 : i32 to index
          %get3A_259 = arith.constant 48 : index
          %get3A_260 = tpu.vector_load %arg11[%get3A_258, %get3A_259] {strides = array<i32>} : memref<128x128xf32, #tpu.memory_space<vmem>>, vector<16xf32>,
          %swap3A_261 = arith.index_cast %add3A_221 : i32 to index
          %swap3A_262 = arith.constant 48 : index
          %swap3A_263 = tpu.vector_load %arg10[%swap3A_261, %swap3A_262] {strides = array<i32>} : memref<128x128xf32, #tpu.memory_space<vmem>>, vector<16xf32>,
          tpu.vector_store %arg10[%swap3A_261, %swap3A_262], %get3A_260 {strides = array<i32>} : memref<128x128xf32, #tpu.memory_space<vmem>>, vector<16xf32>,
          %get3A_264 = arith.index_cast %add3A_221 : i32 to index
          %get3A_265 = arith.constant 64 : index
          %get3A_266 = tpu.vector_load %arg11[%get3A_264, %get3A_265] {strides = array<i32>} : memref<128x128xf32, #tpu.memory_space<vmem>>, vector<16xf32>,
          %swap3A_267 = arith.index_cast %add3A_221 : i32 to index
          %swap3A_268 = arith.constant 64 : index
          %swap3A_269 = tpu.vector_load %arg10[%swap3A_267, %swap3A_268] {strides = array<i32>} : memref<128x128xf32, #tpu.memory_space<vmem>>, vector<16xf32>,
          tpu.vector_store %arg10[%swap3A_267, %swap3A_268], %get3A_266 {strides = array<i32>} : memref<128x128xf32, #tpu.memory_space<vmem>>, vector<16xf32>,
          %get3A_270 = arith.index_cast %add3A_221 : i32 to index
          %get3A_271 = arith.constant 80 : index
          %get3A_272 = tpu.vector_load %arg11[%get3A_270, %get3A_271] {strides = array<i32>} : memref<128x128xf32, #tpu.memory_space<vmem>>, vector<16xf32>,
          %swap3A_273 = arith.index_cast %add3A_221 : i32 to index
          %swap3A_274 = arith.constant 80 : index
          %swap3A_275 = tpu.vector_load %arg10[%swap3A_273, %swap3A_274] {strides = array<i32>} : memref<128x128xf32, #tpu.memory_space<vmem>>, vector<16xf32>,
          tpu.vector_store %arg10[%swap3A_273, %swap3A_274], %get3A_272 {strides = array<i32>} : memref<128x128xf32, #tpu.memory_space<vmem>>, vector<16xf32>,
          %get3A_276 = arith.index_cast %add3A_221 : i32 to index
          %get3A_277 = arith.constant 96 : index
          %get3A_278 = tpu.vector_load %arg11[%get3A_276, %get3A_277] {strides = array<i32>} : memref<128x128xf32, #tpu.memory_space<vmem>>, vector<16xf32>,
          %swap3A_279 = arith.index_cast %add3A_221 : i32 to index
          %swap3A_280 = arith.constant 96 : index
          %swap3A_281 = tpu.vector_load %arg10[%swap3A_279, %swap3A_280] {strides = array<i32>} : memref<128x128xf32, #tpu.memory_space<vmem>>, vector<16xf32>,
          tpu.vector_store %arg10[%swap3A_279, %swap3A_280], %get3A_278 {strides = array<i32>} : memref<128x128xf32, #tpu.memory_space<vmem>>, vector<16xf32>,
          %get3A_282 = arith.index_cast %add3A_221 : i32 to index
          %get3A_283 = arith.constant 112 : index
          %get3A_284 = tpu.vector_load %arg11[%get3A_282, %get3A_283] {strides = array<i32>} : memref<128x128xf32, #tpu.memory_space<vmem>>, vector<16xf32>,
          %swap3A_285 = arith.index_cast %add3A_221 : i32 to index
          %swap3A_286 = arith.constant 112 : index
          %swap3A_287 = tpu.vector_load %arg10[%swap3A_285, %swap3A_286] {strides = array<i32>} : memref<128x128xf32, #tpu.memory_space<vmem>>, vector<16xf32>,
          tpu.vector_store %arg10[%swap3A_285, %swap3A_286], %get3A_284 {strides = array<i32>} : memref<128x128xf32, #tpu.memory_space<vmem>>, vector<16xf32>,
        } else {
        }
        %mul3A_229 = arith.constant 16 : i32
        %mul3A_230 = arith.muli %scan3A_62, %mul3A_229 : i32
        %add3A_231 = arith.constant 15 : i32
        %add3A_232 = arith.addi %mul3A_230, %add3A_231 : i32
        %slice3A_233 = vector.extract_strided_slice %get3A_66 {offsets = [15], sizes = [1], strides = [1]} : vector<16xi32> to vector<1xi32>
        %squeeze3A_234 = vector.extract %slice3A_233[0] : i32 from vector<1xi32>
        %ge3A_235 = arith.constant 0 : i32
        %ge3A_236 = arith.cmpi sge, %squeeze3A_234, %ge3A_235 : i32
        %convert_element_type3A_237 = arith.extui %ge3A_236 : i1 to i32
        %cond3A_238 = arith.constant 0 : i32
        %cond3A_239 = arith.cmpi ne, %convert_element_type3A_237, %cond3A_238 : i32
        scf.if %cond3A_239 {
          %get3A_241 = arith.index_cast %add3A_232 : i32 to index
          %get3A_242 = arith.constant 0 : index
          %get3A_243 = tpu.vector_load %arg11[%get3A_241, %get3A_242] {strides = array<i32>} : memref<128x128xf32, #tpu.memory_space<vmem>>, vector<16xf32>,
          %swap3A = arith.index_cast %add3A_232 : i32 to index
          %swap3A_244 = arith.constant 0 : index
          %swap3A_245 = tpu.vector_load %arg10[%swap3A, %swap3A_244] {strides = array<i32>} : memref<128x128xf32, #tpu.memory_space<vmem>>, vector<16xf32>,
          tpu.vector_store %arg10[%swap3A, %swap3A_244], %get3A_243 {strides = array<i32>} : memref<128x128xf32, #tpu.memory_space<vmem>>, vector<16xf32>,
          %get3A_246 = arith.index_cast %add3A_232 : i32 to index
          %get3A_247 = arith.constant 16 : index
          %get3A_248 = tpu.vector_load %arg11[%get3A_246, %get3A_247] {strides = array<i32>} : memref<128x128xf32, #tpu.memory_space<vmem>>, vector<16xf32>,
          %swap3A_249 = arith.index_cast %add3A_232 : i32 to index
          %swap3A_250 = arith.constant 16 : index
          %swap3A_251 = tpu.vector_load %arg10[%swap3A_249, %swap3A_250] {strides = array<i32>} : memref<128x128xf32, #tpu.memory_space<vmem>>, vector<16xf32>,
          tpu.vector_store %arg10[%swap3A_249, %swap3A_250], %get3A_248 {strides = array<i32>} : memref<128x128xf32, #tpu.memory_space<vmem>>, vector<16xf32>,
          %get3A_252 = arith.index_cast %add3A_232 : i32 to index
          %get3A_253 = arith.constant 32 : index
          %get3A_254 = tpu.vector_load %arg11[%get3A_252, %get3A_253] {strides = array<i32>} : memref<128x128xf32, #tpu.memory_space<vmem>>, vector<16xf32>,
          %swap3A_255 = arith.index_cast %add3A_232 : i32 to index
          %swap3A_256 = arith.constant 32 : index
          %swap3A_257 = tpu.vector_load %arg10[%swap3A_255, %swap3A_256] {strides = array<i32>} : memref<128x128xf32, #tpu.memory_space<vmem>>, vector<16xf32>,
          tpu.vector_store %arg10[%swap3A_255, %swap3A_256], %get3A_254 {strides = array<i32>} : memref<128x128xf32, #tpu.memory_space<vmem>>, vector<16xf32>,
          %get3A_258 = arith.index_cast %add3A_232 : i32 to index
          %get3A_259 = arith.constant 48 : index
          %get3A_260 = tpu.vector_load %arg11[%get3A_258, %get3A_259] {strides = array<i32>} : memref<128x128xf32, #tpu.memory_space<vmem>>, vector<16xf32>,
          %swap3A_261 = arith.index_cast %add3A_232 : i32 to index
          %swap3A_262 = arith.constant 48 : index
          %swap3A_263 = tpu.vector_load %arg10[%swap3A_261, %swap3A_262] {strides = array<i32>} : memref<128x128xf32, #tpu.memory_space<vmem>>, vector<16xf32>,
          tpu.vector_store %arg10[%swap3A_261, %swap3A_262], %get3A_260 {strides = array<i32>} : memref<128x128xf32, #tpu.memory_space<vmem>>, vector<16xf32>,
          %get3A_264 = arith.index_cast %add3A_232 : i32 to index
          %get3A_265 = arith.constant 64 : index
          %get3A_266 = tpu.vector_load %arg11[%get3A_264, %get3A_265] {strides = array<i32>} : memref<128x128xf32, #tpu.memory_space<vmem>>, vector<16xf32>,
          %swap3A_267 = arith.index_cast %add3A_232 : i32 to index
          %swap3A_268 = arith.constant 64 : index
          %swap3A_269 = tpu.vector_load %arg10[%swap3A_267, %swap3A_268] {strides = array<i32>} : memref<128x128xf32, #tpu.memory_space<vmem>>, vector<16xf32>,
          tpu.vector_store %arg10[%swap3A_267, %swap3A_268], %get3A_266 {strides = array<i32>} : memref<128x128xf32, #tpu.memory_space<vmem>>, vector<16xf32>,
          %get3A_270 = arith.index_cast %add3A_232 : i32 to index
          %get3A_271 = arith.constant 80 : index
          %get3A_272 = tpu.vector_load %arg11[%get3A_270, %get3A_271] {strides = array<i32>} : memref<128x128xf32, #tpu.memory_space<vmem>>, vector<16xf32>,
          %swap3A_273 = arith.index_cast %add3A_232 : i32 to index
          %swap3A_274 = arith.constant 80 : index
          %swap3A_275 = tpu.vector_load %arg10[%swap3A_273, %swap3A_274] {strides = array<i32>} : memref<128x128xf32, #tpu.memory_space<vmem>>, vector<16xf32>,
          tpu.vector_store %arg10[%swap3A_273, %swap3A_274], %get3A_272 {strides = array<i32>} : memref<128x128xf32, #tpu.memory_space<vmem>>, vector<16xf32>,
          %get3A_276 = arith.index_cast %add3A_232 : i32 to index
          %get3A_277 = arith.constant 96 : index
          %get3A_278 = tpu.vector_load %arg11[%get3A_276, %get3A_277] {strides = array<i32>} : memref<128x128xf32, #tpu.memory_space<vmem>>, vector<16xf32>,
          %swap3A_279 = arith.index_cast %add3A_232 : i32 to index
          %swap3A_280 = arith.constant 96 : index
          %swap3A_281 = tpu.vector_load %arg10[%swap3A_279, %swap3A_280] {strides = array<i32>} : memref<128x128xf32, #tpu.memory_space<vmem>>, vector<16xf32>,
          tpu.vector_store %arg10[%swap3A_279, %swap3A_280], %get3A_278 {strides = array<i32>} : memref<128x128xf32, #tpu.memory_space<vmem>>, vector<16xf32>,
          %get3A_282 = arith.index_cast %add3A_232 : i32 to index
          %get3A_283 = arith.constant 112 : index
          %get3A_284 = tpu.vector_load %arg11[%get3A_282, %get3A_283] {strides = array<i32>} : memref<128x128xf32, #tpu.memory_space<vmem>>, vector<16xf32>,
          %swap3A_285 = arith.index_cast %add3A_232 : i32 to index
          %swap3A_286 = arith.constant 112 : index
          %swap3A_287 = tpu.vector_load %arg10[%swap3A_285, %swap3A_286] {strides = array<i32>} : memref<128x128xf32, #tpu.memory_space<vmem>>, vector<16xf32>,
          tpu.vector_store %arg10[%swap3A_285, %swap3A_286], %get3A_284 {strides = array<i32>} : memref<128x128xf32, #tpu.memory_space<vmem>>, vector<16xf32>,
        } else {
        }
        %scan3A_240 = arith.constant 0 : i32
        scf.yield %scan3A_240 : i32
      }
      %scan3A_60 = arith.constant 8 : i32
      "tpu.region"() ({
        %run_scoped3A = tpu.sem_alloc : memref<!tpu.dma_semaphore, #tpu.memory_space<semaphore_mem>>
        %dma_start3A_62 = arith.constant 0 : i32
        %dma_start3A_63 = tpu.memref_slice %arg7[%add3A_22, %dma_start3A_62] : memref<16384x128xf32, #tpu.memory_space<hbm>> -> memref<128x128xf32, #tpu.memory_space<hbm>>
        %dma_start3A_64 = arith.constant 0 : i32
        %dma_start3A_65 = tpu.memref_slice %arg7[%add3A_22, %dma_start3A_64] : memref<16384x128xf32, #tpu.memory_space<hbm>> -> memref<128x128xf32, #tpu.memory_space<hbm>>
        tpu.enqueue_dma source(%arg10 : memref<128x128xf32, #tpu.memory_space<vmem>>) target(%dma_start3A_65 : memref<128x128xf32, #tpu.memory_space<hbm>>) target_semaphore(%run_scoped3A : memref<!tpu.dma_semaphore, #tpu.memory_space<semaphore_mem>>)
        %dma_wait3A_66 = arith.constant 0 : i32
        %dma_wait3A_67 = tpu.memref_slice %arg7[%add3A_22, %dma_wait3A_66] : memref<16384x128xf32, #tpu.memory_space<hbm>> -> memref<128x128xf32, #tpu.memory_space<hbm>>
        %dma_wait3A_68 = arith.constant 0 : i32
        %dma_wait3A_69 = tpu.memref_slice %arg7[%add3A_22, %dma_wait3A_68] : memref<16384x128xf32, #tpu.memory_space<hbm>> -> memref<128x128xf32, #tpu.memory_space<hbm>>
        tpu.wait_dma2 semaphore(%run_scoped3A : memref<!tpu.dma_semaphore, #tpu.memory_space<semaphore_mem>>) src(%arg10 : memref<128x128xf32, #tpu.memory_space<vmem>>) dst(%dma_wait3A_69 : memref<128x128xf32, #tpu.memory_space<hbm>>)
        tpu.yield
      }) : () -> ()
      %scan3A_61 = arith.constant 0 : i32
      scf.yield %scan3A_61 : i32
    }
    %scan3A_15 = arith.constant 4 : i32
    return
  }
}

#map = affine_map<(d0, d1) -> (0, 0)>
#map1 = affine_map<(d0, d1) -> (0)>
module attributes {stable_mosaic.version = 14 : i64} {
  func.func @_gather_kernel(%arg0: i32, %arg1: i32, %arg2: memref<100000x128xf32, #tpu.memory_space<hbm>>, %arg3: memref<32768xi32, #tpu.memory_space<hbm>>, %arg4: memref<32768x128xf32, #tpu.memory_space<hbm>>, %arg5: memref<128xi32, #tpu.memory_space<vmem>>, %arg6: memref<128x128xf32, #tpu.memory_space<vmem>>, %arg7: memref<!tpu.dma_semaphore, #tpu.memory_space<semaphore_mem>>) attributes {dimension_semantics = [#tpu.dimension_semantics<core_parallel>, #tpu.dimension_semantics<subcore_parallel>], iteration_bounds = array<i64: 2, 16>, scalar_prefetch = 0 : i64, scratch_operands = 3 : i64, tpu.core_type = #tpu.core_type<sc_vector_subcore>, window_params = [{transform_indices = #map}, {transform_indices = #map1}, {transform_indices = #map}]} {
    %mul3A = arith.constant 16 : i32
    %mul3A_0 = arith.muli %arg0, %mul3A : i32
    %add3A = arith.addi %mul3A_0, %arg1 : i32
    %mul3A_1 = arith.constant 1024 : i32
    %mul3A_2 = arith.muli %add3A, %mul3A_1 : i32
    %scan3A = arith.constant 0 : i32
    %scan3A_3 = arith.constant 0 : i32
    %scan3A_4 = arith.constant 8 : i32
    %scan3A_5 = arith.addi %scan3A_3, %scan3A_4 : i32
    %scan3A_6 = arith.constant 1 : i32
    %scan3A_7 = scf.for %scan3A_9 = %scan3A_3 to %scan3A_5 step %scan3A_6 iter_args(%scan3A_10 = %scan3A) -> (i32)  : i32 {
      %mul3A_11 = arith.constant 128 : i32
      %mul3A_12 = arith.muli %scan3A_9, %mul3A_11 : i32
      %add3A_13 = arith.addi %mul3A_2, %mul3A_12 : i32
      "tpu.region"() ({
        %run_scoped3A = tpu.sem_alloc : memref<!tpu.dma_semaphore, #tpu.memory_space<semaphore_mem>>
        %dma_start3A_19 = tpu.memref_slice %arg3[%add3A_13] : memref<32768xi32, #tpu.memory_space<hbm>> -> memref<128xi32, #tpu.memory_space<hbm>>
        %dma_start3A_20 = tpu.memref_slice %arg3[%add3A_13] : memref<32768xi32, #tpu.memory_space<hbm>> -> memref<128xi32, #tpu.memory_space<hbm>>
        tpu.enqueue_dma source(%dma_start3A_20 : memref<128xi32, #tpu.memory_space<hbm>>) target(%arg5 : memref<128xi32, #tpu.memory_space<vmem>>) target_semaphore(%run_scoped3A : memref<!tpu.dma_semaphore, #tpu.memory_space<semaphore_mem>>)
        %dma_wait3A_21 = tpu.memref_slice %arg3[%add3A_13] : memref<32768xi32, #tpu.memory_space<hbm>> -> memref<128xi32, #tpu.memory_space<hbm>>
        %dma_wait3A_22 = tpu.memref_slice %arg3[%add3A_13] : memref<32768xi32, #tpu.memory_space<hbm>> -> memref<128xi32, #tpu.memory_space<hbm>>
        tpu.wait_dma2 semaphore(%run_scoped3A : memref<!tpu.dma_semaphore, #tpu.memory_space<semaphore_mem>>) src(%dma_wait3A_22 : memref<128xi32, #tpu.memory_space<hbm>>) dst(%arg5 : memref<128xi32, #tpu.memory_space<vmem>>)
        tpu.yield
      }) : () -> ()
      %dma_start3A = arith.constant 0 : i32
      %dma_start3A_14 = arith.constant 0 : i32
      %dma_start3A_15 = tpu.memref_slice %arg2[%dma_start3A, %dma_start3A_14] : memref<100000x128xf32, #tpu.memory_space<hbm>> -> memref<100000x128xf32, #tpu.memory_space<hbm>>
      tpu.enqueue_indirect_dma source(%dma_start3A_15 : memref<100000x128xf32, #tpu.memory_space<hbm>>) target(%arg6 : memref<128x128xf32, #tpu.memory_space<vmem>>) offsets(%arg5 : memref<128xi32, #tpu.memory_space<vmem>>) semaphore(%arg7 : memref<!tpu.dma_semaphore, #tpu.memory_space<semaphore_mem>>)
      %dma_wait3A = arith.constant 0 : i32
      %dma_wait3A_16 = arith.constant 0 : i32
      %dma_wait3A_17 = tpu.memref_slice %arg2[%dma_wait3A, %dma_wait3A_16] : memref<100000x128xf32, #tpu.memory_space<hbm>> -> memref<100000x128xf32, #tpu.memory_space<hbm>>
      tpu.wait_indirect_dma semaphore(%arg7 : memref<!tpu.dma_semaphore, #tpu.memory_space<semaphore_mem>>) src(%dma_wait3A_17 : memref<100000x128xf32, #tpu.memory_space<hbm>>) dst(%arg6 : memref<128x128xf32, #tpu.memory_space<vmem>>)
      "tpu.region"() ({
        %run_scoped3A = tpu.sem_alloc : memref<!tpu.dma_semaphore, #tpu.memory_space<semaphore_mem>>
        %dma_start3A_19 = arith.constant 0 : i32
        %dma_start3A_20 = tpu.memref_slice %arg4[%add3A_13, %dma_start3A_19] : memref<32768x128xf32, #tpu.memory_space<hbm>> -> memref<128x128xf32, #tpu.memory_space<hbm>>
        %dma_start3A_21 = arith.constant 0 : i32
        %dma_start3A_22 = tpu.memref_slice %arg4[%add3A_13, %dma_start3A_21] : memref<32768x128xf32, #tpu.memory_space<hbm>> -> memref<128x128xf32, #tpu.memory_space<hbm>>
        tpu.enqueue_dma source(%arg6 : memref<128x128xf32, #tpu.memory_space<vmem>>) target(%dma_start3A_22 : memref<128x128xf32, #tpu.memory_space<hbm>>) target_semaphore(%run_scoped3A : memref<!tpu.dma_semaphore, #tpu.memory_space<semaphore_mem>>)
        %dma_wait3A_23 = arith.constant 0 : i32
        %dma_wait3A_24 = tpu.memref_slice %arg4[%add3A_13, %dma_wait3A_23] : memref<32768x128xf32, #tpu.memory_space<hbm>> -> memref<128x128xf32, #tpu.memory_space<hbm>>
        %dma_wait3A_25 = arith.constant 0 : i32
        %dma_wait3A_26 = tpu.memref_slice %arg4[%add3A_13, %dma_wait3A_25] : memref<32768x128xf32, #tpu.memory_space<hbm>> -> memref<128x128xf32, #tpu.memory_space<hbm>>
        tpu.wait_dma2 semaphore(%run_scoped3A : memref<!tpu.dma_semaphore, #tpu.memory_space<semaphore_mem>>) src(%arg6 : memref<128x128xf32, #tpu.memory_space<vmem>>) dst(%dma_wait3A_26 : memref<128x128xf32, #tpu.memory_space<hbm>>)
        tpu.yield
      }) : () -> ()
      %scan3A_18 = arith.constant 0 : i32
      scf.yield %scan3A_18 : i32
    }
    %scan3A_8 = arith.constant 8 : i32
    return
  }
}

module attributes {stable_mosaic.version = 14 : i64} {
  func.func @_gru_block(%arg0: i32, %arg1: memref<2x1024x128xf32, #tpu.memory_space<vmem>>, %arg2: memref<1024x172xf32, #tpu.memory_space<vmem>>, %arg3: memref<1024x1xf32, #tpu.memory_space<vmem>>, %arg4: memref<1x100xf32, #tpu.memory_space<vmem>>, %arg5: memref<1x100xf32, #tpu.memory_space<vmem>>, %arg6: memref<384x528xf32, #tpu.memory_space<vmem>>, %arg7: memref<384x128xf32, #tpu.memory_space<vmem>>, %arg8: memref<1x384xf32, #tpu.memory_space<vmem>>, %arg9: memref<1x384xf32, #tpu.memory_space<vmem>>, %arg10: memref<128x128xf32, #tpu.memory_space<vmem>>, %arg11: memref<128x128xf32, #tpu.memory_space<vmem>>, %arg12: memref<1x128xf32, #tpu.memory_space<vmem>>, %arg13: memref<128x128xf32, #tpu.memory_space<vmem>>, %arg14: memref<1x128xf32, #tpu.memory_space<vmem>>, %arg15: memref<1x128xf32, #tpu.memory_space<vmem>>, %arg16: memref<1x1xf32, #tpu.memory_space<vmem>>, %arg17: memref<2x1024x128xf32, #tpu.memory_space<vmem>>, %arg18: memref<1024x128xf32, #tpu.memory_space<vmem>>, %arg19: memref<1024x1xf32, #tpu.memory_space<vmem>>) attributes {dimension_semantics = [#tpu.dimension_semantics<arbitrary>], iteration_bounds = array<i64: 16>, scalar_prefetch = 0 : i64, scratch_operands = 0 : i64, tpu.core_type = #tpu.core_type<tc>, window_params = [{transform_indices = @transform_0, window_bounds = array<i64: 2, 1024, 128>}, {transform_indices = @transform_1, window_bounds = array<i64: 1024, 172>}, {transform_indices = @transform_2, window_bounds = array<i64: 1024, 1>}, {pipeline_mode = #tpu.pipeline_mode<synchronous>, transform_indices = @transform_3, window_bounds = array<i64: 1, 100>}, {pipeline_mode = #tpu.pipeline_mode<synchronous>, transform_indices = @transform_4, window_bounds = array<i64: 1, 100>}, {pipeline_mode = #tpu.pipeline_mode<synchronous>, transform_indices = @transform_5, window_bounds = array<i64: 384, 528>}, {pipeline_mode = #tpu.pipeline_mode<synchronous>, transform_indices = @transform_6, window_bounds = array<i64: 384, 128>}, {pipeline_mode = #tpu.pipeline_mode<synchronous>, transform_indices = @transform_7, window_bounds = array<i64: 1, 384>}, {pipeline_mode = #tpu.pipeline_mode<synchronous>, transform_indices = @transform_8, window_bounds = array<i64: 1, 384>}, {pipeline_mode = #tpu.pipeline_mode<synchronous>, transform_indices = @transform_9, window_bounds = array<i64: 128, 128>}, {pipeline_mode = #tpu.pipeline_mode<synchronous>, transform_indices = @transform_10, window_bounds = array<i64: 128, 128>}, {pipeline_mode = #tpu.pipeline_mode<synchronous>, transform_indices = @transform_11, window_bounds = array<i64: 1, 128>}, {pipeline_mode = #tpu.pipeline_mode<synchronous>, transform_indices = @transform_12, window_bounds = array<i64: 128, 128>}, {pipeline_mode = #tpu.pipeline_mode<synchronous>, transform_indices = @transform_13, window_bounds = array<i64: 1, 128>}, {pipeline_mode = #tpu.pipeline_mode<synchronous>, transform_indices = @transform_14, window_bounds = array<i64: 1, 128>}, {pipeline_mode = #tpu.pipeline_mode<synchronous>, transform_indices = @transform_15, window_bounds = array<i64: 1, 1>}, {transform_indices = @transform_16, window_bounds = array<i64: 2, 1024, 128>}, {transform_indices = @transform_17, window_bounds = array<i64: 1024, 128>}, {transform_indices = @transform_18, window_bounds = array<i64: 1024, 1>}]} {
    %get3A = arith.constant 0 : index
    %get3A_0 = arith.constant 0 : index
    %get3A_1 = arith.constant 0 : index
    %get3A_2 = vector.load %arg1[%get3A, %get3A_0, %get3A_1] : memref<2x1024x128xf32, #tpu.memory_space<vmem>>, vector<1x1024x128xf32>
    %get3A_3 = vector.shape_cast %get3A_2 : vector<1x1024x128xf32> to vector<1024x128xf32>
    %get3A_4 = arith.constant 1 : index
    %get3A_5 = arith.constant 0 : index
    %get3A_6 = arith.constant 0 : index
    %get3A_7 = vector.load %arg1[%get3A_4, %get3A_5, %get3A_6] : memref<2x1024x128xf32, #tpu.memory_space<vmem>>, vector<1x1024x128xf32>
    %get3A_8 = vector.shape_cast %get3A_7 : vector<1x1024x128xf32> to vector<1024x128xf32>
    %get3A_9 = arith.constant 0 : index
    %get3A_10 = arith.constant 0 : index
    %get3A_11 = vector.load %arg3[%get3A_9, %get3A_10] : memref<1024x1xf32, #tpu.memory_space<vmem>>, vector<1024x1xf32>
    %get3A_12 = arith.constant 0 : index
    %get3A_13 = arith.constant 0 : index
    %get3A_14 = vector.load %arg4[%get3A_12, %get3A_13] : memref<1x100xf32, #tpu.memory_space<vmem>>, vector<1x100xf32>
    %mul3A = vector.broadcast %get3A_11 : vector<1024x1xf32> to vector<1024x100xf32>
    %mul3A_15 = vector.broadcast %get3A_14 : vector<1x100xf32> to vector<1024x100xf32>
    %mul3A_16 = arith.mulf %mul3A, %mul3A_15 : vector<1024x100xf32>
    %get3A_17 = arith.constant 0 : index
    %get3A_18 = arith.constant 0 : index
    %get3A_19 = vector.load %arg5[%get3A_17, %get3A_18] : memref<1x100xf32, #tpu.memory_space<vmem>>, vector<1x100xf32>
    %add3A = vector.broadcast %get3A_19 : vector<1x100xf32> to vector<1024x100xf32>
    %add3A_20 = arith.addf %mul3A_16, %add3A : vector<1024x100xf32>
    %cos3A = math.cos %add3A_20 : vector<1024x100xf32>
    %get3A_21 = arith.constant 0 : index
    %get3A_22 = arith.constant 0 : index
    %get3A_23 = vector.load %arg6[%get3A_21, %get3A_22] : memref<384x528xf32, #tpu.memory_space<vmem>>, vector<384x528xf32>
    %slice3A = vector.extract_strided_slice %get3A_23 {offsets = [0, 0], sizes = [384, 128], strides = [1, 1]} : vector<384x528xf32> to vector<384x128xf32>
    %slice3A_24 = vector.extract_strided_slice %get3A_23 {offsets = [0, 128], sizes = [384, 128], strides = [1, 1]} : vector<384x528xf32> to vector<384x128xf32>
    %slice3A_25 = vector.extract_strided_slice %get3A_23 {offsets = [0, 256], sizes = [384, 172], strides = [1, 1]} : vector<384x528xf32> to vector<384x172xf32>
    %slice3A_26 = vector.extract_strided_slice %get3A_23 {offsets = [0, 428], sizes = [384, 100], strides = [1, 1]} : vector<384x528xf32> to vector<384x100xf32>
    %get3A_27 = arith.constant 0 : index
    %get3A_28 = arith.constant 0 : index
    %get3A_29 = vector.load %arg2[%get3A_27, %get3A_28] : memref<1024x172xf32, #tpu.memory_space<vmem>>, vector<1024x172xf32>
    %dot_general3A = arith.constant dense<0.000000e+00> : vector<1024x384xf32>
    %dot_general3A_30 = tpu.matmul %get3A_29, %slice3A_25, %dot_general3A {dimension_numbers = #tpu.dot_dimension_numbers<[1], [1], [0], [0], [0, 0, 1, 0], [], []>, transpose_lhs_hint = false} : vector<1024x172xf32>, vector<384x172xf32>, vector<1024x384xf32> -> vector<1024x384xf32>
    %dot_general3A_31 = arith.constant dense<0.000000e+00> : vector<1024x384xf32>
    %dot_general3A_32 = tpu.matmul %cos3A, %slice3A_26, %dot_general3A_31 {dimension_numbers = #tpu.dot_dimension_numbers<[1], [1], [0], [0], [0, 0, 1, 0], [], []>, transpose_lhs_hint = false} : vector<1024x100xf32>, vector<384x100xf32>, vector<1024x384xf32> -> vector<1024x384xf32>
    %add3A_33 = arith.addf %dot_general3A_30, %dot_general3A_32 : vector<1024x384xf32>
    %get3A_34 = arith.constant 0 : index
    %get3A_35 = arith.constant 0 : index
    %get3A_36 = vector.load %arg8[%get3A_34, %get3A_35] : memref<1x384xf32, #tpu.memory_space<vmem>>, vector<1x384xf32>
    %add3A_37 = vector.broadcast %get3A_36 : vector<1x384xf32> to vector<1024x384xf32>
    %add3A_38 = arith.addf %add3A_33, %add3A_37 : vector<1024x384xf32>
    %dot_general3A_39 = arith.constant dense<0.000000e+00> : vector<1024x384xf32>
    %dot_general3A_40 = tpu.matmul %get3A_3, %slice3A, %dot_general3A_39 {dimension_numbers = #tpu.dot_dimension_numbers<[1], [1], [0], [0], [0, 0, 1, 0], [], []>, transpose_lhs_hint = false} : vector<1024x128xf32>, vector<384x128xf32>, vector<1024x384xf32> -> vector<1024x384xf32>
    %dot_general3A_41 = arith.constant dense<0.000000e+00> : vector<1024x384xf32>
    %dot_general3A_42 = tpu.matmul %get3A_8, %slice3A_24, %dot_general3A_41 {dimension_numbers = #tpu.dot_dimension_numbers<[1], [1], [0], [0], [0, 0, 1, 0], [], []>, transpose_lhs_hint = false} : vector<1024x128xf32>, vector<384x128xf32>, vector<1024x384xf32> -> vector<1024x384xf32>
    %dot_general3A_43 = arith.constant dense<0.000000e+00> : vector<1024x384xf32>
    %dot_general3A_44 = tpu.matmul %get3A_8, %slice3A, %dot_general3A_43 {dimension_numbers = #tpu.dot_dimension_numbers<[1], [1], [0], [0], [0, 0, 1, 0], [], []>, transpose_lhs_hint = false} : vector<1024x128xf32>, vector<384x128xf32>, vector<1024x384xf32> -> vector<1024x384xf32>
    %dot_general3A_45 = arith.constant dense<0.000000e+00> : vector<1024x384xf32>
    %dot_general3A_46 = tpu.matmul %get3A_3, %slice3A_24, %dot_general3A_45 {dimension_numbers = #tpu.dot_dimension_numbers<[1], [1], [0], [0], [0, 0, 1, 0], [], []>, transpose_lhs_hint = false} : vector<1024x128xf32>, vector<384x128xf32>, vector<1024x384xf32> -> vector<1024x384xf32>
    %get3A_47 = arith.constant 0 : index
    %get3A_48 = arith.constant 0 : index
    %get3A_49 = vector.load %arg7[%get3A_47, %get3A_48] : memref<384x128xf32, #tpu.memory_space<vmem>>, vector<384x128xf32>
    %get3A_50 = arith.constant 0 : index
    %get3A_51 = arith.constant 0 : index
    %get3A_52 = vector.load %arg9[%get3A_50, %get3A_51] : memref<1x384xf32, #tpu.memory_space<vmem>>, vector<1x384xf32>
    %dot_general3A_53 = arith.constant dense<0.000000e+00> : vector<1024x384xf32>
    %dot_general3A_54 = tpu.matmul %get3A_3, %get3A_49, %dot_general3A_53 {dimension_numbers = #tpu.dot_dimension_numbers<[1], [1], [0], [0], [0, 0, 1, 0], [], []>, transpose_lhs_hint = false} : vector<1024x128xf32>, vector<384x128xf32>, vector<1024x384xf32> -> vector<1024x384xf32>
    %add3A_55 = vector.broadcast %get3A_52 : vector<1x384xf32> to vector<1024x384xf32>
    %add3A_56 = arith.addf %dot_general3A_54, %add3A_55 : vector<1024x384xf32>
    %dot_general3A_57 = arith.constant dense<0.000000e+00> : vector<1024x384xf32>
    %dot_general3A_58 = tpu.matmul %get3A_8, %get3A_49, %dot_general3A_57 {dimension_numbers = #tpu.dot_dimension_numbers<[1], [1], [0], [0], [0, 0, 1, 0], [], []>, transpose_lhs_hint = false} : vector<1024x128xf32>, vector<384x128xf32>, vector<1024x384xf32> -> vector<1024x384xf32>
    %add3A_59 = vector.broadcast %get3A_52 : vector<1x384xf32> to vector<1024x384xf32>
    %add3A_60 = arith.addf %dot_general3A_58, %add3A_59 : vector<1024x384xf32>
    %add3A_61 = arith.addf %add3A_38, %dot_general3A_40 : vector<1024x384xf32>
    %add3A_62 = arith.addf %add3A_61, %dot_general3A_42 : vector<1024x384xf32>
    %slice3A_63 = vector.extract_strided_slice %add3A_62 {offsets = [0, 0], sizes = [1024, 128], strides = [1, 1]} : vector<1024x384xf32> to vector<1024x128xf32>
    %slice3A_64 = vector.extract_strided_slice %add3A_56 {offsets = [0, 0], sizes = [1024, 128], strides = [1, 1]} : vector<1024x384xf32> to vector<1024x128xf32>
    %add3A_65 = arith.addf %slice3A_63, %slice3A_64 : vector<1024x128xf32>
    %logistic3A = arith.negf %add3A_65 : vector<1024x128xf32>
    %logistic3A_66 = math.exp %logistic3A : vector<1024x128xf32>
    %logistic3A_67 = arith.constant 1.000000e+00 : f32
    %logistic3A_68 = vector.broadcast %logistic3A_67 : f32 to vector<1024x128xf32>
    %logistic3A_69 = arith.addf %logistic3A_68, %logistic3A_66 : vector<1024x128xf32>
    %logistic3A_70 = arith.divf %logistic3A_68, %logistic3A_69 : vector<1024x128xf32>
    %slice3A_71 = vector.extract_strided_slice %add3A_62 {offsets = [0, 128], sizes = [1024, 128], strides = [1, 1]} : vector<1024x384xf32> to vector<1024x128xf32>
    %slice3A_72 = vector.extract_strided_slice %add3A_56 {offsets = [0, 128], sizes = [1024, 128], strides = [1, 1]} : vector<1024x384xf32> to vector<1024x128xf32>
    %add3A_73 = arith.addf %slice3A_71, %slice3A_72 : vector<1024x128xf32>
    %logistic3A_74 = arith.negf %add3A_73 : vector<1024x128xf32>
    %logistic3A_75 = math.exp %logistic3A_74 : vector<1024x128xf32>
    %logistic3A_76 = arith.constant 1.000000e+00 : f32
    %logistic3A_77 = vector.broadcast %logistic3A_76 : f32 to vector<1024x128xf32>
    %logistic3A_78 = arith.addf %logistic3A_77, %logistic3A_75 : vector<1024x128xf32>
    %logistic3A_79 = arith.divf %logistic3A_77, %logistic3A_78 : vector<1024x128xf32>
    %slice3A_80 = vector.extract_strided_slice %add3A_62 {offsets = [0, 256], sizes = [1024, 128], strides = [1, 1]} : vector<1024x384xf32> to vector<1024x128xf32>
    %slice3A_81 = vector.extract_strided_slice %add3A_56 {offsets = [0, 256], sizes = [1024, 128], strides = [1, 1]} : vector<1024x384xf32> to vector<1024x128xf32>
    %mul3A_82 = arith.mulf %logistic3A_70, %slice3A_81 : vector<1024x128xf32>
    %add3A_83 = arith.addf %slice3A_80, %mul3A_82 : vector<1024x128xf32>
    %tanh3A = math.tanh %add3A_83 : vector<1024x128xf32>
    %sub3A = arith.constant 1.000000e+00 : f32
    %sub3A_84 = vector.broadcast %sub3A : f32 to vector<1024x128xf32>
    %sub3A_85 = arith.subf %sub3A_84, %logistic3A_79 : vector<1024x128xf32>
    %mul3A_86 = arith.mulf %sub3A_85, %tanh3A : vector<1024x128xf32>
    %mul3A_87 = arith.mulf %logistic3A_79, %get3A_3 : vector<1024x128xf32>
    %add3A_88 = arith.addf %mul3A_86, %mul3A_87 : vector<1024x128xf32>
    %add3A_89 = arith.addf %add3A_38, %dot_general3A_44 : vector<1024x384xf32>
    %add3A_90 = arith.addf %add3A_89, %dot_general3A_46 : vector<1024x384xf32>
    %slice3A_91 = vector.extract_strided_slice %add3A_90 {offsets = [0, 0], sizes = [1024, 128], strides = [1, 1]} : vector<1024x384xf32> to vector<1024x128xf32>
    %slice3A_92 = vector.extract_strided_slice %add3A_60 {offsets = [0, 0], sizes = [1024, 128], strides = [1, 1]} : vector<1024x384xf32> to vector<1024x128xf32>
    %add3A_93 = arith.addf %slice3A_91, %slice3A_92 : vector<1024x128xf32>
    %logistic3A_94 = arith.negf %add3A_93 : vector<1024x128xf32>
    %logistic3A_95 = math.exp %logistic3A_94 : vector<1024x128xf32>
    %logistic3A_96 = arith.constant 1.000000e+00 : f32
    %logistic3A_97 = vector.broadcast %logistic3A_96 : f32 to vector<1024x128xf32>
    %logistic3A_98 = arith.addf %logistic3A_97, %logistic3A_95 : vector<1024x128xf32>
    %logistic3A_99 = arith.divf %logistic3A_97, %logistic3A_98 : vector<1024x128xf32>
    %slice3A_100 = vector.extract_strided_slice %add3A_90 {offsets = [0, 128], sizes = [1024, 128], strides = [1, 1]} : vector<1024x384xf32> to vector<1024x128xf32>
    %slice3A_101 = vector.extract_strided_slice %add3A_60 {offsets = [0, 128], sizes = [1024, 128], strides = [1, 1]} : vector<1024x384xf32> to vector<1024x128xf32>
    %add3A_102 = arith.addf %slice3A_100, %slice3A_101 : vector<1024x128xf32>
    %logistic3A_103 = arith.negf %add3A_102 : vector<1024x128xf32>
    %logistic3A_104 = math.exp %logistic3A_103 : vector<1024x128xf32>
    %logistic3A_105 = arith.constant 1.000000e+00 : f32
    %logistic3A_106 = vector.broadcast %logistic3A_105 : f32 to vector<1024x128xf32>
    %logistic3A_107 = arith.addf %logistic3A_106, %logistic3A_104 : vector<1024x128xf32>
    %logistic3A_108 = arith.divf %logistic3A_106, %logistic3A_107 : vector<1024x128xf32>
    %slice3A_109 = vector.extract_strided_slice %add3A_90 {offsets = [0, 256], sizes = [1024, 128], strides = [1, 1]} : vector<1024x384xf32> to vector<1024x128xf32>
    %slice3A_110 = vector.extract_strided_slice %add3A_60 {offsets = [0, 256], sizes = [1024, 128], strides = [1, 1]} : vector<1024x384xf32> to vector<1024x128xf32>
    %mul3A_111 = arith.mulf %logistic3A_99, %slice3A_110 : vector<1024x128xf32>
    %add3A_112 = arith.addf %slice3A_109, %mul3A_111 : vector<1024x128xf32>
    %tanh3A_113 = math.tanh %add3A_112 : vector<1024x128xf32>
    %sub3A_114 = arith.constant 1.000000e+00 : f32
    %sub3A_115 = vector.broadcast %sub3A_114 : f32 to vector<1024x128xf32>
    %sub3A_116 = arith.subf %sub3A_115, %logistic3A_108 : vector<1024x128xf32>
    %mul3A_117 = arith.mulf %sub3A_116, %tanh3A_113 : vector<1024x128xf32>
    %mul3A_118 = arith.mulf %logistic3A_108, %get3A_8 : vector<1024x128xf32>
    %add3A_119 = arith.addf %mul3A_117, %mul3A_118 : vector<1024x128xf32>
    %swap3A = arith.constant 0 : index
    %swap3A_120 = arith.constant 0 : index
    %swap3A_121 = arith.constant 0 : index
    %swap3A_122 = vector.load %arg17[%swap3A, %swap3A_120, %swap3A_121] : memref<2x1024x128xf32, #tpu.memory_space<vmem>>, vector<1x1024x128xf32>
    %swap3A_123 = vector.shape_cast %swap3A_122 : vector<1x1024x128xf32> to vector<1024x128xf32>
    %swap3A_124 = vector.shape_cast %add3A_88 : vector<1024x128xf32> to vector<1x1024x128xf32>
    tpu.vector_store %arg17[%swap3A, %swap3A_120, %swap3A_121], %swap3A_124 {strides = array<i32>} : memref<2x1024x128xf32, #tpu.memory_space<vmem>>, vector<1x1024x128xf32>,
    %swap3A_125 = arith.constant 1 : index
    %swap3A_126 = arith.constant 0 : index
    %swap3A_127 = arith.constant 0 : index
    %swap3A_128 = vector.load %arg17[%swap3A_125, %swap3A_126, %swap3A_127] : memref<2x1024x128xf32, #tpu.memory_space<vmem>>, vector<1x1024x128xf32>
    %swap3A_129 = vector.shape_cast %swap3A_128 : vector<1x1024x128xf32> to vector<1024x128xf32>
    %swap3A_130 = vector.shape_cast %add3A_119 : vector<1024x128xf32> to vector<1x1024x128xf32>
    tpu.vector_store %arg17[%swap3A_125, %swap3A_126, %swap3A_127], %swap3A_130 {strides = array<i32>} : memref<2x1024x128xf32, #tpu.memory_space<vmem>>, vector<1x1024x128xf32>,
    %get3A_131 = arith.constant 0 : index
    %get3A_132 = arith.constant 0 : index
    %get3A_133 = vector.load %arg10[%get3A_131, %get3A_132] : memref<128x128xf32, #tpu.memory_space<vmem>>, vector<128x128xf32>
    %dot_general3A_134 = arith.constant dense<0.000000e+00> : vector<1024x128xf32>
    %dot_general3A_135 = tpu.matmul %add3A_88, %get3A_133, %dot_general3A_134 {dimension_numbers = #tpu.dot_dimension_numbers<[1], [1], [0], [0], [0, 0, 1, 0], [], []>, transpose_lhs_hint = false} : vector<1024x128xf32>, vector<128x128xf32>, vector<1024x128xf32> -> vector<1024x128xf32>
    %get3A_136 = arith.constant 0 : index
    %get3A_137 = arith.constant 0 : index
    %get3A_138 = vector.load %arg10[%get3A_136, %get3A_137] : memref<128x128xf32, #tpu.memory_space<vmem>>, vector<128x128xf32>
    %dot_general3A_139 = arith.constant dense<0.000000e+00> : vector<1024x128xf32>
    %dot_general3A_140 = tpu.matmul %add3A_119, %get3A_138, %dot_general3A_139 {dimension_numbers = #tpu.dot_dimension_numbers<[1], [1], [0], [0], [0, 0, 1, 0], [], []>, transpose_lhs_hint = false} : vector<1024x128xf32>, vector<128x128xf32>, vector<1024x128xf32> -> vector<1024x128xf32>
    %get3A_141 = arith.constant 0 : index
    %get3A_142 = arith.constant 0 : index
    %get3A_143 = vector.load %arg11[%get3A_141, %get3A_142] : memref<128x128xf32, #tpu.memory_space<vmem>>, vector<128x128xf32>
    %dot_general3A_144 = arith.constant dense<0.000000e+00> : vector<1024x128xf32>
    %dot_general3A_145 = tpu.matmul %dot_general3A_135, %get3A_143, %dot_general3A_144 {dimension_numbers = #tpu.dot_dimension_numbers<[1], [1], [0], [0], [0, 0, 1, 0], [], []>, transpose_lhs_hint = false} : vector<1024x128xf32>, vector<128x128xf32>, vector<1024x128xf32> -> vector<1024x128xf32>
    %get3A_146 = arith.constant 0 : index
    %get3A_147 = arith.constant 0 : index
    %get3A_148 = vector.load %arg12[%get3A_146, %get3A_147] : memref<1x128xf32, #tpu.memory_space<vmem>>, vector<1x128xf32>
    %add3A_149 = vector.broadcast %get3A_148 : vector<1x128xf32> to vector<1024x128xf32>
    %add3A_150 = arith.addf %dot_general3A_145, %add3A_149 : vector<1024x128xf32>
    %swap3A_151 = arith.constant 0 : index
    %swap3A_152 = arith.constant 0 : index
    %swap3A_153 = vector.load %arg18[%swap3A_151, %swap3A_152] : memref<1024x128xf32, #tpu.memory_space<vmem>>, vector<1024x128xf32>
    tpu.vector_store %arg18[%swap3A_151, %swap3A_152], %add3A_150 {strides = array<i32>} : memref<1024x128xf32, #tpu.memory_space<vmem>>, vector<1024x128xf32>,
    %get3A_154 = arith.constant 0 : index
    %get3A_155 = arith.constant 0 : index
    %get3A_156 = vector.load %arg13[%get3A_154, %get3A_155] : memref<128x128xf32, #tpu.memory_space<vmem>>, vector<128x128xf32>
    %dot_general3A_157 = arith.constant dense<0.000000e+00> : vector<1024x128xf32>
    %dot_general3A_158 = tpu.matmul %dot_general3A_140, %get3A_156, %dot_general3A_157 {dimension_numbers = #tpu.dot_dimension_numbers<[1], [1], [0], [0], [0, 0, 1, 0], [], []>, transpose_lhs_hint = false} : vector<1024x128xf32>, vector<128x128xf32>, vector<1024x128xf32> -> vector<1024x128xf32>
    %get3A_159 = arith.constant 0 : index
    %get3A_160 = arith.constant 0 : index
    %get3A_161 = vector.load %arg14[%get3A_159, %get3A_160] : memref<1x128xf32, #tpu.memory_space<vmem>>, vector<1x128xf32>
    %add3A_162 = vector.broadcast %get3A_161 : vector<1x128xf32> to vector<1024x128xf32>
    %add3A_163 = arith.addf %dot_general3A_158, %add3A_162 : vector<1024x128xf32>
    %add3A_164 = arith.addf %add3A_150, %add3A_163 : vector<1024x128xf32>
    %max3A = arith.constant 0.000000e+00 : f32
    %max3A_165 = vector.broadcast %max3A : f32 to vector<1024x128xf32>
    %max3A_166 = arith.maximumf %add3A_164, %max3A_165 : vector<1024x128xf32>
    %get3A_167 = arith.constant 0 : index
    %get3A_168 = arith.constant 0 : index
    %get3A_169 = vector.load %arg15[%get3A_167, %get3A_168] : memref<1x128xf32, #tpu.memory_space<vmem>>, vector<1x128xf32>
    %mul3A_170 = vector.broadcast %get3A_169 : vector<1x128xf32> to vector<1024x128xf32>
    %mul3A_171 = arith.mulf %max3A_166, %mul3A_170 : vector<1024x128xf32>
    %reduce_sum3A = arith.constant dense<0.000000e+00> : vector<1024xf32>
    %reduce_sum3A_172 = vector.multi_reduction <add>, %mul3A_171, %reduce_sum3A [1] : vector<1024x128xf32> to vector<1024xf32>
    %broadcast_in_dim3A = vector.shape_cast %reduce_sum3A_172 : vector<1024xf32> to vector<1024x1xf32>
    %get3A_173 = arith.constant 0 : index
    %get3A_174 = arith.constant 0 : index
    %get3A_175 = vector.load %arg16[%get3A_173, %get3A_174] : memref<1x1xf32, #tpu.memory_space<vmem>>, vector<1x1xf32>
    %get3A_176 = vector.extract %get3A_175[0, 0] : f32 from vector<1x1xf32>
    %add3A_177 = vector.broadcast %get3A_176 : f32 to vector<1024x1xf32>
    %add3A_178 = arith.addf %broadcast_in_dim3A, %add3A_177 : vector<1024x1xf32>
    %swap3A_179 = arith.constant 0 : index
    %swap3A_180 = arith.constant 0 : index
    %swap3A_181 = vector.load %arg19[%swap3A_179, %swap3A_180] : memref<1024x1xf32, #tpu.memory_space<vmem>>, vector<1024x1xf32>
    tpu.vector_store %arg19[%swap3A_179, %swap3A_180], %add3A_178 {strides = array<i32>} : memref<1024x1xf32, #tpu.memory_space<vmem>>, vector<1024x1xf32>,
    return
  }
  func.func @transform_0(%arg0: i32) -> (i32, i32, i32) {
    %c0_i32 = arith.constant 0 : i32
    %c0_i32_0 = arith.constant 0 : i32
    %c0_i32_1 = arith.constant 0 : i32
    return %c0_i32, %arg0, %c0_i32_0 : i32, i32, i32
  }
  func.func @transform_1(%arg0: i32) -> (i32, i32) {
    %c0_i32 = arith.constant 0 : i32
    %c0_i32_0 = arith.constant 0 : i32
    return %arg0, %c0_i32 : i32, i32
  }
  func.func @transform_2(%arg0: i32) -> (i32, i32) {
    %c0_i32 = arith.constant 0 : i32
    %c0_i32_0 = arith.constant 0 : i32
    return %arg0, %c0_i32 : i32, i32
  }
  func.func @transform_3(%arg0: i32) -> (i32, i32) {
    %c0_i32 = arith.constant 0 : i32
    %c0_i32_0 = arith.constant 0 : i32
    %c0_i32_1 = arith.constant 0 : i32
    return %c0_i32, %c0_i32_0 : i32, i32
  }
  func.func @transform_4(%arg0: i32) -> (i32, i32) {
    %c0_i32 = arith.constant 0 : i32
    %c0_i32_0 = arith.constant 0 : i32
    %c0_i32_1 = arith.constant 0 : i32
    return %c0_i32, %c0_i32_0 : i32, i32
  }
  func.func @transform_5(%arg0: i32) -> (i32, i32) {
    %c0_i32 = arith.constant 0 : i32
    %c0_i32_0 = arith.constant 0 : i32
    %c0_i32_1 = arith.constant 0 : i32
    return %c0_i32, %c0_i32_0 : i32, i32
  }
  func.func @transform_6(%arg0: i32) -> (i32, i32) {
    %c0_i32 = arith.constant 0 : i32
    %c0_i32_0 = arith.constant 0 : i32
    %c0_i32_1 = arith.constant 0 : i32
    return %c0_i32, %c0_i32_0 : i32, i32
  }
  func.func @transform_7(%arg0: i32) -> (i32, i32) {
    %c0_i32 = arith.constant 0 : i32
    %c0_i32_0 = arith.constant 0 : i32
    %c0_i32_1 = arith.constant 0 : i32
    return %c0_i32, %c0_i32_0 : i32, i32
  }
  func.func @transform_8(%arg0: i32) -> (i32, i32) {
    %c0_i32 = arith.constant 0 : i32
    %c0_i32_0 = arith.constant 0 : i32
    %c0_i32_1 = arith.constant 0 : i32
    return %c0_i32, %c0_i32_0 : i32, i32
  }
  func.func @transform_9(%arg0: i32) -> (i32, i32) {
    %c0_i32 = arith.constant 0 : i32
    %c0_i32_0 = arith.constant 0 : i32
    %c0_i32_1 = arith.constant 0 : i32
    return %c0_i32, %c0_i32_0 : i32, i32
  }
  func.func @transform_10(%arg0: i32) -> (i32, i32) {
    %c0_i32 = arith.constant 0 : i32
    %c0_i32_0 = arith.constant 0 : i32
    %c0_i32_1 = arith.constant 0 : i32
    return %c0_i32, %c0_i32_0 : i32, i32
  }
  func.func @transform_11(%arg0: i32) -> (i32, i32) {
    %c0_i32 = arith.constant 0 : i32
    %c0_i32_0 = arith.constant 0 : i32
    %c0_i32_1 = arith.constant 0 : i32
    return %c0_i32, %c0_i32_0 : i32, i32
  }
  func.func @transform_12(%arg0: i32) -> (i32, i32) {
    %c0_i32 = arith.constant 0 : i32
    %c0_i32_0 = arith.constant 0 : i32
    %c0_i32_1 = arith.constant 0 : i32
    return %c0_i32, %c0_i32_0 : i32, i32
  }
  func.func @transform_13(%arg0: i32) -> (i32, i32) {
    %c0_i32 = arith.constant 0 : i32
    %c0_i32_0 = arith.constant 0 : i32
    %c0_i32_1 = arith.constant 0 : i32
    return %c0_i32, %c0_i32_0 : i32, i32
  }
  func.func @transform_14(%arg0: i32) -> (i32, i32) {
    %c0_i32 = arith.constant 0 : i32
    %c0_i32_0 = arith.constant 0 : i32
    %c0_i32_1 = arith.constant 0 : i32
    return %c0_i32, %c0_i32_0 : i32, i32
  }
  func.func @transform_15(%arg0: i32) -> (i32, i32) {
    %c0_i32 = arith.constant 0 : i32
    %c0_i32_0 = arith.constant 0 : i32
    %c0_i32_1 = arith.constant 0 : i32
    return %c0_i32, %c0_i32_0 : i32, i32
  }
  func.func @transform_16(%arg0: i32) -> (i32, i32, i32) {
    %c0_i32 = arith.constant 0 : i32
    %c0_i32_0 = arith.constant 0 : i32
    %c0_i32_1 = arith.constant 0 : i32
    return %c0_i32, %arg0, %c0_i32_0 : i32, i32, i32
  }
  func.func @transform_17(%arg0: i32) -> (i32, i32) {
    %c0_i32 = arith.constant 0 : i32
    %c0_i32_0 = arith.constant 0 : i32
    return %arg0, %c0_i32 : i32, i32
  }
  func.func @transform_18(%arg0: i32) -> (i32, i32) {
    %c0_i32 = arith.constant 0 : i32
    %c0_i32_0 = arith.constant 0 : i32
    return %arg0, %c0_i32 : i32, i32
  }
}

module attributes {stable_mosaic.version = 14 : i64} {
  func.func @_neg_block(%arg0: i32, %arg1: memref<1024x128xf32, #tpu.memory_space<vmem>>, %arg2: memref<1024x128xf32, #tpu.memory_space<vmem>>, %arg3: memref<128x128xf32, #tpu.memory_space<vmem>>, %arg4: memref<128x128xf32, #tpu.memory_space<vmem>>, %arg5: memref<1x128xf32, #tpu.memory_space<vmem>>, %arg6: memref<1x128xf32, #tpu.memory_space<vmem>>, %arg7: memref<1x1xf32, #tpu.memory_space<vmem>>, %arg8: memref<1024x1xf32, #tpu.memory_space<vmem>>) attributes {dimension_semantics = [#tpu.dimension_semantics<arbitrary>], iteration_bounds = array<i64: 16>, scalar_prefetch = 0 : i64, scratch_operands = 0 : i64, tpu.core_type = #tpu.core_type<tc>, window_params = [{transform_indices = @transform_0, window_bounds = array<i64: 1024, 128>}, {transform_indices = @transform_1, window_bounds = array<i64: 1024, 128>}, {pipeline_mode = #tpu.pipeline_mode<synchronous>, transform_indices = @transform_2, window_bounds = array<i64: 128, 128>}, {pipeline_mode = #tpu.pipeline_mode<synchronous>, transform_indices = @transform_3, window_bounds = array<i64: 128, 128>}, {pipeline_mode = #tpu.pipeline_mode<synchronous>, transform_indices = @transform_4, window_bounds = array<i64: 1, 128>}, {pipeline_mode = #tpu.pipeline_mode<synchronous>, transform_indices = @transform_5, window_bounds = array<i64: 1, 128>}, {pipeline_mode = #tpu.pipeline_mode<synchronous>, transform_indices = @transform_6, window_bounds = array<i64: 1, 1>}, {transform_indices = @transform_7, window_bounds = array<i64: 1024, 1>}]} {
    %get3A = arith.constant 0 : index
    %get3A_0 = arith.constant 0 : index
    %get3A_1 = vector.load %arg1[%get3A, %get3A_0] : memref<1024x128xf32, #tpu.memory_space<vmem>>, vector<1024x128xf32>
    %get3A_2 = arith.constant 0 : index
    %get3A_3 = arith.constant 0 : index
    %get3A_4 = vector.load %arg3[%get3A_2, %get3A_3] : memref<128x128xf32, #tpu.memory_space<vmem>>, vector<128x128xf32>
    %dot_general3A = arith.constant dense<0.000000e+00> : vector<1024x128xf32>
    %dot_general3A_5 = tpu.matmul %get3A_1, %get3A_4, %dot_general3A {dimension_numbers = #tpu.dot_dimension_numbers<[1], [1], [0], [0], [0, 0, 1, 0], [], []>, transpose_lhs_hint = false} : vector<1024x128xf32>, vector<128x128xf32>, vector<1024x128xf32> -> vector<1024x128xf32>
    %get3A_6 = arith.constant 0 : index
    %get3A_7 = arith.constant 0 : index
    %get3A_8 = vector.load %arg4[%get3A_6, %get3A_7] : memref<128x128xf32, #tpu.memory_space<vmem>>, vector<128x128xf32>
    %dot_general3A_9 = arith.constant dense<0.000000e+00> : vector<1024x128xf32>
    %dot_general3A_10 = tpu.matmul %dot_general3A_5, %get3A_8, %dot_general3A_9 {dimension_numbers = #tpu.dot_dimension_numbers<[1], [1], [0], [0], [0, 0, 1, 0], [], []>, transpose_lhs_hint = false} : vector<1024x128xf32>, vector<128x128xf32>, vector<1024x128xf32> -> vector<1024x128xf32>
    %get3A_11 = arith.constant 0 : index
    %get3A_12 = arith.constant 0 : index
    %get3A_13 = vector.load %arg5[%get3A_11, %get3A_12] : memref<1x128xf32, #tpu.memory_space<vmem>>, vector<1x128xf32>
    %add3A = vector.broadcast %get3A_13 : vector<1x128xf32> to vector<1024x128xf32>
    %add3A_14 = arith.addf %dot_general3A_10, %add3A : vector<1024x128xf32>
    %get3A_15 = arith.constant 0 : index
    %get3A_16 = arith.constant 0 : index
    %get3A_17 = vector.load %arg2[%get3A_15, %get3A_16] : memref<1024x128xf32, #tpu.memory_space<vmem>>, vector<1024x128xf32>
    %add3A_18 = arith.addf %get3A_17, %add3A_14 : vector<1024x128xf32>
    %max3A = arith.constant 0.000000e+00 : f32
    %max3A_19 = vector.broadcast %max3A : f32 to vector<1024x128xf32>
    %max3A_20 = arith.maximumf %add3A_18, %max3A_19 : vector<1024x128xf32>
    %get3A_21 = arith.constant 0 : index
    %get3A_22 = arith.constant 0 : index
    %get3A_23 = vector.load %arg6[%get3A_21, %get3A_22] : memref<1x128xf32, #tpu.memory_space<vmem>>, vector<1x128xf32>
    %mul3A = vector.broadcast %get3A_23 : vector<1x128xf32> to vector<1024x128xf32>
    %mul3A_24 = arith.mulf %max3A_20, %mul3A : vector<1024x128xf32>
    %reduce_sum3A = arith.constant dense<0.000000e+00> : vector<1024xf32>
    %reduce_sum3A_25 = vector.multi_reduction <add>, %mul3A_24, %reduce_sum3A [1] : vector<1024x128xf32> to vector<1024xf32>
    %broadcast_in_dim3A = vector.shape_cast %reduce_sum3A_25 : vector<1024xf32> to vector<1024x1xf32>
    %get3A_26 = arith.constant 0 : index
    %get3A_27 = arith.constant 0 : index
    %get3A_28 = vector.load %arg7[%get3A_26, %get3A_27] : memref<1x1xf32, #tpu.memory_space<vmem>>, vector<1x1xf32>
    %get3A_29 = vector.extract %get3A_28[0, 0] : f32 from vector<1x1xf32>
    %add3A_30 = vector.broadcast %get3A_29 : f32 to vector<1024x1xf32>
    %add3A_31 = arith.addf %broadcast_in_dim3A, %add3A_30 : vector<1024x1xf32>
    %swap3A = arith.constant 0 : index
    %swap3A_32 = arith.constant 0 : index
    %swap3A_33 = vector.load %arg8[%swap3A, %swap3A_32] : memref<1024x1xf32, #tpu.memory_space<vmem>>, vector<1024x1xf32>
    tpu.vector_store %arg8[%swap3A, %swap3A_32], %add3A_31 {strides = array<i32>} : memref<1024x1xf32, #tpu.memory_space<vmem>>, vector<1024x1xf32>,
    return
  }
  func.func @transform_0(%arg0: i32) -> (i32, i32) {
    %c0_i32 = arith.constant 0 : i32
    %c0_i32_0 = arith.constant 0 : i32
    return %arg0, %c0_i32 : i32, i32
  }
  func.func @transform_1(%arg0: i32) -> (i32, i32) {
    %c0_i32 = arith.constant 0 : i32
    %c0_i32_0 = arith.constant 0 : i32
    return %arg0, %c0_i32 : i32, i32
  }
  func.func @transform_2(%arg0: i32) -> (i32, i32) {
    %c0_i32 = arith.constant 0 : i32
    %c0_i32_0 = arith.constant 0 : i32
    %c0_i32_1 = arith.constant 0 : i32
    return %c0_i32, %c0_i32_0 : i32, i32
  }
  func.func @transform_3(%arg0: i32) -> (i32, i32) {
    %c0_i32 = arith.constant 0 : i32
    %c0_i32_0 = arith.constant 0 : i32
    %c0_i32_1 = arith.constant 0 : i32
    return %c0_i32, %c0_i32_0 : i32, i32
  }
  func.func @transform_4(%arg0: i32) -> (i32, i32) {
    %c0_i32 = arith.constant 0 : i32
    %c0_i32_0 = arith.constant 0 : i32
    %c0_i32_1 = arith.constant 0 : i32
    return %c0_i32, %c0_i32_0 : i32, i32
  }
  func.func @transform_5(%arg0: i32) -> (i32, i32) {
    %c0_i32 = arith.constant 0 : i32
    %c0_i32_0 = arith.constant 0 : i32
    %c0_i32_1 = arith.constant 0 : i32
    return %c0_i32, %c0_i32_0 : i32, i32
  }
  func.func @transform_6(%arg0: i32) -> (i32, i32) {
    %c0_i32 = arith.constant 0 : i32
    %c0_i32_0 = arith.constant 0 : i32
    %c0_i32_1 = arith.constant 0 : i32
    return %c0_i32, %c0_i32_0 : i32, i32
  }
  func.func @transform_7(%arg0: i32) -> (i32, i32) {
    %c0_i32 = arith.constant 0 : i32
    %c0_i32_0 = arith.constant 0 : i32
    return %arg0, %c0_i32 : i32, i32
  }
}

</mosaic_0001>

<sc_bundles>
// kernel: kernel.10.cloned.1.call-start
scs
__scs_entry_jumppad:
0x0: {  	(pc) =	sbr.rel $0x88, $3  }
0x1: {  	(tag) =	ssettag $0x0;
	lr =	simm.s32 $0x1  }
0x2: {  	[smem:$0x3F8E] =	sst lr;
	_ =	strace $0xD0000000  }
0x3: {  	_ = 	snop  }
0x4: {  	_ = 	snop  }
0x5: {  	_ = 	snop  }
0x6: {  	_ = 	snop  }
0x7: {  	_ = 	snop  }
__scs_overlays_trampoline_lowered:
0x8: {  	[smem:$0x3F9D] =	sst s0  }
0x9: {  	[smem:$0x3F9E] =	sst s1  }
0xa: {  	[smem:$0x3F9F] =	sst s2  }
0xb: {  	[smem:$0x3FA0] =	sst s3  }
0xc: {  	[smem:$0x3FA1] =	sst s4  }
0xd: {  	[smem:$0x3FA2] =	sst s5  }
0xe: {  	[smem:$0x3FA3] =	sst s6  }
0xf: {  	[smem:$0x3FA4] =	sst s7  }
0x10: {  	[smem:$0x3FA5] =	sst s8  }
0x11: {  	[smem:$0x3FA6] =	sst s9;
	s0 =	simm.s32 @!p0 $0x0  }
0x12: {  	s1 =	sld [smem:$0x3F8C];
	s0 =	simm.s32 @p0 $0x1  }
0x13: {  	[smem:$0x3FA7] =	sst s0;
	s0 =	simm.s32 @!p1 $0x0  }
0x14: {  	s2 =	sld [smem:$0x3F8B];
	s0 =	simm.s32 @p1 $0x1  }
0x15: {  	[smem:$0x3FA8] =	sst s0;
	s0 =	simm.s32 @!p2 $0x0  }
0x16: {  	s3 =	sld [smem:$0x3FDB];
	s0 =	simm.s32 @p2 $0x1  }
0x17: {  	s4 =	simm.s32 $0x1BF5;
	[smem:$0x3FAA] =	sst s0  }
0x18: {  	s0 =	sld [smem:$0x3F8D];
	_ =	swait.ge [sflag:s4], $0x0  }
0x19: {  	s7 =	sld [smem:$0x3F8E]  }
0x1a: {  	s8 =	sadd.s32 $0xFFFFE003, lr  }
0x1b: {  	s9 =	sadd.s32 $0xFFFFFEF7, lr;
	s5 =	simm.s32 $0xFFFFFFFF;
	p2 =	slt.u32 s8, $0xFFFFF086  }
0x1c: {  	p1 =	slt.u32 s9, $0xF7A;
	s5 =	simm.s32 @!p2 $0x0  }
0x1d: {  	s5 =	simm.s32 @p1 $0x1;
	p0 =	seq.s32 s7, s2  }
0x1e: {  	s7 =	smul.u32 @!p0 $0xF7A, s2;
	p2 =	seq.s32 @!p0 s5, $0x0  }
0x1f: {  	s9 =	smul.u32 $0xF7A, s1;
	s8 =	simm.s32 @!p0 $0x1BF5;
	p2 =	por !p2, p0  }
0x20: {  	[sflag:s8] =	ssyncset.s32 @!p0 $0xFFFFF086;
	s6 =	sadd.s32 @!p0 s3, s7;
	s7 =	simm.s32 @!p0 $0x108  }
0x21: {  	s3 =	sadd.s32 s3, s9;
	s6 =	sadd.s32 @!p0 $0x88, s6;
	s7 =	simm.s32 @p2 $0x1082  }
0x22: {  	[simem:s7], [sflag:s8] =	dma.local @!p0 [hbm:s6], $0xF7A  }
0x23: {  	s9 =	sor.u32 $0xD0000000, s2;
	s6 =	simm.s32 $0x108;
	_ =	swait.ge @!p0 [sflag:s8], $0x0  }
0x24: {  	s3 =	sadd.s32 $0x88, s3;
	s6 =	simm.s32 @!p1 $0x1082;
	[sflag:s4] =	ssyncset.s32 $0xFFFFF086  }
0x25: {  	[simem:s6], [sflag:s4] =	dma.local [hbm:s3], $0xF7A  }
0x26: {  	[smem:$0x3F8E] =	sst s1;
	(tag) =	ssettag s2;
	_ =	strace s9  }
0x27: {  	s1 =	sld [smem:$0x3F9E]  }
0x28: {  	s2 =	sld [smem:$0x3F9F]  }
0x29: {  	s4 =	sld [smem:$0x3FA1]  }
0x2a: {  	p0 =	seq.s32 s5, $0x0;
	s5 =	sld [smem:$0x3FA2]  }
0x2b: {  	s6 =	sld [smem:$0x3FA3]  }
0x2c: {  	s7 =	sld [smem:$0x3FA4]  }
0x2d: {  	s3 =	simm.s32 $0x108;
	s8 =	sld [smem:$0x3FA5]  }
0x2e: {  	s3 =	simm.s32 @!p0 $0x1082;
	s9 =	sld [smem:$0x3FA6]  }
0x2f: {  	lr =	sadd.s32 s0, s3;
	s0 =	sld [smem:$0x3F9D]  }
0x30: {  	s3 =	sld [smem:$0x3FA0]  }
0x31: {  	[smem:$0x3FA9] =	sst s10  }
0x32: {  	s10 =	sld [smem:$0x3FA7];
	_ =	sdelay $0x3  }
0x33: {  	p0 =	seq.s32 s10, $0x1;
	s10 =	sld [smem:$0x3FA9];
	_ =	sdelay $0x3  }
0x34: {  	[smem:$0x3FA9] =	sst s10  }
0x35: {  	s10 =	sld [smem:$0x3FA8];
	_ =	sdelay $0x3  }
0x36: {  	p1 =	seq.s32 s10, $0x1;
	s10 =	sld [smem:$0x3FA9];
	_ =	sdelay $0x3  }
0x37: {  	[smem:$0x3FA9] =	sst s10  }
0x38: {  	s10 =	sld [smem:$0x3FAA]  }
0x39: {  	_ = 	snop;
	(pc) =	sbr.ind lr, $3  }
0x3a: {  	_ = 	snop  }
0x3b: {  	_ = 	snop  }
0x3c: {  	p2 =	seq.s32 s10, $0x1;
	s10 =	sld [smem:$0x3FA9]  }
0x3d: {  	_ =	shalt  }
0x3e: {  	_ =	shalt  }
0x3f: {  	_ =	shalt  }
0x40: {  	_ =	shalt  }
0x41: {  	_ =	shalt  }
0x42: {  	_ =	shalt  }
0x43: {  	_ =	shalt  }
0x44: {  	_ =	shalt  }
0x45: {  	_ =	shalt  }
0x46: {  	_ =	shalt  }
0x47: {  	_ =	shalt  }
0x48: {  	_ =	shalt  }
0x49: {  	_ =	shalt  }
0x4a: {  	_ =	shalt  }
0x4b: {  	_ =	shalt  }
0x4c: {  	_ =	shalt  }
0x4d: {  	_ =	shalt  }
0x4e: {  	_ =	shalt  }
0x4f: {  	_ =	shalt  }
0x50: {  	_ =	shalt  }
0x51: {  	_ =	shalt  }
0x52: {  	_ =	shalt  }
0x53: {  	_ =	shalt  }
0x54: {  	_ =	shalt  }
0x55: {  	_ =	shalt  }
0x56: {  	_ =	shalt  }
0x57: {  	_ =	shalt  }
0x58: {  	_ =	shalt  }
0x59: {  	_ =	shalt  }
0x5a: {  	_ =	shalt  }
0x5b: {  	_ =	shalt  }
0x5c: {  	_ =	shalt  }
0x5d: {  	_ =	shalt  }
0x5e: {  	_ =	shalt  }
0x5f: {  	_ =	shalt  }
0x60: {  	_ =	shalt  }
0x61: {  	_ =	shalt  }
0x62: {  	_ =	shalt  }
0x63: {  	_ =	shalt  }
0x64: {  	_ =	shalt  }
0x65: {  	_ =	shalt  }
0x66: {  	_ =	shalt  }
0x67: {  	_ =	shalt  }
0x68: {  	_ =	shalt  }
0x69: {  	_ =	shalt  }
0x6a: {  	_ =	shalt  }
0x6b: {  	_ =	shalt  }
0x6c: {  	_ =	shalt  }
0x6d: {  	_ =	shalt  }
0x6e: {  	_ =	shalt  }
0x6f: {  	_ =	shalt  }
0x70: {  	_ =	shalt  }
0x71: {  	_ =	shalt  }
0x72: {  	_ =	shalt  }
0x73: {  	_ =	shalt  }
0x74: {  	_ =	shalt  }
0x75: {  	_ =	shalt  }
0x76: {  	_ =	shalt  }
0x77: {  	_ =	shalt  }
0x78: {  	_ =	shalt  }
0x79: {  	_ =	shalt  }
0x7a: {  	_ =	shalt  }
0x7b: {  	_ =	shalt  }
0x7c: {  	_ =	shalt  }
0x7d: {  	_ =	shalt  }
0x7e: {  	_ =	shalt  }
0x7f: {  	_ =	shalt  }
0x80: {  	_ =	shalt  }
0x81: {  	_ =	shalt  }
0x82: {  	_ =	shalt  }
0x83: {  	_ =	shalt  }
0x84: {  	_ =	shalt  }
0x85: {  	_ =	shalt  }
0x86: {  	_ =	shalt  }
0x87: {  	_ =	shalt  }
.Lfunc_end0:
.L_simem_size_0:
called_computation.1_lowered:
.L_overlay_start_0:
0x88: {  	s2 =	sld [smem:$0x3FD9]  }
0x89: {  	s3 =	sld [smem:$0x3FFE];
	_ =	sdelay $0x1  }
0x8a: {  	s1 =	srdreg.scid  }
0x8b: {  	s0 =	sand.u32 $0x1, s1  }
0x8c: {  	s17 =	sshll.u32 s0, $0xA;
	s2 =	sadd.s32 s3, s2  }
0x8d: {  	s2 =	sadd.s32 s2, s17  }
0x8e: {  	[smem:$0x3FB5] =	sst s2  }
0x8f: {  	_ = 	snop  }
0x90: {  	s2 =	sld [smem:$0x3FC4];
	(tm) =	ssettm $0x1  }
0x91: {  	s18 =	sld [smem:$0x3FFB];
	_ =	sdelay $0x3  }
0x92: {  	_ =	strace s18  }
0x93: {  	s3 =	sld [smem:$0x3FFC];
	_ =	sdelay $0x3  }
0x94: {  	_ =	strace s3  }
0x95: {  	s3 =	sld [smem:$0x3FFD];
	_ =	sdelay $0x3  }
0x96: {  	_ =	strace s3  }
0x97: {  	_ =	strace $0x8FFFFFFF  }
0x98: {  	s19 =	sld [smem:$0x3FDB];
	_ =	sdelay $0x1  }
0x99: {  	s4 =	simm.s32 $_scs_section_size  }
0x9a: {  	s5 =	simm.s32 $_size__tile_overlayer_lowered;
	s6 =	simm.s32 $_tile_overlayer_lowered  }
0x9b: {  	s22 =	simm.s32 $0x1BFF;
	s21 =	sshll.u32 s6, $0x1;
	s3 =	sadd.s32 s4, s19  }
0x9c: {  	s7 =	simm.s32 $0x0;
	s20 =	sshll.u32 s5, $0x1;
	s5 =	sadd.s32 s21, s3  }
0x9d: {  	[timem:s7], [sflag:s22] =	dma.local [hbm:s5], s20  }
0x9e: {  	_ =	swait.ge [sflag:s22], s20  }
0x9f: {  	s4 =	ssub.s32 $0x0, s20;
	[sflag:s22] =	ssyncset.done $0x0  }
0xa0: {  	[sflag:s22] =	ssyncadd.s32 s4;
	_ =	sdelay $0x1  }
0xa1: {  	s23 =	simm.s32 $0x1B8B  }
0xa2: {  	_ =	swait.ge [sflag:s23], $0x1  }
0xa3: {  	[sflag:s23] =	ssyncset.done $0x0  }
0xa4: {  	s25 =	simm.s32 $0x1B8E;
	s24 =	sld [smem:$0x3FFE];
	[sflag:s23] =	ssyncadd.s32 $0xFFFFFFFF  }
0xa5: {  	s26 =	simm.s32 $execute0_lowered;
	[smem:$0x3FD2] =	sst s25  }
0xa6: {  	s5 =	sshll.u32 s26, $0x1;
	_ =	strace $0x80000046;
	[dreg:$0x1] =	wrdreg $0xFFFFFFFF  }
0xa7: {  	s28 =	simm.s32 $_size_execute0_lowered;
	s3 =	sadd.s32 s3, s5;
	[dreg:$0x0] =	wrdreg $0x0  }
0xa8: {  	s5 =	sshll.u32 s28, $0x1;
	[dreg:$0x2] =	wrdreg s3  }
0xa9: {  	[dreg:$0x3] =	wrdreg s5  }
0xaa: {  	[dreg:$0x4] =	wrdreg $0xC0  }
0xab: {  	_ =	task [dreg:s7], $0x5FFFF  }
0xac: {  	[dreg:$0x1] =	wrdreg $0xFFFFFFFF  }
0xad: {  	[dreg:$0x0] =	wrdreg $0x60  }
0xae: {  	[dreg:$0x2] =	wrdreg s2  }
0xaf: {  	[dreg:$0x3] =	wrdreg s24  }
0xb0: {  	[dreg:$0x4] =	wrdreg $0xA  }
0xb1: {  	_ =	task.clear_ibuf [dreg:s7], $0x5FFFF;
	_ =	strace $0x90000046  }
0xb2: {  	s29 =	simm.s32 $0xA;
	_ =	strace $0x80000048  }
0xb3: {  	_ =	swait.ge [sflag:s29], $0x1  }
0xb4: {  	[sflag:s29] =	ssyncadd.s32 $0xFFFFFFFF  }
0xb5: {  	_ =	strace $0x90000048  }
0xb6: {  	_ =	sfence  }
0xb7: {  	s30 =	sld [smem:$0x0];
	_ =	sdelay $0x2  }
0xb8: {  	s31 =	sshll.u32 s1, $0xD;
	s1 =	sshrl.u32 s1, $0x2  }
0xb9: {  	s3 =	sand.u32 $0x4000, s31;
	s1 =	sadd.s32 s1, s30  }
0xba: {  	s0 =	sor.u32 s3, s0;
	s1 =	sshll.u32 s1, $0x11  }
0xbb: {  	s0 =	sor.u32 s1, s0  }
0xbc: {  	s0 =	sadd.s32 $0x8F2B, s0  }
0xbd: {  	[sflag:s0] =	ssyncadd.remote.s32 $0x1  }
0xbe: {  	_ =	sfence.sel $0xFFFF  }
0xbf: {  	[dreg:$0x0] =	wrdreg $0xFFFFFFFF;
	(pc) =	sbr.abs _section_cstart, $3  }
0xc0: {  	[dreg:$0x1] =	wrdreg $0xFFFFFFFF  }
0xc1: {  	_ =	task.clear_ibuf [dreg:s7], $0x2FFFF;
	_ =	strace $0x9FFFFFFF  }
0xc2: {  	(tm) =	ssettm $0x7FFFFFFF  }
0xc3: {  	_ =	shalt  }
tec
execute0_lowered:
.L_overlay_start_1:
0x0: {  	(tag) =	ssettag $0x1  }
0x1: {  	s1 =	rddreg [dreg:$0x0]  }
0x2: {  	s4 =	rddreg [dreg:$0x1]  }
0x3: {  	s0 =	rddreg [dreg:$0x2];
	s5 =	srdreg.scid  }
0x4: {  	s3 =	simm.s32 $0x0;
	s2 =	stileid.u32;
	s9 =	simm.s32 $0x1  }
0x5: {  	s10 =	simm.s32 $0x0;
	s5 =	sand.u32 $0x1, s5;
	[smem:$0x7FF] =	sst s3  }
0x6: {  	s7 =	sshll.u32 s2, $0xA;
	s31 =	sshll.u32 s2, $0xE;
	s6 =	sshll.u32 s5, $0xE  }
0x7: {  	_ =	strace $0x80000047;
	s30 =	ssub.s32 $0x2, s5;
	s5 =	sshll.u32 s5, $0x12  }
0x8: {  	s6 =	sor.u32 s7, s6;
	s8 =	sshrl.u32 s30, $0x1;
	s5 =	sadd.s32 s5, s4  }
0x9: {  	s6 =	sshrl.u32 s6, $0x3;
	s7 =	ssub.s32 s30, s8;
	s5 =	sadd.s32 s31, s5  }
0xa: {  	s8 =	simm.s32 $0x80;
	s6 =	sadd.s32 s6, s4;
	s4 =	smax.u32 s7, $0x1  }
0xb: {  	s5 =	sadd.s32 $0x4400, s5;
	s7 =	simm.s32 $0x2;
	s6 =	sadd.s32 $0x3400, s6  }
.LBB2_1:
0xc: {  	s11 =	sadd.s32 $0x0, s6  }
0xd: {  	[tilespmem:s3], [sflag:$0x2] =	stream.linear.gather [hbm4b:s11+s3], $0x80, $0x38;
	[tilespmem:$0x4080] =	vst v63  }
0xe: {  	_ =	swait.ge [sflag:s7], $0x80  }
0xf: {  	[sflag:s7] =	ssyncset.done $0x0  }
0x10: {  	[sflag:s7] =	ssyncadd.s32 $0xFFFFFF80  }
0x11: {  	[tilespmem:s8], [sflag:$0x1] =	stream.indirect.gather [hbm4b:s1+s8], $0x80, s3, s8, $0xb8;
	[tilespmem:$0x4080] =	vst v63  }
0x12: {  	_ =	swait.ge [sflag:s9], $0x4000  }
0x13: {  	[sflag:s9] =	ssyncset.done $0x0  }
0x14: {  	[sflag:s9] =	ssyncadd.s32 $0xFFFFC000  }
0x15: {  	[hbm4b:s5+s3] =	stream.linear.scatter [tilespmem:s8], [sflag:$0x2], $0x4000, $0x38;
	[tilespmem:$0x4080] =	vst v63  }
0x16: {  	s12 =	simm.s32 $0x10;
	_ =	swait.ge [sflag:s7], $0x4000  }
0x17: {  	s13 =	simm.s32 $0x20;
	s11 =	sadd.s32 $0x800, s5;
	[sflag:s7] =	ssyncset.done $0x0  }
.LBB2_2:
0x18: {  	s14 =	sadd.s32 s12, s6  }
0x19: {  	[sflag:s7] =	ssyncadd.s32 $0xFFFFC000;
	s12 =	smov.u32 s13;
	s15 =	sadd.s32 $0x10, s13  }
0x1a: {  	[tilespmem:s3], [sflag:$0x2] =	stream.linear.gather [hbm4b:s14+s3], $0x80, $0x38;
	[tilespmem:$0x4080] =	vst v63  }
0x1b: {  	p0 =	sne.s32 s13, $0x70;
	_ =	swait.ge [sflag:s7], $0x80  }
0x1c: {  	[sflag:s7] =	ssyncset.done $0x0  }
0x1d: {  	[sflag:s7] =	ssyncadd.s32 $0xFFFFFF80  }
0x1e: {  	[tilespmem:s8], [sflag:$0x1] =	stream.indirect.gather [hbm4b:s1+s8], $0x80, s3, s8, $0xb8;
	[tilespmem:$0x4080] =	vst v63  }
0x1f: {  	_ =	swait.ge [sflag:s9], $0x4000  }
.Ltmp0:
0x20: {  	[sflag:s9] =	ssyncset.done $0x0;
	(pc) =	sbr.rel @p0 .LBB2_2-.Ltmp0, $4  }
0x21: {  	[sflag:s9] =	ssyncadd.s32 $0xFFFFC000  }
0x22: {  	[hbm4b:s11+s3] =	stream.linear.scatter [tilespmem:s8], [sflag:$0x2], $0x4000, $0x38;
	[tilespmem:$0x4080] =	vst v63  }
0x23: {  	_ =	swait.ge [sflag:s7], $0x4000  }
0x24: {  	s13 =	smov.u32 s15;
	s11 =	sadd.s32 $0x800, s11;
	[sflag:s7] =	ssyncset.done $0x0  }
0x25: {  	s12 =	sadd.s32 s12, s6;
	[sflag:s7] =	ssyncadd.s32 $0xFFFFC000  }
0x26: {  	[tilespmem:s3], [sflag:$0x2] =	stream.linear.gather [hbm4b:s12+s3], $0x80, $0x38;
	[tilespmem:$0x4080] =	vst v63  }
0x27: {  	_ =	swait.ge [sflag:s7], $0x80  }
0x28: {  	[sflag:s7] =	ssyncset.done $0x0  }
0x29: {  	[sflag:s7] =	ssyncadd.s32 $0xFFFFFF80  }
0x2a: {  	[tilespmem:s8], [sflag:$0x1] =	stream.indirect.gather [hbm4b:s1+s8], $0x80, s3, s8, $0xb8;
	[tilespmem:$0x4080] =	vst v63  }
0x2b: {  	s10 =	sadd.s32 $0x1, s10;
	_ =	swait.ge [sflag:s9], $0x4000  }
0x2c: {  	p0 =	sne.s32 s10, s4;
	[sflag:s9] =	ssyncset.done $0x0  }
.Ltmp1:
0x2d: {  	[sflag:s9] =	ssyncadd.s32 $0xFFFFC000;
	(pc) =	sbr.rel @p0 .LBB2_1-.Ltmp1, $4  }
0x2e: {  	[hbm4b:s11+s3] =	stream.linear.scatter [tilespmem:s8], [sflag:$0x2], $0x4000, $0x38;
	[tilespmem:$0x4080] =	vst v63  }
0x2f: {  	_ =	swait.ge [sflag:s7], $0x4000  }
0x30: {  	[sflag:s7] =	ssyncset.done $0x0  }
0x31: {  	[sflag:s7] =	ssyncadd.s32 $0xFFFFC000  }
0x32: {  	_ =	sfence.sel $0x180000  }
0x33: {  	[bflag:$0x0] =	sbarrier.arrive $0xFFFF  }
0x34: {  	p0 =	sne.s32 s2, $0x0;
	_ =	strace $0x90000047  }
0x35: {  	s0 =	sadd.s32 @!p0 $0x100000, s0;
	[bflag:$0x2] =	sbarrier.arrive $0xFFFF  }
0x36: {  	[sflag:s0] =	ssyncadd.tile.s32 @!p0 $0x1;
	_ =	shalt  }
.Lfunc_end2:
_tile_overlayer_lowered:
.L_overlay_start_2:
0x37: {  	(tag) =	ssettag $0x2  }
0x38: {  	s0 =	rddreg [dreg:$0x0];
	s2 =	stileid.u32  }
0x39: {  	s1 =	rddreg [dreg:$0x1];
	p0 =	sne.s32 s2, $0x0  }
0x3a: {  	s3 =	rddreg [dreg:$0x2];
	[bflag:$0x3] =	sbarrier.arrive $0xFFFF;
	s2 =	simm.s32 @!p0 $0x1C02  }
0x3b: {  	[timem:s3], [sflag:s2] =	dma.local @!p0 [hbm:s0], s1  }
0x3c: {  	s0 =	simm.s32 @!p0 $0x2  }
0x3d: {  	_ =	swait.ge @!p0 [sflag:s0], s1  }
0x3e: {  	s1 =	ssub.s32 @!p0 $0x0, s1;
	[sflag:s0] =	ssyncset.done @!p0 $0x0  }
0x3f: {  	[sflag:s0] =	ssyncadd.s32 @!p0 s1  }
0x40: {  	[bflag:$0x3] =	sbarrier.arrive $0xFFFF  }
0x41: {  	_ =	shalt  }

// kernel: kernel.13.cloned.1.call-start
scs
__scs_entry_jumppad:
0x0: {  	(pc) =	sbr.rel $0x88, $3  }
0x1: {  	(tag) =	ssettag $0x0;
	lr =	simm.s32 $0x1  }
0x2: {  	[smem:$0x3F8E] =	sst lr;
	_ =	strace $0xD0000000  }
0x3: {  	_ = 	snop  }
0x4: {  	_ = 	snop  }
0x5: {  	_ = 	snop  }
0x6: {  	_ = 	snop  }
0x7: {  	_ = 	snop  }
__scs_overlays_trampoline_lowered:
0x8: {  	[smem:$0x3F9D] =	sst s0  }
0x9: {  	[smem:$0x3F9E] =	sst s1  }
0xa: {  	[smem:$0x3F9F] =	sst s2  }
0xb: {  	[smem:$0x3FA0] =	sst s3  }
0xc: {  	[smem:$0x3FA1] =	sst s4  }
0xd: {  	[smem:$0x3FA2] =	sst s5  }
0xe: {  	[smem:$0x3FA3] =	sst s6  }
0xf: {  	[smem:$0x3FA4] =	sst s7  }
0x10: {  	[smem:$0x3FA5] =	sst s8  }
0x11: {  	[smem:$0x3FA6] =	sst s9;
	s0 =	simm.s32 @!p0 $0x0  }
0x12: {  	s1 =	sld [smem:$0x3F8C];
	s0 =	simm.s32 @p0 $0x1  }
0x13: {  	[smem:$0x3FA7] =	sst s0;
	s0 =	simm.s32 @!p1 $0x0  }
0x14: {  	s2 =	sld [smem:$0x3F8B];
	s0 =	simm.s32 @p1 $0x1  }
0x15: {  	[smem:$0x3FA8] =	sst s0;
	s0 =	simm.s32 @!p2 $0x0  }
0x16: {  	s3 =	sld [smem:$0x3FDB];
	s0 =	simm.s32 @p2 $0x1  }
0x17: {  	s4 =	simm.s32 $0x1BF5;
	[smem:$0x3FAA] =	sst s0  }
0x18: {  	s0 =	sld [smem:$0x3F8D];
	_ =	swait.ge [sflag:s4], $0x0  }
0x19: {  	s7 =	sld [smem:$0x3F8E]  }
0x1a: {  	s8 =	sadd.s32 $0xFFFFE003, lr  }
0x1b: {  	s9 =	sadd.s32 $0xFFFFFEF7, lr;
	s5 =	simm.s32 $0xFFFFFFFF;
	p2 =	slt.u32 s8, $0xFFFFF086  }
0x1c: {  	p1 =	slt.u32 s9, $0xF7A;
	s5 =	simm.s32 @!p2 $0x0  }
0x1d: {  	s5 =	simm.s32 @p1 $0x1;
	p0 =	seq.s32 s7, s2  }
0x1e: {  	s7 =	smul.u32 @!p0 $0xF7A, s2;
	p2 =	seq.s32 @!p0 s5, $0x0  }
0x1f: {  	s9 =	smul.u32 $0xF7A, s1;
	s8 =	simm.s32 @!p0 $0x1BF5;
	p2 =	por !p2, p0  }
0x20: {  	[sflag:s8] =	ssyncset.s32 @!p0 $0xFFFFF086;
	s6 =	sadd.s32 @!p0 s3, s7;
	s7 =	simm.s32 @!p0 $0x108  }
0x21: {  	s3 =	sadd.s32 s3, s9;
	s6 =	sadd.s32 @!p0 $0x88, s6;
	s7 =	simm.s32 @p2 $0x1082  }
0x22: {  	[simem:s7], [sflag:s8] =	dma.local @!p0 [hbm:s6], $0xF7A  }
0x23: {  	s9 =	sor.u32 $0xD0000000, s2;
	s6 =	simm.s32 $0x108;
	_ =	swait.ge @!p0 [sflag:s8], $0x0  }
0x24: {  	s3 =	sadd.s32 $0x88, s3;
	s6 =	simm.s32 @!p1 $0x1082;
	[sflag:s4] =	ssyncset.s32 $0xFFFFF086  }
0x25: {  	[simem:s6], [sflag:s4] =	dma.local [hbm:s3], $0xF7A  }
0x26: {  	[smem:$0x3F8E] =	sst s1;
	(tag) =	ssettag s2;
	_ =	strace s9  }
0x27: {  	s1 =	sld [smem:$0x3F9E]  }
0x28: {  	s2 =	sld [smem:$0x3F9F]  }
0x29: {  	s4 =	sld [smem:$0x3FA1]  }
0x2a: {  	p0 =	seq.s32 s5, $0x0;
	s5 =	sld [smem:$0x3FA2]  }
0x2b: {  	s6 =	sld [smem:$0x3FA3]  }
0x2c: {  	s7 =	sld [smem:$0x3FA4]  }
0x2d: {  	s3 =	simm.s32 $0x108;
	s8 =	sld [smem:$0x3FA5]  }
0x2e: {  	s3 =	simm.s32 @!p0 $0x1082;
	s9 =	sld [smem:$0x3FA6]  }
0x2f: {  	lr =	sadd.s32 s0, s3;
	s0 =	sld [smem:$0x3F9D]  }
0x30: {  	s3 =	sld [smem:$0x3FA0]  }
0x31: {  	[smem:$0x3FA9] =	sst s10  }
0x32: {  	s10 =	sld [smem:$0x3FA7];
	_ =	sdelay $0x3  }
0x33: {  	p0 =	seq.s32 s10, $0x1;
	s10 =	sld [smem:$0x3FA9];
	_ =	sdelay $0x3  }
0x34: {  	[smem:$0x3FA9] =	sst s10  }
0x35: {  	s10 =	sld [smem:$0x3FA8];
	_ =	sdelay $0x3  }
0x36: {  	p1 =	seq.s32 s10, $0x1;
	s10 =	sld [smem:$0x3FA9];
	_ =	sdelay $0x3  }
0x37: {  	[smem:$0x3FA9] =	sst s10  }
0x38: {  	s10 =	sld [smem:$0x3FAA]  }
0x39: {  	_ = 	snop;
	(pc) =	sbr.ind lr, $3  }
0x3a: {  	_ = 	snop  }
0x3b: {  	_ = 	snop  }
0x3c: {  	p2 =	seq.s32 s10, $0x1;
	s10 =	sld [smem:$0x3FA9]  }
0x3d: {  	_ =	shalt  }
0x3e: {  	_ =	shalt  }
0x3f: {  	_ =	shalt  }
0x40: {  	_ =	shalt  }
0x41: {  	_ =	shalt  }
0x42: {  	_ =	shalt  }
0x43: {  	_ =	shalt  }
0x44: {  	_ =	shalt  }
0x45: {  	_ =	shalt  }
0x46: {  	_ =	shalt  }
0x47: {  	_ =	shalt  }
0x48: {  	_ =	shalt  }
0x49: {  	_ =	shalt  }
0x4a: {  	_ =	shalt  }
0x4b: {  	_ =	shalt  }
0x4c: {  	_ =	shalt  }
0x4d: {  	_ =	shalt  }
0x4e: {  	_ =	shalt  }
0x4f: {  	_ =	shalt  }
0x50: {  	_ =	shalt  }
0x51: {  	_ =	shalt  }
0x52: {  	_ =	shalt  }
0x53: {  	_ =	shalt  }
0x54: {  	_ =	shalt  }
0x55: {  	_ =	shalt  }
0x56: {  	_ =	shalt  }
0x57: {  	_ =	shalt  }
0x58: {  	_ =	shalt  }
0x59: {  	_ =	shalt  }
0x5a: {  	_ =	shalt  }
0x5b: {  	_ =	shalt  }
0x5c: {  	_ =	shalt  }
0x5d: {  	_ =	shalt  }
0x5e: {  	_ =	shalt  }
0x5f: {  	_ =	shalt  }
0x60: {  	_ =	shalt  }
0x61: {  	_ =	shalt  }
0x62: {  	_ =	shalt  }
0x63: {  	_ =	shalt  }
0x64: {  	_ =	shalt  }
0x65: {  	_ =	shalt  }
0x66: {  	_ =	shalt  }
0x67: {  	_ =	shalt  }
0x68: {  	_ =	shalt  }
0x69: {  	_ =	shalt  }
0x6a: {  	_ =	shalt  }
0x6b: {  	_ =	shalt  }
0x6c: {  	_ =	shalt  }
0x6d: {  	_ =	shalt  }
0x6e: {  	_ =	shalt  }
0x6f: {  	_ =	shalt  }
0x70: {  	_ =	shalt  }
0x71: {  	_ =	shalt  }
0x72: {  	_ =	shalt  }
0x73: {  	_ =	shalt  }
0x74: {  	_ =	shalt  }
0x75: {  	_ =	shalt  }
0x76: {  	_ =	shalt  }
0x77: {  	_ =	shalt  }
0x78: {  	_ =	shalt  }
0x79: {  	_ =	shalt  }
0x7a: {  	_ =	shalt  }
0x7b: {  	_ =	shalt  }
0x7c: {  	_ =	shalt  }
0x7d: {  	_ =	shalt  }
0x7e: {  	_ =	shalt  }
0x7f: {  	_ =	shalt  }
0x80: {  	_ =	shalt  }
0x81: {  	_ =	shalt  }
0x82: {  	_ =	shalt  }
0x83: {  	_ =	shalt  }
0x84: {  	_ =	shalt  }
0x85: {  	_ =	shalt  }
0x86: {  	_ =	shalt  }
0x87: {  	_ =	shalt  }
.Lfunc_end0:
.L_simem_size_0:
called_computation.2_lowered:
.L_overlay_start_0:
0x88: {  	s2 =	sld [smem:$0x3FD9]  }
0x89: {  	s3 =	sld [smem:$0x3FFE];
	_ =	sdelay $0x1  }
0x8a: {  	s1 =	srdreg.scid  }
0x8b: {  	s0 =	sand.u32 $0x1, s1  }
0x8c: {  	s14 =	sshll.u32 s0, $0xA;
	s2 =	sadd.s32 s3, s2  }
0x8d: {  	s2 =	sadd.s32 s2, s14  }
0x8e: {  	[smem:$0x3FB5] =	sst s2  }
0x8f: {  	_ = 	snop  }
0x90: {  	s2 =	sld [smem:$0x3FD0];
	_ =	sdelay $0x1  }
0x91: {  	s15 =	sld [smem:$0x3FC7]  }
0x92: {  	s5 =	simm.s32 $0xB;
	s6 =	simm.s32 $0x10;
	s4 =	sld [smem:$0x3FC4]  }
0x93: {  	[smem:s6], [sflag:s5] =	dma.local [hbm:s2], $0x1  }
0x94: {  	_ =	swait.eq [sflag:s5], $0x1  }
0x95: {  	[sflag:s5] =	ssyncset.done $0x0  }
0x96: {  	[sflag:s5] =	ssyncadd.s32 $0xFFFFFFFF  }
0x97: {  	s16 =	sld [smem:$0x12];
	(tm) =	ssettm $0x1  }
0x98: {  	s17 =	sld [smem:$0x3FFB];
	_ =	sdelay $0x3  }
0x99: {  	_ =	strace s17  }
0x9a: {  	s5 =	sld [smem:$0x3FFC];
	_ =	sdelay $0x3  }
0x9b: {  	_ =	strace s5  }
0x9c: {  	s5 =	sld [smem:$0x3FFD];
	_ =	sdelay $0x3  }
0x9d: {  	_ =	strace s5  }
0x9e: {  	_ =	strace $0x8FFFFFFF  }
0x9f: {  	s18 =	sld [smem:$0x3FDB];
	_ =	sdelay $0x1  }
0xa0: {  	s19 =	simm.s32 $_scs_section_size  }
0xa1: {  	s7 =	simm.s32 $_size__tile_overlayer_lowered;
	s8 =	simm.s32 $_tile_overlayer_lowered  }
0xa2: {  	s22 =	simm.s32 $0x1BFF;
	s21 =	sshll.u32 s8, $0x1;
	s5 =	sadd.s32 s19, s18  }
0xa3: {  	s9 =	simm.s32 $0x0;
	s20 =	sshll.u32 s7, $0x1;
	s7 =	sadd.s32 s21, s5  }
0xa4: {  	[timem:s9], [sflag:s22] =	dma.local [hbm:s7], s20  }
0xa5: {  	_ =	swait.ge [sflag:s22], s20  }
0xa6: {  	s6 =	ssub.s32 $0x0, s20;
	[sflag:s22] =	ssyncset.done $0x0  }
0xa7: {  	[sflag:s22] =	ssyncadd.s32 s6;
	_ =	sdelay $0x1  }
0xa8: {  	s23 =	simm.s32 $0x1B8B  }
0xa9: {  	_ =	swait.ge [sflag:s23], $0x1  }
0xaa: {  	[sflag:s23] =	ssyncset.done $0x0  }
0xab: {  	s25 =	simm.s32 $0x1B8E;
	s24 =	sld [smem:$0x3FFE];
	[sflag:s23] =	ssyncadd.s32 $0xFFFFFFFF  }
0xac: {  	s26 =	simm.s32 $execute0_lowered;
	[smem:$0x3FD2] =	sst s25  }
0xad: {  	s7 =	sshll.u32 s26, $0x1;
	_ =	strace $0x8000004C;
	[dreg:$0x1] =	wrdreg $0xFFFFFFFF  }
0xae: {  	s28 =	simm.s32 $_size_execute0_lowered;
	s5 =	sadd.s32 s5, s7;
	[dreg:$0x0] =	wrdreg $0x0  }
0xaf: {  	s7 =	sshll.u32 s28, $0x1;
	[dreg:$0x2] =	wrdreg s5  }
0xb0: {  	[dreg:$0x3] =	wrdreg s7  }
0xb1: {  	[dreg:$0x4] =	wrdreg $0xC0  }
0xb2: {  	_ =	task [dreg:s9], $0x5FFFF  }
0xb3: {  	[dreg:$0x1] =	wrdreg $0xFFFFFFFF  }
0xb4: {  	[dreg:$0x0] =	wrdreg $0x60  }
0xb5: {  	[dreg:$0x2] =	wrdreg s4  }
0xb6: {  	[dreg:$0x3] =	wrdreg s24  }
0xb7: {  	[dreg:$0x4] =	wrdreg s15  }
0xb8: {  	[dreg:$0x5] =	wrdreg s16  }
0xb9: {  	[dreg:$0x6] =	wrdreg $0x9  }
0xba: {  	_ =	task.clear_ibuf [dreg:s9], $0x7FFFF;
	_ =	strace $0x9000004C  }
0xbb: {  	s29 =	simm.s32 $0x9;
	_ =	strace $0x8000004E  }
0xbc: {  	_ =	swait.ge [sflag:s29], $0x1  }
0xbd: {  	[sflag:s29] =	ssyncadd.s32 $0xFFFFFFFF  }
0xbe: {  	_ =	strace $0x9000004E  }
0xbf: {  	_ =	sfence  }
0xc0: {  	s30 =	sld [smem:$0x0];
	_ =	sdelay $0x2  }
0xc1: {  	s31 =	sshll.u32 s1, $0xD;
	s1 =	sshrl.u32 s1, $0x2  }
0xc2: {  	s3 =	sand.u32 $0x4000, s31;
	s1 =	sadd.s32 s1, s30  }
0xc3: {  	s0 =	sor.u32 s3, s0;
	s1 =	sshll.u32 s1, $0x11  }
0xc4: {  	s0 =	sor.u32 s1, s0  }
0xc5: {  	s0 =	sadd.s32 $0x8F2B, s0  }
0xc6: {  	[sflag:s0] =	ssyncadd.remote.s32 $0x1  }
0xc7: {  	_ =	sfence.sel $0xFFFF  }
0xc8: {  	[dreg:$0x0] =	wrdreg $0xFFFFFFFF;
	(pc) =	sbr.abs _section_cstart, $3  }
0xc9: {  	[dreg:$0x1] =	wrdreg $0xFFFFFFFF  }
0xca: {  	_ =	task.clear_ibuf [dreg:s9], $0x2FFFF;
	_ =	strace $0x9FFFFFFF  }
0xcb: {  	(tm) =	ssettm $0x7FFFFFFF  }
tec
execute0_lowered:
.L_overlay_start_1:
0x0: {  	(tag) =	ssettag $0x1  }
0x1: {  	s1 =	rddreg [dreg:$0x0]  }
0x2: {  	s0 =	rddreg [dreg:$0x1]  }
0x3: {  	s2 =	rddreg [dreg:$0x2]  }
0x4: {  	s3 =	rddreg [dreg:$0x3];
	s4 =	simm.s32 $0x0  }
0x5: {  	s5 =	srdreg.scid;
	s16 =	stileid.u32;
	s17 =	simm.s32 $0x4  }
0x6: {  	s18 =	simm.s32 $0x100;
	s19 =	simm.s32 $0x80;
	s20 =	simm.s32 $0x4100  }
0x7: {  	s21 =	simm.s32 $0x2;
	s22 =	simm.s32 $0x3;
	s24 =	simm.s32 $0x1  }
0x8: {  	s25 =	simm.s32 $0x0;
	[smem:$0x7FF] =	sst s4;
	s5 =	sand.u32 $0x1, s5  }
0x9: {  	s6 =	sadd.s32 $0xC7600, s0;
	s7 =	sadd.s32 $0x84400, s0;
	s8 =	sadd.s32 $0x3400, s0  }
0xa: {  	s12 =	sadd.s32 $0x186800, s3;
	s15 =	sshll.u32 s16, $0x7;
	_ =	strace $0x8000004D  }
0xb: {  	s9 =	ssub.s32 $0x2, s5;
	s11 =	sshll.u32 s5, $0x4;
	s31 =	sshll.u32 s5, $0xB  }
0xc: {  	s5 =	sshll.u32 s5, $0xD;
	s10 =	sshrl.u32 s9, $0x1;
	s15 =	sor.u32 s15, s31  }
0xd: {  	s14 =	ssub.s32 s9, s10;
	s9 =	sor.u32 s16, s11;
	s10 =	sadd.s32 $0x874D0, s0  }
0xe: {  	v0 =	vlaneseq.u32;
	s11 =	sadd.s32 $0x186800, s1;
	s16 =	sshll.u32 s16, $0x9;
	s13 =	sshll.u32 s9, $0x9  }
0xf: {  	v1 =	vor.u32 $0x680, v0;
	v2 =	vor.u32 $0x690, v0;
	s14 =	smax.u32 s14, $0x1;
	s5 =	sor.u32 s16, s5;
	p0 =	sne.s32 s9, $0x0  }
.LBB2_1:
.Ltmp0:
0x10: {  	(pc) =	sbr.rel .LBB2_2-.Ltmp0, $2  }
0x11: {  	_ =	sdelay $0x2  }
0x12: {  	s26 =	smov.u32 s15;
	s28 =	simm.s32 $0x0  }
.LBB2_8:
0x13: {  	s28 =	sadd.s32 $0x1, s28  }
0x14: {  	p1 =	sne.s32 s28, $0x19  }
.Ltmp1:
0x15: {  	_ = 	snop;
	(pc) =	sbr.rel @!p1 .LBB2_9-.Ltmp1, $2  }
0x16: {  	_ =	sdelay $0x2  }
0x17: {  	s26 =	sadd.s32 $0x1000, s26  }
.LBB2_2:
0x18: {  	s0 =	sshll.u32 s28, $0x5  }
0x19: {  	s0 =	sor.u32 s9, s0  }
0x1a: {  	p1 =	sgt.u32 s0, $0x30C  }
.Ltmp2:
0x1b: {  	_ = 	snop;
	(pc) =	sbr.rel @p1 .LBB2_8-.Ltmp2, $1  }
0x1c: {  	_ =	sdelay $0x3  }
0x1d: {  	s16 =	sshll.u32 s0, $0x4  }
0x1e: {  	s30 =	simm.s32 $0x0;
	s16 =	sadd.s32 s7, s16  }
0x1f: {  	[tilespmem:s30], [sflag:$0x4] =	stream.linear.gather [hbm4b:s16+s30], $0x80, $0x38;
	[tilespmem:$0x8100] =	vst v63  }
0x20: {  	_ =	swait.ge [sflag:s17], $0x80  }
0x21: {  	s29 =	sshll.u32 s0, $0xB;
	[sflag:s17] =	ssyncset.done $0x0  }
0x22: {  	s0 =	sadd.s32 s1, s29;
	[sflag:s17] =	ssyncadd.s32 $0xFFFFFF80  }
0x23: {  	[tilespmem:s18], [sflag:$0x4] =	stream.linear.gather [hbm4b:s0+s30], $0x4000, $0x38;
	[tilespmem:$0x8100] =	vst v63  }
0x24: {  	_ =	swait.ge [sflag:s17], $0x4000  }
0x25: {  	[sflag:s17] =	ssyncset.done $0x0  }
0x26: {  	s30 =	simm.s32 $0x0;
	[sflag:s17] =	ssyncadd.s32 $0xFFFFC000  }
0x27: {  	v3 =	vld [tilespmem:s30+$0x0];
	_ =	sdelay $0x3  }
0x28: {  	s31 =	simm.s32 $0x40;
	v4 =	vor.u32 s26, v0;
	s0 =	smov.u32 s26  }
.LBB2_4:
0x29: {  	s16 =	sshra.s32 s31, $0x2;
	p1 =	sne.s32 s31, $0x1C0;
	s31 =	sadd.s32 $0x40, s31;
	v4 =	vand.u32 $0x7FFF, v4;
	vm0 =	vlt.s32 v3, $0x0  }
.Ltmp3:
0x2a: {  	v4 =	vsel vm0, v4, v3;
	v3 =	vld [tilespmem:s16+$0x0];
	(pc) =	sbr.rel @p1 .LBB2_4-.Ltmp3, $3  }
0x2b: {  	[tilespmem:s30+$0x80] =	vst v4;
	s30 =	smov.u32 s16;
	_ =	sdelay $0x1  }
0x2c: {  	s0 =	sadd.s32 $0x10, s0  }
0x2d: {  	v4 =	vor.u32 s0, v0  }
0x2e: {  	v4 =	vand.u32 $0x7FFF, v4;
	vm0 =	vlt.s32 v3, $0x0  }
0x2f: {  	v3 =	vsel vm0, v4, v3  }
0x30: {  	[tilespmem:s30+$0x80] =	vst v3  }
0x31: {  	[tilespmem:s20], [sflag:$0x2] =	stream.indirect.gather [hbm4b:s6+s19], $0x80, s19, s19, $0xb8;
	[tilespmem:$0x8100] =	vst v63  }
0x32: {  	_ =	swait.ge [sflag:s21], $0x4000  }
0x33: {  	[sflag:s21] =	ssyncset.done $0x0  }
0x34: {  	s30 =	simm.s32 $0x0;
	[sflag:s21] =	ssyncadd.s32 $0xFFFFC000  }
.LBB2_6:
0x35: {  	s0 =	sshll.u32 s30, $0x4  }
0x36: {  	s0 =	sand.u32 $0x3FFFFFF0, s0  }
0x37: {  	v3 =	vld [tilespmem:s0+$0x0];
	_ =	sdelay $0x4  }
0x38: {  	(v2sf) =	vpush v3, $0x0;
	_ =	sdelay $0xc  }
0x39: {  	(v2sf) =	vpush v3, $0x1;
	_ =	sdelay $0x1  }
0x3a: {  	s16 =	spop (v2sf)  }
0x3b: {  	p2 =	slt.s32 s16, $0x0  }
0x3c: {  	s0 =	sshll.u32 @!p2 s30, $0xB  }
0x3d: {  	v4 =	vld @!p2 [tilespmem:s0+$0x4100]  }
0x3e: {  	v5 =	vld @!p2 [tilespmem:s0+$0x4110]  }
0x3f: {  	v6 =	vld @!p2 [tilespmem:s0+$0x4120]  }
0x40: {  	v7 =	vld @!p2 [tilespmem:s0+$0x4130]  }
0x41: {  	v8 =	vld @!p2 [tilespmem:s0+$0x4140]  }
0x42: {  	[tilespmem:s0+$0x100] =	vst @!p2 v4;
	v4 =	vld @!p2 [tilespmem:s0+$0x4150]  }
0x43: {  	[tilespmem:s0+$0x110] =	vst @!p2 v5;
	v5 =	vld @!p2 [tilespmem:s0+$0x4160]  }
0x44: {  	[tilespmem:s0+$0x120] =	vst @!p2 v6;
	v6 =	vld @!p2 [tilespmem:s0+$0x4170]  }
0x45: {  	(v2sf) =	vpush v3, $0x2;
	[tilespmem:s0+$0x130] =	vst @!p2 v7  }
0x46: {  	[tilespmem:s0+$0x140] =	vst @!p2 v8  }
0x47: {  	s16 =	spop (v2sf);
	[tilespmem:s0+$0x150] =	vst @!p2 v4  }
0x48: {  	p1 =	slt.s32 s16, $0x0;
	[tilespmem:s0+$0x160] =	vst @!p2 v5  }
0x49: {  	[tilespmem:s0+$0x170] =	vst @!p2 v6;
	s0 =	sshll.u32 @!p1 s30, $0xB  }
0x4a: {  	v4 =	vld @!p1 [tilespmem:s0+$0x4180]  }
0x4b: {  	v5 =	vld @!p1 [tilespmem:s0+$0x4190]  }
0x4c: {  	v6 =	vld @!p1 [tilespmem:s0+$0x41A0]  }
0x4d: {  	v7 =	vld @!p1 [tilespmem:s0+$0x41B0]  }
0x4e: {  	v8 =	vld @!p1 [tilespmem:s0+$0x41C0]  }
0x4f: {  	[tilespmem:s0+$0x180] =	vst @!p1 v4;
	v4 =	vld @!p1 [tilespmem:s0+$0x41D0]  }
0x50: {  	[tilespmem:s0+$0x190] =	vst @!p1 v5;
	v5 =	vld @!p1 [tilespmem:s0+$0x41E0]  }
0x51: {  	[tilespmem:s0+$0x1A0] =	vst @!p1 v6;
	v6 =	vld @!p1 [tilespmem:s0+$0x41F0]  }
0x52: {  	(v2sf) =	vpush v3, $0x3;
	[tilespmem:s0+$0x1B0] =	vst @!p1 v7  }
0x53: {  	[tilespmem:s0+$0x1C0] =	vst @!p1 v8  }
0x54: {  	s23 =	spop (v2sf);
	[tilespmem:s0+$0x1D0] =	vst @!p1 v4  }
0x55: {  	p2 =	slt.s32 s23, $0x0;
	[tilespmem:s0+$0x1E0] =	vst @!p1 v5  }
0x56: {  	[tilespmem:s0+$0x1F0] =	vst @!p1 v6;
	s0 =	sshll.u32 @!p2 s30, $0xB  }
0x57: {  	v4 =	vld @!p2 [tilespmem:s0+$0x4200]  }
0x58: {  	v5 =	vld @!p2 [tilespmem:s0+$0x4210]  }
0x59: {  	v6 =	vld @!p2 [tilespmem:s0+$0x4220]  }
0x5a: {  	v7 =	vld @!p2 [tilespmem:s0+$0x4230]  }
0x5b: {  	v8 =	vld @!p2 [tilespmem:s0+$0x4240]  }
0x5c: {  	[tilespmem:s0+$0x200] =	vst @!p2 v4;
	v4 =	vld @!p2 [tilespmem:s0+$0x4250]  }
0x5d: {  	[tilespmem:s0+$0x210] =	vst @!p2 v5;
	v5 =	vld @!p2 [tilespmem:s0+$0x4260]  }
0x5e: {  	[tilespmem:s0+$0x220] =	vst @!p2 v6;
	v6 =	vld @!p2 [tilespmem:s0+$0x4270]  }
0x5f: {  	(v2sf) =	vpush v3, $0x4;
	[tilespmem:s0+$0x230] =	vst @!p2 v7  }
0x60: {  	[tilespmem:s0+$0x240] =	vst @!p2 v8  }
0x61: {  	s31 =	spop (v2sf);
	[tilespmem:s0+$0x250] =	vst @!p2 v4  }
0x62: {  	p1 =	slt.s32 s31, $0x0;
	[tilespmem:s0+$0x260] =	vst @!p2 v5  }
0x63: {  	[tilespmem:s0+$0x270] =	vst @!p2 v6;
	s0 =	sshll.u32 @!p1 s30, $0xB  }
0x64: {  	v4 =	vld @!p1 [tilespmem:s0+$0x4280]  }
0x65: {  	v5 =	vld @!p1 [tilespmem:s0+$0x4290]  }
0x66: {  	v6 =	vld @!p1 [tilespmem:s0+$0x42A0]  }
0x67: {  	v7 =	vld @!p1 [tilespmem:s0+$0x42B0]  }
0x68: {  	v8 =	vld @!p1 [tilespmem:s0+$0x42C0]  }
0x69: {  	[tilespmem:s0+$0x280] =	vst @!p1 v4;
	v4 =	vld @!p1 [tilespmem:s0+$0x42D0]  }
0x6a: {  	[tilespmem:s0+$0x290] =	vst @!p1 v5;
	v5 =	vld @!p1 [tilespmem:s0+$0x42E0]  }
0x6b: {  	[tilespmem:s0+$0x2A0] =	vst @!p1 v6;
	v6 =	vld @!p1 [tilespmem:s0+$0x42F0]  }
0x6c: {  	(v2sf) =	vpush v3, $0x5;
	[tilespmem:s0+$0x2B0] =	vst @!p1 v7  }
0x6d: {  	[tilespmem:s0+$0x2C0] =	vst @!p1 v8  }
0x6e: {  	s23 =	spop (v2sf);
	[tilespmem:s0+$0x2D0] =	vst @!p1 v4  }
0x6f: {  	p2 =	slt.s32 s23, $0x0;
	[tilespmem:s0+$0x2E0] =	vst @!p1 v5  }
0x70: {  	[tilespmem:s0+$0x2F0] =	vst @!p1 v6;
	s0 =	sshll.u32 @!p2 s30, $0xB  }
0x71: {  	v4 =	vld @!p2 [tilespmem:s0+$0x4300]  }
0x72: {  	v5 =	vld @!p2 [tilespmem:s0+$0x4310]  }
0x73: {  	v6 =	vld @!p2 [tilespmem:s0+$0x4320]  }
0x74: {  	v7 =	vld @!p2 [tilespmem:s0+$0x4330]  }
0x75: {  	v8 =	vld @!p2 [tilespmem:s0+$0x4340]  }
0x76: {  	[tilespmem:s0+$0x300] =	vst @!p2 v4;
	v4 =	vld @!p2 [tilespmem:s0+$0x4350]  }
0x77: {  	[tilespmem:s0+$0x310] =	vst @!p2 v5;
	v5 =	vld @!p2 [tilespmem:s0+$0x4360]  }
0x78: {  	[tilespmem:s0+$0x320] =	vst @!p2 v6;
	v6 =	vld @!p2 [tilespmem:s0+$0x4370]  }
0x79: {  	(v2sf) =	vpush v3, $0x6;
	[tilespmem:s0+$0x330] =	vst @!p2 v7  }
0x7a: {  	[tilespmem:s0+$0x340] =	vst @!p2 v8  }
0x7b: {  	s31 =	spop (v2sf);
	[tilespmem:s0+$0x350] =	vst @!p2 v4  }
0x7c: {  	p1 =	slt.s32 s31, $0x0;
	[tilespmem:s0+$0x360] =	vst @!p2 v5  }
0x7d: {  	[tilespmem:s0+$0x370] =	vst @!p2 v6;
	s0 =	sshll.u32 @!p1 s30, $0xB  }
0x7e: {  	v4 =	vld @!p1 [tilespmem:s0+$0x4380]  }
0x7f: {  	v5 =	vld @!p1 [tilespmem:s0+$0x4390]  }
0x80: {  	v6 =	vld @!p1 [tilespmem:s0+$0x43A0]  }
0x81: {  	v7 =	vld @!p1 [tilespmem:s0+$0x43B0]  }
0x82: {  	v8 =	vld @!p1 [tilespmem:s0+$0x43C0]  }
0x83: {  	[tilespmem:s0+$0x380] =	vst @!p1 v4;
	v4 =	vld @!p1 [tilespmem:s0+$0x43D0]  }
0x84: {  	[tilespmem:s0+$0x390] =	vst @!p1 v5;
	v5 =	vld @!p1 [tilespmem:s0+$0x43E0]  }
0x85: {  	[tilespmem:s0+$0x3A0] =	vst @!p1 v6;
	v6 =	vld @!p1 [tilespmem:s0+$0x43F0]  }
0x86: {  	(v2sf) =	vpush v3, $0x7;
	[tilespmem:s0+$0x3B0] =	vst @!p1 v7  }
0x87: {  	[tilespmem:s0+$0x3C0] =	vst @!p1 v8  }
0x88: {  	s23 =	spop (v2sf);
	[tilespmem:s0+$0x3D0] =	vst @!p1 v4  }
0x89: {  	p2 =	slt.s32 s23, $0x0;
	[tilespmem:s0+$0x3E0] =	vst @!p1 v5  }
0x8a: {  	[tilespmem:s0+$0x3F0] =	vst @!p1 v6;
	s0 =	sshll.u32 @!p2 s30, $0xB  }
0x8b: {  	v4 =	vld @!p2 [tilespmem:s0+$0x4400]  }
0x8c: {  	v5 =	vld @!p2 [tilespmem:s0+$0x4410]  }
0x8d: {  	v6 =	vld @!p2 [tilespmem:s0+$0x4420]  }
0x8e: {  	v7 =	vld @!p2 [tilespmem:s0+$0x4430]  }
0x8f: {  	v8 =	vld @!p2 [tilespmem:s0+$0x4440]  }
0x90: {  	[tilespmem:s0+$0x400] =	vst @!p2 v4;
	v4 =	vld @!p2 [tilespmem:s0+$0x4450]  }
0x91: {  	[tilespmem:s0+$0x410] =	vst @!p2 v5;
	v5 =	vld @!p2 [tilespmem:s0+$0x4460]  }
0x92: {  	[tilespmem:s0+$0x420] =	vst @!p2 v6;
	v6 =	vld @!p2 [tilespmem:s0+$0x4470]  }
0x93: {  	(v2sf) =	vpush v3, $0x8;
	[tilespmem:s0+$0x430] =	vst @!p2 v7  }
0x94: {  	[tilespmem:s0+$0x440] =	vst @!p2 v8  }
0x95: {  	s31 =	spop (v2sf);
	[tilespmem:s0+$0x450] =	vst @!p2 v4  }
0x96: {  	p1 =	slt.s32 s31, $0x0;
	[tilespmem:s0+$0x460] =	vst @!p2 v5  }
0x97: {  	[tilespmem:s0+$0x470] =	vst @!p2 v6;
	s0 =	sshll.u32 @!p1 s30, $0xB  }
0x98: {  	v4 =	vld @!p1 [tilespmem:s0+$0x4480]  }
0x99: {  	v5 =	vld @!p1 [tilespmem:s0+$0x4490]  }
0x9a: {  	v6 =	vld @!p1 [tilespmem:s0+$0x44A0]  }
0x9b: {  	v7 =	vld @!p1 [tilespmem:s0+$0x44B0]  }
0x9c: {  	v8 =	vld @!p1 [tilespmem:s0+$0x44C0]  }
0x9d: {  	[tilespmem:s0+$0x480] =	vst @!p1 v4;
	v4 =	vld @!p1 [tilespmem:s0+$0x44D0]  }
0x9e: {  	[tilespmem:s0+$0x490] =	vst @!p1 v5;
	v5 =	vld @!p1 [tilespmem:s0+$0x44E0]  }
0x9f: {  	[tilespmem:s0+$0x4A0] =	vst @!p1 v6;
	v6 =	vld @!p1 [tilespmem:s0+$0x44F0]  }
0xa0: {  	(v2sf) =	vpush v3, $0x9;
	[tilespmem:s0+$0x4B0] =	vst @!p1 v7  }
0xa1: {  	[tilespmem:s0+$0x4C0] =	vst @!p1 v8  }
0xa2: {  	s23 =	spop (v2sf);
	[tilespmem:s0+$0x4D0] =	vst @!p1 v4  }
0xa3: {  	p2 =	slt.s32 s23, $0x0;
	[tilespmem:s0+$0x4E0] =	vst @!p1 v5  }
0xa4: {  	[tilespmem:s0+$0x4F0] =	vst @!p1 v6;
	s0 =	sshll.u32 @!p2 s30, $0xB  }
0xa5: {  	v4 =	vld @!p2 [tilespmem:s0+$0x4500]  }
0xa6: {  	v5 =	vld @!p2 [tilespmem:s0+$0x4510]  }
0xa7: {  	v6 =	vld @!p2 [tilespmem:s0+$0x4520]  }
0xa8: {  	v7 =	vld @!p2 [tilespmem:s0+$0x4530]  }
0xa9: {  	v8 =	vld @!p2 [tilespmem:s0+$0x4540]  }
0xaa: {  	[tilespmem:s0+$0x500] =	vst @!p2 v4;
	v4 =	vld @!p2 [tilespmem:s0+$0x4550]  }
0xab: {  	[tilespmem:s0+$0x510] =	vst @!p2 v5;
	v5 =	vld @!p2 [tilespmem:s0+$0x4560]  }
0xac: {  	[tilespmem:s0+$0x520] =	vst @!p2 v6;
	v6 =	vld @!p2 [tilespmem:s0+$0x4570]  }
0xad: {  	(v2sf) =	vpush v3, $0xA;
	[tilespmem:s0+$0x530] =	vst @!p2 v7  }
0xae: {  	[tilespmem:s0+$0x540] =	vst @!p2 v8  }
0xaf: {  	s31 =	spop (v2sf);
	[tilespmem:s0+$0x550] =	vst @!p2 v4  }
0xb0: {  	p1 =	slt.s32 s31, $0x0;
	[tilespmem:s0+$0x560] =	vst @!p2 v5  }
0xb1: {  	[tilespmem:s0+$0x570] =	vst @!p2 v6;
	s0 =	sshll.u32 @!p1 s30, $0xB  }
0xb2: {  	v4 =	vld @!p1 [tilespmem:s0+$0x4580]  }
0xb3: {  	v5 =	vld @!p1 [tilespmem:s0+$0x4590]  }
0xb4: {  	v6 =	vld @!p1 [tilespmem:s0+$0x45A0]  }
0xb5: {  	v7 =	vld @!p1 [tilespmem:s0+$0x45B0]  }
0xb6: {  	v8 =	vld @!p1 [tilespmem:s0+$0x45C0]  }
0xb7: {  	[tilespmem:s0+$0x580] =	vst @!p1 v4;
	v4 =	vld @!p1 [tilespmem:s0+$0x45D0]  }
0xb8: {  	[tilespmem:s0+$0x590] =	vst @!p1 v5;
	v5 =	vld @!p1 [tilespmem:s0+$0x45E0]  }
0xb9: {  	[tilespmem:s0+$0x5A0] =	vst @!p1 v6;
	v6 =	vld @!p1 [tilespmem:s0+$0x45F0]  }
0xba: {  	(v2sf) =	vpush v3, $0xB;
	[tilespmem:s0+$0x5B0] =	vst @!p1 v7  }
0xbb: {  	[tilespmem:s0+$0x5C0] =	vst @!p1 v8  }
0xbc: {  	s23 =	spop (v2sf);
	[tilespmem:s0+$0x5D0] =	vst @!p1 v4  }
0xbd: {  	p2 =	slt.s32 s23, $0x0;
	[tilespmem:s0+$0x5E0] =	vst @!p1 v5  }
0xbe: {  	[tilespmem:s0+$0x5F0] =	vst @!p1 v6;
	s0 =	sshll.u32 @!p2 s30, $0xB  }
0xbf: {  	v4 =	vld @!p2 [tilespmem:s0+$0x4600]  }
0xc0: {  	v5 =	vld @!p2 [tilespmem:s0+$0x4610]  }
0xc1: {  	v6 =	vld @!p2 [tilespmem:s0+$0x4620]  }
0xc2: {  	v7 =	vld @!p2 [tilespmem:s0+$0x4630]  }
0xc3: {  	v8 =	vld @!p2 [tilespmem:s0+$0x4640]  }
0xc4: {  	[tilespmem:s0+$0x600] =	vst @!p2 v4;
	v4 =	vld @!p2 [tilespmem:s0+$0x4650]  }
0xc5: {  	[tilespmem:s0+$0x610] =	vst @!p2 v5;
	v5 =	vld @!p2 [tilespmem:s0+$0x4660]  }
0xc6: {  	[tilespmem:s0+$0x620] =	vst @!p2 v6;
	v6 =	vld @!p2 [tilespmem:s0+$0x4670]  }
0xc7: {  	(v2sf) =	vpush v3, $0xC;
	[tilespmem:s0+$0x630] =	vst @!p2 v7  }
0xc8: {  	[tilespmem:s0+$0x640] =	vst @!p2 v8  }
0xc9: {  	s31 =	spop (v2sf);
	[tilespmem:s0+$0x650] =	vst @!p2 v4  }
0xca: {  	p1 =	slt.s32 s31, $0x0;
	[tilespmem:s0+$0x660] =	vst @!p2 v5  }
0xcb: {  	[tilespmem:s0+$0x670] =	vst @!p2 v6;
	s0 =	sshll.u32 @!p1 s30, $0xB  }
0xcc: {  	v4 =	vld @!p1 [tilespmem:s0+$0x4680]  }
0xcd: {  	v5 =	vld @!p1 [tilespmem:s0+$0x4690]  }
0xce: {  	v6 =	vld @!p1 [tilespmem:s0+$0x46A0]  }
0xcf: {  	v7 =	vld @!p1 [tilespmem:s0+$0x46B0]  }
0xd0: {  	v8 =	vld @!p1 [tilespmem:s0+$0x46C0]  }
0xd1: {  	[tilespmem:s0+$0x680] =	vst @!p1 v4;
	v4 =	vld @!p1 [tilespmem:s0+$0x46D0]  }
0xd2: {  	[tilespmem:s0+$0x690] =	vst @!p1 v5;
	v5 =	vld @!p1 [tilespmem:s0+$0x46E0]  }
0xd3: {  	[tilespmem:s0+$0x6A0] =	vst @!p1 v6;
	v6 =	vld @!p1 [tilespmem:s0+$0x46F0]  }
0xd4: {  	(v2sf) =	vpush v3, $0xD;
	[tilespmem:s0+$0x6B0] =	vst @!p1 v7  }
0xd5: {  	[tilespmem:s0+$0x6C0] =	vst @!p1 v8  }
0xd6: {  	s23 =	spop (v2sf);
	[tilespmem:s0+$0x6D0] =	vst @!p1 v4  }
0xd7: {  	p2 =	slt.s32 s23, $0x0;
	[tilespmem:s0+$0x6E0] =	vst @!p1 v5  }
0xd8: {  	[tilespmem:s0+$0x6F0] =	vst @!p1 v6;
	s0 =	sshll.u32 @!p2 s30, $0xB  }
0xd9: {  	v4 =	vld @!p2 [tilespmem:s0+$0x4700]  }
0xda: {  	v5 =	vld @!p2 [tilespmem:s0+$0x4710]  }
0xdb: {  	v6 =	vld @!p2 [tilespmem:s0+$0x4720]  }
0xdc: {  	v7 =	vld @!p2 [tilespmem:s0+$0x4730]  }
0xdd: {  	v8 =	vld @!p2 [tilespmem:s0+$0x4740]  }
0xde: {  	[tilespmem:s0+$0x700] =	vst @!p2 v4;
	v4 =	vld @!p2 [tilespmem:s0+$0x4750]  }
0xdf: {  	[tilespmem:s0+$0x710] =	vst @!p2 v5;
	v5 =	vld @!p2 [tilespmem:s0+$0x4760]  }
0xe0: {  	[tilespmem:s0+$0x720] =	vst @!p2 v6;
	v6 =	vld @!p2 [tilespmem:s0+$0x4770]  }
0xe1: {  	(v2sf) =	vpush v3, $0xE;
	[tilespmem:s0+$0x730] =	vst @!p2 v7  }
0xe2: {  	[tilespmem:s0+$0x740] =	vst @!p2 v8  }
0xe3: {  	s31 =	spop (v2sf);
	[tilespmem:s0+$0x750] =	vst @!p2 v4  }
0xe4: {  	p1 =	slt.s32 s31, $0x0;
	[tilespmem:s0+$0x760] =	vst @!p2 v5  }
0xe5: {  	[tilespmem:s0+$0x770] =	vst @!p2 v6;
	s0 =	sshll.u32 @!p1 s30, $0xB  }
0xe6: {  	v4 =	vld @!p1 [tilespmem:s0+$0x4780]  }
0xe7: {  	v5 =	vld @!p1 [tilespmem:s0+$0x4790]  }
0xe8: {  	v6 =	vld @!p1 [tilespmem:s0+$0x47A0]  }
0xe9: {  	v7 =	vld @!p1 [tilespmem:s0+$0x47B0]  }
0xea: {  	v8 =	vld @!p1 [tilespmem:s0+$0x47C0]  }
0xeb: {  	[tilespmem:s0+$0x780] =	vst @!p1 v4;
	v4 =	vld @!p1 [tilespmem:s0+$0x47D0]  }
0xec: {  	[tilespmem:s0+$0x790] =	vst @!p1 v5;
	v5 =	vld @!p1 [tilespmem:s0+$0x47E0]  }
0xed: {  	[tilespmem:s0+$0x7A0] =	vst @!p1 v6;
	v6 =	vld @!p1 [tilespmem:s0+$0x47F0]  }
0xee: {  	(v2sf) =	vpush v3, $0xF;
	[tilespmem:s0+$0x7B0] =	vst @!p1 v7  }
0xef: {  	[tilespmem:s0+$0x7C0] =	vst @!p1 v8  }
0xf0: {  	s23 =	spop (v2sf);
	[tilespmem:s0+$0x7D0] =	vst @!p1 v4  }
0xf1: {  	p2 =	slt.s32 s23, $0x0;
	[tilespmem:s0+$0x7E0] =	vst @!p1 v5  }
0xf2: {  	[tilespmem:s0+$0x7F0] =	vst @!p1 v6;
	s0 =	sshll.u32 @!p2 s30, $0xB  }
0xf3: {  	v3 =	vld @!p2 [tilespmem:s0+$0x4800]  }
0xf4: {  	v4 =	vld @!p2 [tilespmem:s0+$0x4810]  }
0xf5: {  	v5 =	vld @!p2 [tilespmem:s0+$0x4820]  }
0xf6: {  	v6 =	vld @!p2 [tilespmem:s0+$0x4830]  }
0xf7: {  	v7 =	vld @!p2 [tilespmem:s0+$0x4840]  }
0xf8: {  	[tilespmem:s0+$0x800] =	vst @!p2 v3;
	v3 =	vld @!p2 [tilespmem:s0+$0x4850]  }
0xf9: {  	[tilespmem:s0+$0x810] =	vst @!p2 v4;
	v4 =	vld @!p2 [tilespmem:s0+$0x4860]  }
0xfa: {  	[tilespmem:s0+$0x820] =	vst @!p2 v5;
	v5 =	vld @!p2 [tilespmem:s0+$0x4870]  }
0xfb: {  	[tilespmem:s0+$0x830] =	vst @!p2 v6  }
0xfc: {  	[tilespmem:s0+$0x840] =	vst @!p2 v7  }
0xfd: {  	s31 =	spop (v2sf);
	[tilespmem:s0+$0x850] =	vst @!p2 v3  }
0xfe: {  	p1 =	slt.s32 s31, $0x0;
	[tilespmem:s0+$0x860] =	vst @!p2 v4  }
0xff: {  	[tilespmem:s0+$0x870] =	vst @!p2 v5;
	s0 =	sshll.u32 @!p1 s30, $0xB  }
0x100: {  	v3 =	vld @!p1 [tilespmem:s0+$0x4880]  }
0x101: {  	v4 =	vld @!p1 [tilespmem:s0+$0x4890]  }
0x102: {  	v5 =	vld @!p1 [tilespmem:s0+$0x48A0]  }
0x103: {  	v6 =	vld @!p1 [tilespmem:s0+$0x48B0]  }
0x104: {  	v7 =	vld @!p1 [tilespmem:s0+$0x48C0]  }
0x105: {  	[tilespmem:s0+$0x880] =	vst @!p1 v3;
	v3 =	vld @!p1 [tilespmem:s0+$0x48D0]  }
0x106: {  	s30 =	sadd.s32 $0x1, s30;
	[tilespmem:s0+$0x890] =	vst @!p1 v4;
	v4 =	vld @!p1 [tilespmem:s0+$0x48E0]  }
0x107: {  	p2 =	sne.s32 s30, $0x8;
	[tilespmem:s0+$0x8A0] =	vst @!p1 v5;
	v5 =	vld @!p1 [tilespmem:s0+$0x48F0]  }
.Ltmp4:
0x108: {  	[tilespmem:s0+$0x8B0] =	vst @!p1 v6;
	(pc) =	sbr.rel @p2 .LBB2_6-.Ltmp4, $4  }
0x109: {  	[tilespmem:s0+$0x8C0] =	vst @!p1 v7  }
0x10a: {  	[tilespmem:s0+$0x8D0] =	vst @!p1 v3  }
0x10b: {  	[tilespmem:s0+$0x8E0] =	vst @!p1 v4  }
0x10c: {  	[tilespmem:s0+$0x8F0] =	vst @!p1 v5  }
.Ltmp5:
0x10d: {  	s0 =	sadd.s32 s3, s29;
	(pc) =	sbr.rel .LBB2_8-.Ltmp5, $4  }
0x10e: {  	[hbm4b:s0+s4] =	stream.linear.scatter [tilespmem:s18], [sflag:$0x3], $0x4000, $0x38;
	[tilespmem:$0x8100] =	vst v63  }
0x10f: {  	_ =	swait.ge [sflag:s22], $0x4000  }
0x110: {  	[sflag:s22] =	ssyncset.done $0x0  }
0x111: {  	[sflag:s22] =	ssyncadd.s32 $0xFFFFC000  }
.LBB2_9:
.Ltmp6:
0x112: {  	(pc) =	sbr.rel @p0 .LBB2_13-.Ltmp6, $1  }
0x113: {  	_ =	sdelay $0x3  }
0x114: {  	s26 =	simm.s32 $0x0  }
0x115: {  	[tilespmem:s26], [sflag:$0x3] =	stream.linear.gather [hbm4b:s10+s26], $0x20, $0x38;
	[tilespmem:$0x8100] =	vst v63  }
0x116: {  	_ =	swait.ge [sflag:s22], $0x20  }
0x117: {  	[sflag:s22] =	ssyncset.done $0x0  }
0x118: {  	[sflag:s22] =	ssyncadd.s32 $0xFFFFFFE0  }
0x119: {  	[tilespmem:s18], [sflag:$0x3] =	stream.linear.gather [hbm4b:s11+s26], $0x1000, $0x38;
	[tilespmem:$0x8100] =	vst v63  }
0x11a: {  	_ =	swait.ge [sflag:s22], $0x1000  }
0x11b: {  	[sflag:s22] =	ssyncset.done $0x0  }
0x11c: {  	[sflag:s22] =	ssyncadd.s32 $0xFFFFF000  }
0x11d: {  	v3 =	vld [tilespmem:$0x0]  }
0x11e: {  	v4 =	vld [tilespmem:$0x10];
	_ =	sdelay $0x3  }
0x11f: {  	vm0 =	vlt.s32 v3, $0x0  }
0x120: {  	vm15 =	vlt.s32 v4, $0x0;
	v3 =	vsel vm0, v1, v3  }
0x121: {  	[tilespmem:$0x80] =	vst v3;
	v3 =	vsel vm15, v2, v4  }
0x122: {  	s0 =	simm.s32 $0x20;
	[tilespmem:$0x90] =	vst v3  }
0x123: {  	[tilespmem:s20], [sflag:$0x2] =	stream.indirect.gather [hbm4b:s6+s0], $0x80, s19, s0, $0xb8;
	[tilespmem:$0x8100] =	vst v63  }
0x124: {  	_ =	swait.ge [sflag:s21], $0x1000  }
0x125: {  	[sflag:s21] =	ssyncset.done $0x0  }
0x126: {  	p1 =	por $0x1, $0x1;
	[sflag:s21] =	ssyncadd.s32 $0xFFFFF000  }
.LBB2_11:
0x127: {  	s0 =	sshll.u32 s26, $0x4  }
0x128: {  	s0 =	sand.u32 $0x3FFFFFF0, s0  }
0x129: {  	v3 =	vld [tilespmem:s0+$0x0];
	_ =	sdelay $0x4  }
0x12a: {  	(v2sf) =	vpush v3, $0x0;
	_ =	sdelay $0xc  }
0x12b: {  	(v2sf) =	vpush v3, $0x1;
	_ =	sdelay $0x1  }
0x12c: {  	s23 =	spop (v2sf)  }
0x12d: {  	p3 =	slt.s32 s23, $0x0  }
0x12e: {  	s0 =	sshll.u32 @!p3 s26, $0xB  }
0x12f: {  	v4 =	vld @!p3 [tilespmem:s0+$0x4100]  }
0x130: {  	v5 =	vld @!p3 [tilespmem:s0+$0x4110]  }
0x131: {  	v6 =	vld @!p3 [tilespmem:s0+$0x4120]  }
0x132: {  	v7 =	vld @!p3 [tilespmem:s0+$0x4130]  }
0x133: {  	v8 =	vld @!p3 [tilespmem:s0+$0x4140]  }
0x134: {  	[tilespmem:s0+$0x100] =	vst @!p3 v4;
	v4 =	vld @!p3 [tilespmem:s0+$0x4150]  }
0x135: {  	[tilespmem:s0+$0x110] =	vst @!p3 v5;
	v5 =	vld @!p3 [tilespmem:s0+$0x4160]  }
0x136: {  	[tilespmem:s0+$0x120] =	vst @!p3 v6;
	v6 =	vld @!p3 [tilespmem:s0+$0x4170]  }
0x137: {  	(v2sf) =	vpush v3, $0x2;
	[tilespmem:s0+$0x130] =	vst @!p3 v7  }
0x138: {  	[tilespmem:s0+$0x140] =	vst @!p3 v8  }
0x139: {  	s16 =	spop (v2sf);
	[tilespmem:s0+$0x150] =	vst @!p3 v4  }
0x13a: {  	p2 =	slt.s32 s16, $0x0;
	[tilespmem:s0+$0x160] =	vst @!p3 v5  }
0x13b: {  	[tilespmem:s0+$0x170] =	vst @!p3 v6;
	s0 =	sshll.u32 @!p2 s26, $0xB  }
0x13c: {  	v4 =	vld @!p2 [tilespmem:s0+$0x4180]  }
0x13d: {  	v5 =	vld @!p2 [tilespmem:s0+$0x4190]  }
0x13e: {  	v6 =	vld @!p2 [tilespmem:s0+$0x41A0]  }
0x13f: {  	v7 =	vld @!p2 [tilespmem:s0+$0x41B0]  }
0x140: {  	v8 =	vld @!p2 [tilespmem:s0+$0x41C0]  }
0x141: {  	[tilespmem:s0+$0x180] =	vst @!p2 v4;
	v4 =	vld @!p2 [tilespmem:s0+$0x41D0]  }
0x142: {  	[tilespmem:s0+$0x190] =	vst @!p2 v5;
	v5 =	vld @!p2 [tilespmem:s0+$0x41E0]  }
0x143: {  	[tilespmem:s0+$0x1A0] =	vst @!p2 v6;
	v6 =	vld @!p2 [tilespmem:s0+$0x41F0]  }
0x144: {  	(v2sf) =	vpush v3, $0x3;
	[tilespmem:s0+$0x1B0] =	vst @!p2 v7  }
0x145: {  	[tilespmem:s0+$0x1C0] =	vst @!p2 v8  }
0x146: {  	s28 =	spop (v2sf);
	[tilespmem:s0+$0x1D0] =	vst @!p2 v4  }
0x147: {  	p3 =	slt.s32 s28, $0x0;
	[tilespmem:s0+$0x1E0] =	vst @!p2 v5  }
0x148: {  	[tilespmem:s0+$0x1F0] =	vst @!p2 v6;
	s0 =	sshll.u32 @!p3 s26, $0xB  }
0x149: {  	v4 =	vld @!p3 [tilespmem:s0+$0x4200]  }
0x14a: {  	v5 =	vld @!p3 [tilespmem:s0+$0x4210]  }
0x14b: {  	v6 =	vld @!p3 [tilespmem:s0+$0x4220]  }
0x14c: {  	v7 =	vld @!p3 [tilespmem:s0+$0x4230]  }
0x14d: {  	v8 =	vld @!p3 [tilespmem:s0+$0x4240]  }
0x14e: {  	[tilespmem:s0+$0x200] =	vst @!p3 v4;
	v4 =	vld @!p3 [tilespmem:s0+$0x4250]  }
0x14f: {  	[tilespmem:s0+$0x210] =	vst @!p3 v5;
	v5 =	vld @!p3 [tilespmem:s0+$0x4260]  }
0x150: {  	[tilespmem:s0+$0x220] =	vst @!p3 v6;
	v6 =	vld @!p3 [tilespmem:s0+$0x4270]  }
0x151: {  	(v2sf) =	vpush v3, $0x4;
	[tilespmem:s0+$0x230] =	vst @!p3 v7  }
0x152: {  	[tilespmem:s0+$0x240] =	vst @!p3 v8  }
0x153: {  	s29 =	spop (v2sf);
	[tilespmem:s0+$0x250] =	vst @!p3 v4  }
0x154: {  	p2 =	slt.s32 s29, $0x0;
	[tilespmem:s0+$0x260] =	vst @!p3 v5  }
0x155: {  	[tilespmem:s0+$0x270] =	vst @!p3 v6;
	s0 =	sshll.u32 @!p2 s26, $0xB  }
0x156: {  	v4 =	vld @!p2 [tilespmem:s0+$0x4280]  }
0x157: {  	v5 =	vld @!p2 [tilespmem:s0+$0x4290]  }
0x158: {  	v6 =	vld @!p2 [tilespmem:s0+$0x42A0]  }
0x159: {  	v7 =	vld @!p2 [tilespmem:s0+$0x42B0]  }
0x15a: {  	v8 =	vld @!p2 [tilespmem:s0+$0x42C0]  }
0x15b: {  	[tilespmem:s0+$0x280] =	vst @!p2 v4;
	v4 =	vld @!p2 [tilespmem:s0+$0x42D0]  }
0x15c: {  	[tilespmem:s0+$0x290] =	vst @!p2 v5;
	v5 =	vld @!p2 [tilespmem:s0+$0x42E0]  }
0x15d: {  	[tilespmem:s0+$0x2A0] =	vst @!p2 v6;
	v6 =	vld @!p2 [tilespmem:s0+$0x42F0]  }
0x15e: {  	(v2sf) =	vpush v3, $0x5;
	[tilespmem:s0+$0x2B0] =	vst @!p2 v7  }
0x15f: {  	[tilespmem:s0+$0x2C0] =	vst @!p2 v8  }
0x160: {  	s30 =	spop (v2sf);
	[tilespmem:s0+$0x2D0] =	vst @!p2 v4  }
0x161: {  	p3 =	slt.s32 s30, $0x0;
	[tilespmem:s0+$0x2E0] =	vst @!p2 v5  }
0x162: {  	[tilespmem:s0+$0x2F0] =	vst @!p2 v6;
	s0 =	sshll.u32 @!p3 s26, $0xB  }
0x163: {  	v4 =	vld @!p3 [tilespmem:s0+$0x4300]  }
0x164: {  	v5 =	vld @!p3 [tilespmem:s0+$0x4310]  }
0x165: {  	v6 =	vld @!p3 [tilespmem:s0+$0x4320]  }
0x166: {  	v7 =	vld @!p3 [tilespmem:s0+$0x4330]  }
0x167: {  	v8 =	vld @!p3 [tilespmem:s0+$0x4340]  }
0x168: {  	[tilespmem:s0+$0x300] =	vst @!p3 v4;
	v4 =	vld @!p3 [tilespmem:s0+$0x4350]  }
0x169: {  	[tilespmem:s0+$0x310] =	vst @!p3 v5;
	v5 =	vld @!p3 [tilespmem:s0+$0x4360]  }
0x16a: {  	[tilespmem:s0+$0x320] =	vst @!p3 v6;
	v6 =	vld @!p3 [tilespmem:s0+$0x4370]  }
0x16b: {  	(v2sf) =	vpush v3, $0x6;
	[tilespmem:s0+$0x330] =	vst @!p3 v7  }
0x16c: {  	[tilespmem:s0+$0x340] =	vst @!p3 v8  }
0x16d: {  	s31 =	spop (v2sf);
	[tilespmem:s0+$0x350] =	vst @!p3 v4  }
0x16e: {  	p2 =	slt.s32 s31, $0x0;
	[tilespmem:s0+$0x360] =	vst @!p3 v5  }
0x16f: {  	[tilespmem:s0+$0x370] =	vst @!p3 v6;
	s0 =	sshll.u32 @!p2 s26, $0xB  }
0x170: {  	v4 =	vld @!p2 [tilespmem:s0+$0x4380]  }
0x171: {  	v5 =	vld @!p2 [tilespmem:s0+$0x4390]  }
0x172: {  	v6 =	vld @!p2 [tilespmem:s0+$0x43A0]  }
0x173: {  	v7 =	vld @!p2 [tilespmem:s0+$0x43B0]  }
0x174: {  	v8 =	vld @!p2 [tilespmem:s0+$0x43C0]  }
0x175: {  	[tilespmem:s0+$0x380] =	vst @!p2 v4;
	v4 =	vld @!p2 [tilespmem:s0+$0x43D0]  }
0x176: {  	[tilespmem:s0+$0x390] =	vst @!p2 v5;
	v5 =	vld @!p2 [tilespmem:s0+$0x43E0]  }
0x177: {  	[tilespmem:s0+$0x3A0] =	vst @!p2 v6;
	v6 =	vld @!p2 [tilespmem:s0+$0x43F0]  }
0x178: {  	(v2sf) =	vpush v3, $0x7;
	[tilespmem:s0+$0x3B0] =	vst @!p2 v7  }
0x179: {  	[tilespmem:s0+$0x3C0] =	vst @!p2 v8  }
0x17a: {  	s23 =	spop (v2sf);
	[tilespmem:s0+$0x3D0] =	vst @!p2 v4  }
0x17b: {  	p3 =	slt.s32 s23, $0x0;
	[tilespmem:s0+$0x3E0] =	vst @!p2 v5  }
0x17c: {  	[tilespmem:s0+$0x3F0] =	vst @!p2 v6;
	s0 =	sshll.u32 @!p3 s26, $0xB  }
0x17d: {  	v4 =	vld @!p3 [tilespmem:s0+$0x4400]  }
0x17e: {  	v5 =	vld @!p3 [tilespmem:s0+$0x4410]  }
0x17f: {  	v6 =	vld @!p3 [tilespmem:s0+$0x4420]  }
0x180: {  	v7 =	vld @!p3 [tilespmem:s0+$0x4430]  }
0x181: {  	v8 =	vld @!p3 [tilespmem:s0+$0x4440]  }
0x182: {  	[tilespmem:s0+$0x400] =	vst @!p3 v4;
	v4 =	vld @!p3 [tilespmem:s0+$0x4450]  }
0x183: {  	[tilespmem:s0+$0x410] =	vst @!p3 v5;
	v5 =	vld @!p3 [tilespmem:s0+$0x4460]  }
0x184: {  	[tilespmem:s0+$0x420] =	vst @!p3 v6;
	v6 =	vld @!p3 [tilespmem:s0+$0x4470]  }
0x185: {  	(v2sf) =	vpush v3, $0x8;
	[tilespmem:s0+$0x430] =	vst @!p3 v7  }
0x186: {  	[tilespmem:s0+$0x440] =	vst @!p3 v8  }
0x187: {  	s28 =	spop (v2sf);
	[tilespmem:s0+$0x450] =	vst @!p3 v4  }
0x188: {  	p2 =	slt.s32 s28, $0x0;
	[tilespmem:s0+$0x460] =	vst @!p3 v5  }
0x189: {  	[tilespmem:s0+$0x470] =	vst @!p3 v6;
	s0 =	sshll.u32 @!p2 s26, $0xB  }
0x18a: {  	v4 =	vld @!p2 [tilespmem:s0+$0x4480]  }
0x18b: {  	v5 =	vld @!p2 [tilespmem:s0+$0x4490]  }
0x18c: {  	v6 =	vld @!p2 [tilespmem:s0+$0x44A0]  }
0x18d: {  	v7 =	vld @!p2 [tilespmem:s0+$0x44B0]  }
0x18e: {  	v8 =	vld @!p2 [tilespmem:s0+$0x44C0]  }
0x18f: {  	[tilespmem:s0+$0x480] =	vst @!p2 v4;
	v4 =	vld @!p2 [tilespmem:s0+$0x44D0]  }
0x190: {  	[tilespmem:s0+$0x490] =	vst @!p2 v5;
	v5 =	vld @!p2 [tilespmem:s0+$0x44E0]  }
0x191: {  	[tilespmem:s0+$0x4A0] =	vst @!p2 v6;
	v6 =	vld @!p2 [tilespmem:s0+$0x44F0]  }
0x192: {  	(v2sf) =	vpush v3, $0x9;
	[tilespmem:s0+$0x4B0] =	vst @!p2 v7  }
0x193: {  	[tilespmem:s0+$0x4C0] =	vst @!p2 v8  }
0x194: {  	s29 =	spop (v2sf);
	[tilespmem:s0+$0x4D0] =	vst @!p2 v4  }
0x195: {  	p3 =	slt.s32 s29, $0x0;
	[tilespmem:s0+$0x4E0] =	vst @!p2 v5  }
0x196: {  	[tilespmem:s0+$0x4F0] =	vst @!p2 v6;
	s0 =	sshll.u32 @!p3 s26, $0xB  }
0x197: {  	v4 =	vld @!p3 [tilespmem:s0+$0x4500]  }
0x198: {  	v5 =	vld @!p3 [tilespmem:s0+$0x4510]  }
0x199: {  	v6 =	vld @!p3 [tilespmem:s0+$0x4520]  }
0x19a: {  	v7 =	vld @!p3 [tilespmem:s0+$0x4530]  }
0x19b: {  	v8 =	vld @!p3 [tilespmem:s0+$0x4540]  }
0x19c: {  	[tilespmem:s0+$0x500] =	vst @!p3 v4;
	v4 =	vld @!p3 [tilespmem:s0+$0x4550]  }
0x19d: {  	[tilespmem:s0+$0x510] =	vst @!p3 v5;
	v5 =	vld @!p3 [tilespmem:s0+$0x4560]  }
0x19e: {  	[tilespmem:s0+$0x520] =	vst @!p3 v6;
	v6 =	vld @!p3 [tilespmem:s0+$0x4570]  }
0x19f: {  	(v2sf) =	vpush v3, $0xA;
	[tilespmem:s0+$0x530] =	vst @!p3 v7  }
0x1a0: {  	[tilespmem:s0+$0x540] =	vst @!p3 v8  }
0x1a1: {  	s30 =	spop (v2sf);
	[tilespmem:s0+$0x550] =	vst @!p3 v4  }
0x1a2: {  	p2 =	slt.s32 s30, $0x0;
	[tilespmem:s0+$0x560] =	vst @!p3 v5  }
0x1a3: {  	[tilespmem:s0+$0x570] =	vst @!p3 v6;
	s0 =	sshll.u32 @!p2 s26, $0xB  }
0x1a4: {  	v4 =	vld @!p2 [tilespmem:s0+$0x4580]  }
0x1a5: {  	v5 =	vld @!p2 [tilespmem:s0+$0x4590]  }
0x1a6: {  	v6 =	vld @!p2 [tilespmem:s0+$0x45A0]  }
0x1a7: {  	v7 =	vld @!p2 [tilespmem:s0+$0x45B0]  }
0x1a8: {  	v8 =	vld @!p2 [tilespmem:s0+$0x45C0]  }
0x1a9: {  	[tilespmem:s0+$0x580] =	vst @!p2 v4;
	v4 =	vld @!p2 [tilespmem:s0+$0x45D0]  }
0x1aa: {  	[tilespmem:s0+$0x590] =	vst @!p2 v5;
	v5 =	vld @!p2 [tilespmem:s0+$0x45E0]  }
0x1ab: {  	[tilespmem:s0+$0x5A0] =	vst @!p2 v6;
	v6 =	vld @!p2 [tilespmem:s0+$0x45F0]  }
0x1ac: {  	(v2sf) =	vpush v3, $0xB;
	[tilespmem:s0+$0x5B0] =	vst @!p2 v7  }
0x1ad: {  	[tilespmem:s0+$0x5C0] =	vst @!p2 v8  }
0x1ae: {  	s31 =	spop (v2sf);
	[tilespmem:s0+$0x5D0] =	vst @!p2 v4  }
0x1af: {  	p3 =	slt.s32 s31, $0x0;
	[tilespmem:s0+$0x5E0] =	vst @!p2 v5  }
0x1b0: {  	[tilespmem:s0+$0x5F0] =	vst @!p2 v6;
	s0 =	sshll.u32 @!p3 s26, $0xB  }
0x1b1: {  	v4 =	vld @!p3 [tilespmem:s0+$0x4600]  }
0x1b2: {  	v5 =	vld @!p3 [tilespmem:s0+$0x4610]  }
0x1b3: {  	v6 =	vld @!p3 [tilespmem:s0+$0x4620]  }
0x1b4: {  	v7 =	vld @!p3 [tilespmem:s0+$0x4630]  }
0x1b5: {  	v8 =	vld @!p3 [tilespmem:s0+$0x4640]  }
0x1b6: {  	[tilespmem:s0+$0x600] =	vst @!p3 v4;
	v4 =	vld @!p3 [tilespmem:s0+$0x4650]  }
0x1b7: {  	[tilespmem:s0+$0x610] =	vst @!p3 v5;
	v5 =	vld @!p3 [tilespmem:s0+$0x4660]  }
0x1b8: {  	[tilespmem:s0+$0x620] =	vst @!p3 v6;
	v6 =	vld @!p3 [tilespmem:s0+$0x4670]  }
0x1b9: {  	(v2sf) =	vpush v3, $0xC;
	[tilespmem:s0+$0x630] =	vst @!p3 v7  }
0x1ba: {  	[tilespmem:s0+$0x640] =	vst @!p3 v8  }
0x1bb: {  	s23 =	spop (v2sf);
	[tilespmem:s0+$0x650] =	vst @!p3 v4  }
0x1bc: {  	p2 =	slt.s32 s23, $0x0;
	[tilespmem:s0+$0x660] =	vst @!p3 v5  }
0x1bd: {  	[tilespmem:s0+$0x670] =	vst @!p3 v6;
	s0 =	sshll.u32 @!p2 s26, $0xB  }
0x1be: {  	v4 =	vld @!p2 [tilespmem:s0+$0x4680]  }
0x1bf: {  	v5 =	vld @!p2 [tilespmem:s0+$0x4690]  }
0x1c0: {  	v6 =	vld @!p2 [tilespmem:s0+$0x46A0]  }
0x1c1: {  	v7 =	vld @!p2 [tilespmem:s0+$0x46B0]  }
0x1c2: {  	v8 =	vld @!p2 [tilespmem:s0+$0x46C0]  }
0x1c3: {  	[tilespmem:s0+$0x680] =	vst @!p2 v4;
	v4 =	vld @!p2 [tilespmem:s0+$0x46D0]  }
0x1c4: {  	[tilespmem:s0+$0x690] =	vst @!p2 v5;
	v5 =	vld @!p2 [tilespmem:s0+$0x46E0]  }
0x1c5: {  	[tilespmem:s0+$0x6A0] =	vst @!p2 v6;
	v6 =	vld @!p2 [tilespmem:s0+$0x46F0]  }
0x1c6: {  	(v2sf) =	vpush v3, $0xD;
	[tilespmem:s0+$0x6B0] =	vst @!p2 v7  }
0x1c7: {  	[tilespmem:s0+$0x6C0] =	vst @!p2 v8  }
0x1c8: {  	s28 =	spop (v2sf);
	[tilespmem:s0+$0x6D0] =	vst @!p2 v4  }
0x1c9: {  	p3 =	slt.s32 s28, $0x0;
	[tilespmem:s0+$0x6E0] =	vst @!p2 v5  }
0x1ca: {  	[tilespmem:s0+$0x6F0] =	vst @!p2 v6;
	s0 =	sshll.u32 @!p3 s26, $0xB  }
0x1cb: {  	v4 =	vld @!p3 [tilespmem:s0+$0x4700]  }
0x1cc: {  	v5 =	vld @!p3 [tilespmem:s0+$0x4710]  }
0x1cd: {  	v6 =	vld @!p3 [tilespmem:s0+$0x4720]  }
0x1ce: {  	v7 =	vld @!p3 [tilespmem:s0+$0x4730]  }
0x1cf: {  	v8 =	vld @!p3 [tilespmem:s0+$0x4740]  }
0x1d0: {  	[tilespmem:s0+$0x700] =	vst @!p3 v4;
	v4 =	vld @!p3 [tilespmem:s0+$0x4750]  }
0x1d1: {  	[tilespmem:s0+$0x710] =	vst @!p3 v5;
	v5 =	vld @!p3 [tilespmem:s0+$0x4760]  }
0x1d2: {  	[tilespmem:s0+$0x720] =	vst @!p3 v6;
	v6 =	vld @!p3 [tilespmem:s0+$0x4770]  }
0x1d3: {  	(v2sf) =	vpush v3, $0xE;
	[tilespmem:s0+$0x730] =	vst @!p3 v7  }
0x1d4: {  	[tilespmem:s0+$0x740] =	vst @!p3 v8  }
0x1d5: {  	s29 =	spop (v2sf);
	[tilespmem:s0+$0x750] =	vst @!p3 v4  }
0x1d6: {  	p2 =	slt.s32 s29, $0x0;
	[tilespmem:s0+$0x760] =	vst @!p3 v5  }
0x1d7: {  	[tilespmem:s0+$0x770] =	vst @!p3 v6;
	s0 =	sshll.u32 @!p2 s26, $0xB  }
0x1d8: {  	v4 =	vld @!p2 [tilespmem:s0+$0x4780]  }
0x1d9: {  	v5 =	vld @!p2 [tilespmem:s0+$0x4790]  }
0x1da: {  	v6 =	vld @!p2 [tilespmem:s0+$0x47A0]  }
0x1db: {  	v7 =	vld @!p2 [tilespmem:s0+$0x47B0]  }
0x1dc: {  	v8 =	vld @!p2 [tilespmem:s0+$0x47C0]  }
0x1dd: {  	[tilespmem:s0+$0x780] =	vst @!p2 v4;
	v4 =	vld @!p2 [tilespmem:s0+$0x47D0]  }
0x1de: {  	[tilespmem:s0+$0x790] =	vst @!p2 v5;
	v5 =	vld @!p2 [tilespmem:s0+$0x47E0]  }
0x1df: {  	[tilespmem:s0+$0x7A0] =	vst @!p2 v6;
	v6 =	vld @!p2 [tilespmem:s0+$0x47F0]  }
0x1e0: {  	(v2sf) =	vpush v3, $0xF;
	[tilespmem:s0+$0x7B0] =	vst @!p2 v7  }
0x1e1: {  	[tilespmem:s0+$0x7C0] =	vst @!p2 v8  }
0x1e2: {  	s30 =	spop (v2sf);
	[tilespmem:s0+$0x7D0] =	vst @!p2 v4  }
0x1e3: {  	p3 =	slt.s32 s30, $0x0;
	[tilespmem:s0+$0x7E0] =	vst @!p2 v5  }
0x1e4: {  	[tilespmem:s0+$0x7F0] =	vst @!p2 v6;
	s0 =	sshll.u32 @!p3 s26, $0xB  }
0x1e5: {  	v3 =	vld @!p3 [tilespmem:s0+$0x4800]  }
0x1e6: {  	v4 =	vld @!p3 [tilespmem:s0+$0x4810]  }
0x1e7: {  	v5 =	vld @!p3 [tilespmem:s0+$0x4820]  }
0x1e8: {  	v6 =	vld @!p3 [tilespmem:s0+$0x4830]  }
0x1e9: {  	v7 =	vld @!p3 [tilespmem:s0+$0x4840]  }
0x1ea: {  	[tilespmem:s0+$0x800] =	vst @!p3 v3;
	v3 =	vld @!p3 [tilespmem:s0+$0x4850]  }
0x1eb: {  	[tilespmem:s0+$0x810] =	vst @!p3 v4;
	v4 =	vld @!p3 [tilespmem:s0+$0x4860]  }
0x1ec: {  	[tilespmem:s0+$0x820] =	vst @!p3 v5;
	v5 =	vld @!p3 [tilespmem:s0+$0x4870]  }
0x1ed: {  	[tilespmem:s0+$0x830] =	vst @!p3 v6  }
0x1ee: {  	[tilespmem:s0+$0x840] =	vst @!p3 v7  }
0x1ef: {  	s31 =	spop (v2sf);
	[tilespmem:s0+$0x850] =	vst @!p3 v3  }
0x1f0: {  	p2 =	slt.s32 s31, $0x0;
	[tilespmem:s0+$0x860] =	vst @!p3 v4  }
0x1f1: {  	[tilespmem:s0+$0x870] =	vst @!p3 v5;
	s0 =	sshll.u32 @!p2 s26, $0xB  }
0x1f2: {  	v3 =	vld @!p2 [tilespmem:s0+$0x4880]  }
0x1f3: {  	v4 =	vld @!p2 [tilespmem:s0+$0x4890]  }
0x1f4: {  	v5 =	vld @!p2 [tilespmem:s0+$0x48A0]  }
0x1f5: {  	v6 =	vld @!p2 [tilespmem:s0+$0x48B0]  }
0x1f6: {  	v7 =	vld @!p2 [tilespmem:s0+$0x48C0]  }
0x1f7: {  	[tilespmem:s0+$0x880] =	vst @!p2 v3;
	v3 =	vld @!p2 [tilespmem:s0+$0x48D0]  }
0x1f8: {  	[tilespmem:s0+$0x890] =	vst @!p2 v4;
	v4 =	vld @!p2 [tilespmem:s0+$0x48E0]  }
0x1f9: {  	p3 =	por p1, p1;
	[tilespmem:s0+$0x8A0] =	vst @!p2 v5;
	v5 =	vld @!p2 [tilespmem:s0+$0x48F0]  }
.Ltmp7:
0x1fa: {  	[tilespmem:s0+$0x8B0] =	vst @!p2 v6;
	(pc) =	sbr.rel @p3 .LBB2_11-.Ltmp7, $4  }
0x1fb: {  	[tilespmem:s0+$0x8C0] =	vst @!p2 v7  }
0x1fc: {  	[tilespmem:s0+$0x8D0] =	vst @!p2 v3  }
0x1fd: {  	[tilespmem:s0+$0x8E0] =	vst @!p2 v4  }
0x1fe: {  	s26 =	simm.s32 $0x1;
	p1 =	por $0x0, $0x0;
	[tilespmem:s0+$0x8F0] =	vst @!p2 v5  }
0x1ff: {  	[hbm4b:s12+s4] =	stream.linear.scatter [tilespmem:s18], [sflag:$0x3], $0x1000, $0x38;
	[tilespmem:$0x8100] =	vst v63  }
0x200: {  	_ =	swait.ge [sflag:s22], $0x1000  }
0x201: {  	[sflag:s22] =	ssyncset.done $0x0  }
0x202: {  	[sflag:s22] =	ssyncadd.s32 $0xFFFFF000  }
.LBB2_13:
0x203: {  	s26 =	simm.s32 $0x0;
	s16 =	smov.u32 s5;
	s29 =	simm.s32 $0x0  }
.LBB2_14:
0x204: {  	s0 =	sshll.u32 s29, $0x7  }
0x205: {  	s30 =	sadd.s32 s13, s0  }
0x206: {  	s0 =	sshrl.u32 s30, $0x3  }
0x207: {  	s0 =	sadd.s32 s2, s0  }
0x208: {  	[tilespmem:s19], [sflag:$0x3] =	stream.linear.gather [hbm4b:s0+s26], $0x80, $0x38;
	[tilespmem:$0x8100] =	vst v63  }
0x209: {  	_ =	swait.ge [sflag:s22], $0x80  }
0x20a: {  	[sflag:s22] =	ssyncset.done $0x0  }
0x20b: {  	[sflag:s22] =	ssyncadd.s32 $0xFFFFFF80  }
0x20c: {  	[tilespmem:s26], [sflag:$0x1] =	stream.indirect.gather [hbm4b:s7+s19], $0x1, s19, s19, $0xb8;
	[tilespmem:$0x8100] =	vst v63  }
0x20d: {  	_ =	swait.ge [sflag:s24], $0x80  }
0x20e: {  	[sflag:s24] =	ssyncset.done $0x0  }
0x20f: {  	[sflag:s24] =	ssyncadd.s32 $0xFFFFFF80  }
0x210: {  	[tilespmem:s18], [sflag:$0x1] =	stream.indirect.gather [hbm4b:s1+s19], $0x80, s19, s19, $0xb8;
	[tilespmem:$0x8100] =	vst v63  }
0x211: {  	_ =	swait.ge [sflag:s24], $0x4000  }
0x212: {  	[sflag:s24] =	ssyncset.done $0x0  }
0x213: {  	s31 =	simm.s32 $0x0;
	[sflag:s24] =	ssyncadd.s32 $0xFFFFC000  }
0x214: {  	v3 =	vld [tilespmem:s31+$0x0];
	_ =	sdelay $0x3  }
0x215: {  	v4 =	vor.u32 s16, v0;
	s28 =	smov.u32 s16;
	s0 =	simm.s32 $0x40  }
.LBB2_15:
0x216: {  	s23 =	sshra.s32 s0, $0x2;
	p1 =	sne.s32 s0, $0x1C0;
	s0 =	sadd.s32 $0x40, s0;
	v4 =	vand.u32 $0x7FFF, v4;
	vm0 =	vlt.s32 v3, $0x0  }
.Ltmp8:
0x217: {  	v4 =	vsel vm0, v4, v3;
	v3 =	vld [tilespmem:s23+$0x0];
	(pc) =	sbr.rel @p1 .LBB2_15-.Ltmp8, $3  }
0x218: {  	[tilespmem:s31+$0x80] =	vst v4;
	s31 =	smov.u32 s23;
	_ =	sdelay $0x1  }
0x219: {  	s28 =	sadd.s32 $0x10, s28  }
0x21a: {  	v4 =	vor.u32 s28, v0  }
0x21b: {  	v4 =	vand.u32 $0x7FFF, v4;
	vm0 =	vlt.s32 v3, $0x0  }
0x21c: {  	v3 =	vsel vm0, v4, v3  }
0x21d: {  	[tilespmem:s31+$0x80] =	vst v3  }
0x21e: {  	[tilespmem:s20], [sflag:$0x2] =	stream.indirect.gather [hbm4b:s6+s19], $0x80, s19, s19, $0xb8;
	[tilespmem:$0x8100] =	vst v63  }
0x21f: {  	_ =	swait.ge [sflag:s21], $0x4000  }
0x220: {  	[sflag:s21] =	ssyncset.done $0x0  }
0x221: {  	s31 =	simm.s32 $0x0;
	[sflag:s21] =	ssyncadd.s32 $0xFFFFC000  }
.LBB2_17:
0x222: {  	s0 =	sshll.u32 s31, $0x4  }
0x223: {  	s0 =	sand.u32 $0x3FFFFFF0, s0  }
0x224: {  	v3 =	vld [tilespmem:s0+$0x0];
	_ =	sdelay $0x4  }
0x225: {  	(v2sf) =	vpush v3, $0x0;
	_ =	sdelay $0xc  }
0x226: {  	(v2sf) =	vpush v3, $0x1;
	_ =	sdelay $0x1  }
0x227: {  	s23 =	spop (v2sf)  }
0x228: {  	p2 =	slt.s32 s23, $0x0  }
0x229: {  	s0 =	sshll.u32 @!p2 s31, $0xB  }
0x22a: {  	v4 =	vld @!p2 [tilespmem:s0+$0x4100]  }
0x22b: {  	v5 =	vld @!p2 [tilespmem:s0+$0x4110]  }
0x22c: {  	v6 =	vld @!p2 [tilespmem:s0+$0x4120]  }
0x22d: {  	v7 =	vld @!p2 [tilespmem:s0+$0x4130]  }
0x22e: {  	v8 =	vld @!p2 [tilespmem:s0+$0x4140]  }
0x22f: {  	[tilespmem:s0+$0x100] =	vst @!p2 v4;
	v4 =	vld @!p2 [tilespmem:s0+$0x4150]  }
0x230: {  	[tilespmem:s0+$0x110] =	vst @!p2 v5;
	v5 =	vld @!p2 [tilespmem:s0+$0x4160]  }
0x231: {  	[tilespmem:s0+$0x120] =	vst @!p2 v6;
	v6 =	vld @!p2 [tilespmem:s0+$0x4170]  }
0x232: {  	(v2sf) =	vpush v3, $0x2;
	[tilespmem:s0+$0x130] =	vst @!p2 v7  }
0x233: {  	[tilespmem:s0+$0x140] =	vst @!p2 v8  }
0x234: {  	s23 =	spop (v2sf);
	[tilespmem:s0+$0x150] =	vst @!p2 v4  }
0x235: {  	p1 =	slt.s32 s23, $0x0;
	[tilespmem:s0+$0x160] =	vst @!p2 v5  }
0x236: {  	[tilespmem:s0+$0x170] =	vst @!p2 v6;
	s0 =	sshll.u32 @!p1 s31, $0xB  }
0x237: {  	v4 =	vld @!p1 [tilespmem:s0+$0x4180]  }
0x238: {  	v5 =	vld @!p1 [tilespmem:s0+$0x4190]  }
0x239: {  	v6 =	vld @!p1 [tilespmem:s0+$0x41A0]  }
0x23a: {  	v7 =	vld @!p1 [tilespmem:s0+$0x41B0]  }
0x23b: {  	v8 =	vld @!p1 [tilespmem:s0+$0x41C0]  }
0x23c: {  	[tilespmem:s0+$0x180] =	vst @!p1 v4;
	v4 =	vld @!p1 [tilespmem:s0+$0x41D0]  }
0x23d: {  	[tilespmem:s0+$0x190] =	vst @!p1 v5;
	v5 =	vld @!p1 [tilespmem:s0+$0x41E0]  }
0x23e: {  	[tilespmem:s0+$0x1A0] =	vst @!p1 v6;
	v6 =	vld @!p1 [tilespmem:s0+$0x41F0]  }
0x23f: {  	(v2sf) =	vpush v3, $0x3;
	[tilespmem:s0+$0x1B0] =	vst @!p1 v7  }
0x240: {  	[tilespmem:s0+$0x1C0] =	vst @!p1 v8  }
0x241: {  	s28 =	spop (v2sf);
	[tilespmem:s0+$0x1D0] =	vst @!p1 v4  }
0x242: {  	p2 =	slt.s32 s28, $0x0;
	[tilespmem:s0+$0x1E0] =	vst @!p1 v5  }
0x243: {  	[tilespmem:s0+$0x1F0] =	vst @!p1 v6;
	s0 =	sshll.u32 @!p2 s31, $0xB  }
0x244: {  	v4 =	vld @!p2 [tilespmem:s0+$0x4200]  }
0x245: {  	v5 =	vld @!p2 [tilespmem:s0+$0x4210]  }
0x246: {  	v6 =	vld @!p2 [tilespmem:s0+$0x4220]  }
0x247: {  	v7 =	vld @!p2 [tilespmem:s0+$0x4230]  }
0x248: {  	v8 =	vld @!p2 [tilespmem:s0+$0x4240]  }
0x249: {  	[tilespmem:s0+$0x200] =	vst @!p2 v4;
	v4 =	vld @!p2 [tilespmem:s0+$0x4250]  }
0x24a: {  	[tilespmem:s0+$0x210] =	vst @!p2 v5;
	v5 =	vld @!p2 [tilespmem:s0+$0x4260]  }
0x24b: {  	[tilespmem:s0+$0x220] =	vst @!p2 v6;
	v6 =	vld @!p2 [tilespmem:s0+$0x4270]  }
0x24c: {  	(v2sf) =	vpush v3, $0x4;
	[tilespmem:s0+$0x230] =	vst @!p2 v7  }
0x24d: {  	[tilespmem:s0+$0x240] =	vst @!p2 v8  }
0x24e: {  	s28 =	spop (v2sf);
	[tilespmem:s0+$0x250] =	vst @!p2 v4  }
0x24f: {  	p1 =	slt.s32 s28, $0x0;
	[tilespmem:s0+$0x260] =	vst @!p2 v5  }
0x250: {  	[tilespmem:s0+$0x270] =	vst @!p2 v6;
	s0 =	sshll.u32 @!p1 s31, $0xB  }
0x251: {  	v4 =	vld @!p1 [tilespmem:s0+$0x4280]  }
0x252: {  	v5 =	vld @!p1 [tilespmem:s0+$0x4290]  }
0x253: {  	v6 =	vld @!p1 [tilespmem:s0+$0x42A0]  }
0x254: {  	v7 =	vld @!p1 [tilespmem:s0+$0x42B0]  }
0x255: {  	v8 =	vld @!p1 [tilespmem:s0+$0x42C0]  }
0x256: {  	[tilespmem:s0+$0x280] =	vst @!p1 v4;
	v4 =	vld @!p1 [tilespmem:s0+$0x42D0]  }
0x257: {  	[tilespmem:s0+$0x290] =	vst @!p1 v5;
	v5 =	vld @!p1 [tilespmem:s0+$0x42E0]  }
0x258: {  	[tilespmem:s0+$0x2A0] =	vst @!p1 v6;
	v6 =	vld @!p1 [tilespmem:s0+$0x42F0]  }
0x259: {  	(v2sf) =	vpush v3, $0x5;
	[tilespmem:s0+$0x2B0] =	vst @!p1 v7  }
0x25a: {  	[tilespmem:s0+$0x2C0] =	vst @!p1 v8  }
0x25b: {  	s28 =	spop (v2sf);
	[tilespmem:s0+$0x2D0] =	vst @!p1 v4  }
0x25c: {  	p2 =	slt.s32 s28, $0x0;
	[tilespmem:s0+$0x2E0] =	vst @!p1 v5  }
0x25d: {  	[tilespmem:s0+$0x2F0] =	vst @!p1 v6;
	s0 =	sshll.u32 @!p2 s31, $0xB  }
0x25e: {  	v4 =	vld @!p2 [tilespmem:s0+$0x4300]  }
0x25f: {  	v5 =	vld @!p2 [tilespmem:s0+$0x4310]  }
0x260: {  	v6 =	vld @!p2 [tilespmem:s0+$0x4320]  }
0x261: {  	v7 =	vld @!p2 [tilespmem:s0+$0x4330]  }
0x262: {  	v8 =	vld @!p2 [tilespmem:s0+$0x4340]  }
0x263: {  	[tilespmem:s0+$0x300] =	vst @!p2 v4;
	v4 =	vld @!p2 [tilespmem:s0+$0x4350]  }
0x264: {  	[tilespmem:s0+$0x310] =	vst @!p2 v5;
	v5 =	vld @!p2 [tilespmem:s0+$0x4360]  }
0x265: {  	[tilespmem:s0+$0x320] =	vst @!p2 v6;
	v6 =	vld @!p2 [tilespmem:s0+$0x4370]  }
0x266: {  	(v2sf) =	vpush v3, $0x6;
	[tilespmem:s0+$0x330] =	vst @!p2 v7  }
0x267: {  	[tilespmem:s0+$0x340] =	vst @!p2 v8  }
0x268: {  	s28 =	spop (v2sf);
	[tilespmem:s0+$0x350] =	vst @!p2 v4  }
0x269: {  	p1 =	slt.s32 s28, $0x0;
	[tilespmem:s0+$0x360] =	vst @!p2 v5  }
0x26a: {  	[tilespmem:s0+$0x370] =	vst @!p2 v6;
	s0 =	sshll.u32 @!p1 s31, $0xB  }
0x26b: {  	v4 =	vld @!p1 [tilespmem:s0+$0x4380]  }
0x26c: {  	v5 =	vld @!p1 [tilespmem:s0+$0x4390]  }
0x26d: {  	v6 =	vld @!p1 [tilespmem:s0+$0x43A0]  }
0x26e: {  	v7 =	vld @!p1 [tilespmem:s0+$0x43B0]  }
0x26f: {  	v8 =	vld @!p1 [tilespmem:s0+$0x43C0]  }
0x270: {  	[tilespmem:s0+$0x380] =	vst @!p1 v4;
	v4 =	vld @!p1 [tilespmem:s0+$0x43D0]  }
0x271: {  	[tilespmem:s0+$0x390] =	vst @!p1 v5;
	v5 =	vld @!p1 [tilespmem:s0+$0x43E0]  }
0x272: {  	[tilespmem:s0+$0x3A0] =	vst @!p1 v6;
	v6 =	vld @!p1 [tilespmem:s0+$0x43F0]  }
0x273: {  	(v2sf) =	vpush v3, $0x7;
	[tilespmem:s0+$0x3B0] =	vst @!p1 v7  }
0x274: {  	[tilespmem:s0+$0x3C0] =	vst @!p1 v8  }
0x275: {  	s28 =	spop (v2sf);
	[tilespmem:s0+$0x3D0] =	vst @!p1 v4  }
0x276: {  	p2 =	slt.s32 s28, $0x0;
	[tilespmem:s0+$0x3E0] =	vst @!p1 v5  }
0x277: {  	[tilespmem:s0+$0x3F0] =	vst @!p1 v6;
	s0 =	sshll.u32 @!p2 s31, $0xB  }
0x278: {  	v4 =	vld @!p2 [tilespmem:s0+$0x4400]  }
0x279: {  	v5 =	vld @!p2 [tilespmem:s0+$0x4410]  }
0x27a: {  	v6 =	vld @!p2 [tilespmem:s0+$0x4420]  }
0x27b: {  	v7 =	vld @!p2 [tilespmem:s0+$0x4430]  }
0x27c: {  	v8 =	vld @!p2 [tilespmem:s0+$0x4440]  }
0x27d: {  	[tilespmem:s0+$0x400] =	vst @!p2 v4;
	v4 =	vld @!p2 [tilespmem:s0+$0x4450]  }
0x27e: {  	[tilespmem:s0+$0x410] =	vst @!p2 v5;
	v5 =	vld @!p2 [tilespmem:s0+$0x4460]  }
0x27f: {  	[tilespmem:s0+$0x420] =	vst @!p2 v6;
	v6 =	vld @!p2 [tilespmem:s0+$0x4470]  }
0x280: {  	(v2sf) =	vpush v3, $0x8;
	[tilespmem:s0+$0x430] =	vst @!p2 v7  }
0x281: {  	[tilespmem:s0+$0x440] =	vst @!p2 v8  }
0x282: {  	s28 =	spop (v2sf);
	[tilespmem:s0+$0x450] =	vst @!p2 v4  }
0x283: {  	p1 =	slt.s32 s28, $0x0;
	[tilespmem:s0+$0x460] =	vst @!p2 v5  }
0x284: {  	[tilespmem:s0+$0x470] =	vst @!p2 v6;
	s0 =	sshll.u32 @!p1 s31, $0xB  }
0x285: {  	v4 =	vld @!p1 [tilespmem:s0+$0x4480]  }
0x286: {  	v5 =	vld @!p1 [tilespmem:s0+$0x4490]  }
0x287: {  	v6 =	vld @!p1 [tilespmem:s0+$0x44A0]  }
0x288: {  	v7 =	vld @!p1 [tilespmem:s0+$0x44B0]  }
0x289: {  	v8 =	vld @!p1 [tilespmem:s0+$0x44C0]  }
0x28a: {  	[tilespmem:s0+$0x480] =	vst @!p1 v4;
	v4 =	vld @!p1 [tilespmem:s0+$0x44D0]  }
0x28b: {  	[tilespmem:s0+$0x490] =	vst @!p1 v5;
	v5 =	vld @!p1 [tilespmem:s0+$0x44E0]  }
0x28c: {  	[tilespmem:s0+$0x4A0] =	vst @!p1 v6;
	v6 =	vld @!p1 [tilespmem:s0+$0x44F0]  }
0x28d: {  	(v2sf) =	vpush v3, $0x9;
	[tilespmem:s0+$0x4B0] =	vst @!p1 v7  }
0x28e: {  	[tilespmem:s0+$0x4C0] =	vst @!p1 v8  }
0x28f: {  	s28 =	spop (v2sf);
	[tilespmem:s0+$0x4D0] =	vst @!p1 v4  }
0x290: {  	p2 =	slt.s32 s28, $0x0;
	[tilespmem:s0+$0x4E0] =	vst @!p1 v5  }
0x291: {  	[tilespmem:s0+$0x4F0] =	vst @!p1 v6;
	s0 =	sshll.u32 @!p2 s31, $0xB  }
0x292: {  	v4 =	vld @!p2 [tilespmem:s0+$0x4500]  }
0x293: {  	v5 =	vld @!p2 [tilespmem:s0+$0x4510]  }
0x294: {  	v6 =	vld @!p2 [tilespmem:s0+$0x4520]  }
0x295: {  	v7 =	vld @!p2 [tilespmem:s0+$0x4530]  }
0x296: {  	v8 =	vld @!p2 [tilespmem:s0+$0x4540]  }
0x297: {  	[tilespmem:s0+$0x500] =	vst @!p2 v4;
	v4 =	vld @!p2 [tilespmem:s0+$0x4550]  }
0x298: {  	[tilespmem:s0+$0x510] =	vst @!p2 v5;
	v5 =	vld @!p2 [tilespmem:s0+$0x4560]  }
0x299: {  	[tilespmem:s0+$0x520] =	vst @!p2 v6;
	v6 =	vld @!p2 [tilespmem:s0+$0x4570]  }
0x29a: {  	(v2sf) =	vpush v3, $0xA;
	[tilespmem:s0+$0x530] =	vst @!p2 v7  }
0x29b: {  	[tilespmem:s0+$0x540] =	vst @!p2 v8  }
0x29c: {  	s28 =	spop (v2sf);
	[tilespmem:s0+$0x550] =	vst @!p2 v4  }
0x29d: {  	p1 =	slt.s32 s28, $0x0;
	[tilespmem:s0+$0x560] =	vst @!p2 v5  }
0x29e: {  	[tilespmem:s0+$0x570] =	vst @!p2 v6;
	s0 =	sshll.u32 @!p1 s31, $0xB  }
0x29f: {  	v4 =	vld @!p1 [tilespmem:s0+$0x4580]  }
0x2a0: {  	v5 =	vld @!p1 [tilespmem:s0+$0x4590]  }
0x2a1: {  	v6 =	vld @!p1 [tilespmem:s0+$0x45A0]  }
0x2a2: {  	v7 =	vld @!p1 [tilespmem:s0+$0x45B0]  }
0x2a3: {  	v8 =	vld @!p1 [tilespmem:s0+$0x45C0]  }
0x2a4: {  	[tilespmem:s0+$0x580] =	vst @!p1 v4;
	v4 =	vld @!p1 [tilespmem:s0+$0x45D0]  }
0x2a5: {  	[tilespmem:s0+$0x590] =	vst @!p1 v5;
	v5 =	vld @!p1 [tilespmem:s0+$0x45E0]  }
0x2a6: {  	[tilespmem:s0+$0x5A0] =	vst @!p1 v6;
	v6 =	vld @!p1 [tilespmem:s0+$0x45F0]  }
0x2a7: {  	(v2sf) =	vpush v3, $0xB;
	[tilespmem:s0+$0x5B0] =	vst @!p1 v7  }
0x2a8: {  	[tilespmem:s0+$0x5C0] =	vst @!p1 v8  }
0x2a9: {  	s28 =	spop (v2sf);
	[tilespmem:s0+$0x5D0] =	vst @!p1 v4  }
0x2aa: {  	p2 =	slt.s32 s28, $0x0;
	[tilespmem:s0+$0x5E0] =	vst @!p1 v5  }
0x2ab: {  	[tilespmem:s0+$0x5F0] =	vst @!p1 v6;
	s0 =	sshll.u32 @!p2 s31, $0xB  }
0x2ac: {  	v4 =	vld @!p2 [tilespmem:s0+$0x4600]  }
0x2ad: {  	v5 =	vld @!p2 [tilespmem:s0+$0x4610]  }
0x2ae: {  	v6 =	vld @!p2 [tilespmem:s0+$0x4620]  }
0x2af: {  	v7 =	vld @!p2 [tilespmem:s0+$0x4630]  }
0x2b0: {  	v8 =	vld @!p2 [tilespmem:s0+$0x4640]  }
0x2b1: {  	[tilespmem:s0+$0x600] =	vst @!p2 v4;
	v4 =	vld @!p2 [tilespmem:s0+$0x4650]  }
0x2b2: {  	[tilespmem:s0+$0x610] =	vst @!p2 v5;
	v5 =	vld @!p2 [tilespmem:s0+$0x4660]  }
0x2b3: {  	[tilespmem:s0+$0x620] =	vst @!p2 v6;
	v6 =	vld @!p2 [tilespmem:s0+$0x4670]  }
0x2b4: {  	(v2sf) =	vpush v3, $0xC;
	[tilespmem:s0+$0x630] =	vst @!p2 v7  }
0x2b5: {  	[tilespmem:s0+$0x640] =	vst @!p2 v8  }
0x2b6: {  	s28 =	spop (v2sf);
	[tilespmem:s0+$0x650] =	vst @!p2 v4  }
0x2b7: {  	p1 =	slt.s32 s28, $0x0;
	[tilespmem:s0+$0x660] =	vst @!p2 v5  }
0x2b8: {  	[tilespmem:s0+$0x670] =	vst @!p2 v6;
	s0 =	sshll.u32 @!p1 s31, $0xB  }
0x2b9: {  	v4 =	vld @!p1 [tilespmem:s0+$0x4680]  }
0x2ba: {  	v5 =	vld @!p1 [tilespmem:s0+$0x4690]  }
0x2bb: {  	v6 =	vld @!p1 [tilespmem:s0+$0x46A0]  }
0x2bc: {  	v7 =	vld @!p1 [tilespmem:s0+$0x46B0]  }
0x2bd: {  	v8 =	vld @!p1 [tilespmem:s0+$0x46C0]  }
0x2be: {  	[tilespmem:s0+$0x680] =	vst @!p1 v4;
	v4 =	vld @!p1 [tilespmem:s0+$0x46D0]  }
0x2bf: {  	[tilespmem:s0+$0x690] =	vst @!p1 v5;
	v5 =	vld @!p1 [tilespmem:s0+$0x46E0]  }
0x2c0: {  	[tilespmem:s0+$0x6A0] =	vst @!p1 v6;
	v6 =	vld @!p1 [tilespmem:s0+$0x46F0]  }
0x2c1: {  	(v2sf) =	vpush v3, $0xD;
	[tilespmem:s0+$0x6B0] =	vst @!p1 v7  }
0x2c2: {  	[tilespmem:s0+$0x6C0] =	vst @!p1 v8  }
0x2c3: {  	s28 =	spop (v2sf);
	[tilespmem:s0+$0x6D0] =	vst @!p1 v4  }
0x2c4: {  	p2 =	slt.s32 s28, $0x0;
	[tilespmem:s0+$0x6E0] =	vst @!p1 v5  }
0x2c5: {  	[tilespmem:s0+$0x6F0] =	vst @!p1 v6;
	s0 =	sshll.u32 @!p2 s31, $0xB  }
0x2c6: {  	v4 =	vld @!p2 [tilespmem:s0+$0x4700]  }
0x2c7: {  	v5 =	vld @!p2 [tilespmem:s0+$0x4710]  }
0x2c8: {  	v6 =	vld @!p2 [tilespmem:s0+$0x4720]  }
0x2c9: {  	v7 =	vld @!p2 [tilespmem:s0+$0x4730]  }
0x2ca: {  	v8 =	vld @!p2 [tilespmem:s0+$0x4740]  }
0x2cb: {  	[tilespmem:s0+$0x700] =	vst @!p2 v4;
	v4 =	vld @!p2 [tilespmem:s0+$0x4750]  }
0x2cc: {  	[tilespmem:s0+$0x710] =	vst @!p2 v5;
	v5 =	vld @!p2 [tilespmem:s0+$0x4760]  }
0x2cd: {  	[tilespmem:s0+$0x720] =	vst @!p2 v6;
	v6 =	vld @!p2 [tilespmem:s0+$0x4770]  }
0x2ce: {  	(v2sf) =	vpush v3, $0xE;
	[tilespmem:s0+$0x730] =	vst @!p2 v7  }
0x2cf: {  	[tilespmem:s0+$0x740] =	vst @!p2 v8  }
0x2d0: {  	s28 =	spop (v2sf);
	[tilespmem:s0+$0x750] =	vst @!p2 v4  }
0x2d1: {  	p1 =	slt.s32 s28, $0x0;
	[tilespmem:s0+$0x760] =	vst @!p2 v5  }
0x2d2: {  	[tilespmem:s0+$0x770] =	vst @!p2 v6;
	s0 =	sshll.u32 @!p1 s31, $0xB  }
0x2d3: {  	v4 =	vld @!p1 [tilespmem:s0+$0x4780]  }
0x2d4: {  	v5 =	vld @!p1 [tilespmem:s0+$0x4790]  }
0x2d5: {  	v6 =	vld @!p1 [tilespmem:s0+$0x47A0]  }
0x2d6: {  	v7 =	vld @!p1 [tilespmem:s0+$0x47B0]  }
0x2d7: {  	v8 =	vld @!p1 [tilespmem:s0+$0x47C0]  }
0x2d8: {  	[tilespmem:s0+$0x780] =	vst @!p1 v4;
	v4 =	vld @!p1 [tilespmem:s0+$0x47D0]  }
0x2d9: {  	[tilespmem:s0+$0x790] =	vst @!p1 v5;
	v5 =	vld @!p1 [tilespmem:s0+$0x47E0]  }
0x2da: {  	[tilespmem:s0+$0x7A0] =	vst @!p1 v6;
	v6 =	vld @!p1 [tilespmem:s0+$0x47F0]  }
0x2db: {  	(v2sf) =	vpush v3, $0xF;
	[tilespmem:s0+$0x7B0] =	vst @!p1 v7  }
0x2dc: {  	[tilespmem:s0+$0x7C0] =	vst @!p1 v8  }
0x2dd: {  	s28 =	spop (v2sf);
	[tilespmem:s0+$0x7D0] =	vst @!p1 v4  }
0x2de: {  	p2 =	slt.s32 s28, $0x0;
	[tilespmem:s0+$0x7E0] =	vst @!p1 v5  }
0x2df: {  	[tilespmem:s0+$0x7F0] =	vst @!p1 v6;
	s0 =	sshll.u32 @!p2 s31, $0xB  }
0x2e0: {  	v3 =	vld @!p2 [tilespmem:s0+$0x4800]  }
0x2e1: {  	v4 =	vld @!p2 [tilespmem:s0+$0x4810]  }
0x2e2: {  	v5 =	vld @!p2 [tilespmem:s0+$0x4820]  }
0x2e3: {  	v6 =	vld @!p2 [tilespmem:s0+$0x4830]  }
0x2e4: {  	v7 =	vld @!p2 [tilespmem:s0+$0x4840]  }
0x2e5: {  	[tilespmem:s0+$0x800] =	vst @!p2 v3;
	v3 =	vld @!p2 [tilespmem:s0+$0x4850]  }
0x2e6: {  	[tilespmem:s0+$0x810] =	vst @!p2 v4;
	v4 =	vld @!p2 [tilespmem:s0+$0x4860]  }
0x2e7: {  	[tilespmem:s0+$0x820] =	vst @!p2 v5;
	v5 =	vld @!p2 [tilespmem:s0+$0x4870]  }
0x2e8: {  	[tilespmem:s0+$0x830] =	vst @!p2 v6  }
0x2e9: {  	[tilespmem:s0+$0x840] =	vst @!p2 v7  }
0x2ea: {  	s28 =	spop (v2sf);
	[tilespmem:s0+$0x850] =	vst @!p2 v3  }
0x2eb: {  	p1 =	slt.s32 s28, $0x0;
	[tilespmem:s0+$0x860] =	vst @!p2 v4  }
0x2ec: {  	[tilespmem:s0+$0x870] =	vst @!p2 v5;
	s0 =	sshll.u32 @!p1 s31, $0xB  }
0x2ed: {  	v3 =	vld @!p1 [tilespmem:s0+$0x4880]  }
0x2ee: {  	v4 =	vld @!p1 [tilespmem:s0+$0x4890]  }
0x2ef: {  	v5 =	vld @!p1 [tilespmem:s0+$0x48A0]  }
0x2f0: {  	v6 =	vld @!p1 [tilespmem:s0+$0x48B0]  }
0x2f1: {  	v7 =	vld @!p1 [tilespmem:s0+$0x48C0]  }
0x2f2: {  	[tilespmem:s0+$0x880] =	vst @!p1 v3;
	v3 =	vld @!p1 [tilespmem:s0+$0x48D0]  }
0x2f3: {  	s31 =	sadd.s32 $0x1, s31;
	[tilespmem:s0+$0x890] =	vst @!p1 v4;
	v4 =	vld @!p1 [tilespmem:s0+$0x48E0]  }
0x2f4: {  	p2 =	sne.s32 s31, $0x8;
	[tilespmem:s0+$0x8A0] =	vst @!p1 v5;
	v5 =	vld @!p1 [tilespmem:s0+$0x48F0]  }
.Ltmp9:
0x2f5: {  	[tilespmem:s0+$0x8B0] =	vst @!p1 v6;
	(pc) =	sbr.rel @p2 .LBB2_17-.Ltmp9, $4  }
0x2f6: {  	[tilespmem:s0+$0x8C0] =	vst @!p1 v7  }
0x2f7: {  	[tilespmem:s0+$0x8D0] =	vst @!p1 v3  }
0x2f8: {  	[tilespmem:s0+$0x8E0] =	vst @!p1 v4  }
0x2f9: {  	[tilespmem:s0+$0x8F0] =	vst @!p1 v5  }
0x2fa: {  	s29 =	sadd.s32 $0x1, s29  }
0x2fb: {  	s0 =	sshll.u32 s30, $0x4;
	p1 =	sne.s32 s29, $0x4  }
.Ltmp10:
0x2fc: {  	s0 =	sadd.s32 s8, s0;
	(pc) =	sbr.rel @p1 .LBB2_14-.Ltmp10, $4  }
0x2fd: {  	[hbm4b:s0+s4] =	stream.linear.scatter [tilespmem:s18], [sflag:$0x3], $0x4000, $0x38;
	[tilespmem:$0x8100] =	vst v63  }
0x2fe: {  	_ =	swait.ge [sflag:s22], $0x4000  }
0x2ff: {  	[sflag:s22] =	ssyncset.done $0x0  }
0x300: {  	s16 =	sadd.s32 $0x80, s16;
	[sflag:s22] =	ssyncadd.s32 $0xFFFFC000  }
0x301: {  	s25 =	sadd.s32 $0x1, s25  }
0x302: {  	p1 =	sne.s32 s25, s14  }
.Ltmp11:
0x303: {  	_ = 	snop;
	(pc) =	sbr.rel @p1 .LBB2_1-.Ltmp11, $1  }
0x304: {  	_ =	sdelay $0x3  }
0x305: {  	_ =	sfence.sel $0x180000  }
0x306: {  	[bflag:$0x0] =	sbarrier.arrive $0xFFFF  }
0x307: {  	_ =	strace $0x9000004D  }
0x308: {  	s0 =	stileid.u32;
	[bflag:$0x2] =	sbarrier.arrive $0xFFFF  }
0x309: {  	p0 =	sne.s32 s0, $0x0;
	s0 =	rddreg [dreg:$0x4]  }
0x30a: {  	s0 =	sadd.s32 @!p0 $0x100000, s0  }
0x30b: {  	[sflag:s0] =	ssyncadd.tile.s32 @!p0 $0x1;
	_ =	shalt  }
.Lfunc_end2:
_tile_overlayer_lowered:
.L_overlay_start_2:
0x30c: {  	(tag) =	ssettag $0x2  }
0x30d: {  	s0 =	rddreg [dreg:$0x0];
	s2 =	stileid.u32  }
0x30e: {  	s1 =	rddreg [dreg:$0x1];
	p0 =	sne.s32 s2, $0x0  }
0x30f: {  	s3 =	rddreg [dreg:$0x2];
	[bflag:$0x3] =	sbarrier.arrive $0xFFFF;
	s2 =	simm.s32 @!p0 $0x1C03  }
0x310: {  	[timem:s3], [sflag:s2] =	dma.local @!p0 [hbm:s0], s1  }
0x311: {  	s0 =	simm.s32 @!p0 $0x3  }
0x312: {  	_ =	swait.ge @!p0 [sflag:s0], s1  }
0x313: {  	s1 =	ssub.s32 @!p0 $0x0, s1;
	[sflag:s0] =	ssyncset.done @!p0 $0x0  }
0x314: {  	[sflag:s0] =	ssyncadd.s32 @!p0 s1  }
0x315: {  	[bflag:$0x3] =	sbarrier.arrive $0xFFFF  }
0x316: {  	_ =	shalt  }

// kernel: kernel.7.cloned.1.call-start
scs
__scs_entry_jumppad:
0x0: {  	(pc) =	sbr.rel $0x88, $3  }
0x1: {  	(tag) =	ssettag $0x0;
	lr =	simm.s32 $0x1  }
0x2: {  	[smem:$0x3F8E] =	sst lr;
	_ =	strace $0xD0000000  }
0x3: {  	_ = 	snop  }
0x4: {  	_ = 	snop  }
0x5: {  	_ = 	snop  }
0x6: {  	_ = 	snop  }
0x7: {  	_ = 	snop  }
__scs_overlays_trampoline_lowered:
0x8: {  	[smem:$0x3F9D] =	sst s0  }
0x9: {  	[smem:$0x3F9E] =	sst s1  }
0xa: {  	[smem:$0x3F9F] =	sst s2  }
0xb: {  	[smem:$0x3FA0] =	sst s3  }
0xc: {  	[smem:$0x3FA1] =	sst s4  }
0xd: {  	[smem:$0x3FA2] =	sst s5  }
0xe: {  	[smem:$0x3FA3] =	sst s6  }
0xf: {  	[smem:$0x3FA4] =	sst s7  }
0x10: {  	[smem:$0x3FA5] =	sst s8  }
0x11: {  	[smem:$0x3FA6] =	sst s9;
	s0 =	simm.s32 @!p0 $0x0  }
0x12: {  	s1 =	sld [smem:$0x3F8C];
	s0 =	simm.s32 @p0 $0x1  }
0x13: {  	[smem:$0x3FA7] =	sst s0;
	s0 =	simm.s32 @!p1 $0x0  }
0x14: {  	s2 =	sld [smem:$0x3F8B];
	s0 =	simm.s32 @p1 $0x1  }
0x15: {  	[smem:$0x3FA8] =	sst s0;
	s0 =	simm.s32 @!p2 $0x0  }
0x16: {  	s3 =	sld [smem:$0x3FDB];
	s0 =	simm.s32 @p2 $0x1  }
0x17: {  	s4 =	simm.s32 $0x1BF5;
	[smem:$0x3FAA] =	sst s0  }
0x18: {  	s0 =	sld [smem:$0x3F8D];
	_ =	swait.ge [sflag:s4], $0x0  }
0x19: {  	s7 =	sld [smem:$0x3F8E]  }
0x1a: {  	s8 =	sadd.s32 $0xFFFFE003, lr  }
0x1b: {  	s9 =	sadd.s32 $0xFFFFFEF7, lr;
	s5 =	simm.s32 $0xFFFFFFFF;
	p2 =	slt.u32 s8, $0xFFFFF086  }
0x1c: {  	p1 =	slt.u32 s9, $0xF7A;
	s5 =	simm.s32 @!p2 $0x0  }
0x1d: {  	s5 =	simm.s32 @p1 $0x1;
	p0 =	seq.s32 s7, s2  }
0x1e: {  	s7 =	smul.u32 @!p0 $0xF7A, s2;
	p2 =	seq.s32 @!p0 s5, $0x0  }
0x1f: {  	s9 =	smul.u32 $0xF7A, s1;
	s8 =	simm.s32 @!p0 $0x1BF5;
	p2 =	por !p2, p0  }
0x20: {  	[sflag:s8] =	ssyncset.s32 @!p0 $0xFFFFF086;
	s6 =	sadd.s32 @!p0 s3, s7;
	s7 =	simm.s32 @!p0 $0x108  }
0x21: {  	s3 =	sadd.s32 s3, s9;
	s6 =	sadd.s32 @!p0 $0x88, s6;
	s7 =	simm.s32 @p2 $0x1082  }
0x22: {  	[simem:s7], [sflag:s8] =	dma.local @!p0 [hbm:s6], $0xF7A  }
0x23: {  	s9 =	sor.u32 $0xD0000000, s2;
	s6 =	simm.s32 $0x108;
	_ =	swait.ge @!p0 [sflag:s8], $0x0  }
0x24: {  	s3 =	sadd.s32 $0x88, s3;
	s6 =	simm.s32 @!p1 $0x1082;
	[sflag:s4] =	ssyncset.s32 $0xFFFFF086  }
0x25: {  	[simem:s6], [sflag:s4] =	dma.local [hbm:s3], $0xF7A  }
0x26: {  	[smem:$0x3F8E] =	sst s1;
	(tag) =	ssettag s2;
	_ =	strace s9  }
0x27: {  	s1 =	sld [smem:$0x3F9E]  }
0x28: {  	s2 =	sld [smem:$0x3F9F]  }
0x29: {  	s4 =	sld [smem:$0x3FA1]  }
0x2a: {  	p0 =	seq.s32 s5, $0x0;
	s5 =	sld [smem:$0x3FA2]  }
0x2b: {  	s6 =	sld [smem:$0x3FA3]  }
0x2c: {  	s7 =	sld [smem:$0x3FA4]  }
0x2d: {  	s3 =	simm.s32 $0x108;
	s8 =	sld [smem:$0x3FA5]  }
0x2e: {  	s3 =	simm.s32 @!p0 $0x1082;
	s9 =	sld [smem:$0x3FA6]  }
0x2f: {  	lr =	sadd.s32 s0, s3;
	s0 =	sld [smem:$0x3F9D]  }
0x30: {  	s3 =	sld [smem:$0x3FA0]  }
0x31: {  	[smem:$0x3FA9] =	sst s10  }
0x32: {  	s10 =	sld [smem:$0x3FA7];
	_ =	sdelay $0x3  }
0x33: {  	p0 =	seq.s32 s10, $0x1;
	s10 =	sld [smem:$0x3FA9];
	_ =	sdelay $0x3  }
0x34: {  	[smem:$0x3FA9] =	sst s10  }
0x35: {  	s10 =	sld [smem:$0x3FA8];
	_ =	sdelay $0x3  }
0x36: {  	p1 =	seq.s32 s10, $0x1;
	s10 =	sld [smem:$0x3FA9];
	_ =	sdelay $0x3  }
0x37: {  	[smem:$0x3FA9] =	sst s10  }
0x38: {  	s10 =	sld [smem:$0x3FAA]  }
0x39: {  	_ = 	snop;
	(pc) =	sbr.ind lr, $3  }
0x3a: {  	_ = 	snop  }
0x3b: {  	_ = 	snop  }
0x3c: {  	p2 =	seq.s32 s10, $0x1;
	s10 =	sld [smem:$0x3FA9]  }
0x3d: {  	_ =	shalt  }
0x3e: {  	_ =	shalt  }
0x3f: {  	_ =	shalt  }
0x40: {  	_ =	shalt  }
0x41: {  	_ =	shalt  }
0x42: {  	_ =	shalt  }
0x43: {  	_ =	shalt  }
0x44: {  	_ =	shalt  }
0x45: {  	_ =	shalt  }
0x46: {  	_ =	shalt  }
0x47: {  	_ =	shalt  }
0x48: {  	_ =	shalt  }
0x49: {  	_ =	shalt  }
0x4a: {  	_ =	shalt  }
0x4b: {  	_ =	shalt  }
0x4c: {  	_ =	shalt  }
0x4d: {  	_ =	shalt  }
0x4e: {  	_ =	shalt  }
0x4f: {  	_ =	shalt  }
0x50: {  	_ =	shalt  }
0x51: {  	_ =	shalt  }
0x52: {  	_ =	shalt  }
0x53: {  	_ =	shalt  }
0x54: {  	_ =	shalt  }
0x55: {  	_ =	shalt  }
0x56: {  	_ =	shalt  }
0x57: {  	_ =	shalt  }
0x58: {  	_ =	shalt  }
0x59: {  	_ =	shalt  }
0x5a: {  	_ =	shalt  }
0x5b: {  	_ =	shalt  }
0x5c: {  	_ =	shalt  }
0x5d: {  	_ =	shalt  }
0x5e: {  	_ =	shalt  }
0x5f: {  	_ =	shalt  }
0x60: {  	_ =	shalt  }
0x61: {  	_ =	shalt  }
0x62: {  	_ =	shalt  }
0x63: {  	_ =	shalt  }
0x64: {  	_ =	shalt  }
0x65: {  	_ =	shalt  }
0x66: {  	_ =	shalt  }
0x67: {  	_ =	shalt  }
0x68: {  	_ =	shalt  }
0x69: {  	_ =	shalt  }
0x6a: {  	_ =	shalt  }
0x6b: {  	_ =	shalt  }
0x6c: {  	_ =	shalt  }
0x6d: {  	_ =	shalt  }
0x6e: {  	_ =	shalt  }
0x6f: {  	_ =	shalt  }
0x70: {  	_ =	shalt  }
0x71: {  	_ =	shalt  }
0x72: {  	_ =	shalt  }
0x73: {  	_ =	shalt  }
0x74: {  	_ =	shalt  }
0x75: {  	_ =	shalt  }
0x76: {  	_ =	shalt  }
0x77: {  	_ =	shalt  }
0x78: {  	_ =	shalt  }
0x79: {  	_ =	shalt  }
0x7a: {  	_ =	shalt  }
0x7b: {  	_ =	shalt  }
0x7c: {  	_ =	shalt  }
0x7d: {  	_ =	shalt  }
0x7e: {  	_ =	shalt  }
0x7f: {  	_ =	shalt  }
0x80: {  	_ =	shalt  }
0x81: {  	_ =	shalt  }
0x82: {  	_ =	shalt  }
0x83: {  	_ =	shalt  }
0x84: {  	_ =	shalt  }
0x85: {  	_ =	shalt  }
0x86: {  	_ =	shalt  }
0x87: {  	_ =	shalt  }
.Lfunc_end0:
.L_simem_size_0:
called_computation_lowered:
.L_overlay_start_0:
0x88: {  	s2 =	sld [smem:$0x3FD9]  }
0x89: {  	s3 =	sld [smem:$0x3FFE];
	_ =	sdelay $0x1  }
0x8a: {  	s1 =	srdreg.scid  }
0x8b: {  	s0 =	sand.u32 $0x1, s1  }
0x8c: {  	s17 =	sshll.u32 s0, $0xA;
	s2 =	sadd.s32 s3, s2  }
0x8d: {  	s2 =	sadd.s32 s2, s17  }
0x8e: {  	[smem:$0x3FB5] =	sst s2  }
0x8f: {  	_ = 	snop  }
0x90: {  	(tm) =	ssettm $0x1  }
0x91: {  	s18 =	sld [smem:$0x3FFB];
	_ =	sdelay $0x3  }
0x92: {  	_ =	strace s18  }
0x93: {  	s2 =	sld [smem:$0x3FFC];
	_ =	sdelay $0x3  }
0x94: {  	_ =	strace s2  }
0x95: {  	s2 =	sld [smem:$0x3FFD];
	_ =	sdelay $0x3  }
0x96: {  	_ =	strace s2  }
0x97: {  	_ =	strace $0x8FFFFFFF  }
0x98: {  	s19 =	sld [smem:$0x3FDB];
	_ =	sdelay $0x1  }
0x99: {  	s20 =	simm.s32 $_scs_section_size  }
0x9a: {  	s4 =	simm.s32 $_size__tile_overlayer_lowered;
	s5 =	simm.s32 $_tile_overlayer_lowered  }
0x9b: {  	s6 =	simm.s32 $0x1BFF;
	s21 =	sshll.u32 s5, $0x1;
	s3 =	sadd.s32 s20, s19  }
0x9c: {  	s22 =	simm.s32 $0x0;
	s4 =	sshll.u32 s4, $0x1;
	s5 =	sadd.s32 s21, s3  }
0x9d: {  	[timem:s22], [sflag:s6] =	dma.local [hbm:s5], s4  }
0x9e: {  	_ =	swait.ge [sflag:s6], s4  }
0x9f: {  	s4 =	ssub.s32 $0x0, s4;
	[sflag:s6] =	ssyncset.done $0x0  }
0xa0: {  	[sflag:s6] =	ssyncadd.s32 s4;
	_ =	sdelay $0x1  }
0xa1: {  	s23 =	simm.s32 $0x1B8B  }
0xa2: {  	_ =	swait.ge [sflag:s23], $0x1  }
0xa3: {  	[sflag:s23] =	ssyncset.done $0x0  }
0xa4: {  	[sflag:s23] =	ssyncadd.s32 $0xFFFFFFFF  }
0xa5: {  	s4 =	sld [smem:$0x0]  }
0xa6: {  	s5 =	sand.u32 $0xFFFFFFFE, s1  }
0xa7: {  	p0 =	sne.s32 s1, s5  }
0xa8: {  	s5 =	sshll.u32 @p0 s5, $0xE  }
0xa9: {  	s5 =	sadd.s32 @p0 $0x11B8D, s5;
	s6 =	sshll.u32 @p0 s4, $0x11  }
0xaa: {  	s5 =	sor.u32 @p0 s6, s5  }
0xab: {  	[sflag:s5] =	ssyncadd.remote.s32 @p0 $0x1;
	_ =	sdelay $0x1  }
0xac: {  	s5 =	simm.s32 @p0 $0x1B8D  }
0xad: {  	_ =	swait.eq @p0 [sflag:s5], $0x1  }
0xae: {  	[sflag:s5] =	ssyncadd.s32 @p0 $0xFFFFFFFF  }
0xaf: {  	s6 =	sshll.u32 @!p0 s1, $0xE  }
0xb0: {  	s6 =	sor.u32 @!p0 $0x4000, s6;
	s5 =	simm.s32 @!p0 $0x1B8D  }
0xb1: {  	s4 =	sshll.u32 @!p0 s4, $0x11;
	s6 =	sadd.s32 @!p0 $0x11B8D, s6;
	_ =	swait.eq @!p0 [sflag:s5], $0x1  }
0xb2: {  	s4 =	sor.u32 @!p0 s4, s6;
	[sflag:s5] =	ssyncadd.s32 @!p0 $0xFFFFFFFF  }
0xb3: {  	s25 =	simm.s32 $0x1B8E;
	s24 =	sld [smem:$0x3FFE];
	[sflag:s4] =	ssyncadd.remote.s32 @!p0 $0x1  }
0xb4: {  	s26 =	simm.s32 $execute0_lowered;
	[smem:$0x3FD2] =	sst s25  }
0xb5: {  	s5 =	sshll.u32 s26, $0x1;
	_ =	strace $0x80000049;
	[dreg:$0x1] =	wrdreg $0xFFFFFFFF  }
0xb6: {  	s28 =	simm.s32 $_size_execute0_lowered;
	s3 =	sadd.s32 s3, s5;
	[dreg:$0x0] =	wrdreg $0x0  }
0xb7: {  	s5 =	sshll.u32 s28, $0x1;
	[dreg:$0x2] =	wrdreg s3  }
0xb8: {  	[dreg:$0x3] =	wrdreg s5  }
0xb9: {  	[dreg:$0x4] =	wrdreg $0xC0  }
0xba: {  	_ =	task [dreg:s22], $0x5FFFF  }
0xbb: {  	[dreg:$0x1] =	wrdreg $0xFFFFFFFF  }
0xbc: {  	[dreg:$0x0] =	wrdreg $0x60  }
0xbd: {  	[dreg:$0x2] =	wrdreg s24  }
0xbe: {  	[dreg:$0x3] =	wrdreg $0x9  }
0xbf: {  	_ =	task.clear_ibuf [dreg:s22], $0x4FFFF;
	_ =	strace $0x90000049  }
0xc0: {  	s29 =	simm.s32 $0x9;
	_ =	strace $0x8000004B  }
0xc1: {  	_ =	swait.ge [sflag:s29], $0x1  }
0xc2: {  	[sflag:s29] =	ssyncadd.s32 $0xFFFFFFFF  }
0xc3: {  	_ =	strace $0x9000004B  }
0xc4: {  	_ =	sfence  }
0xc5: {  	s30 =	sld [smem:$0x0];
	_ =	sdelay $0x2  }
0xc6: {  	s31 =	sshll.u32 s1, $0xD;
	s1 =	sshrl.u32 s1, $0x2  }
0xc7: {  	s4 =	sand.u32 $0x4000, s31;
	s1 =	sadd.s32 s1, s30  }
0xc8: {  	s0 =	sor.u32 s4, s0;
	s1 =	sshll.u32 s1, $0x11  }
0xc9: {  	s0 =	sor.u32 s1, s0  }
0xca: {  	s0 =	sadd.s32 $0x8F2B, s0  }
0xcb: {  	[sflag:s0] =	ssyncadd.remote.s32 $0x1  }
0xcc: {  	_ =	sfence.sel $0xFFFF  }
0xcd: {  	[dreg:$0x0] =	wrdreg $0xFFFFFFFF;
	(pc) =	sbr.abs _section_cstart, $3  }
0xce: {  	[dreg:$0x1] =	wrdreg $0xFFFFFFFF  }
0xcf: {  	_ =	task.clear_ibuf [dreg:s22], $0x2FFFF;
	_ =	strace $0x9FFFFFFF  }
0xd0: {  	(tm) =	ssettm $0x7FFFFFFF  }
0xd1: {  	_ =	shalt  }
tec
execute0_lowered:
.L_overlay_start_1:
0x0: {  	(tag) =	ssettag $0x1  }
0x1: {  	s1 =	srdreg.scid  }
0x2: {  	s3 =	sand.u32 $0x1, s1;
	s1 =	stileid.u32  }
0x3: {  	s5 =	sshll.u32 s3, $0x4;
	s6 =	ssub.s32 $0x0, s1  }
0x4: {  	p0 =	sne.s32 s5, s6  }
.Ltmp0:
0x5: {  	_ = 	snop;
	(pc) =	sbr.rel @p0 .LBB2_9-.Ltmp0, $4  }
0x6: {  	_ = 	snop  }
0x7: {  	s4 =	rddreg [dreg:$0x0];
	s2 =	simm.s32 $0x0  }
0x8: {  	[smem:$0x7FF] =	sst s2  }
0x9: {  	s0 =	rddreg [dreg:$0x1];
	_ =	strace $0x8000004A  }
0xa: {  	s3 =	ssub.s32 $0x2, s3  }
0xb: {  	s6 =	simm.s32 $0x1;
	s5 =	sshrl.u32 s3, $0x1  }
0xc: {  	s7 =	simm.s32 $0x1000;
	s8 =	simm.s32 $0x0;
	s5 =	ssub.s32 s3, s5  }
0xd: {  	v0 =	vimm.s32 $0xFFFFFFFF;
	v1 =	vlaneseq.u32;
	s3 =	sadd.s32 $0x3400, s4;
	s4 =	sadd.s32 $0x84400, s4;
	s5 =	smax.u32 s5, $0x1  }
.LBB2_2:
0xe: {  	s9 =	simm.s32 $0x0;
	s10 =	simm.s32 $0x40;
	s11 =	simm.s32 $0x0  }
.LBB2_3:
0xf: {  	p0 =	sne.s32 s10, $0x61A40;
	[tilespmem:s11+$0x1000] =	vst v0;
	s11 =	smov.u32 s10;
	s10 =	sadd.s32 $0x40, s10  }
.Ltmp1:
0x10: {  	(pc) =	sbr.rel @p0 .LBB2_3-.Ltmp1, $2  }
0x11: {  	_ =	sdelay $0x2  }
0x12: {  	s11 =	sshra.s32 s11, $0x2  }
0x13: {  	[tilespmem:s11+$0x1000] =	vst v0;
	s10 =	simm.s32 $0x0  }
.LBB2_5:
0x14: {  	s11 =	sshll.u32 s10, $0x9  }
0x15: {  	s12 =	simm.s32 $0x0;
	s11 =	sadd.s32 s3, s11  }
0x16: {  	[tilespmem:s12], [sflag:$0x1] =	stream.linear.gather [hbm4b:s11+s12], $0x1000, $0x38;
	[tilespmem:$0x19700] =	vst v63  }
0x17: {  	_ =	swait.ge [sflag:s6], $0x1000  }
0x18: {  	[sflag:s6] =	ssyncset.done $0x0  }
0x19: {  	s31 =	simm.s32 $0x0;
	[sflag:s6] =	ssyncadd.s32 $0xFFFFF000  }
0x1a: {  	v2 =	vld [tilespmem:s31+$0x0];
	_ =	sdelay $0x4  }
0x1b: {  	(xrf1) =	vunique.msk.u32 $0xffff, v2;
	_ =	sdelay $0xd  }
0x1c: {  	_, v3, vm0 =	vpop (xrf1);
	_ =	sdelay $0x4  }
0x1d: {  	v3 =	vor.u32 s9, v1  }
0x1e: {  	s13 =	simm.s32 $0x10;
	s12 =	simm.s32 $0x80;
	s11 =	smov.u32 s9;
	[tilespmem:v2+s7+$0x0] =	vst.idx.msk vm0, v3  }
.LBB2_6:
0x1f: {  	p0 =	sne.s32 s12, $0x3FC0;
	v2 =	vld [tilespmem:s13+$0x0];
	_ =	sdelay $0x4  }
0x20: {  	(xrf1) =	vunique.msk.u32 $0xffff, v2;
	_ =	sdelay $0xd  }
0x21: {  	_, v3, vm0 =	vpop (xrf1);
	_ =	sdelay $0x1  }
.Ltmp2:
0x22: {  	(pc) =	sbr.rel @p0 .LBB2_6-.Ltmp2, $4  }
0x23: {  	_ = 	snop  }
0x24: {  	s11 =	sadd.s32 $0x10, s11  }
0x25: {  	v3 =	vor.u32 s11, v1  }
0x26: {  	s13 =	sshra.s32 s12, $0x2;
	s12 =	sadd.s32 $0x40, s12;
	[tilespmem:v2+s7+$0x0] =	vst.idx.msk vm0, v3  }
0x27: {  	v2 =	vld [tilespmem:s13+$0x0];
	_ =	sdelay $0x4  }
0x28: {  	(xrf1) =	vunique.msk.u32 $0xffff, v2;
	_ =	sdelay $0xd  }
0x29: {  	s10 =	sadd.s32 $0x1, s10;
	_, v3, vm0 =	vpop (xrf1)  }
0x2a: {  	p0 =	sne.s32 s10, $0x8  }
.Ltmp3:
0x2b: {  	_ = 	snop;
	(pc) =	sbr.rel @p0 .LBB2_5-.Ltmp3, $4  }
0x2c: {  	_ = 	snop  }
0x2d: {  	s11 =	sadd.s32 $0x10, s11  }
0x2e: {  	v3 =	vor.u32 s11, v1  }
0x2f: {  	s9 =	sadd.s32 $0x1000, s9;
	[tilespmem:v2+s7+$0x0] =	vst.idx.msk vm0, v3  }
0x30: {  	s8 =	sadd.s32 $0x1, s8  }
0x31: {  	p0 =	sne.s32 s8, s5  }
.Ltmp4:
0x32: {  	_ = 	snop;
	(pc) =	sbr.rel @p0 .LBB2_2-.Ltmp4, $4  }
0x33: {  	[hbm4b:s4+s2] =	stream.linear.scatter [tilespmem:s7], [sflag:$0x1], $0x18700, $0x38;
	[tilespmem:$0x19700] =	vst v63  }
0x34: {  	_ =	swait.ge [sflag:s6], $0x18700  }
0x35: {  	[sflag:s6] =	ssyncset.done $0x0  }
0x36: {  	[sflag:s6] =	ssyncadd.s32 $0xFFFE7900  }
.LBB2_9:
0x37: {  	_ =	sfence.sel $0x180000  }
0x38: {  	[bflag:$0x0] =	sbarrier.arrive $0xFFFF  }
0x39: {  	p0 =	sne.s32 s1, $0x0;
	_ =	strace $0x9000004A  }
0x3a: {  	s0 =	sadd.s32 @!p0 $0x100000, s0;
	[bflag:$0x2] =	sbarrier.arrive $0xFFFF  }
0x3b: {  	[sflag:s0] =	ssyncadd.tile.s32 @!p0 $0x1;
	_ =	shalt  }
.Lfunc_end2:
_tile_overlayer_lowered:
.L_overlay_start_2:
0x3c: {  	(tag) =	ssettag $0x2  }
0x3d: {  	s0 =	rddreg [dreg:$0x0];
	s2 =	stileid.u32  }
0x3e: {  	s1 =	rddreg [dreg:$0x1];
	p0 =	sne.s32 s2, $0x0  }
0x3f: {  	s3 =	rddreg [dreg:$0x2];
	[bflag:$0x3] =	sbarrier.arrive $0xFFFF;
	s2 =	simm.s32 @!p0 $0x1C01  }
0x40: {  	[timem:s3], [sflag:s2] =	dma.local @!p0 [hbm:s0], s1  }
0x41: {  	s0 =	simm.s32 @!p0 $0x1  }
0x42: {  	_ =	swait.ge @!p0 [sflag:s0], s1  }
0x43: {  	s1 =	ssub.s32 @!p0 $0x0, s1;
	[sflag:s0] =	ssyncset.done @!p0 $0x0  }
0x44: {  	[sflag:s0] =	ssyncadd.s32 @!p0 s1  }
0x45: {  	[bflag:$0x3] =	sbarrier.arrive $0xFFFF  }
0x46: {  	_ =	shalt  }

</sc_bundles>
